<compile_context>
chip_gen: v7x
topology: tpu7x:2x2x1
jax: 0.10.2.dev20260603
libtpu: 0.0.44.dev20260713+nightly
codegen_flags: <defaults>
</compile_context>

<pallas_src>
import math

import jax
import jax.numpy as jnp
from jax import lax
from jax.experimental import pallas as pl
from jax.experimental.pallas import tpu as pltpu
from jax.experimental.pallas import tpu_sc as plsc

N_GRAPHS = 32
NODES_PER_GRAPH = 1008
N = N_GRAPHS * NODES_PER_GRAPH
E = N * 16
NC, NS = 2, 16
EPAD = 524288
CH = 128
NCH = EPAD // NS // CH
NPAD = 256
CPB = 32
NIB = NCH // CPB
NIB_GROUPS = CPB // 4
ZROWS = (N + NPAD) // NS
WROWS = N // NS


def _sc_edge_blocks(table, src_idx, dst_idx, mul, off, blo, bhi, acc, src_v, dst_v, rows, gsem, ssem):
    s = lax.axis_index("s")

    def gath(i, t):
        pltpu.async_copy(table.at[src_v.at[i]], rows[t], gsem[t])

    def wait_g(t):
        pltpu.make_async_copy(table.at[src_v.at[0]], rows[t], gsem[t]).wait()

    def scat(i, t):
        pltpu.async_copy(rows[t], acc.at[dst_v.at[i]], ssem[t], add=True)

    def wait_s(t):
        pltpu.make_async_copy(rows[t], acc.at[dst_v.at[0]], ssem[t]).wait()

    def iblock(b, carry):
        pltpu.sync_copy(src_idx.at[s, pl.ds(b * CPB, CPB)], src_v)
        pltpu.sync_copy(dst_idx.at[s, pl.ds(b * CPB, CPB)], dst_v)

        if mul != 1 or off is not None:
            def offrow(r, carry3):
                for j in range(CH // 16):
                    sl = (r, pl.ds(j * 16, 16))
                    src_v[sl] = src_v[sl] * mul + off
                return carry3

            lax.fori_loop(0, CPB, offrow, 0)
        gath(0, 0)
        gath(1, 1)
        for t in range(4):
            wait_g(t)
            scat(t, t)
            if t < 2:
                gath(t + 2, t + 2)
            else:
                wait_s(t - 2)
                gath(t + 2, t - 2)

        def group(j, carry2):
            c = 4 * j
            for t in range(4):
                wait_g(t)
                scat(c + t, t)
                wait_s((t + 2) % 4)
                gath(c + t + 2, (t + 2) % 4)
            return carry2

        lax.fori_loop(1, NIB_GROUPS - 1, group, carry)
        c = CPB - 4
        for t in range(4):
            wait_g(t)
            scat(c + t, t)
            if t < 2:
                wait_s(t + 2)
                gath(c + t + 2, t + 2)
        for t in range(4):
            wait_s(t)
        return carry

    lax.fori_loop(blo, bhi, iblock, 0)


def _make_sc_segsum_body(mode):

    def body(table, src_idx, dst_idx, zer, out, src_v, dst_v,
             r0, r1, r2, r3, acc, g0, g1, g2, g3, s0, s1, s2, s3):
        c = lax.axis_index("c")
        s = lax.axis_index("s")
        if mode == "edge_split":
            mul, off = 1, None
            blo, bhi = c * (NIB // 2), (c + 1) * (NIB // 2)
        else:
            mul, off = 2, c
            blo, bhi = 0, NIB
        pltpu.sync_copy(zer, acc.at[pl.ds(s * ZROWS, ZROWS)])
        plsc.subcore_barrier()
        _sc_edge_blocks(table, src_idx, dst_idx, mul, off, blo, bhi, acc, src_v, dst_v,
                        (r0, r1, r2, r3), (g0, g1, g2, g3), (s0, s1, s2, s3))
        plsc.subcore_barrier()
        pltpu.sync_copy(acc.at[pl.ds(s * WROWS, WROWS)], out.at[c, pl.ds(s * WROWS, WROWS)])

    return body


def _sc_segsum_l1(table, src_idx, dst_idx, zer):
    W = 96
    return pl.kernel(
        _make_sc_segsum_body("edge_split"),
        out_type=jax.ShapeDtypeStruct((NC, N, W), jnp.bfloat16),
        mesh=plsc.VectorSubcoreMesh(core_axis_name="c", subcore_axis_name="s"),
        scratch_types=[
            pltpu.VMEM((CPB, CH), jnp.int32),
            pltpu.VMEM((CPB, CH), jnp.int32),
            pltpu.VMEM((CH, W), jnp.bfloat16),
            pltpu.VMEM((CH, W), jnp.bfloat16),
            pltpu.VMEM((CH, W), jnp.bfloat16),
            pltpu.VMEM((CH, W), jnp.bfloat16),
            pltpu.VMEM_SHARED((N + NPAD, W), jnp.bfloat16),
            pltpu.SemaphoreType.DMA,
            pltpu.SemaphoreType.DMA,
            pltpu.SemaphoreType.DMA,
            pltpu.SemaphoreType.DMA,
            pltpu.SemaphoreType.DMA,
            pltpu.SemaphoreType.DMA,
            pltpu.SemaphoreType.DMA,
            pltpu.SemaphoreType.DMA,
        ],
        compiler_params=pltpu.CompilerParams(use_tc_tiling_on_sc=False),
    )(table, src_idx, dst_idx, zer)


def _sc_segsum_l2(table, src_idx, dst_idx, zer):
    W = 64
    return pl.kernel(
        _make_sc_segsum_body("interleave"),
        out_type=jax.ShapeDtypeStruct((NC, N, W), jnp.bfloat16),
        mesh=plsc.VectorSubcoreMesh(core_axis_name="c", subcore_axis_name="s"),
        scratch_types=[
            pltpu.VMEM((CPB, CH), jnp.int32),
            pltpu.VMEM((CPB, CH), jnp.int32),
            pltpu.VMEM((CH, W), jnp.bfloat16),
            pltpu.VMEM((CH, W), jnp.bfloat16),
            pltpu.VMEM((CH, W), jnp.bfloat16),
            pltpu.VMEM((CH, W), jnp.bfloat16),
            pltpu.VMEM_SHARED((N + NPAD, W), jnp.bfloat16),
            pltpu.SemaphoreType.DMA,
            pltpu.SemaphoreType.DMA,
            pltpu.SemaphoreType.DMA,
            pltpu.SemaphoreType.DMA,
            pltpu.SemaphoreType.DMA,
            pltpu.SemaphoreType.DMA,
            pltpu.SemaphoreType.DMA,
            pltpu.SemaphoreType.DMA,
        ],
        compiler_params=pltpu.CompilerParams(use_tc_tiling_on_sc=False),
    )(table, src_idx, dst_idx, zer)


def _tc_h1_body(oa, x, wl, wr, bl, h1_out, h1h_out):
    o = oa[0].astype(jnp.float32) + oa[1].astype(jnp.float32)
    deg = o[:, 84:85]
    rd = 1.0 / jnp.maximum(deg, 1.0)
    a = o[:, :84] * rd
    h1 = (
        jnp.dot(a, wl[...], preferred_element_type=jnp.float32)
        + jnp.dot(x[...], wr[...], preferred_element_type=jnp.float32)
        + bl[...]
    )
    h1_out[...] = h1
    h1h_out[...] = h1.astype(jnp.bfloat16)


def _tc_h1(oa, x, wl, wr, bl):
    blk = NODES_PER_GRAPH
    grid = (N // blk,)
    return pl.pallas_call(
        _tc_h1_body,
        grid=grid,
        in_specs=[
            pl.BlockSpec((2, blk, 96), lambda i: (0, i, 0)),
            pl.BlockSpec((blk, 84), lambda i: (i, 0)),
            pl.BlockSpec((84, 128), lambda i: (0, 0)),
            pl.BlockSpec((84, 128), lambda i: (0, 0)),
            pl.BlockSpec((1, 128), lambda i: (0, 0)),
        ],
        out_specs=[
            pl.BlockSpec((blk, 128), lambda i: (i, 0)),
            pl.BlockSpec((blk, 128), lambda i: (i, 0)),
        ],
        out_shape=[
            jax.ShapeDtypeStruct((N, 128), jnp.float32),
            jax.ShapeDtypeStruct((N, 128), jnp.bfloat16),
        ],
    )(oa, x, wl, wr, bl)


def _tc_att_body(o2, oa, h1, pe, wl, wr, bl, aggr_out):
    agg2 = jnp.concatenate([o2[0], o2[1]], axis=-1).astype(jnp.float32)
    deg = (oa[0, :, 84:85].astype(jnp.float32)
           + oa[1, :, 84:85].astype(jnp.float32))
    rd = 1.0 / jnp.maximum(deg, 1.0)
    h1v = h1[...]
    h2 = (
        jnp.dot(agg2 * rd, wl[...], preferred_element_type=jnp.float32)
        + jnp.dot(h1v, wr[...], preferred_element_type=jnp.float32)
        + bl[...]
    )
    t2 = h2 + pe[...]
    t2b = t2.astype(jnp.bfloat16)
    t2s = (t2 * (1.0 / math.sqrt(128.0))).astype(jnp.bfloat16)
    score = lax.dot_general(t2s, t2b, (((1,), (1,)), ((), ())),
                            preferred_element_type=jnp.float32)
    p = jnp.exp(score)
    denom = jnp.sum(p, axis=-1, keepdims=True)
    ctx = jnp.dot(p.astype(jnp.bfloat16), t2b,
                  preferred_element_type=jnp.float32) / denom

    parts = []
    for tag in range(2):
        srcm = h1v if tag == 0 else ctx
        maxs = []
        means = []
        for j in range(12):
            blkv = srcm[84 * j:84 * (j + 1), :]
            maxs.append(jnp.max(blkv, axis=0, keepdims=True))
            means.append(jnp.mean(blkv, axis=0, keepdims=True))
        parts.append((jnp.concatenate(maxs, axis=0), jnp.concatenate(means, axis=0)))
    combined = jnp.concatenate([parts[0][0], parts[0][1], parts[1][0], parts[1][1]], axis=-1)
    aggr_out[...] = combined.reshape(1, 1, 6144)


def _tc_att(o2, o0, h1, pe, wl, wr, bl):
    blk = NODES_PER_GRAPH
    return pl.pallas_call(
        _tc_att_body,
        grid=(N_GRAPHS,),
        in_specs=[
            pl.BlockSpec((2, blk, 64), lambda g: (0, g, 0)),
            pl.BlockSpec((2, blk, 96), lambda g: (0, g, 0)),
            pl.BlockSpec((blk, 128), lambda g: (g, 0)),
            pl.BlockSpec((blk, 128), lambda g: (0, 0)),
            pl.BlockSpec((128, 128), lambda g: (0, 0)),
            pl.BlockSpec((128, 128), lambda g: (0, 0)),
            pl.BlockSpec((1, 128), lambda g: (0, 0)),
        ],
        out_specs=pl.BlockSpec((1, 1, 6144), lambda g: (g, 0, 0)),
        out_shape=jax.ShapeDtypeStruct((N_GRAPHS, 1, 6144), jnp.float32),
    )(o2, o0, h1, pe, wl, wr, bl)


def _tc_mlp_body(aggr, w1, b1, g1, be1, w2, b2, g2, be2, w3, b3, out):
    def bn(z, g, b):
        mm = jnp.mean(z, axis=0, keepdims=True)
        v = jnp.mean((z - mm) ** 2, axis=0, keepdims=True)
        return (z - mm) / jnp.sqrt(v + 1e-5) * g + b

    def silu(z):
        return z / (1.0 + jnp.exp(-z))

    z = silu(jnp.dot(aggr[...], w1[...], preferred_element_type=jnp.float32) + b1[...])
    z = bn(z, g1[...], be1[...])
    z = silu(jnp.dot(z, w2[...], preferred_element_type=jnp.float32) + b2[...])
    z = bn(z, g2[...], be2[...])
    logits = jnp.dot(z, w3[...], preferred_element_type=jnp.float32) + b3[...]
    l2 = logits[:, :2]
    lm = jnp.max(l2, axis=1, keepdims=True)
    e = jnp.exp(l2 - lm)
    sm = e / jnp.sum(e, axis=1, keepdims=True)
    out[...] = jnp.concatenate([sm, jnp.zeros((sm.shape[0], 126), jnp.float32)], axis=1)


def _tc_mlp(aggr, w1, b1, g1, be1, w2, b2, g2, be2, w3, b3):
    return pl.pallas_call(
        _tc_mlp_body,
        out_shape=jax.ShapeDtypeStruct((N_GRAPHS, 128), jnp.float32),
    )(aggr, w1, b1, g1, be1, w2, b2, g2, be2, w3, b3)


def kernel(x, edge_index, pe, Wl1, bl1, Wr1, Wl2, bl2, Wr2, W_fc1, b_fc1, g1,
           be1, W_fc2, b_fc2, g2, be2, W_fc3, b_fc3):
    f32 = jnp.float32
    src = edge_index[0]
    dst = edge_index[1]
    npad = EPAD - E
    src_pad = (jnp.arange(npad, dtype=jnp.int32) * 63) % N
    dst_pad = N + (jnp.arange(npad, dtype=jnp.int32) % NPAD)
    bf16 = jnp.bfloat16
    srcr = jnp.concatenate([src, src_pad]).reshape(NS, NCH, CH)
    dstr = jnp.concatenate([dst, dst_pad]).reshape(NS, NCH, CH)

    ones = jnp.ones((N, 1), f32)
    table1 = jnp.concatenate([x, ones, jnp.zeros((N, 11), f32)], axis=1).astype(bf16)
    zer96 = jnp.zeros((ZROWS, 96), bf16)
    zer64 = jnp.zeros((ZROWS, 64), bf16)

    oA = _sc_segsum_l1(table1, srcr, dstr, zer96)

    h1, h1b = _tc_h1(oA, x, Wl1, Wr1, bl1.reshape(1, 128))

    o2 = _sc_segsum_l2(h1b.reshape(2 * N, 64), srcr, dstr, zer64)

    aggr = _tc_att(o2, oA, h1, pe, Wl2, Wr2, bl2.reshape(1, 128)).reshape(N_GRAPHS, 6144)

    w2p = jnp.pad(W_fc2, ((0, 0), (0, 96)))
    b2p = jnp.pad(b_fc2, (0, 96)).reshape(1, 128)
    g2p = jnp.pad(g2, (0, 96)).reshape(1, 128)
    be2p = jnp.pad(be2, (0, 96)).reshape(1, 128)
    w3p = jnp.pad(W_fc3, ((0, 96), (0, 126)))
    b3p = jnp.pad(b_fc3, (0, 126)).reshape(1, 128)
    outp = _tc_mlp(aggr, W_fc1, b_fc1.reshape(1, 512), g1.reshape(1, 512),
                   be1.reshape(1, 512), w2p, b2p, g2p, be2p, w3p, b3p)
    return outp[:, :2]

# --- scband reference (transcript-rebuilt; emitter-appended) ---
"""Pipeline reference for scband-gnn-att-71588514890560 (READ-ONLY COPY).

The authoritative reference and input builder live on the scoring server;
editing this copy changes nothing except your own understanding.
"""

import jax, jax.numpy as jnp
import numpy as np

N_GRAPHS = 32
N_NODES = N_GRAPHS * 1008
N_EDGES = N_NODES * 16


def setup_inputs(seed: int = 0) -> dict:
    key = jax.random.key(seed)
    ks = jax.random.split(key, 24)
    def p(k, shape, scale=0.05):
        return jax.random.normal(k, shape, dtype=jnp.float32) * scale
    inp = {}
    inp['x'] = jax.random.normal(ks[0], (N_NODES, 84), dtype=jnp.float32)
    inp['edge_index'] = jax.random.randint(ks[1], (2, N_EDGES), 0, N_NODES, dtype=jnp.int32)
    inp['pe'] = p(ks[2], (1008, 128))
    inp['Wl1'] = p(ks[3], (84, 128))
    inp['bl1'] = jnp.zeros((128,), dtype=jnp.float32)
    inp['Wr1'] = p(ks[4], (84, 128))
    inp['Wl2'] = p(ks[5], (128, 128))
    inp['bl2'] = jnp.zeros((128,), dtype=jnp.float32)
    inp['Wr2'] = p(ks[6], (128, 128))
    inp['W_fc1'] = p(ks[7], (6144, 512), 0.02)
    inp['b_fc1'] = jnp.zeros((512,), dtype=jnp.float32)
    inp['g1'] = jnp.ones((512,), dtype=jnp.float32)
    inp['be1'] = jnp.zeros((512,), dtype=jnp.float32)
    inp['W_fc2'] = p(ks[8], (512, 32))
    inp['b_fc2'] = jnp.zeros((32,), dtype=jnp.float32)
    inp['g2'] = jnp.ones((32,), dtype=jnp.float32)
    inp['be2'] = jnp.zeros((32,), dtype=jnp.float32)
    inp['W_fc3'] = p(ks[9], (32, 2))
    inp['b_fc3'] = jnp.zeros((2,), dtype=jnp.float32)
    return inp


def _sage(x, src, dst, Wl, bl, Wr):
    msg = jnp.take(x, src, axis=0)
    agg = jax.ops.segment_sum(msg, dst, num_segments=x.shape[0])
    deg = jax.ops.segment_sum(jnp.ones((src.shape[0],), dtype=x.dtype), dst, num_segments=x.shape[0])
    agg = agg / jnp.clip(deg, 1.0, None)[:, None]
    return agg @ Wl + bl + x @ Wr


def _bn(z, g, b):
    m = z.mean(axis=0)
    v = z.var(axis=0)
    return (z - m) / jnp.sqrt(v + 1e-5) * g + b


def reference(x, edge_index, pe, Wl1, bl1, Wr1, Wl2, bl2, Wr2, W_fc1, b_fc1, g1, be1, W_fc2, b_fc2, g2, be2, W_fc3, b_fc3):
    src = edge_index[0]
    dst = edge_index[1]
    h1 = _sage(x, src, dst, Wl1, bl1, Wr1)
    h2 = _sage(h1, src, dst, Wl2, bl2, Wr2)
    B = x.shape[0] // 1008
    t2 = h2.reshape(B, 1008, 128) + pe[None, :, :]
    score = jnp.einsum('bqd,bkd->bqk', t2, t2) / np.sqrt(128.0)
    attn = jax.nn.softmax(score, axis=-1)
    ctx = jnp.einsum('bqk,bkd->bqd', attn, t2)
    r1 = h1.reshape(B, 12, 84, 128)
    r2 = ctx.reshape(B, 12, 84, 128)
    max1 = r1.max(axis=2)
    mean1 = r1.mean(axis=2)
    max2 = r2.max(axis=2)
    mean2 = r2.mean(axis=2)
    aggr_x = jnp.concatenate([max1, mean1, max2, mean2], axis=-1).reshape(B, 6144)
    out = jax.nn.silu(aggr_x @ W_fc1 + b_fc1)
    out = _bn(out, g1, be1)
    out = jax.nn.silu(out @ W_fc2 + b_fc2)
    out = _bn(out, g2, be2)
    out = jax.nn.softmax(out @ W_fc3 + b_fc3, axis=1)
    return out

if __name__ == "__main__":
    import jax
    _d = setup_inputs()
    print(jax.jit(kernel)(*tuple(_d.values())))

</pallas_src>

<mosaic_0001>
#map = affine_map<(d0, d1) -> (0, 0)>
#map1 = affine_map<(d0, d1) -> (0, 0, 0)>
module attributes {stable_mosaic.version = 14 : i64} {
  func.func @body(%arg0: i32, %arg1: i32, %arg2: memref<64512x64xbf16, #tpu.memory_space<hbm>>, %arg3: memref<16x256x128xi32, #tpu.memory_space<hbm>>, %arg4: memref<16x256x128xi32, #tpu.memory_space<hbm>>, %arg5: memref<2032x64xbf16, #tpu.memory_space<hbm>>, %arg6: memref<2x32256x64xbf16, #tpu.memory_space<hbm>>, %arg7: memref<32x128xi32, #tpu.memory_space<vmem>>, %arg8: memref<32x128xi32, #tpu.memory_space<vmem>>, %arg9: memref<128x64xbf16, #tpu.memory_space<vmem>>, %arg10: memref<128x64xbf16, #tpu.memory_space<vmem>>, %arg11: memref<128x64xbf16, #tpu.memory_space<vmem>>, %arg12: memref<128x64xbf16, #tpu.memory_space<vmem>>, %arg13: memref<32512x64xbf16, #tpu.memory_space<vmem_shared>>, %arg14: memref<!tpu.dma_semaphore, #tpu.memory_space<semaphore_mem>>, %arg15: memref<!tpu.dma_semaphore, #tpu.memory_space<semaphore_mem>>, %arg16: memref<!tpu.dma_semaphore, #tpu.memory_space<semaphore_mem>>, %arg17: memref<!tpu.dma_semaphore, #tpu.memory_space<semaphore_mem>>, %arg18: memref<!tpu.dma_semaphore, #tpu.memory_space<semaphore_mem>>, %arg19: memref<!tpu.dma_semaphore, #tpu.memory_space<semaphore_mem>>, %arg20: memref<!tpu.dma_semaphore, #tpu.memory_space<semaphore_mem>>, %arg21: memref<!tpu.dma_semaphore, #tpu.memory_space<semaphore_mem>>) attributes {dimension_semantics = [#tpu.dimension_semantics<core_parallel>, #tpu.dimension_semantics<subcore_parallel>], iteration_bounds = array<i64: 2, 16>, scalar_prefetch = 0 : i64, scratch_operands = 15 : i64, tpu.core_type = #tpu.core_type<sc_vector_subcore>, window_params = [{transform_indices = #map}, {transform_indices = #map1}, {transform_indices = #map1}, {transform_indices = #map}, {transform_indices = #map1}]} {
    %mul3A = arith.constant 2032 : i32
    %mul3A_0 = arith.muli %arg1, %mul3A : i32
    "tpu.region"() ({
      %run_scoped3A = tpu.sem_alloc : memref<!tpu.dma_semaphore, #tpu.memory_space<semaphore_mem>>
      %dma_start3A = arith.constant 0 : i32
      %dma_start3A_11 = tpu.memref_slice %arg13[%mul3A_0, %dma_start3A] : memref<32512x64xbf16, #tpu.memory_space<vmem_shared>> -> memref<2032x64xbf16, #tpu.memory_space<vmem_shared>>
      tpu.enqueue_dma source(%arg5 : memref<2032x64xbf16, #tpu.memory_space<hbm>>) target(%dma_start3A_11 : memref<2032x64xbf16, #tpu.memory_space<vmem_shared>>) target_semaphore(%run_scoped3A : memref<!tpu.dma_semaphore, #tpu.memory_space<semaphore_mem>>)
      %dma_wait3A = arith.constant 0 : i32
      %dma_wait3A_12 = tpu.memref_slice %arg13[%mul3A_0, %dma_wait3A] : memref<32512x64xbf16, #tpu.memory_space<vmem_shared>> -> memref<2032x64xbf16, #tpu.memory_space<vmem_shared>>
      tpu.wait_dma2 semaphore(%run_scoped3A : memref<!tpu.dma_semaphore, #tpu.memory_space<semaphore_mem>>) src(%arg5 : memref<2032x64xbf16, #tpu.memory_space<hbm>>) dst(%dma_wait3A_12 : memref<2032x64xbf16, #tpu.memory_space<vmem_shared>>)
      tpu.yield
    }) : () -> ()
    %barrier3A = arith.constant 0 : index
    tpu.barrier barrier_id(%barrier3A)
    %scan3A = arith.constant 0 : i32
    %scan3A_1 = arith.constant 0 : i32
    %scan3A_2 = arith.constant 8 : i32
    %scan3A_3 = arith.addi %scan3A_1, %scan3A_2 : i32
    %scan3A_4 = arith.constant 1 : i32
    scf.for %scan3A_11 = %scan3A_1 to %scan3A_3 step %scan3A_4  : i32 {
      %mul3A_12 = arith.constant 32 : i32
      %mul3A_13 = arith.muli %scan3A_11, %mul3A_12 : i32
      "tpu.region"() ({
        %run_scoped3A = tpu.sem_alloc : memref<!tpu.dma_semaphore, #tpu.memory_space<semaphore_mem>>
        %dma_start3A_249 = arith.constant 0 : i32
        %dma_start3A_250 = tpu.memref_slice %arg3[%arg1, %mul3A_13, %dma_start3A_249] : memref<16x256x128xi32, #tpu.memory_space<hbm>> -> memref<1x32x128xi32, #tpu.memory_space<hbm>>
        %dma_start3A_251 = tpu.memref_squeeze %dma_start3A_250 : memref<1x32x128xi32, #tpu.memory_space<hbm>> -> memref<32x128xi32, #tpu.memory_space<hbm>>
        %dma_start3A_252 = arith.constant 0 : i32
        %dma_start3A_253 = tpu.memref_slice %arg3[%arg1, %mul3A_13, %dma_start3A_252] : memref<16x256x128xi32, #tpu.memory_space<hbm>> -> memref<1x32x128xi32, #tpu.memory_space<hbm>>
        %dma_start3A_254 = tpu.memref_squeeze %dma_start3A_253 : memref<1x32x128xi32, #tpu.memory_space<hbm>> -> memref<32x128xi32, #tpu.memory_space<hbm>>
        tpu.enqueue_dma source(%dma_start3A_254 : memref<32x128xi32, #tpu.memory_space<hbm>>) target(%arg7 : memref<32x128xi32, #tpu.memory_space<vmem>>) target_semaphore(%run_scoped3A : memref<!tpu.dma_semaphore, #tpu.memory_space<semaphore_mem>>)
        %dma_wait3A_255 = arith.constant 0 : i32
        %dma_wait3A_256 = tpu.memref_slice %arg3[%arg1, %mul3A_13, %dma_wait3A_255] : memref<16x256x128xi32, #tpu.memory_space<hbm>> -> memref<1x32x128xi32, #tpu.memory_space<hbm>>
        %dma_wait3A_257 = tpu.memref_squeeze %dma_wait3A_256 : memref<1x32x128xi32, #tpu.memory_space<hbm>> -> memref<32x128xi32, #tpu.memory_space<hbm>>
        %dma_wait3A_258 = arith.constant 0 : i32
        %dma_wait3A_259 = tpu.memref_slice %arg3[%arg1, %mul3A_13, %dma_wait3A_258] : memref<16x256x128xi32, #tpu.memory_space<hbm>> -> memref<1x32x128xi32, #tpu.memory_space<hbm>>
        %dma_wait3A_260 = tpu.memref_squeeze %dma_wait3A_259 : memref<1x32x128xi32, #tpu.memory_space<hbm>> -> memref<32x128xi32, #tpu.memory_space<hbm>>
        tpu.wait_dma2 semaphore(%run_scoped3A : memref<!tpu.dma_semaphore, #tpu.memory_space<semaphore_mem>>) src(%dma_wait3A_260 : memref<32x128xi32, #tpu.memory_space<hbm>>) dst(%arg7 : memref<32x128xi32, #tpu.memory_space<vmem>>)
        tpu.yield
      }) : () -> ()
      %mul3A_14 = arith.constant 32 : i32
      %mul3A_15 = arith.muli %scan3A_11, %mul3A_14 : i32
      "tpu.region"() ({
        %run_scoped3A = tpu.sem_alloc : memref<!tpu.dma_semaphore, #tpu.memory_space<semaphore_mem>>
        %dma_start3A_249 = arith.constant 0 : i32
        %dma_start3A_250 = tpu.memref_slice %arg4[%arg1, %mul3A_15, %dma_start3A_249] : memref<16x256x128xi32, #tpu.memory_space<hbm>> -> memref<1x32x128xi32, #tpu.memory_space<hbm>>
        %dma_start3A_251 = tpu.memref_squeeze %dma_start3A_250 : memref<1x32x128xi32, #tpu.memory_space<hbm>> -> memref<32x128xi32, #tpu.memory_space<hbm>>
        %dma_start3A_252 = arith.constant 0 : i32
        %dma_start3A_253 = tpu.memref_slice %arg4[%arg1, %mul3A_15, %dma_start3A_252] : memref<16x256x128xi32, #tpu.memory_space<hbm>> -> memref<1x32x128xi32, #tpu.memory_space<hbm>>
        %dma_start3A_254 = tpu.memref_squeeze %dma_start3A_253 : memref<1x32x128xi32, #tpu.memory_space<hbm>> -> memref<32x128xi32, #tpu.memory_space<hbm>>
        tpu.enqueue_dma source(%dma_start3A_254 : memref<32x128xi32, #tpu.memory_space<hbm>>) target(%arg8 : memref<32x128xi32, #tpu.memory_space<vmem>>) target_semaphore(%run_scoped3A : memref<!tpu.dma_semaphore, #tpu.memory_space<semaphore_mem>>)
        %dma_wait3A_255 = arith.constant 0 : i32
        %dma_wait3A_256 = tpu.memref_slice %arg4[%arg1, %mul3A_15, %dma_wait3A_255] : memref<16x256x128xi32, #tpu.memory_space<hbm>> -> memref<1x32x128xi32, #tpu.memory_space<hbm>>
        %dma_wait3A_257 = tpu.memref_squeeze %dma_wait3A_256 : memref<1x32x128xi32, #tpu.memory_space<hbm>> -> memref<32x128xi32, #tpu.memory_space<hbm>>
        %dma_wait3A_258 = arith.constant 0 : i32
        %dma_wait3A_259 = tpu.memref_slice %arg4[%arg1, %mul3A_15, %dma_wait3A_258] : memref<16x256x128xi32, #tpu.memory_space<hbm>> -> memref<1x32x128xi32, #tpu.memory_space<hbm>>
        %dma_wait3A_260 = tpu.memref_squeeze %dma_wait3A_259 : memref<1x32x128xi32, #tpu.memory_space<hbm>> -> memref<32x128xi32, #tpu.memory_space<hbm>>
        tpu.wait_dma2 semaphore(%run_scoped3A : memref<!tpu.dma_semaphore, #tpu.memory_space<semaphore_mem>>) src(%dma_wait3A_260 : memref<32x128xi32, #tpu.memory_space<hbm>>) dst(%arg8 : memref<32x128xi32, #tpu.memory_space<vmem>>)
        tpu.yield
      }) : () -> ()
      %scan3A_16 = arith.constant 0 : i32
      %scan3A_17 = arith.constant 0 : i32
      %scan3A_18 = arith.constant 32 : i32
      %scan3A_19 = arith.addi %scan3A_17, %scan3A_18 : i32
      %scan3A_20 = arith.constant 1 : i32
      scf.for %scan3A_249 = %scan3A_17 to %scan3A_19 step %scan3A_20  : i32 {
        %get3A = arith.index_cast %scan3A_249 : i32 to index
        %get3A_250 = arith.constant 0 : index
        %get3A_251 = tpu.vector_load %arg7[%get3A, %get3A_250] {strides = array<i32>} : memref<32x128xi32, #tpu.memory_space<vmem>>, vector<1x16xi32>,
        %get3A_252 = vector.shape_cast %get3A_251 : vector<1x16xi32> to vector<16xi32>
        %mul3A_253 = arith.constant 2 : i32
        %mul3A_254 = vector.broadcast %mul3A_253 : i32 to vector<16xi32>
        %mul3A_255 = arith.muli %get3A_252, %mul3A_254 : vector<16xi32>
        %add3A = vector.broadcast %arg0 : i32 to vector<16xi32>
        %add3A_256 = arith.addi %mul3A_255, %add3A : vector<16xi32>
        %swap3A = arith.index_cast %scan3A_249 : i32 to index
        %swap3A_257 = arith.constant 0 : index
        %swap3A_258 = tpu.vector_load %arg7[%swap3A, %swap3A_257] {strides = array<i32>} : memref<32x128xi32, #tpu.memory_space<vmem>>, vector<1x16xi32>,
        %swap3A_259 = vector.shape_cast %swap3A_258 : vector<1x16xi32> to vector<16xi32>
        %swap3A_260 = vector.shape_cast %add3A_256 : vector<16xi32> to vector<1x16xi32>
        tpu.vector_store %arg7[%swap3A, %swap3A_257], %swap3A_260 {strides = array<i32>} : memref<32x128xi32, #tpu.memory_space<vmem>>, vector<1x16xi32>,
        %get3A_261 = arith.index_cast %scan3A_249 : i32 to index
        %get3A_262 = arith.constant 16 : index
        %get3A_263 = tpu.vector_load %arg7[%get3A_261, %get3A_262] {strides = array<i32>} : memref<32x128xi32, #tpu.memory_space<vmem>>, vector<1x16xi32>,
        %get3A_264 = vector.shape_cast %get3A_263 : vector<1x16xi32> to vector<16xi32>
        %mul3A_265 = arith.constant 2 : i32
        %mul3A_266 = vector.broadcast %mul3A_265 : i32 to vector<16xi32>
        %mul3A_267 = arith.muli %get3A_264, %mul3A_266 : vector<16xi32>
        %add3A_268 = vector.broadcast %arg0 : i32 to vector<16xi32>
        %add3A_269 = arith.addi %mul3A_267, %add3A_268 : vector<16xi32>
        %swap3A_270 = arith.index_cast %scan3A_249 : i32 to index
        %swap3A_271 = arith.constant 16 : index
        %swap3A_272 = tpu.vector_load %arg7[%swap3A_270, %swap3A_271] {strides = array<i32>} : memref<32x128xi32, #tpu.memory_space<vmem>>, vector<1x16xi32>,
        %swap3A_273 = vector.shape_cast %swap3A_272 : vector<1x16xi32> to vector<16xi32>
        %swap3A_274 = vector.shape_cast %add3A_269 : vector<16xi32> to vector<1x16xi32>
        tpu.vector_store %arg7[%swap3A_270, %swap3A_271], %swap3A_274 {strides = array<i32>} : memref<32x128xi32, #tpu.memory_space<vmem>>, vector<1x16xi32>,
        %get3A_275 = arith.index_cast %scan3A_249 : i32 to index
        %get3A_276 = arith.constant 32 : index
        %get3A_277 = tpu.vector_load %arg7[%get3A_275, %get3A_276] {strides = array<i32>} : memref<32x128xi32, #tpu.memory_space<vmem>>, vector<1x16xi32>,
        %get3A_278 = vector.shape_cast %get3A_277 : vector<1x16xi32> to vector<16xi32>
        %mul3A_279 = arith.constant 2 : i32
        %mul3A_280 = vector.broadcast %mul3A_279 : i32 to vector<16xi32>
        %mul3A_281 = arith.muli %get3A_278, %mul3A_280 : vector<16xi32>
        %add3A_282 = vector.broadcast %arg0 : i32 to vector<16xi32>
        %add3A_283 = arith.addi %mul3A_281, %add3A_282 : vector<16xi32>
        %swap3A_284 = arith.index_cast %scan3A_249 : i32 to index
        %swap3A_285 = arith.constant 32 : index
        %swap3A_286 = tpu.vector_load %arg7[%swap3A_284, %swap3A_285] {strides = array<i32>} : memref<32x128xi32, #tpu.memory_space<vmem>>, vector<1x16xi32>,
        %swap3A_287 = vector.shape_cast %swap3A_286 : vector<1x16xi32> to vector<16xi32>
        %swap3A_288 = vector.shape_cast %add3A_283 : vector<16xi32> to vector<1x16xi32>
        tpu.vector_store %arg7[%swap3A_284, %swap3A_285], %swap3A_288 {strides = array<i32>} : memref<32x128xi32, #tpu.memory_space<vmem>>, vector<1x16xi32>,
        %get3A_289 = arith.index_cast %scan3A_249 : i32 to index
        %get3A_290 = arith.constant 48 : index
        %get3A_291 = tpu.vector_load %arg7[%get3A_289, %get3A_290] {strides = array<i32>} : memref<32x128xi32, #tpu.memory_space<vmem>>, vector<1x16xi32>,
        %get3A_292 = vector.shape_cast %get3A_291 : vector<1x16xi32> to vector<16xi32>
        %mul3A_293 = arith.constant 2 : i32
        %mul3A_294 = vector.broadcast %mul3A_293 : i32 to vector<16xi32>
        %mul3A_295 = arith.muli %get3A_292, %mul3A_294 : vector<16xi32>
        %add3A_296 = vector.broadcast %arg0 : i32 to vector<16xi32>
        %add3A_297 = arith.addi %mul3A_295, %add3A_296 : vector<16xi32>
        %swap3A_298 = arith.index_cast %scan3A_249 : i32 to index
        %swap3A_299 = arith.constant 48 : index
        %swap3A_300 = tpu.vector_load %arg7[%swap3A_298, %swap3A_299] {strides = array<i32>} : memref<32x128xi32, #tpu.memory_space<vmem>>, vector<1x16xi32>,
        %swap3A_301 = vector.shape_cast %swap3A_300 : vector<1x16xi32> to vector<16xi32>
        %swap3A_302 = vector.shape_cast %add3A_297 : vector<16xi32> to vector<1x16xi32>
        tpu.vector_store %arg7[%swap3A_298, %swap3A_299], %swap3A_302 {strides = array<i32>} : memref<32x128xi32, #tpu.memory_space<vmem>>, vector<1x16xi32>,
        %get3A_303 = arith.index_cast %scan3A_249 : i32 to index
        %get3A_304 = arith.constant 64 : index
        %get3A_305 = tpu.vector_load %arg7[%get3A_303, %get3A_304] {strides = array<i32>} : memref<32x128xi32, #tpu.memory_space<vmem>>, vector<1x16xi32>,
        %get3A_306 = vector.shape_cast %get3A_305 : vector<1x16xi32> to vector<16xi32>
        %mul3A_307 = arith.constant 2 : i32
        %mul3A_308 = vector.broadcast %mul3A_307 : i32 to vector<16xi32>
        %mul3A_309 = arith.muli %get3A_306, %mul3A_308 : vector<16xi32>
        %add3A_310 = vector.broadcast %arg0 : i32 to vector<16xi32>
        %add3A_311 = arith.addi %mul3A_309, %add3A_310 : vector<16xi32>
        %swap3A_312 = arith.index_cast %scan3A_249 : i32 to index
        %swap3A_313 = arith.constant 64 : index
        %swap3A_314 = tpu.vector_load %arg7[%swap3A_312, %swap3A_313] {strides = array<i32>} : memref<32x128xi32, #tpu.memory_space<vmem>>, vector<1x16xi32>,
        %swap3A_315 = vector.shape_cast %swap3A_314 : vector<1x16xi32> to vector<16xi32>
        %swap3A_316 = vector.shape_cast %add3A_311 : vector<16xi32> to vector<1x16xi32>
        tpu.vector_store %arg7[%swap3A_312, %swap3A_313], %swap3A_316 {strides = array<i32>} : memref<32x128xi32, #tpu.memory_space<vmem>>, vector<1x16xi32>,
        %get3A_317 = arith.index_cast %scan3A_249 : i32 to index
        %get3A_318 = arith.constant 80 : index
        %get3A_319 = tpu.vector_load %arg7[%get3A_317, %get3A_318] {strides = array<i32>} : memref<32x128xi32, #tpu.memory_space<vmem>>, vector<1x16xi32>,
        %get3A_320 = vector.shape_cast %get3A_319 : vector<1x16xi32> to vector<16xi32>
        %mul3A_321 = arith.constant 2 : i32
        %mul3A_322 = vector.broadcast %mul3A_321 : i32 to vector<16xi32>
        %mul3A_323 = arith.muli %get3A_320, %mul3A_322 : vector<16xi32>
        %add3A_324 = vector.broadcast %arg0 : i32 to vector<16xi32>
        %add3A_325 = arith.addi %mul3A_323, %add3A_324 : vector<16xi32>
        %swap3A_326 = arith.index_cast %scan3A_249 : i32 to index
        %swap3A_327 = arith.constant 80 : index
        %swap3A_328 = tpu.vector_load %arg7[%swap3A_326, %swap3A_327] {strides = array<i32>} : memref<32x128xi32, #tpu.memory_space<vmem>>, vector<1x16xi32>,
        %swap3A_329 = vector.shape_cast %swap3A_328 : vector<1x16xi32> to vector<16xi32>
        %swap3A_330 = vector.shape_cast %add3A_325 : vector<16xi32> to vector<1x16xi32>
        tpu.vector_store %arg7[%swap3A_326, %swap3A_327], %swap3A_330 {strides = array<i32>} : memref<32x128xi32, #tpu.memory_space<vmem>>, vector<1x16xi32>,
        %get3A_331 = arith.index_cast %scan3A_249 : i32 to index
        %get3A_332 = arith.constant 96 : index
        %get3A_333 = tpu.vector_load %arg7[%get3A_331, %get3A_332] {strides = array<i32>} : memref<32x128xi32, #tpu.memory_space<vmem>>, vector<1x16xi32>,
        %get3A_334 = vector.shape_cast %get3A_333 : vector<1x16xi32> to vector<16xi32>
        %mul3A_335 = arith.constant 2 : i32
        %mul3A_336 = vector.broadcast %mul3A_335 : i32 to vector<16xi32>
        %mul3A_337 = arith.muli %get3A_334, %mul3A_336 : vector<16xi32>
        %add3A_338 = vector.broadcast %arg0 : i32 to vector<16xi32>
        %add3A_339 = arith.addi %mul3A_337, %add3A_338 : vector<16xi32>
        %swap3A_340 = arith.index_cast %scan3A_249 : i32 to index
        %swap3A_341 = arith.constant 96 : index
        %swap3A_342 = tpu.vector_load %arg7[%swap3A_340, %swap3A_341] {strides = array<i32>} : memref<32x128xi32, #tpu.memory_space<vmem>>, vector<1x16xi32>,
        %swap3A_343 = vector.shape_cast %swap3A_342 : vector<1x16xi32> to vector<16xi32>
        %swap3A_344 = vector.shape_cast %add3A_339 : vector<16xi32> to vector<1x16xi32>
        tpu.vector_store %arg7[%swap3A_340, %swap3A_341], %swap3A_344 {strides = array<i32>} : memref<32x128xi32, #tpu.memory_space<vmem>>, vector<1x16xi32>,
        %get3A_345 = arith.index_cast %scan3A_249 : i32 to index
        %get3A_346 = arith.constant 112 : index
        %get3A_347 = tpu.vector_load %arg7[%get3A_345, %get3A_346] {strides = array<i32>} : memref<32x128xi32, #tpu.memory_space<vmem>>, vector<1x16xi32>,
        %get3A_348 = vector.shape_cast %get3A_347 : vector<1x16xi32> to vector<16xi32>
        %mul3A_349 = arith.constant 2 : i32
        %mul3A_350 = vector.broadcast %mul3A_349 : i32 to vector<16xi32>
        %mul3A_351 = arith.muli %get3A_348, %mul3A_350 : vector<16xi32>
        %add3A_352 = vector.broadcast %arg0 : i32 to vector<16xi32>
        %add3A_353 = arith.addi %mul3A_351, %add3A_352 : vector<16xi32>
        %swap3A_354 = arith.index_cast %scan3A_249 : i32 to index
        %swap3A_355 = arith.constant 112 : index
        %swap3A_356 = tpu.vector_load %arg7[%swap3A_354, %swap3A_355] {strides = array<i32>} : memref<32x128xi32, #tpu.memory_space<vmem>>, vector<1x16xi32>,
        %swap3A_357 = vector.shape_cast %swap3A_356 : vector<1x16xi32> to vector<16xi32>
        %swap3A_358 = vector.shape_cast %add3A_353 : vector<16xi32> to vector<1x16xi32>
        tpu.vector_store %arg7[%swap3A_354, %swap3A_355], %swap3A_358 {strides = array<i32>} : memref<32x128xi32, #tpu.memory_space<vmem>>, vector<1x16xi32>,
      }
      %scan3A_21 = arith.constant 32 : i32
      %dma_start3A = arith.constant 0 : i32
      %dma_start3A_22 = arith.constant 0 : i32
      %dma_start3A_23 = tpu.memref_slice %arg7[%dma_start3A, %dma_start3A_22] : memref<32x128xi32, #tpu.memory_space<vmem>> -> memref<1x128xi32, #tpu.memory_space<vmem>>
      %dma_start3A_24 = tpu.memref_squeeze %dma_start3A_23 : memref<1x128xi32, #tpu.memory_space<vmem>> -> memref<128xi32, #tpu.memory_space<vmem>>
      %dma_start3A_25 = arith.constant 0 : i32
      %dma_start3A_26 = arith.constant 0 : i32
      %dma_start3A_27 = tpu.memref_slice %arg2[%dma_start3A_25, %dma_start3A_26] : memref<64512x64xbf16, #tpu.memory_space<hbm>> -> memref<64512x64xbf16, #tpu.memory_space<hbm>>
      tpu.enqueue_indirect_dma source(%dma_start3A_27 : memref<64512x64xbf16, #tpu.memory_space<hbm>>) target(%arg9 : memref<128x64xbf16, #tpu.memory_space<vmem>>) offsets(%dma_start3A_24 : memref<128xi32, #tpu.memory_space<vmem>>) semaphore(%arg14 : memref<!tpu.dma_semaphore, #tpu.memory_space<semaphore_mem>>)
      %dma_start3A_28 = arith.constant 1 : i32
      %dma_start3A_29 = arith.constant 0 : i32
      %dma_start3A_30 = tpu.memref_slice %arg7[%dma_start3A_28, %dma_start3A_29] : memref<32x128xi32, #tpu.memory_space<vmem>> -> memref<1x128xi32, #tpu.memory_space<vmem>>
      %dma_start3A_31 = tpu.memref_squeeze %dma_start3A_30 : memref<1x128xi32, #tpu.memory_space<vmem>> -> memref<128xi32, #tpu.memory_space<vmem>>
      %dma_start3A_32 = arith.constant 0 : i32
      %dma_start3A_33 = arith.constant 0 : i32
      %dma_start3A_34 = tpu.memref_slice %arg2[%dma_start3A_32, %dma_start3A_33] : memref<64512x64xbf16, #tpu.memory_space<hbm>> -> memref<64512x64xbf16, #tpu.memory_space<hbm>>
      tpu.enqueue_indirect_dma source(%dma_start3A_34 : memref<64512x64xbf16, #tpu.memory_space<hbm>>) target(%arg10 : memref<128x64xbf16, #tpu.memory_space<vmem>>) offsets(%dma_start3A_31 : memref<128xi32, #tpu.memory_space<vmem>>) semaphore(%arg15 : memref<!tpu.dma_semaphore, #tpu.memory_space<semaphore_mem>>)
      %dma_wait3A = arith.constant 0 : i32
      %dma_wait3A_35 = arith.constant 0 : i32
      %dma_wait3A_36 = tpu.memref_slice %arg7[%dma_wait3A, %dma_wait3A_35] : memref<32x128xi32, #tpu.memory_space<vmem>> -> memref<1x128xi32, #tpu.memory_space<vmem>>
      %dma_wait3A_37 = tpu.memref_squeeze %dma_wait3A_36 : memref<1x128xi32, #tpu.memory_space<vmem>> -> memref<128xi32, #tpu.memory_space<vmem>>
      %dma_wait3A_38 = arith.constant 0 : i32
      %dma_wait3A_39 = arith.constant 0 : i32
      %dma_wait3A_40 = tpu.memref_slice %arg2[%dma_wait3A_38, %dma_wait3A_39] : memref<64512x64xbf16, #tpu.memory_space<hbm>> -> memref<64512x64xbf16, #tpu.memory_space<hbm>>
      tpu.wait_indirect_dma semaphore(%arg14 : memref<!tpu.dma_semaphore, #tpu.memory_space<semaphore_mem>>) src(%dma_wait3A_40 : memref<64512x64xbf16, #tpu.memory_space<hbm>>) dst(%arg9 : memref<128x64xbf16, #tpu.memory_space<vmem>>)
      %dma_start3A_41 = arith.constant 0 : i32
      %dma_start3A_42 = arith.constant 0 : i32
      %dma_start3A_43 = tpu.memref_slice %arg8[%dma_start3A_41, %dma_start3A_42] : memref<32x128xi32, #tpu.memory_space<vmem>> -> memref<1x128xi32, #tpu.memory_space<vmem>>
      %dma_start3A_44 = tpu.memref_squeeze %dma_start3A_43 : memref<1x128xi32, #tpu.memory_space<vmem>> -> memref<128xi32, #tpu.memory_space<vmem>>
      %dma_start3A_45 = arith.constant 0 : i32
      %dma_start3A_46 = arith.constant 0 : i32
      %dma_start3A_47 = tpu.memref_slice %arg13[%dma_start3A_45, %dma_start3A_46] : memref<32512x64xbf16, #tpu.memory_space<vmem_shared>> -> memref<32512x64xbf16, #tpu.memory_space<vmem_shared>>
      tpu.enqueue_indirect_dma source(%arg9 : memref<128x64xbf16, #tpu.memory_space<vmem>>) target(%dma_start3A_47 : memref<32512x64xbf16, #tpu.memory_space<vmem_shared>>) offsets(%dma_start3A_44 : memref<128xi32, #tpu.memory_space<vmem>>) semaphore(%arg18 : memref<!tpu.dma_semaphore, #tpu.memory_space<semaphore_mem>>) {add = true}
      %dma_start3A_48 = arith.constant 2 : i32
      %dma_start3A_49 = arith.constant 0 : i32
      %dma_start3A_50 = tpu.memref_slice %arg7[%dma_start3A_48, %dma_start3A_49] : memref<32x128xi32, #tpu.memory_space<vmem>> -> memref<1x128xi32, #tpu.memory_space<vmem>>
      %dma_start3A_51 = tpu.memref_squeeze %dma_start3A_50 : memref<1x128xi32, #tpu.memory_space<vmem>> -> memref<128xi32, #tpu.memory_space<vmem>>
      %dma_start3A_52 = arith.constant 0 : i32
      %dma_start3A_53 = arith.constant 0 : i32
      %dma_start3A_54 = tpu.memref_slice %arg2[%dma_start3A_52, %dma_start3A_53] : memref<64512x64xbf16, #tpu.memory_space<hbm>> -> memref<64512x64xbf16, #tpu.memory_space<hbm>>
      tpu.enqueue_indirect_dma source(%dma_start3A_54 : memref<64512x64xbf16, #tpu.memory_space<hbm>>) target(%arg11 : memref<128x64xbf16, #tpu.memory_space<vmem>>) offsets(%dma_start3A_51 : memref<128xi32, #tpu.memory_space<vmem>>) semaphore(%arg16 : memref<!tpu.dma_semaphore, #tpu.memory_space<semaphore_mem>>)
      %dma_wait3A_55 = arith.constant 0 : i32
      %dma_wait3A_56 = arith.constant 0 : i32
      %dma_wait3A_57 = tpu.memref_slice %arg7[%dma_wait3A_55, %dma_wait3A_56] : memref<32x128xi32, #tpu.memory_space<vmem>> -> memref<1x128xi32, #tpu.memory_space<vmem>>
      %dma_wait3A_58 = tpu.memref_squeeze %dma_wait3A_57 : memref<1x128xi32, #tpu.memory_space<vmem>> -> memref<128xi32, #tpu.memory_space<vmem>>
      %dma_wait3A_59 = arith.constant 0 : i32
      %dma_wait3A_60 = arith.constant 0 : i32
      %dma_wait3A_61 = tpu.memref_slice %arg2[%dma_wait3A_59, %dma_wait3A_60] : memref<64512x64xbf16, #tpu.memory_space<hbm>> -> memref<64512x64xbf16, #tpu.memory_space<hbm>>
      tpu.wait_indirect_dma semaphore(%arg15 : memref<!tpu.dma_semaphore, #tpu.memory_space<semaphore_mem>>) src(%dma_wait3A_61 : memref<64512x64xbf16, #tpu.memory_space<hbm>>) dst(%arg10 : memref<128x64xbf16, #tpu.memory_space<vmem>>)
      %dma_start3A_62 = arith.constant 1 : i32
      %dma_start3A_63 = arith.constant 0 : i32
      %dma_start3A_64 = tpu.memref_slice %arg8[%dma_start3A_62, %dma_start3A_63] : memref<32x128xi32, #tpu.memory_space<vmem>> -> memref<1x128xi32, #tpu.memory_space<vmem>>
      %dma_start3A_65 = tpu.memref_squeeze %dma_start3A_64 : memref<1x128xi32, #tpu.memory_space<vmem>> -> memref<128xi32, #tpu.memory_space<vmem>>
      %dma_start3A_66 = arith.constant 0 : i32
      %dma_start3A_67 = arith.constant 0 : i32
      %dma_start3A_68 = tpu.memref_slice %arg13[%dma_start3A_66, %dma_start3A_67] : memref<32512x64xbf16, #tpu.memory_space<vmem_shared>> -> memref<32512x64xbf16, #tpu.memory_space<vmem_shared>>
      tpu.enqueue_indirect_dma source(%arg10 : memref<128x64xbf16, #tpu.memory_space<vmem>>) target(%dma_start3A_68 : memref<32512x64xbf16, #tpu.memory_space<vmem_shared>>) offsets(%dma_start3A_65 : memref<128xi32, #tpu.memory_space<vmem>>) semaphore(%arg19 : memref<!tpu.dma_semaphore, #tpu.memory_space<semaphore_mem>>) {add = true}
      %dma_start3A_69 = arith.constant 3 : i32
      %dma_start3A_70 = arith.constant 0 : i32
      %dma_start3A_71 = tpu.memref_slice %arg7[%dma_start3A_69, %dma_start3A_70] : memref<32x128xi32, #tpu.memory_space<vmem>> -> memref<1x128xi32, #tpu.memory_space<vmem>>
      %dma_start3A_72 = tpu.memref_squeeze %dma_start3A_71 : memref<1x128xi32, #tpu.memory_space<vmem>> -> memref<128xi32, #tpu.memory_space<vmem>>
      %dma_start3A_73 = arith.constant 0 : i32
      %dma_start3A_74 = arith.constant 0 : i32
      %dma_start3A_75 = tpu.memref_slice %arg2[%dma_start3A_73, %dma_start3A_74] : memref<64512x64xbf16, #tpu.memory_space<hbm>> -> memref<64512x64xbf16, #tpu.memory_space<hbm>>
      tpu.enqueue_indirect_dma source(%dma_start3A_75 : memref<64512x64xbf16, #tpu.memory_space<hbm>>) target(%arg12 : memref<128x64xbf16, #tpu.memory_space<vmem>>) offsets(%dma_start3A_72 : memref<128xi32, #tpu.memory_space<vmem>>) semaphore(%arg17 : memref<!tpu.dma_semaphore, #tpu.memory_space<semaphore_mem>>)
      %dma_wait3A_76 = arith.constant 0 : i32
      %dma_wait3A_77 = arith.constant 0 : i32
      %dma_wait3A_78 = tpu.memref_slice %arg7[%dma_wait3A_76, %dma_wait3A_77] : memref<32x128xi32, #tpu.memory_space<vmem>> -> memref<1x128xi32, #tpu.memory_space<vmem>>
      %dma_wait3A_79 = tpu.memref_squeeze %dma_wait3A_78 : memref<1x128xi32, #tpu.memory_space<vmem>> -> memref<128xi32, #tpu.memory_space<vmem>>
      %dma_wait3A_80 = arith.constant 0 : i32
      %dma_wait3A_81 = arith.constant 0 : i32
      %dma_wait3A_82 = tpu.memref_slice %arg2[%dma_wait3A_80, %dma_wait3A_81] : memref<64512x64xbf16, #tpu.memory_space<hbm>> -> memref<64512x64xbf16, #tpu.memory_space<hbm>>
      tpu.wait_indirect_dma semaphore(%arg16 : memref<!tpu.dma_semaphore, #tpu.memory_space<semaphore_mem>>) src(%dma_wait3A_82 : memref<64512x64xbf16, #tpu.memory_space<hbm>>) dst(%arg11 : memref<128x64xbf16, #tpu.memory_space<vmem>>)
      %dma_start3A_83 = arith.constant 2 : i32
      %dma_start3A_84 = arith.constant 0 : i32
      %dma_start3A_85 = tpu.memref_slice %arg8[%dma_start3A_83, %dma_start3A_84] : memref<32x128xi32, #tpu.memory_space<vmem>> -> memref<1x128xi32, #tpu.memory_space<vmem>>
      %dma_start3A_86 = tpu.memref_squeeze %dma_start3A_85 : memref<1x128xi32, #tpu.memory_space<vmem>> -> memref<128xi32, #tpu.memory_space<vmem>>
      %dma_start3A_87 = arith.constant 0 : i32
      %dma_start3A_88 = arith.constant 0 : i32
      %dma_start3A_89 = tpu.memref_slice %arg13[%dma_start3A_87, %dma_start3A_88] : memref<32512x64xbf16, #tpu.memory_space<vmem_shared>> -> memref<32512x64xbf16, #tpu.memory_space<vmem_shared>>
      tpu.enqueue_indirect_dma source(%arg11 : memref<128x64xbf16, #tpu.memory_space<vmem>>) target(%dma_start3A_89 : memref<32512x64xbf16, #tpu.memory_space<vmem_shared>>) offsets(%dma_start3A_86 : memref<128xi32, #tpu.memory_space<vmem>>) semaphore(%arg20 : memref<!tpu.dma_semaphore, #tpu.memory_space<semaphore_mem>>) {add = true}
      %dma_wait3A_90 = arith.constant 0 : i32
      %dma_wait3A_91 = arith.constant 0 : i32
      %dma_wait3A_92 = tpu.memref_slice %arg8[%dma_wait3A_90, %dma_wait3A_91] : memref<32x128xi32, #tpu.memory_space<vmem>> -> memref<1x128xi32, #tpu.memory_space<vmem>>
      %dma_wait3A_93 = tpu.memref_squeeze %dma_wait3A_92 : memref<1x128xi32, #tpu.memory_space<vmem>> -> memref<128xi32, #tpu.memory_space<vmem>>
      %dma_wait3A_94 = arith.constant 0 : i32
      %dma_wait3A_95 = arith.constant 0 : i32
      %dma_wait3A_96 = tpu.memref_slice %arg13[%dma_wait3A_94, %dma_wait3A_95] : memref<32512x64xbf16, #tpu.memory_space<vmem_shared>> -> memref<32512x64xbf16, #tpu.memory_space<vmem_shared>>
      tpu.wait_indirect_dma semaphore(%arg18 : memref<!tpu.dma_semaphore, #tpu.memory_space<semaphore_mem>>) src(%arg9 : memref<128x64xbf16, #tpu.memory_space<vmem>>) dst(%dma_wait3A_96 : memref<32512x64xbf16, #tpu.memory_space<vmem_shared>>)
      %dma_start3A_97 = arith.constant 4 : i32
      %dma_start3A_98 = arith.constant 0 : i32
      %dma_start3A_99 = tpu.memref_slice %arg7[%dma_start3A_97, %dma_start3A_98] : memref<32x128xi32, #tpu.memory_space<vmem>> -> memref<1x128xi32, #tpu.memory_space<vmem>>
      %dma_start3A_100 = tpu.memref_squeeze %dma_start3A_99 : memref<1x128xi32, #tpu.memory_space<vmem>> -> memref<128xi32, #tpu.memory_space<vmem>>
      %dma_start3A_101 = arith.constant 0 : i32
      %dma_start3A_102 = arith.constant 0 : i32
      %dma_start3A_103 = tpu.memref_slice %arg2[%dma_start3A_101, %dma_start3A_102] : memref<64512x64xbf16, #tpu.memory_space<hbm>> -> memref<64512x64xbf16, #tpu.memory_space<hbm>>
      tpu.enqueue_indirect_dma source(%dma_start3A_103 : memref<64512x64xbf16, #tpu.memory_space<hbm>>) target(%arg9 : memref<128x64xbf16, #tpu.memory_space<vmem>>) offsets(%dma_start3A_100 : memref<128xi32, #tpu.memory_space<vmem>>) semaphore(%arg14 : memref<!tpu.dma_semaphore, #tpu.memory_space<semaphore_mem>>)
      %dma_wait3A_104 = arith.constant 0 : i32
      %dma_wait3A_105 = arith.constant 0 : i32
      %dma_wait3A_106 = tpu.memref_slice %arg7[%dma_wait3A_104, %dma_wait3A_105] : memref<32x128xi32, #tpu.memory_space<vmem>> -> memref<1x128xi32, #tpu.memory_space<vmem>>
      %dma_wait3A_107 = tpu.memref_squeeze %dma_wait3A_106 : memref<1x128xi32, #tpu.memory_space<vmem>> -> memref<128xi32, #tpu.memory_space<vmem>>
      %dma_wait3A_108 = arith.constant 0 : i32
      %dma_wait3A_109 = arith.constant 0 : i32
      %dma_wait3A_110 = tpu.memref_slice %arg2[%dma_wait3A_108, %dma_wait3A_109] : memref<64512x64xbf16, #tpu.memory_space<hbm>> -> memref<64512x64xbf16, #tpu.memory_space<hbm>>
      tpu.wait_indirect_dma semaphore(%arg17 : memref<!tpu.dma_semaphore, #tpu.memory_space<semaphore_mem>>) src(%dma_wait3A_110 : memref<64512x64xbf16, #tpu.memory_space<hbm>>) dst(%arg12 : memref<128x64xbf16, #tpu.memory_space<vmem>>)
      %dma_start3A_111 = arith.constant 3 : i32
      %dma_start3A_112 = arith.constant 0 : i32
      %dma_start3A_113 = tpu.memref_slice %arg8[%dma_start3A_111, %dma_start3A_112] : memref<32x128xi32, #tpu.memory_space<vmem>> -> memref<1x128xi32, #tpu.memory_space<vmem>>
      %dma_start3A_114 = tpu.memref_squeeze %dma_start3A_113 : memref<1x128xi32, #tpu.memory_space<vmem>> -> memref<128xi32, #tpu.memory_space<vmem>>
      %dma_start3A_115 = arith.constant 0 : i32
      %dma_start3A_116 = arith.constant 0 : i32
      %dma_start3A_117 = tpu.memref_slice %arg13[%dma_start3A_115, %dma_start3A_116] : memref<32512x64xbf16, #tpu.memory_space<vmem_shared>> -> memref<32512x64xbf16, #tpu.memory_space<vmem_shared>>
      tpu.enqueue_indirect_dma source(%arg12 : memref<128x64xbf16, #tpu.memory_space<vmem>>) target(%dma_start3A_117 : memref<32512x64xbf16, #tpu.memory_space<vmem_shared>>) offsets(%dma_start3A_114 : memref<128xi32, #tpu.memory_space<vmem>>) semaphore(%arg21 : memref<!tpu.dma_semaphore, #tpu.memory_space<semaphore_mem>>) {add = true}
      %dma_wait3A_118 = arith.constant 0 : i32
      %dma_wait3A_119 = arith.constant 0 : i32
      %dma_wait3A_120 = tpu.memref_slice %arg8[%dma_wait3A_118, %dma_wait3A_119] : memref<32x128xi32, #tpu.memory_space<vmem>> -> memref<1x128xi32, #tpu.memory_space<vmem>>
      %dma_wait3A_121 = tpu.memref_squeeze %dma_wait3A_120 : memref<1x128xi32, #tpu.memory_space<vmem>> -> memref<128xi32, #tpu.memory_space<vmem>>
      %dma_wait3A_122 = arith.constant 0 : i32
      %dma_wait3A_123 = arith.constant 0 : i32
      %dma_wait3A_124 = tpu.memref_slice %arg13[%dma_wait3A_122, %dma_wait3A_123] : memref<32512x64xbf16, #tpu.memory_space<vmem_shared>> -> memref<32512x64xbf16, #tpu.memory_space<vmem_shared>>
      tpu.wait_indirect_dma semaphore(%arg19 : memref<!tpu.dma_semaphore, #tpu.memory_space<semaphore_mem>>) src(%arg10 : memref<128x64xbf16, #tpu.memory_space<vmem>>) dst(%dma_wait3A_124 : memref<32512x64xbf16, #tpu.memory_space<vmem_shared>>)
      %dma_start3A_125 = arith.constant 5 : i32
      %dma_start3A_126 = arith.constant 0 : i32
      %dma_start3A_127 = tpu.memref_slice %arg7[%dma_start3A_125, %dma_start3A_126] : memref<32x128xi32, #tpu.memory_space<vmem>> -> memref<1x128xi32, #tpu.memory_space<vmem>>
      %dma_start3A_128 = tpu.memref_squeeze %dma_start3A_127 : memref<1x128xi32, #tpu.memory_space<vmem>> -> memref<128xi32, #tpu.memory_space<vmem>>
      %dma_start3A_129 = arith.constant 0 : i32
      %dma_start3A_130 = arith.constant 0 : i32
      %dma_start3A_131 = tpu.memref_slice %arg2[%dma_start3A_129, %dma_start3A_130] : memref<64512x64xbf16, #tpu.memory_space<hbm>> -> memref<64512x64xbf16, #tpu.memory_space<hbm>>
      tpu.enqueue_indirect_dma source(%dma_start3A_131 : memref<64512x64xbf16, #tpu.memory_space<hbm>>) target(%arg10 : memref<128x64xbf16, #tpu.memory_space<vmem>>) offsets(%dma_start3A_128 : memref<128xi32, #tpu.memory_space<vmem>>) semaphore(%arg15 : memref<!tpu.dma_semaphore, #tpu.memory_space<semaphore_mem>>)
      %scan3A_132 = arith.constant 1 : i32
      %scan3A_133 = arith.constant 6 : i32
      %scan3A_134 = arith.addi %scan3A_132, %scan3A_133 : i32
      %scan3A_135 = arith.constant 1 : i32
      scf.for %scan3A_249 = %scan3A_132 to %scan3A_134 step %scan3A_135  : i32 {
        %mul3A_250 = arith.constant 4 : i32
        %mul3A_251 = arith.muli %mul3A_250, %scan3A_249 : i32
        %dma_wait3A_252 = arith.constant 0 : i32
        %dma_wait3A_253 = arith.constant 0 : i32
        %dma_wait3A_254 = tpu.memref_slice %arg7[%dma_wait3A_252, %dma_wait3A_253] : memref<32x128xi32, #tpu.memory_space<vmem>> -> memref<1x128xi32, #tpu.memory_space<vmem>>
        %dma_wait3A_255 = tpu.memref_squeeze %dma_wait3A_254 : memref<1x128xi32, #tpu.memory_space<vmem>> -> memref<128xi32, #tpu.memory_space<vmem>>
        %dma_wait3A_256 = arith.constant 0 : i32
        %dma_wait3A_257 = arith.constant 0 : i32
        %dma_wait3A_258 = tpu.memref_slice %arg2[%dma_wait3A_256, %dma_wait3A_257] : memref<64512x64xbf16, #tpu.memory_space<hbm>> -> memref<64512x64xbf16, #tpu.memory_space<hbm>>
        tpu.wait_indirect_dma semaphore(%arg14 : memref<!tpu.dma_semaphore, #tpu.memory_space<semaphore_mem>>) src(%dma_wait3A_258 : memref<64512x64xbf16, #tpu.memory_space<hbm>>) dst(%arg9 : memref<128x64xbf16, #tpu.memory_space<vmem>>)
        %add3A = arith.constant 0 : i32
        %add3A_259 = arith.addi %mul3A_251, %add3A : i32
        %dma_start3A_260 = arith.constant 0 : i32
        %dma_start3A_261 = tpu.memref_slice %arg8[%add3A_259, %dma_start3A_260] : memref<32x128xi32, #tpu.memory_space<vmem>> -> memref<1x128xi32, #tpu.memory_space<vmem>>
        %dma_start3A_262 = tpu.memref_squeeze %dma_start3A_261 : memref<1x128xi32, #tpu.memory_space<vmem>> -> memref<128xi32, #tpu.memory_space<vmem>>
        %dma_start3A_263 = arith.constant 0 : i32
        %dma_start3A_264 = arith.constant 0 : i32
        %dma_start3A_265 = tpu.memref_slice %arg13[%dma_start3A_263, %dma_start3A_264] : memref<32512x64xbf16, #tpu.memory_space<vmem_shared>> -> memref<32512x64xbf16, #tpu.memory_space<vmem_shared>>
        tpu.enqueue_indirect_dma source(%arg9 : memref<128x64xbf16, #tpu.memory_space<vmem>>) target(%dma_start3A_265 : memref<32512x64xbf16, #tpu.memory_space<vmem_shared>>) offsets(%dma_start3A_262 : memref<128xi32, #tpu.memory_space<vmem>>) semaphore(%arg18 : memref<!tpu.dma_semaphore, #tpu.memory_space<semaphore_mem>>) {add = true}
        %dma_wait3A_266 = arith.constant 0 : i32
        %dma_wait3A_267 = arith.constant 0 : i32
        %dma_wait3A_268 = tpu.memref_slice %arg8[%dma_wait3A_266, %dma_wait3A_267] : memref<32x128xi32, #tpu.memory_space<vmem>> -> memref<1x128xi32, #tpu.memory_space<vmem>>
        %dma_wait3A_269 = tpu.memref_squeeze %dma_wait3A_268 : memref<1x128xi32, #tpu.memory_space<vmem>> -> memref<128xi32, #tpu.memory_space<vmem>>
        %dma_wait3A_270 = arith.constant 0 : i32
        %dma_wait3A_271 = arith.constant 0 : i32
        %dma_wait3A_272 = tpu.memref_slice %arg13[%dma_wait3A_270, %dma_wait3A_271] : memref<32512x64xbf16, #tpu.memory_space<vmem_shared>> -> memref<32512x64xbf16, #tpu.memory_space<vmem_shared>>
        tpu.wait_indirect_dma semaphore(%arg20 : memref<!tpu.dma_semaphore, #tpu.memory_space<semaphore_mem>>) src(%arg11 : memref<128x64xbf16, #tpu.memory_space<vmem>>) dst(%dma_wait3A_272 : memref<32512x64xbf16, #tpu.memory_space<vmem_shared>>)
        %add3A_273 = arith.constant 0 : i32
        %add3A_274 = arith.addi %mul3A_251, %add3A_273 : i32
        %add3A_275 = arith.constant 2 : i32
        %add3A_276 = arith.addi %add3A_274, %add3A_275 : i32
        %dma_start3A_277 = arith.constant 0 : i32
        %dma_start3A_278 = tpu.memref_slice %arg7[%add3A_276, %dma_start3A_277] : memref<32x128xi32, #tpu.memory_space<vmem>> -> memref<1x128xi32, #tpu.memory_space<vmem>>
        %dma_start3A_279 = tpu.memref_squeeze %dma_start3A_278 : memref<1x128xi32, #tpu.memory_space<vmem>> -> memref<128xi32, #tpu.memory_space<vmem>>
        %dma_start3A_280 = arith.constant 0 : i32
        %dma_start3A_281 = arith.constant 0 : i32
        %dma_start3A_282 = tpu.memref_slice %arg2[%dma_start3A_280, %dma_start3A_281] : memref<64512x64xbf16, #tpu.memory_space<hbm>> -> memref<64512x64xbf16, #tpu.memory_space<hbm>>
        tpu.enqueue_indirect_dma source(%dma_start3A_282 : memref<64512x64xbf16, #tpu.memory_space<hbm>>) target(%arg11 : memref<128x64xbf16, #tpu.memory_space<vmem>>) offsets(%dma_start3A_279 : memref<128xi32, #tpu.memory_space<vmem>>) semaphore(%arg16 : memref<!tpu.dma_semaphore, #tpu.memory_space<semaphore_mem>>)
        %dma_wait3A_283 = arith.constant 0 : i32
        %dma_wait3A_284 = arith.constant 0 : i32
        %dma_wait3A_285 = tpu.memref_slice %arg7[%dma_wait3A_283, %dma_wait3A_284] : memref<32x128xi32, #tpu.memory_space<vmem>> -> memref<1x128xi32, #tpu.memory_space<vmem>>
        %dma_wait3A_286 = tpu.memref_squeeze %dma_wait3A_285 : memref<1x128xi32, #tpu.memory_space<vmem>> -> memref<128xi32, #tpu.memory_space<vmem>>
        %dma_wait3A_287 = arith.constant 0 : i32
        %dma_wait3A_288 = arith.constant 0 : i32
        %dma_wait3A_289 = tpu.memref_slice %arg2[%dma_wait3A_287, %dma_wait3A_288] : memref<64512x64xbf16, #tpu.memory_space<hbm>> -> memref<64512x64xbf16, #tpu.memory_space<hbm>>
        tpu.wait_indirect_dma semaphore(%arg15 : memref<!tpu.dma_semaphore, #tpu.memory_space<semaphore_mem>>) src(%dma_wait3A_289 : memref<64512x64xbf16, #tpu.memory_space<hbm>>) dst(%arg10 : memref<128x64xbf16, #tpu.memory_space<vmem>>)
        %add3A_290 = arith.constant 1 : i32
        %add3A_291 = arith.addi %mul3A_251, %add3A_290 : i32
        %dma_start3A_292 = arith.constant 0 : i32
        %dma_start3A_293 = tpu.memref_slice %arg8[%add3A_291, %dma_start3A_292] : memref<32x128xi32, #tpu.memory_space<vmem>> -> memref<1x128xi32, #tpu.memory_space<vmem>>
        %dma_start3A_294 = tpu.memref_squeeze %dma_start3A_293 : memref<1x128xi32, #tpu.memory_space<vmem>> -> memref<128xi32, #tpu.memory_space<vmem>>
        %dma_start3A_295 = arith.constant 0 : i32
        %dma_start3A_296 = arith.constant 0 : i32
        %dma_start3A_297 = tpu.memref_slice %arg13[%dma_start3A_295, %dma_start3A_296] : memref<32512x64xbf16, #tpu.memory_space<vmem_shared>> -> memref<32512x64xbf16, #tpu.memory_space<vmem_shared>>
        tpu.enqueue_indirect_dma source(%arg10 : memref<128x64xbf16, #tpu.memory_space<vmem>>) target(%dma_start3A_297 : memref<32512x64xbf16, #tpu.memory_space<vmem_shared>>) offsets(%dma_start3A_294 : memref<128xi32, #tpu.memory_space<vmem>>) semaphore(%arg19 : memref<!tpu.dma_semaphore, #tpu.memory_space<semaphore_mem>>) {add = true}
        %dma_wait3A_298 = arith.constant 0 : i32
        %dma_wait3A_299 = arith.constant 0 : i32
        %dma_wait3A_300 = tpu.memref_slice %arg8[%dma_wait3A_298, %dma_wait3A_299] : memref<32x128xi32, #tpu.memory_space<vmem>> -> memref<1x128xi32, #tpu.memory_space<vmem>>
        %dma_wait3A_301 = tpu.memref_squeeze %dma_wait3A_300 : memref<1x128xi32, #tpu.memory_space<vmem>> -> memref<128xi32, #tpu.memory_space<vmem>>
        %dma_wait3A_302 = arith.constant 0 : i32
        %dma_wait3A_303 = arith.constant 0 : i32
        %dma_wait3A_304 = tpu.memref_slice %arg13[%dma_wait3A_302, %dma_wait3A_303] : memref<32512x64xbf16, #tpu.memory_space<vmem_shared>> -> memref<32512x64xbf16, #tpu.memory_space<vmem_shared>>
        tpu.wait_indirect_dma semaphore(%arg21 : memref<!tpu.dma_semaphore, #tpu.memory_space<semaphore_mem>>) src(%arg12 : memref<128x64xbf16, #tpu.memory_space<vmem>>) dst(%dma_wait3A_304 : memref<32512x64xbf16, #tpu.memory_space<vmem_shared>>)
        %add3A_305 = arith.constant 1 : i32
        %add3A_306 = arith.addi %mul3A_251, %add3A_305 : i32
        %add3A_307 = arith.constant 2 : i32
        %add3A_308 = arith.addi %add3A_306, %add3A_307 : i32
        %dma_start3A_309 = arith.constant 0 : i32
        %dma_start3A_310 = tpu.memref_slice %arg7[%add3A_308, %dma_start3A_309] : memref<32x128xi32, #tpu.memory_space<vmem>> -> memref<1x128xi32, #tpu.memory_space<vmem>>
        %dma_start3A_311 = tpu.memref_squeeze %dma_start3A_310 : memref<1x128xi32, #tpu.memory_space<vmem>> -> memref<128xi32, #tpu.memory_space<vmem>>
        %dma_start3A_312 = arith.constant 0 : i32
        %dma_start3A_313 = arith.constant 0 : i32
        %dma_start3A_314 = tpu.memref_slice %arg2[%dma_start3A_312, %dma_start3A_313] : memref<64512x64xbf16, #tpu.memory_space<hbm>> -> memref<64512x64xbf16, #tpu.memory_space<hbm>>
        tpu.enqueue_indirect_dma source(%dma_start3A_314 : memref<64512x64xbf16, #tpu.memory_space<hbm>>) target(%arg12 : memref<128x64xbf16, #tpu.memory_space<vmem>>) offsets(%dma_start3A_311 : memref<128xi32, #tpu.memory_space<vmem>>) semaphore(%arg17 : memref<!tpu.dma_semaphore, #tpu.memory_space<semaphore_mem>>)
        %dma_wait3A_315 = arith.constant 0 : i32
        %dma_wait3A_316 = arith.constant 0 : i32
        %dma_wait3A_317 = tpu.memref_slice %arg7[%dma_wait3A_315, %dma_wait3A_316] : memref<32x128xi32, #tpu.memory_space<vmem>> -> memref<1x128xi32, #tpu.memory_space<vmem>>
        %dma_wait3A_318 = tpu.memref_squeeze %dma_wait3A_317 : memref<1x128xi32, #tpu.memory_space<vmem>> -> memref<128xi32, #tpu.memory_space<vmem>>
        %dma_wait3A_319 = arith.constant 0 : i32
        %dma_wait3A_320 = arith.constant 0 : i32
        %dma_wait3A_321 = tpu.memref_slice %arg2[%dma_wait3A_319, %dma_wait3A_320] : memref<64512x64xbf16, #tpu.memory_space<hbm>> -> memref<64512x64xbf16, #tpu.memory_space<hbm>>
        tpu.wait_indirect_dma semaphore(%arg16 : memref<!tpu.dma_semaphore, #tpu.memory_space<semaphore_mem>>) src(%dma_wait3A_321 : memref<64512x64xbf16, #tpu.memory_space<hbm>>) dst(%arg11 : memref<128x64xbf16, #tpu.memory_space<vmem>>)
        %add3A_322 = arith.constant 2 : i32
        %add3A_323 = arith.addi %mul3A_251, %add3A_322 : i32
        %dma_start3A_324 = arith.constant 0 : i32
        %dma_start3A_325 = tpu.memref_slice %arg8[%add3A_323, %dma_start3A_324] : memref<32x128xi32, #tpu.memory_space<vmem>> -> memref<1x128xi32, #tpu.memory_space<vmem>>
        %dma_start3A_326 = tpu.memref_squeeze %dma_start3A_325 : memref<1x128xi32, #tpu.memory_space<vmem>> -> memref<128xi32, #tpu.memory_space<vmem>>
        %dma_start3A_327 = arith.constant 0 : i32
        %dma_start3A_328 = arith.constant 0 : i32
        %dma_start3A_329 = tpu.memref_slice %arg13[%dma_start3A_327, %dma_start3A_328] : memref<32512x64xbf16, #tpu.memory_space<vmem_shared>> -> memref<32512x64xbf16, #tpu.memory_space<vmem_shared>>
        tpu.enqueue_indirect_dma source(%arg11 : memref<128x64xbf16, #tpu.memory_space<vmem>>) target(%dma_start3A_329 : memref<32512x64xbf16, #tpu.memory_space<vmem_shared>>) offsets(%dma_start3A_326 : memref<128xi32, #tpu.memory_space<vmem>>) semaphore(%arg20 : memref<!tpu.dma_semaphore, #tpu.memory_space<semaphore_mem>>) {add = true}
        %dma_wait3A_330 = arith.constant 0 : i32
        %dma_wait3A_331 = arith.constant 0 : i32
        %dma_wait3A_332 = tpu.memref_slice %arg8[%dma_wait3A_330, %dma_wait3A_331] : memref<32x128xi32, #tpu.memory_space<vmem>> -> memref<1x128xi32, #tpu.memory_space<vmem>>
        %dma_wait3A_333 = tpu.memref_squeeze %dma_wait3A_332 : memref<1x128xi32, #tpu.memory_space<vmem>> -> memref<128xi32, #tpu.memory_space<vmem>>
        %dma_wait3A_334 = arith.constant 0 : i32
        %dma_wait3A_335 = arith.constant 0 : i32
        %dma_wait3A_336 = tpu.memref_slice %arg13[%dma_wait3A_334, %dma_wait3A_335] : memref<32512x64xbf16, #tpu.memory_space<vmem_shared>> -> memref<32512x64xbf16, #tpu.memory_space<vmem_shared>>
        tpu.wait_indirect_dma semaphore(%arg18 : memref<!tpu.dma_semaphore, #tpu.memory_space<semaphore_mem>>) src(%arg9 : memref<128x64xbf16, #tpu.memory_space<vmem>>) dst(%dma_wait3A_336 : memref<32512x64xbf16, #tpu.memory_space<vmem_shared>>)
        %add3A_337 = arith.constant 2 : i32
        %add3A_338 = arith.addi %mul3A_251, %add3A_337 : i32
        %add3A_339 = arith.constant 2 : i32
        %add3A_340 = arith.addi %add3A_338, %add3A_339 : i32
        %dma_start3A_341 = arith.constant 0 : i32
        %dma_start3A_342 = tpu.memref_slice %arg7[%add3A_340, %dma_start3A_341] : memref<32x128xi32, #tpu.memory_space<vmem>> -> memref<1x128xi32, #tpu.memory_space<vmem>>
        %dma_start3A_343 = tpu.memref_squeeze %dma_start3A_342 : memref<1x128xi32, #tpu.memory_space<vmem>> -> memref<128xi32, #tpu.memory_space<vmem>>
        %dma_start3A_344 = arith.constant 0 : i32
        %dma_start3A_345 = arith.constant 0 : i32
        %dma_start3A_346 = tpu.memref_slice %arg2[%dma_start3A_344, %dma_start3A_345] : memref<64512x64xbf16, #tpu.memory_space<hbm>> -> memref<64512x64xbf16, #tpu.memory_space<hbm>>
        tpu.enqueue_indirect_dma source(%dma_start3A_346 : memref<64512x64xbf16, #tpu.memory_space<hbm>>) target(%arg9 : memref<128x64xbf16, #tpu.memory_space<vmem>>) offsets(%dma_start3A_343 : memref<128xi32, #tpu.memory_space<vmem>>) semaphore(%arg14 : memref<!tpu.dma_semaphore, #tpu.memory_space<semaphore_mem>>)
        %dma_wait3A_347 = arith.constant 0 : i32
        %dma_wait3A_348 = arith.constant 0 : i32
        %dma_wait3A_349 = tpu.memref_slice %arg7[%dma_wait3A_347, %dma_wait3A_348] : memref<32x128xi32, #tpu.memory_space<vmem>> -> memref<1x128xi32, #tpu.memory_space<vmem>>
        %dma_wait3A_350 = tpu.memref_squeeze %dma_wait3A_349 : memref<1x128xi32, #tpu.memory_space<vmem>> -> memref<128xi32, #tpu.memory_space<vmem>>
        %dma_wait3A_351 = arith.constant 0 : i32
        %dma_wait3A_352 = arith.constant 0 : i32
        %dma_wait3A_353 = tpu.memref_slice %arg2[%dma_wait3A_351, %dma_wait3A_352] : memref<64512x64xbf16, #tpu.memory_space<hbm>> -> memref<64512x64xbf16, #tpu.memory_space<hbm>>
        tpu.wait_indirect_dma semaphore(%arg17 : memref<!tpu.dma_semaphore, #tpu.memory_space<semaphore_mem>>) src(%dma_wait3A_353 : memref<64512x64xbf16, #tpu.memory_space<hbm>>) dst(%arg12 : memref<128x64xbf16, #tpu.memory_space<vmem>>)
        %add3A_354 = arith.constant 3 : i32
        %add3A_355 = arith.addi %mul3A_251, %add3A_354 : i32
        %dma_start3A_356 = arith.constant 0 : i32
        %dma_start3A_357 = tpu.memref_slice %arg8[%add3A_355, %dma_start3A_356] : memref<32x128xi32, #tpu.memory_space<vmem>> -> memref<1x128xi32, #tpu.memory_space<vmem>>
        %dma_start3A_358 = tpu.memref_squeeze %dma_start3A_357 : memref<1x128xi32, #tpu.memory_space<vmem>> -> memref<128xi32, #tpu.memory_space<vmem>>
        %dma_start3A_359 = arith.constant 0 : i32
        %dma_start3A_360 = arith.constant 0 : i32
        %dma_start3A_361 = tpu.memref_slice %arg13[%dma_start3A_359, %dma_start3A_360] : memref<32512x64xbf16, #tpu.memory_space<vmem_shared>> -> memref<32512x64xbf16, #tpu.memory_space<vmem_shared>>
        tpu.enqueue_indirect_dma source(%arg12 : memref<128x64xbf16, #tpu.memory_space<vmem>>) target(%dma_start3A_361 : memref<32512x64xbf16, #tpu.memory_space<vmem_shared>>) offsets(%dma_start3A_358 : memref<128xi32, #tpu.memory_space<vmem>>) semaphore(%arg21 : memref<!tpu.dma_semaphore, #tpu.memory_space<semaphore_mem>>) {add = true}
        %dma_wait3A_362 = arith.constant 0 : i32
        %dma_wait3A_363 = arith.constant 0 : i32
        %dma_wait3A_364 = tpu.memref_slice %arg8[%dma_wait3A_362, %dma_wait3A_363] : memref<32x128xi32, #tpu.memory_space<vmem>> -> memref<1x128xi32, #tpu.memory_space<vmem>>
        %dma_wait3A_365 = tpu.memref_squeeze %dma_wait3A_364 : memref<1x128xi32, #tpu.memory_space<vmem>> -> memref<128xi32, #tpu.memory_space<vmem>>
        %dma_wait3A_366 = arith.constant 0 : i32
        %dma_wait3A_367 = arith.constant 0 : i32
        %dma_wait3A_368 = tpu.memref_slice %arg13[%dma_wait3A_366, %dma_wait3A_367] : memref<32512x64xbf16, #tpu.memory_space<vmem_shared>> -> memref<32512x64xbf16, #tpu.memory_space<vmem_shared>>
        tpu.wait_indirect_dma semaphore(%arg19 : memref<!tpu.dma_semaphore, #tpu.memory_space<semaphore_mem>>) src(%arg10 : memref<128x64xbf16, #tpu.memory_space<vmem>>) dst(%dma_wait3A_368 : memref<32512x64xbf16, #tpu.memory_space<vmem_shared>>)
        %add3A_369 = arith.constant 3 : i32
        %add3A_370 = arith.addi %mul3A_251, %add3A_369 : i32
        %add3A_371 = arith.constant 2 : i32
        %add3A_372 = arith.addi %add3A_370, %add3A_371 : i32
        %dma_start3A_373 = arith.constant 0 : i32
        %dma_start3A_374 = tpu.memref_slice %arg7[%add3A_372, %dma_start3A_373] : memref<32x128xi32, #tpu.memory_space<vmem>> -> memref<1x128xi32, #tpu.memory_space<vmem>>
        %dma_start3A_375 = tpu.memref_squeeze %dma_start3A_374 : memref<1x128xi32, #tpu.memory_space<vmem>> -> memref<128xi32, #tpu.memory_space<vmem>>
        %dma_start3A_376 = arith.constant 0 : i32
        %dma_start3A_377 = arith.constant 0 : i32
        %dma_start3A_378 = tpu.memref_slice %arg2[%dma_start3A_376, %dma_start3A_377] : memref<64512x64xbf16, #tpu.memory_space<hbm>> -> memref<64512x64xbf16, #tpu.memory_space<hbm>>
        tpu.enqueue_indirect_dma source(%dma_start3A_378 : memref<64512x64xbf16, #tpu.memory_space<hbm>>) target(%arg10 : memref<128x64xbf16, #tpu.memory_space<vmem>>) offsets(%dma_start3A_375 : memref<128xi32, #tpu.memory_space<vmem>>) semaphore(%arg15 : memref<!tpu.dma_semaphore, #tpu.memory_space<semaphore_mem>>)
      }
      %scan3A_136 = arith.constant 6 : i32
      %dma_wait3A_137 = arith.constant 0 : i32
      %dma_wait3A_138 = arith.constant 0 : i32
      %dma_wait3A_139 = tpu.memref_slice %arg7[%dma_wait3A_137, %dma_wait3A_138] : memref<32x128xi32, #tpu.memory_space<vmem>> -> memref<1x128xi32, #tpu.memory_space<vmem>>
      %dma_wait3A_140 = tpu.memref_squeeze %dma_wait3A_139 : memref<1x128xi32, #tpu.memory_space<vmem>> -> memref<128xi32, #tpu.memory_space<vmem>>
      %dma_wait3A_141 = arith.constant 0 : i32
      %dma_wait3A_142 = arith.constant 0 : i32
      %dma_wait3A_143 = tpu.memref_slice %arg2[%dma_wait3A_141, %dma_wait3A_142] : memref<64512x64xbf16, #tpu.memory_space<hbm>> -> memref<64512x64xbf16, #tpu.memory_space<hbm>>
      tpu.wait_indirect_dma semaphore(%arg14 : memref<!tpu.dma_semaphore, #tpu.memory_space<semaphore_mem>>) src(%dma_wait3A_143 : memref<64512x64xbf16, #tpu.memory_space<hbm>>) dst(%arg9 : memref<128x64xbf16, #tpu.memory_space<vmem>>)
      %dma_start3A_144 = arith.constant 28 : i32
      %dma_start3A_145 = arith.constant 0 : i32
      %dma_start3A_146 = tpu.memref_slice %arg8[%dma_start3A_144, %dma_start3A_145] : memref<32x128xi32, #tpu.memory_space<vmem>> -> memref<1x128xi32, #tpu.memory_space<vmem>>
      %dma_start3A_147 = tpu.memref_squeeze %dma_start3A_146 : memref<1x128xi32, #tpu.memory_space<vmem>> -> memref<128xi32, #tpu.memory_space<vmem>>
      %dma_start3A_148 = arith.constant 0 : i32
      %dma_start3A_149 = arith.constant 0 : i32
      %dma_start3A_150 = tpu.memref_slice %arg13[%dma_start3A_148, %dma_start3A_149] : memref<32512x64xbf16, #tpu.memory_space<vmem_shared>> -> memref<32512x64xbf16, #tpu.memory_space<vmem_shared>>
      tpu.enqueue_indirect_dma source(%arg9 : memref<128x64xbf16, #tpu.memory_space<vmem>>) target(%dma_start3A_150 : memref<32512x64xbf16, #tpu.memory_space<vmem_shared>>) offsets(%dma_start3A_147 : memref<128xi32, #tpu.memory_space<vmem>>) semaphore(%arg18 : memref<!tpu.dma_semaphore, #tpu.memory_space<semaphore_mem>>) {add = true}
      %dma_wait3A_151 = arith.constant 0 : i32
      %dma_wait3A_152 = arith.constant 0 : i32
      %dma_wait3A_153 = tpu.memref_slice %arg8[%dma_wait3A_151, %dma_wait3A_152] : memref<32x128xi32, #tpu.memory_space<vmem>> -> memref<1x128xi32, #tpu.memory_space<vmem>>
      %dma_wait3A_154 = tpu.memref_squeeze %dma_wait3A_153 : memref<1x128xi32, #tpu.memory_space<vmem>> -> memref<128xi32, #tpu.memory_space<vmem>>
      %dma_wait3A_155 = arith.constant 0 : i32
      %dma_wait3A_156 = arith.constant 0 : i32
      %dma_wait3A_157 = tpu.memref_slice %arg13[%dma_wait3A_155, %dma_wait3A_156] : memref<32512x64xbf16, #tpu.memory_space<vmem_shared>> -> memref<32512x64xbf16, #tpu.memory_space<vmem_shared>>
      tpu.wait_indirect_dma semaphore(%arg20 : memref<!tpu.dma_semaphore, #tpu.memory_space<semaphore_mem>>) src(%arg11 : memref<128x64xbf16, #tpu.memory_space<vmem>>) dst(%dma_wait3A_157 : memref<32512x64xbf16, #tpu.memory_space<vmem_shared>>)
      %dma_start3A_158 = arith.constant 30 : i32
      %dma_start3A_159 = arith.constant 0 : i32
      %dma_start3A_160 = tpu.memref_slice %arg7[%dma_start3A_158, %dma_start3A_159] : memref<32x128xi32, #tpu.memory_space<vmem>> -> memref<1x128xi32, #tpu.memory_space<vmem>>
      %dma_start3A_161 = tpu.memref_squeeze %dma_start3A_160 : memref<1x128xi32, #tpu.memory_space<vmem>> -> memref<128xi32, #tpu.memory_space<vmem>>
      %dma_start3A_162 = arith.constant 0 : i32
      %dma_start3A_163 = arith.constant 0 : i32
      %dma_start3A_164 = tpu.memref_slice %arg2[%dma_start3A_162, %dma_start3A_163] : memref<64512x64xbf16, #tpu.memory_space<hbm>> -> memref<64512x64xbf16, #tpu.memory_space<hbm>>
      tpu.enqueue_indirect_dma source(%dma_start3A_164 : memref<64512x64xbf16, #tpu.memory_space<hbm>>) target(%arg11 : memref<128x64xbf16, #tpu.memory_space<vmem>>) offsets(%dma_start3A_161 : memref<128xi32, #tpu.memory_space<vmem>>) semaphore(%arg16 : memref<!tpu.dma_semaphore, #tpu.memory_space<semaphore_mem>>)
      %dma_wait3A_165 = arith.constant 0 : i32
      %dma_wait3A_166 = arith.constant 0 : i32
      %dma_wait3A_167 = tpu.memref_slice %arg7[%dma_wait3A_165, %dma_wait3A_166] : memref<32x128xi32, #tpu.memory_space<vmem>> -> memref<1x128xi32, #tpu.memory_space<vmem>>
      %dma_wait3A_168 = tpu.memref_squeeze %dma_wait3A_167 : memref<1x128xi32, #tpu.memory_space<vmem>> -> memref<128xi32, #tpu.memory_space<vmem>>
      %dma_wait3A_169 = arith.constant 0 : i32
      %dma_wait3A_170 = arith.constant 0 : i32
      %dma_wait3A_171 = tpu.memref_slice %arg2[%dma_wait3A_169, %dma_wait3A_170] : memref<64512x64xbf16, #tpu.memory_space<hbm>> -> memref<64512x64xbf16, #tpu.memory_space<hbm>>
      tpu.wait_indirect_dma semaphore(%arg15 : memref<!tpu.dma_semaphore, #tpu.memory_space<semaphore_mem>>) src(%dma_wait3A_171 : memref<64512x64xbf16, #tpu.memory_space<hbm>>) dst(%arg10 : memref<128x64xbf16, #tpu.memory_space<vmem>>)
      %dma_start3A_172 = arith.constant 29 : i32
      %dma_start3A_173 = arith.constant 0 : i32
      %dma_start3A_174 = tpu.memref_slice %arg8[%dma_start3A_172, %dma_start3A_173] : memref<32x128xi32, #tpu.memory_space<vmem>> -> memref<1x128xi32, #tpu.memory_space<vmem>>
      %dma_start3A_175 = tpu.memref_squeeze %dma_start3A_174 : memref<1x128xi32, #tpu.memory_space<vmem>> -> memref<128xi32, #tpu.memory_space<vmem>>
      %dma_start3A_176 = arith.constant 0 : i32
      %dma_start3A_177 = arith.constant 0 : i32
      %dma_start3A_178 = tpu.memref_slice %arg13[%dma_start3A_176, %dma_start3A_177] : memref<32512x64xbf16, #tpu.memory_space<vmem_shared>> -> memref<32512x64xbf16, #tpu.memory_space<vmem_shared>>
      tpu.enqueue_indirect_dma source(%arg10 : memref<128x64xbf16, #tpu.memory_space<vmem>>) target(%dma_start3A_178 : memref<32512x64xbf16, #tpu.memory_space<vmem_shared>>) offsets(%dma_start3A_175 : memref<128xi32, #tpu.memory_space<vmem>>) semaphore(%arg19 : memref<!tpu.dma_semaphore, #tpu.memory_space<semaphore_mem>>) {add = true}
      %dma_wait3A_179 = arith.constant 0 : i32
      %dma_wait3A_180 = arith.constant 0 : i32
      %dma_wait3A_181 = tpu.memref_slice %arg8[%dma_wait3A_179, %dma_wait3A_180] : memref<32x128xi32, #tpu.memory_space<vmem>> -> memref<1x128xi32, #tpu.memory_space<vmem>>
      %dma_wait3A_182 = tpu.memref_squeeze %dma_wait3A_181 : memref<1x128xi32, #tpu.memory_space<vmem>> -> memref<128xi32, #tpu.memory_space<vmem>>
      %dma_wait3A_183 = arith.constant 0 : i32
      %dma_wait3A_184 = arith.constant 0 : i32
      %dma_wait3A_185 = tpu.memref_slice %arg13[%dma_wait3A_183, %dma_wait3A_184] : memref<32512x64xbf16, #tpu.memory_space<vmem_shared>> -> memref<32512x64xbf16, #tpu.memory_space<vmem_shared>>
      tpu.wait_indirect_dma semaphore(%arg21 : memref<!tpu.dma_semaphore, #tpu.memory_space<semaphore_mem>>) src(%arg12 : memref<128x64xbf16, #tpu.memory_space<vmem>>) dst(%dma_wait3A_185 : memref<32512x64xbf16, #tpu.memory_space<vmem_shared>>)
      %dma_start3A_186 = arith.constant 31 : i32
      %dma_start3A_187 = arith.constant 0 : i32
      %dma_start3A_188 = tpu.memref_slice %arg7[%dma_start3A_186, %dma_start3A_187] : memref<32x128xi32, #tpu.memory_space<vmem>> -> memref<1x128xi32, #tpu.memory_space<vmem>>
      %dma_start3A_189 = tpu.memref_squeeze %dma_start3A_188 : memref<1x128xi32, #tpu.memory_space<vmem>> -> memref<128xi32, #tpu.memory_space<vmem>>
      %dma_start3A_190 = arith.constant 0 : i32
      %dma_start3A_191 = arith.constant 0 : i32
      %dma_start3A_192 = tpu.memref_slice %arg2[%dma_start3A_190, %dma_start3A_191] : memref<64512x64xbf16, #tpu.memory_space<hbm>> -> memref<64512x64xbf16, #tpu.memory_space<hbm>>
      tpu.enqueue_indirect_dma source(%dma_start3A_192 : memref<64512x64xbf16, #tpu.memory_space<hbm>>) target(%arg12 : memref<128x64xbf16, #tpu.memory_space<vmem>>) offsets(%dma_start3A_189 : memref<128xi32, #tpu.memory_space<vmem>>) semaphore(%arg17 : memref<!tpu.dma_semaphore, #tpu.memory_space<semaphore_mem>>)
      %dma_wait3A_193 = arith.constant 0 : i32
      %dma_wait3A_194 = arith.constant 0 : i32
      %dma_wait3A_195 = tpu.memref_slice %arg7[%dma_wait3A_193, %dma_wait3A_194] : memref<32x128xi32, #tpu.memory_space<vmem>> -> memref<1x128xi32, #tpu.memory_space<vmem>>
      %dma_wait3A_196 = tpu.memref_squeeze %dma_wait3A_195 : memref<1x128xi32, #tpu.memory_space<vmem>> -> memref<128xi32, #tpu.memory_space<vmem>>
      %dma_wait3A_197 = arith.constant 0 : i32
      %dma_wait3A_198 = arith.constant 0 : i32
      %dma_wait3A_199 = tpu.memref_slice %arg2[%dma_wait3A_197, %dma_wait3A_198] : memref<64512x64xbf16, #tpu.memory_space<hbm>> -> memref<64512x64xbf16, #tpu.memory_space<hbm>>
      tpu.wait_indirect_dma semaphore(%arg16 : memref<!tpu.dma_semaphore, #tpu.memory_space<semaphore_mem>>) src(%dma_wait3A_199 : memref<64512x64xbf16, #tpu.memory_space<hbm>>) dst(%arg11 : memref<128x64xbf16, #tpu.memory_space<vmem>>)
      %dma_start3A_200 = arith.constant 30 : i32
      %dma_start3A_201 = arith.constant 0 : i32
      %dma_start3A_202 = tpu.memref_slice %arg8[%dma_start3A_200, %dma_start3A_201] : memref<32x128xi32, #tpu.memory_space<vmem>> -> memref<1x128xi32, #tpu.memory_space<vmem>>
      %dma_start3A_203 = tpu.memref_squeeze %dma_start3A_202 : memref<1x128xi32, #tpu.memory_space<vmem>> -> memref<128xi32, #tpu.memory_space<vmem>>
      %dma_start3A_204 = arith.constant 0 : i32
      %dma_start3A_205 = arith.constant 0 : i32
      %dma_start3A_206 = tpu.memref_slice %arg13[%dma_start3A_204, %dma_start3A_205] : memref<32512x64xbf16, #tpu.memory_space<vmem_shared>> -> memref<32512x64xbf16, #tpu.memory_space<vmem_shared>>
      tpu.enqueue_indirect_dma source(%arg11 : memref<128x64xbf16, #tpu.memory_space<vmem>>) target(%dma_start3A_206 : memref<32512x64xbf16, #tpu.memory_space<vmem_shared>>) offsets(%dma_start3A_203 : memref<128xi32, #tpu.memory_space<vmem>>) semaphore(%arg20 : memref<!tpu.dma_semaphore, #tpu.memory_space<semaphore_mem>>) {add = true}
      %dma_wait3A_207 = arith.constant 0 : i32
      %dma_wait3A_208 = arith.constant 0 : i32
      %dma_wait3A_209 = tpu.memref_slice %arg7[%dma_wait3A_207, %dma_wait3A_208] : memref<32x128xi32, #tpu.memory_space<vmem>> -> memref<1x128xi32, #tpu.memory_space<vmem>>
      %dma_wait3A_210 = tpu.memref_squeeze %dma_wait3A_209 : memref<1x128xi32, #tpu.memory_space<vmem>> -> memref<128xi32, #tpu.memory_space<vmem>>
      %dma_wait3A_211 = arith.constant 0 : i32
      %dma_wait3A_212 = arith.constant 0 : i32
      %dma_wait3A_213 = tpu.memref_slice %arg2[%dma_wait3A_211, %dma_wait3A_212] : memref<64512x64xbf16, #tpu.memory_space<hbm>> -> memref<64512x64xbf16, #tpu.memory_space<hbm>>
      tpu.wait_indirect_dma semaphore(%arg17 : memref<!tpu.dma_semaphore, #tpu.memory_space<semaphore_mem>>) src(%dma_wait3A_213 : memref<64512x64xbf16, #tpu.memory_space<hbm>>) dst(%arg12 : memref<128x64xbf16, #tpu.memory_space<vmem>>)
      %dma_start3A_214 = arith.constant 31 : i32
      %dma_start3A_215 = arith.constant 0 : i32
      %dma_start3A_216 = tpu.memref_slice %arg8[%dma_start3A_214, %dma_start3A_215] : memref<32x128xi32, #tpu.memory_space<vmem>> -> memref<1x128xi32, #tpu.memory_space<vmem>>
      %dma_start3A_217 = tpu.memref_squeeze %dma_start3A_216 : memref<1x128xi32, #tpu.memory_space<vmem>> -> memref<128xi32, #tpu.memory_space<vmem>>
      %dma_start3A_218 = arith.constant 0 : i32
      %dma_start3A_219 = arith.constant 0 : i32
      %dma_start3A_220 = tpu.memref_slice %arg13[%dma_start3A_218, %dma_start3A_219] : memref<32512x64xbf16, #tpu.memory_space<vmem_shared>> -> memref<32512x64xbf16, #tpu.memory_space<vmem_shared>>
      tpu.enqueue_indirect_dma source(%arg12 : memref<128x64xbf16, #tpu.memory_space<vmem>>) target(%dma_start3A_220 : memref<32512x64xbf16, #tpu.memory_space<vmem_shared>>) offsets(%dma_start3A_217 : memref<128xi32, #tpu.memory_space<vmem>>) semaphore(%arg21 : memref<!tpu.dma_semaphore, #tpu.memory_space<semaphore_mem>>) {add = true}
      %dma_wait3A_221 = arith.constant 0 : i32
      %dma_wait3A_222 = arith.constant 0 : i32
      %dma_wait3A_223 = tpu.memref_slice %arg8[%dma_wait3A_221, %dma_wait3A_222] : memref<32x128xi32, #tpu.memory_space<vmem>> -> memref<1x128xi32, #tpu.memory_space<vmem>>
      %dma_wait3A_224 = tpu.memref_squeeze %dma_wait3A_223 : memref<1x128xi32, #tpu.memory_space<vmem>> -> memref<128xi32, #tpu.memory_space<vmem>>
      %dma_wait3A_225 = arith.constant 0 : i32
      %dma_wait3A_226 = arith.constant 0 : i32
      %dma_wait3A_227 = tpu.memref_slice %arg13[%dma_wait3A_225, %dma_wait3A_226] : memref<32512x64xbf16, #tpu.memory_space<vmem_shared>> -> memref<32512x64xbf16, #tpu.memory_space<vmem_shared>>
      tpu.wait_indirect_dma semaphore(%arg18 : memref<!tpu.dma_semaphore, #tpu.memory_space<semaphore_mem>>) src(%arg9 : memref<128x64xbf16, #tpu.memory_space<vmem>>) dst(%dma_wait3A_227 : memref<32512x64xbf16, #tpu.memory_space<vmem_shared>>)
      %dma_wait3A_228 = arith.constant 0 : i32
      %dma_wait3A_229 = arith.constant 0 : i32
      %dma_wait3A_230 = tpu.memref_slice %arg8[%dma_wait3A_228, %dma_wait3A_229] : memref<32x128xi32, #tpu.memory_space<vmem>> -> memref<1x128xi32, #tpu.memory_space<vmem>>
      %dma_wait3A_231 = tpu.memref_squeeze %dma_wait3A_230 : memref<1x128xi32, #tpu.memory_space<vmem>> -> memref<128xi32, #tpu.memory_space<vmem>>
      %dma_wait3A_232 = arith.constant 0 : i32
      %dma_wait3A_233 = arith.constant 0 : i32
      %dma_wait3A_234 = tpu.memref_slice %arg13[%dma_wait3A_232, %dma_wait3A_233] : memref<32512x64xbf16, #tpu.memory_space<vmem_shared>> -> memref<32512x64xbf16, #tpu.memory_space<vmem_shared>>
      tpu.wait_indirect_dma semaphore(%arg19 : memref<!tpu.dma_semaphore, #tpu.memory_space<semaphore_mem>>) src(%arg10 : memref<128x64xbf16, #tpu.memory_space<vmem>>) dst(%dma_wait3A_234 : memref<32512x64xbf16, #tpu.memory_space<vmem_shared>>)
      %dma_wait3A_235 = arith.constant 0 : i32
      %dma_wait3A_236 = arith.constant 0 : i32
      %dma_wait3A_237 = tpu.memref_slice %arg8[%dma_wait3A_235, %dma_wait3A_236] : memref<32x128xi32, #tpu.memory_space<vmem>> -> memref<1x128xi32, #tpu.memory_space<vmem>>
      %dma_wait3A_238 = tpu.memref_squeeze %dma_wait3A_237 : memref<1x128xi32, #tpu.memory_space<vmem>> -> memref<128xi32, #tpu.memory_space<vmem>>
      %dma_wait3A_239 = arith.constant 0 : i32
      %dma_wait3A_240 = arith.constant 0 : i32
      %dma_wait3A_241 = tpu.memref_slice %arg13[%dma_wait3A_239, %dma_wait3A_240] : memref<32512x64xbf16, #tpu.memory_space<vmem_shared>> -> memref<32512x64xbf16, #tpu.memory_space<vmem_shared>>
      tpu.wait_indirect_dma semaphore(%arg20 : memref<!tpu.dma_semaphore, #tpu.memory_space<semaphore_mem>>) src(%arg11 : memref<128x64xbf16, #tpu.memory_space<vmem>>) dst(%dma_wait3A_241 : memref<32512x64xbf16, #tpu.memory_space<vmem_shared>>)
      %dma_wait3A_242 = arith.constant 0 : i32
      %dma_wait3A_243 = arith.constant 0 : i32
      %dma_wait3A_244 = tpu.memref_slice %arg8[%dma_wait3A_242, %dma_wait3A_243] : memref<32x128xi32, #tpu.memory_space<vmem>> -> memref<1x128xi32, #tpu.memory_space<vmem>>
      %dma_wait3A_245 = tpu.memref_squeeze %dma_wait3A_244 : memref<1x128xi32, #tpu.memory_space<vmem>> -> memref<128xi32, #tpu.memory_space<vmem>>
      %dma_wait3A_246 = arith.constant 0 : i32
      %dma_wait3A_247 = arith.constant 0 : i32
      %dma_wait3A_248 = tpu.memref_slice %arg13[%dma_wait3A_246, %dma_wait3A_247] : memref<32512x64xbf16, #tpu.memory_space<vmem_shared>> -> memref<32512x64xbf16, #tpu.memory_space<vmem_shared>>
      tpu.wait_indirect_dma semaphore(%arg21 : memref<!tpu.dma_semaphore, #tpu.memory_space<semaphore_mem>>) src(%arg12 : memref<128x64xbf16, #tpu.memory_space<vmem>>) dst(%dma_wait3A_248 : memref<32512x64xbf16, #tpu.memory_space<vmem_shared>>)
    }
    %scan3A_5 = arith.constant 8 : i32
    %barrier3A_6 = arith.constant 0 : index
    tpu.barrier barrier_id(%barrier3A_6)
    %mul3A_7 = arith.constant 2016 : i32
    %mul3A_8 = arith.muli %arg1, %mul3A_7 : i32
    %mul3A_9 = arith.constant 2016 : i32
    %mul3A_10 = arith.muli %arg1, %mul3A_9 : i32
    "tpu.region"() ({
      %run_scoped3A = tpu.sem_alloc : memref<!tpu.dma_semaphore, #tpu.memory_space<semaphore_mem>>
      %dma_start3A = arith.constant 0 : i32
      %dma_start3A_11 = tpu.memref_slice %arg6[%arg0, %mul3A_10, %dma_start3A] : memref<2x32256x64xbf16, #tpu.memory_space<hbm>> -> memref<1x2016x64xbf16, #tpu.memory_space<hbm>>
      %dma_start3A_12 = tpu.memref_squeeze %dma_start3A_11 : memref<1x2016x64xbf16, #tpu.memory_space<hbm>> -> memref<2016x64xbf16, #tpu.memory_space<hbm>>
      %dma_start3A_13 = arith.constant 0 : i32
      %dma_start3A_14 = tpu.memref_slice %arg13[%mul3A_8, %dma_start3A_13] : memref<32512x64xbf16, #tpu.memory_space<vmem_shared>> -> memref<2016x64xbf16, #tpu.memory_space<vmem_shared>>
      tpu.enqueue_dma source(%dma_start3A_14 : memref<2016x64xbf16, #tpu.memory_space<vmem_shared>>) target(%dma_start3A_12 : memref<2016x64xbf16, #tpu.memory_space<hbm>>) target_semaphore(%run_scoped3A : memref<!tpu.dma_semaphore, #tpu.memory_space<semaphore_mem>>)
      %dma_wait3A = arith.constant 0 : i32
      %dma_wait3A_15 = tpu.memref_slice %arg6[%arg0, %mul3A_10, %dma_wait3A] : memref<2x32256x64xbf16, #tpu.memory_space<hbm>> -> memref<1x2016x64xbf16, #tpu.memory_space<hbm>>
      %dma_wait3A_16 = tpu.memref_squeeze %dma_wait3A_15 : memref<1x2016x64xbf16, #tpu.memory_space<hbm>> -> memref<2016x64xbf16, #tpu.memory_space<hbm>>
      %dma_wait3A_17 = arith.constant 0 : i32
      %dma_wait3A_18 = tpu.memref_slice %arg13[%mul3A_8, %dma_wait3A_17] : memref<32512x64xbf16, #tpu.memory_space<vmem_shared>> -> memref<2016x64xbf16, #tpu.memory_space<vmem_shared>>
      tpu.wait_dma2 semaphore(%run_scoped3A : memref<!tpu.dma_semaphore, #tpu.memory_space<semaphore_mem>>) src(%dma_wait3A_18 : memref<2016x64xbf16, #tpu.memory_space<vmem_shared>>) dst(%dma_wait3A_16 : memref<2016x64xbf16, #tpu.memory_space<hbm>>)
      tpu.yield
    }) : () -> ()
    return
  }
}

#map = affine_map<(d0, d1) -> (0, 0)>
#map1 = affine_map<(d0, d1) -> (0, 0, 0)>
module attributes {stable_mosaic.version = 14 : i64} {
  func.func @body(%arg0: i32, %arg1: i32, %arg2: memref<32256x96xbf16, #tpu.memory_space<hbm>>, %arg3: memref<16x256x128xi32, #tpu.memory_space<hbm>>, %arg4: memref<16x256x128xi32, #tpu.memory_space<hbm>>, %arg5: memref<2032x96xbf16, #tpu.memory_space<hbm>>, %arg6: memref<2x32256x96xbf16, #tpu.memory_space<hbm>>, %arg7: memref<32x128xi32, #tpu.memory_space<vmem>>, %arg8: memref<32x128xi32, #tpu.memory_space<vmem>>, %arg9: memref<128x96xbf16, #tpu.memory_space<vmem>>, %arg10: memref<128x96xbf16, #tpu.memory_space<vmem>>, %arg11: memref<128x96xbf16, #tpu.memory_space<vmem>>, %arg12: memref<128x96xbf16, #tpu.memory_space<vmem>>, %arg13: memref<32512x96xbf16, #tpu.memory_space<vmem_shared>>, %arg14: memref<!tpu.dma_semaphore, #tpu.memory_space<semaphore_mem>>, %arg15: memref<!tpu.dma_semaphore, #tpu.memory_space<semaphore_mem>>, %arg16: memref<!tpu.dma_semaphore, #tpu.memory_space<semaphore_mem>>, %arg17: memref<!tpu.dma_semaphore, #tpu.memory_space<semaphore_mem>>, %arg18: memref<!tpu.dma_semaphore, #tpu.memory_space<semaphore_mem>>, %arg19: memref<!tpu.dma_semaphore, #tpu.memory_space<semaphore_mem>>, %arg20: memref<!tpu.dma_semaphore, #tpu.memory_space<semaphore_mem>>, %arg21: memref<!tpu.dma_semaphore, #tpu.memory_space<semaphore_mem>>) attributes {dimension_semantics = [#tpu.dimension_semantics<core_parallel>, #tpu.dimension_semantics<subcore_parallel>], iteration_bounds = array<i64: 2, 16>, scalar_prefetch = 0 : i64, scratch_operands = 15 : i64, tpu.core_type = #tpu.core_type<sc_vector_subcore>, window_params = [{transform_indices = #map}, {transform_indices = #map1}, {transform_indices = #map1}, {transform_indices = #map}, {transform_indices = #map1}]} {
    %mul3A = arith.constant 4 : i32
    %mul3A_0 = arith.muli %arg0, %mul3A : i32
    %add3A = arith.constant 1 : i32
    %add3A_1 = arith.addi %arg0, %add3A : i32
    %mul3A_2 = arith.constant 4 : i32
    %mul3A_3 = arith.muli %add3A_1, %mul3A_2 : i32
    %mul3A_4 = arith.constant 2032 : i32
    %mul3A_5 = arith.muli %arg1, %mul3A_4 : i32
    "tpu.region"() ({
      %run_scoped3A = tpu.sem_alloc : memref<!tpu.dma_semaphore, #tpu.memory_space<semaphore_mem>>
      %dma_start3A = arith.constant 0 : i32
      %dma_start3A_19 = tpu.memref_slice %arg13[%mul3A_5, %dma_start3A] : memref<32512x96xbf16, #tpu.memory_space<vmem_shared>> -> memref<2032x96xbf16, #tpu.memory_space<vmem_shared>>
      tpu.enqueue_dma source(%arg5 : memref<2032x96xbf16, #tpu.memory_space<hbm>>) target(%dma_start3A_19 : memref<2032x96xbf16, #tpu.memory_space<vmem_shared>>) target_semaphore(%run_scoped3A : memref<!tpu.dma_semaphore, #tpu.memory_space<semaphore_mem>>)
      %dma_wait3A = arith.constant 0 : i32
      %dma_wait3A_20 = tpu.memref_slice %arg13[%mul3A_5, %dma_wait3A] : memref<32512x96xbf16, #tpu.memory_space<vmem_shared>> -> memref<2032x96xbf16, #tpu.memory_space<vmem_shared>>
      tpu.wait_dma2 semaphore(%run_scoped3A : memref<!tpu.dma_semaphore, #tpu.memory_space<semaphore_mem>>) src(%arg5 : memref<2032x96xbf16, #tpu.memory_space<hbm>>) dst(%dma_wait3A_20 : memref<2032x96xbf16, #tpu.memory_space<vmem_shared>>)
      tpu.yield
    }) : () -> ()
    %barrier3A = arith.constant 0 : index
    tpu.barrier barrier_id(%barrier3A)
    %while3A = arith.constant 0 : i32
    %while3A_6 = arith.subi %mul3A_3, %mul3A_0 : i32
    %while3A_7 = arith.addi %mul3A_0, %while3A_6 : i32
    %while3A_8 = arith.constant 1 : i32
    %while3A_9 = arith.divsi %while3A_6, %while3A_8 : i32
    %while3A_10 = arith.muli %while3A_9, %while3A_8 : i32
    %while3A_11 = arith.addi %mul3A_0, %while3A_10 : i32
    %while3A_12 = arith.constant 1 : i32
    scf.for %while3A_19 = %mul3A_0 to %while3A_11 step %while3A_12  : i32 {
      %mul3A_20 = arith.constant 32 : i32
      %mul3A_21 = arith.muli %while3A_19, %mul3A_20 : i32
      "tpu.region"() ({
        %run_scoped3A = tpu.sem_alloc : memref<!tpu.dma_semaphore, #tpu.memory_space<semaphore_mem>>
        %dma_start3A_250 = arith.constant 0 : i32
        %dma_start3A_251 = tpu.memref_slice %arg3[%arg1, %mul3A_21, %dma_start3A_250] : memref<16x256x128xi32, #tpu.memory_space<hbm>> -> memref<1x32x128xi32, #tpu.memory_space<hbm>>
        %dma_start3A_252 = tpu.memref_squeeze %dma_start3A_251 : memref<1x32x128xi32, #tpu.memory_space<hbm>> -> memref<32x128xi32, #tpu.memory_space<hbm>>
        %dma_start3A_253 = arith.constant 0 : i32
        %dma_start3A_254 = tpu.memref_slice %arg3[%arg1, %mul3A_21, %dma_start3A_253] : memref<16x256x128xi32, #tpu.memory_space<hbm>> -> memref<1x32x128xi32, #tpu.memory_space<hbm>>
        %dma_start3A_255 = tpu.memref_squeeze %dma_start3A_254 : memref<1x32x128xi32, #tpu.memory_space<hbm>> -> memref<32x128xi32, #tpu.memory_space<hbm>>
        tpu.enqueue_dma source(%dma_start3A_255 : memref<32x128xi32, #tpu.memory_space<hbm>>) target(%arg7 : memref<32x128xi32, #tpu.memory_space<vmem>>) target_semaphore(%run_scoped3A : memref<!tpu.dma_semaphore, #tpu.memory_space<semaphore_mem>>)
        %dma_wait3A_256 = arith.constant 0 : i32
        %dma_wait3A_257 = tpu.memref_slice %arg3[%arg1, %mul3A_21, %dma_wait3A_256] : memref<16x256x128xi32, #tpu.memory_space<hbm>> -> memref<1x32x128xi32, #tpu.memory_space<hbm>>
        %dma_wait3A_258 = tpu.memref_squeeze %dma_wait3A_257 : memref<1x32x128xi32, #tpu.memory_space<hbm>> -> memref<32x128xi32, #tpu.memory_space<hbm>>
        %dma_wait3A_259 = arith.constant 0 : i32
        %dma_wait3A_260 = tpu.memref_slice %arg3[%arg1, %mul3A_21, %dma_wait3A_259] : memref<16x256x128xi32, #tpu.memory_space<hbm>> -> memref<1x32x128xi32, #tpu.memory_space<hbm>>
        %dma_wait3A_261 = tpu.memref_squeeze %dma_wait3A_260 : memref<1x32x128xi32, #tpu.memory_space<hbm>> -> memref<32x128xi32, #tpu.memory_space<hbm>>
        tpu.wait_dma2 semaphore(%run_scoped3A : memref<!tpu.dma_semaphore, #tpu.memory_space<semaphore_mem>>) src(%dma_wait3A_261 : memref<32x128xi32, #tpu.memory_space<hbm>>) dst(%arg7 : memref<32x128xi32, #tpu.memory_space<vmem>>)
        tpu.yield
      }) : () -> ()
      %mul3A_22 = arith.constant 32 : i32
      %mul3A_23 = arith.muli %while3A_19, %mul3A_22 : i32
      "tpu.region"() ({
        %run_scoped3A = tpu.sem_alloc : memref<!tpu.dma_semaphore, #tpu.memory_space<semaphore_mem>>
        %dma_start3A_250 = arith.constant 0 : i32
        %dma_start3A_251 = tpu.memref_slice %arg4[%arg1, %mul3A_23, %dma_start3A_250] : memref<16x256x128xi32, #tpu.memory_space<hbm>> -> memref<1x32x128xi32, #tpu.memory_space<hbm>>
        %dma_start3A_252 = tpu.memref_squeeze %dma_start3A_251 : memref<1x32x128xi32, #tpu.memory_space<hbm>> -> memref<32x128xi32, #tpu.memory_space<hbm>>
        %dma_start3A_253 = arith.constant 0 : i32
        %dma_start3A_254 = tpu.memref_slice %arg4[%arg1, %mul3A_23, %dma_start3A_253] : memref<16x256x128xi32, #tpu.memory_space<hbm>> -> memref<1x32x128xi32, #tpu.memory_space<hbm>>
        %dma_start3A_255 = tpu.memref_squeeze %dma_start3A_254 : memref<1x32x128xi32, #tpu.memory_space<hbm>> -> memref<32x128xi32, #tpu.memory_space<hbm>>
        tpu.enqueue_dma source(%dma_start3A_255 : memref<32x128xi32, #tpu.memory_space<hbm>>) target(%arg8 : memref<32x128xi32, #tpu.memory_space<vmem>>) target_semaphore(%run_scoped3A : memref<!tpu.dma_semaphore, #tpu.memory_space<semaphore_mem>>)
        %dma_wait3A_256 = arith.constant 0 : i32
        %dma_wait3A_257 = tpu.memref_slice %arg4[%arg1, %mul3A_23, %dma_wait3A_256] : memref<16x256x128xi32, #tpu.memory_space<hbm>> -> memref<1x32x128xi32, #tpu.memory_space<hbm>>
        %dma_wait3A_258 = tpu.memref_squeeze %dma_wait3A_257 : memref<1x32x128xi32, #tpu.memory_space<hbm>> -> memref<32x128xi32, #tpu.memory_space<hbm>>
        %dma_wait3A_259 = arith.constant 0 : i32
        %dma_wait3A_260 = tpu.memref_slice %arg4[%arg1, %mul3A_23, %dma_wait3A_259] : memref<16x256x128xi32, #tpu.memory_space<hbm>> -> memref<1x32x128xi32, #tpu.memory_space<hbm>>
        %dma_wait3A_261 = tpu.memref_squeeze %dma_wait3A_260 : memref<1x32x128xi32, #tpu.memory_space<hbm>> -> memref<32x128xi32, #tpu.memory_space<hbm>>
        tpu.wait_dma2 semaphore(%run_scoped3A : memref<!tpu.dma_semaphore, #tpu.memory_space<semaphore_mem>>) src(%dma_wait3A_261 : memref<32x128xi32, #tpu.memory_space<hbm>>) dst(%arg8 : memref<32x128xi32, #tpu.memory_space<vmem>>)
        tpu.yield
      }) : () -> ()
      %dma_start3A = arith.constant 0 : i32
      %dma_start3A_24 = arith.constant 0 : i32
      %dma_start3A_25 = tpu.memref_slice %arg7[%dma_start3A, %dma_start3A_24] : memref<32x128xi32, #tpu.memory_space<vmem>> -> memref<1x128xi32, #tpu.memory_space<vmem>>
      %dma_start3A_26 = tpu.memref_squeeze %dma_start3A_25 : memref<1x128xi32, #tpu.memory_space<vmem>> -> memref<128xi32, #tpu.memory_space<vmem>>
      %dma_start3A_27 = arith.constant 0 : i32
      %dma_start3A_28 = arith.constant 0 : i32
      %dma_start3A_29 = tpu.memref_slice %arg2[%dma_start3A_27, %dma_start3A_28] : memref<32256x96xbf16, #tpu.memory_space<hbm>> -> memref<32256x96xbf16, #tpu.memory_space<hbm>>
      tpu.enqueue_indirect_dma source(%dma_start3A_29 : memref<32256x96xbf16, #tpu.memory_space<hbm>>) target(%arg9 : memref<128x96xbf16, #tpu.memory_space<vmem>>) offsets(%dma_start3A_26 : memref<128xi32, #tpu.memory_space<vmem>>) semaphore(%arg14 : memref<!tpu.dma_semaphore, #tpu.memory_space<semaphore_mem>>)
      %dma_start3A_30 = arith.constant 1 : i32
      %dma_start3A_31 = arith.constant 0 : i32
      %dma_start3A_32 = tpu.memref_slice %arg7[%dma_start3A_30, %dma_start3A_31] : memref<32x128xi32, #tpu.memory_space<vmem>> -> memref<1x128xi32, #tpu.memory_space<vmem>>
      %dma_start3A_33 = tpu.memref_squeeze %dma_start3A_32 : memref<1x128xi32, #tpu.memory_space<vmem>> -> memref<128xi32, #tpu.memory_space<vmem>>
      %dma_start3A_34 = arith.constant 0 : i32
      %dma_start3A_35 = arith.constant 0 : i32
      %dma_start3A_36 = tpu.memref_slice %arg2[%dma_start3A_34, %dma_start3A_35] : memref<32256x96xbf16, #tpu.memory_space<hbm>> -> memref<32256x96xbf16, #tpu.memory_space<hbm>>
      tpu.enqueue_indirect_dma source(%dma_start3A_36 : memref<32256x96xbf16, #tpu.memory_space<hbm>>) target(%arg10 : memref<128x96xbf16, #tpu.memory_space<vmem>>) offsets(%dma_start3A_33 : memref<128xi32, #tpu.memory_space<vmem>>) semaphore(%arg15 : memref<!tpu.dma_semaphore, #tpu.memory_space<semaphore_mem>>)
      %dma_wait3A = arith.constant 0 : i32
      %dma_wait3A_37 = arith.constant 0 : i32
      %dma_wait3A_38 = tpu.memref_slice %arg7[%dma_wait3A, %dma_wait3A_37] : memref<32x128xi32, #tpu.memory_space<vmem>> -> memref<1x128xi32, #tpu.memory_space<vmem>>
      %dma_wait3A_39 = tpu.memref_squeeze %dma_wait3A_38 : memref<1x128xi32, #tpu.memory_space<vmem>> -> memref<128xi32, #tpu.memory_space<vmem>>
      %dma_wait3A_40 = arith.constant 0 : i32
      %dma_wait3A_41 = arith.constant 0 : i32
      %dma_wait3A_42 = tpu.memref_slice %arg2[%dma_wait3A_40, %dma_wait3A_41] : memref<32256x96xbf16, #tpu.memory_space<hbm>> -> memref<32256x96xbf16, #tpu.memory_space<hbm>>
      tpu.wait_indirect_dma semaphore(%arg14 : memref<!tpu.dma_semaphore, #tpu.memory_space<semaphore_mem>>) src(%dma_wait3A_42 : memref<32256x96xbf16, #tpu.memory_space<hbm>>) dst(%arg9 : memref<128x96xbf16, #tpu.memory_space<vmem>>)
      %dma_start3A_43 = arith.constant 0 : i32
      %dma_start3A_44 = arith.constant 0 : i32
      %dma_start3A_45 = tpu.memref_slice %arg8[%dma_start3A_43, %dma_start3A_44] : memref<32x128xi32, #tpu.memory_space<vmem>> -> memref<1x128xi32, #tpu.memory_space<vmem>>
      %dma_start3A_46 = tpu.memref_squeeze %dma_start3A_45 : memref<1x128xi32, #tpu.memory_space<vmem>> -> memref<128xi32, #tpu.memory_space<vmem>>
      %dma_start3A_47 = arith.constant 0 : i32
      %dma_start3A_48 = arith.constant 0 : i32
      %dma_start3A_49 = tpu.memref_slice %arg13[%dma_start3A_47, %dma_start3A_48] : memref<32512x96xbf16, #tpu.memory_space<vmem_shared>> -> memref<32512x96xbf16, #tpu.memory_space<vmem_shared>>
      tpu.enqueue_indirect_dma source(%arg9 : memref<128x96xbf16, #tpu.memory_space<vmem>>) target(%dma_start3A_49 : memref<32512x96xbf16, #tpu.memory_space<vmem_shared>>) offsets(%dma_start3A_46 : memref<128xi32, #tpu.memory_space<vmem>>) semaphore(%arg18 : memref<!tpu.dma_semaphore, #tpu.memory_space<semaphore_mem>>) {add = true}
      %dma_start3A_50 = arith.constant 2 : i32
      %dma_start3A_51 = arith.constant 0 : i32
      %dma_start3A_52 = tpu.memref_slice %arg7[%dma_start3A_50, %dma_start3A_51] : memref<32x128xi32, #tpu.memory_space<vmem>> -> memref<1x128xi32, #tpu.memory_space<vmem>>
      %dma_start3A_53 = tpu.memref_squeeze %dma_start3A_52 : memref<1x128xi32, #tpu.memory_space<vmem>> -> memref<128xi32, #tpu.memory_space<vmem>>
      %dma_start3A_54 = arith.constant 0 : i32
      %dma_start3A_55 = arith.constant 0 : i32
      %dma_start3A_56 = tpu.memref_slice %arg2[%dma_start3A_54, %dma_start3A_55] : memref<32256x96xbf16, #tpu.memory_space<hbm>> -> memref<32256x96xbf16, #tpu.memory_space<hbm>>
      tpu.enqueue_indirect_dma source(%dma_start3A_56 : memref<32256x96xbf16, #tpu.memory_space<hbm>>) target(%arg11 : memref<128x96xbf16, #tpu.memory_space<vmem>>) offsets(%dma_start3A_53 : memref<128xi32, #tpu.memory_space<vmem>>) semaphore(%arg16 : memref<!tpu.dma_semaphore, #tpu.memory_space<semaphore_mem>>)
      %dma_wait3A_57 = arith.constant 0 : i32
      %dma_wait3A_58 = arith.constant 0 : i32
      %dma_wait3A_59 = tpu.memref_slice %arg7[%dma_wait3A_57, %dma_wait3A_58] : memref<32x128xi32, #tpu.memory_space<vmem>> -> memref<1x128xi32, #tpu.memory_space<vmem>>
      %dma_wait3A_60 = tpu.memref_squeeze %dma_wait3A_59 : memref<1x128xi32, #tpu.memory_space<vmem>> -> memref<128xi32, #tpu.memory_space<vmem>>
      %dma_wait3A_61 = arith.constant 0 : i32
      %dma_wait3A_62 = arith.constant 0 : i32
      %dma_wait3A_63 = tpu.memref_slice %arg2[%dma_wait3A_61, %dma_wait3A_62] : memref<32256x96xbf16, #tpu.memory_space<hbm>> -> memref<32256x96xbf16, #tpu.memory_space<hbm>>
      tpu.wait_indirect_dma semaphore(%arg15 : memref<!tpu.dma_semaphore, #tpu.memory_space<semaphore_mem>>) src(%dma_wait3A_63 : memref<32256x96xbf16, #tpu.memory_space<hbm>>) dst(%arg10 : memref<128x96xbf16, #tpu.memory_space<vmem>>)
      %dma_start3A_64 = arith.constant 1 : i32
      %dma_start3A_65 = arith.constant 0 : i32
      %dma_start3A_66 = tpu.memref_slice %arg8[%dma_start3A_64, %dma_start3A_65] : memref<32x128xi32, #tpu.memory_space<vmem>> -> memref<1x128xi32, #tpu.memory_space<vmem>>
      %dma_start3A_67 = tpu.memref_squeeze %dma_start3A_66 : memref<1x128xi32, #tpu.memory_space<vmem>> -> memref<128xi32, #tpu.memory_space<vmem>>
      %dma_start3A_68 = arith.constant 0 : i32
      %dma_start3A_69 = arith.constant 0 : i32
      %dma_start3A_70 = tpu.memref_slice %arg13[%dma_start3A_68, %dma_start3A_69] : memref<32512x96xbf16, #tpu.memory_space<vmem_shared>> -> memref<32512x96xbf16, #tpu.memory_space<vmem_shared>>
      tpu.enqueue_indirect_dma source(%arg10 : memref<128x96xbf16, #tpu.memory_space<vmem>>) target(%dma_start3A_70 : memref<32512x96xbf16, #tpu.memory_space<vmem_shared>>) offsets(%dma_start3A_67 : memref<128xi32, #tpu.memory_space<vmem>>) semaphore(%arg19 : memref<!tpu.dma_semaphore, #tpu.memory_space<semaphore_mem>>) {add = true}
      %dma_start3A_71 = arith.constant 3 : i32
      %dma_start3A_72 = arith.constant 0 : i32
      %dma_start3A_73 = tpu.memref_slice %arg7[%dma_start3A_71, %dma_start3A_72] : memref<32x128xi32, #tpu.memory_space<vmem>> -> memref<1x128xi32, #tpu.memory_space<vmem>>
      %dma_start3A_74 = tpu.memref_squeeze %dma_start3A_73 : memref<1x128xi32, #tpu.memory_space<vmem>> -> memref<128xi32, #tpu.memory_space<vmem>>
      %dma_start3A_75 = arith.constant 0 : i32
      %dma_start3A_76 = arith.constant 0 : i32
      %dma_start3A_77 = tpu.memref_slice %arg2[%dma_start3A_75, %dma_start3A_76] : memref<32256x96xbf16, #tpu.memory_space<hbm>> -> memref<32256x96xbf16, #tpu.memory_space<hbm>>
      tpu.enqueue_indirect_dma source(%dma_start3A_77 : memref<32256x96xbf16, #tpu.memory_space<hbm>>) target(%arg12 : memref<128x96xbf16, #tpu.memory_space<vmem>>) offsets(%dma_start3A_74 : memref<128xi32, #tpu.memory_space<vmem>>) semaphore(%arg17 : memref<!tpu.dma_semaphore, #tpu.memory_space<semaphore_mem>>)
      %dma_wait3A_78 = arith.constant 0 : i32
      %dma_wait3A_79 = arith.constant 0 : i32
      %dma_wait3A_80 = tpu.memref_slice %arg7[%dma_wait3A_78, %dma_wait3A_79] : memref<32x128xi32, #tpu.memory_space<vmem>> -> memref<1x128xi32, #tpu.memory_space<vmem>>
      %dma_wait3A_81 = tpu.memref_squeeze %dma_wait3A_80 : memref<1x128xi32, #tpu.memory_space<vmem>> -> memref<128xi32, #tpu.memory_space<vmem>>
      %dma_wait3A_82 = arith.constant 0 : i32
      %dma_wait3A_83 = arith.constant 0 : i32
      %dma_wait3A_84 = tpu.memref_slice %arg2[%dma_wait3A_82, %dma_wait3A_83] : memref<32256x96xbf16, #tpu.memory_space<hbm>> -> memref<32256x96xbf16, #tpu.memory_space<hbm>>
      tpu.wait_indirect_dma semaphore(%arg16 : memref<!tpu.dma_semaphore, #tpu.memory_space<semaphore_mem>>) src(%dma_wait3A_84 : memref<32256x96xbf16, #tpu.memory_space<hbm>>) dst(%arg11 : memref<128x96xbf16, #tpu.memory_space<vmem>>)
      %dma_start3A_85 = arith.constant 2 : i32
      %dma_start3A_86 = arith.constant 0 : i32
      %dma_start3A_87 = tpu.memref_slice %arg8[%dma_start3A_85, %dma_start3A_86] : memref<32x128xi32, #tpu.memory_space<vmem>> -> memref<1x128xi32, #tpu.memory_space<vmem>>
      %dma_start3A_88 = tpu.memref_squeeze %dma_start3A_87 : memref<1x128xi32, #tpu.memory_space<vmem>> -> memref<128xi32, #tpu.memory_space<vmem>>
      %dma_start3A_89 = arith.constant 0 : i32
      %dma_start3A_90 = arith.constant 0 : i32
      %dma_start3A_91 = tpu.memref_slice %arg13[%dma_start3A_89, %dma_start3A_90] : memref<32512x96xbf16, #tpu.memory_space<vmem_shared>> -> memref<32512x96xbf16, #tpu.memory_space<vmem_shared>>
      tpu.enqueue_indirect_dma source(%arg11 : memref<128x96xbf16, #tpu.memory_space<vmem>>) target(%dma_start3A_91 : memref<32512x96xbf16, #tpu.memory_space<vmem_shared>>) offsets(%dma_start3A_88 : memref<128xi32, #tpu.memory_space<vmem>>) semaphore(%arg20 : memref<!tpu.dma_semaphore, #tpu.memory_space<semaphore_mem>>) {add = true}
      %dma_wait3A_92 = arith.constant 0 : i32
      %dma_wait3A_93 = arith.constant 0 : i32
      %dma_wait3A_94 = tpu.memref_slice %arg8[%dma_wait3A_92, %dma_wait3A_93] : memref<32x128xi32, #tpu.memory_space<vmem>> -> memref<1x128xi32, #tpu.memory_space<vmem>>
      %dma_wait3A_95 = tpu.memref_squeeze %dma_wait3A_94 : memref<1x128xi32, #tpu.memory_space<vmem>> -> memref<128xi32, #tpu.memory_space<vmem>>
      %dma_wait3A_96 = arith.constant 0 : i32
      %dma_wait3A_97 = arith.constant 0 : i32
      %dma_wait3A_98 = tpu.memref_slice %arg13[%dma_wait3A_96, %dma_wait3A_97] : memref<32512x96xbf16, #tpu.memory_space<vmem_shared>> -> memref<32512x96xbf16, #tpu.memory_space<vmem_shared>>
      tpu.wait_indirect_dma semaphore(%arg18 : memref<!tpu.dma_semaphore, #tpu.memory_space<semaphore_mem>>) src(%arg9 : memref<128x96xbf16, #tpu.memory_space<vmem>>) dst(%dma_wait3A_98 : memref<32512x96xbf16, #tpu.memory_space<vmem_shared>>)
      %dma_start3A_99 = arith.constant 4 : i32
      %dma_start3A_100 = arith.constant 0 : i32
      %dma_start3A_101 = tpu.memref_slice %arg7[%dma_start3A_99, %dma_start3A_100] : memref<32x128xi32, #tpu.memory_space<vmem>> -> memref<1x128xi32, #tpu.memory_space<vmem>>
      %dma_start3A_102 = tpu.memref_squeeze %dma_start3A_101 : memref<1x128xi32, #tpu.memory_space<vmem>> -> memref<128xi32, #tpu.memory_space<vmem>>
      %dma_start3A_103 = arith.constant 0 : i32
      %dma_start3A_104 = arith.constant 0 : i32
      %dma_start3A_105 = tpu.memref_slice %arg2[%dma_start3A_103, %dma_start3A_104] : memref<32256x96xbf16, #tpu.memory_space<hbm>> -> memref<32256x96xbf16, #tpu.memory_space<hbm>>
      tpu.enqueue_indirect_dma source(%dma_start3A_105 : memref<32256x96xbf16, #tpu.memory_space<hbm>>) target(%arg9 : memref<128x96xbf16, #tpu.memory_space<vmem>>) offsets(%dma_start3A_102 : memref<128xi32, #tpu.memory_space<vmem>>) semaphore(%arg14 : memref<!tpu.dma_semaphore, #tpu.memory_space<semaphore_mem>>)
      %dma_wait3A_106 = arith.constant 0 : i32
      %dma_wait3A_107 = arith.constant 0 : i32
      %dma_wait3A_108 = tpu.memref_slice %arg7[%dma_wait3A_106, %dma_wait3A_107] : memref<32x128xi32, #tpu.memory_space<vmem>> -> memref<1x128xi32, #tpu.memory_space<vmem>>
      %dma_wait3A_109 = tpu.memref_squeeze %dma_wait3A_108 : memref<1x128xi32, #tpu.memory_space<vmem>> -> memref<128xi32, #tpu.memory_space<vmem>>
      %dma_wait3A_110 = arith.constant 0 : i32
      %dma_wait3A_111 = arith.constant 0 : i32
      %dma_wait3A_112 = tpu.memref_slice %arg2[%dma_wait3A_110, %dma_wait3A_111] : memref<32256x96xbf16, #tpu.memory_space<hbm>> -> memref<32256x96xbf16, #tpu.memory_space<hbm>>
      tpu.wait_indirect_dma semaphore(%arg17 : memref<!tpu.dma_semaphore, #tpu.memory_space<semaphore_mem>>) src(%dma_wait3A_112 : memref<32256x96xbf16, #tpu.memory_space<hbm>>) dst(%arg12 : memref<128x96xbf16, #tpu.memory_space<vmem>>)
      %dma_start3A_113 = arith.constant 3 : i32
      %dma_start3A_114 = arith.constant 0 : i32
      %dma_start3A_115 = tpu.memref_slice %arg8[%dma_start3A_113, %dma_start3A_114] : memref<32x128xi32, #tpu.memory_space<vmem>> -> memref<1x128xi32, #tpu.memory_space<vmem>>
      %dma_start3A_116 = tpu.memref_squeeze %dma_start3A_115 : memref<1x128xi32, #tpu.memory_space<vmem>> -> memref<128xi32, #tpu.memory_space<vmem>>
      %dma_start3A_117 = arith.constant 0 : i32
      %dma_start3A_118 = arith.constant 0 : i32
      %dma_start3A_119 = tpu.memref_slice %arg13[%dma_start3A_117, %dma_start3A_118] : memref<32512x96xbf16, #tpu.memory_space<vmem_shared>> -> memref<32512x96xbf16, #tpu.memory_space<vmem_shared>>
      tpu.enqueue_indirect_dma source(%arg12 : memref<128x96xbf16, #tpu.memory_space<vmem>>) target(%dma_start3A_119 : memref<32512x96xbf16, #tpu.memory_space<vmem_shared>>) offsets(%dma_start3A_116 : memref<128xi32, #tpu.memory_space<vmem>>) semaphore(%arg21 : memref<!tpu.dma_semaphore, #tpu.memory_space<semaphore_mem>>) {add = true}
      %dma_wait3A_120 = arith.constant 0 : i32
      %dma_wait3A_121 = arith.constant 0 : i32
      %dma_wait3A_122 = tpu.memref_slice %arg8[%dma_wait3A_120, %dma_wait3A_121] : memref<32x128xi32, #tpu.memory_space<vmem>> -> memref<1x128xi32, #tpu.memory_space<vmem>>
      %dma_wait3A_123 = tpu.memref_squeeze %dma_wait3A_122 : memref<1x128xi32, #tpu.memory_space<vmem>> -> memref<128xi32, #tpu.memory_space<vmem>>
      %dma_wait3A_124 = arith.constant 0 : i32
      %dma_wait3A_125 = arith.constant 0 : i32
      %dma_wait3A_126 = tpu.memref_slice %arg13[%dma_wait3A_124, %dma_wait3A_125] : memref<32512x96xbf16, #tpu.memory_space<vmem_shared>> -> memref<32512x96xbf16, #tpu.memory_space<vmem_shared>>
      tpu.wait_indirect_dma semaphore(%arg19 : memref<!tpu.dma_semaphore, #tpu.memory_space<semaphore_mem>>) src(%arg10 : memref<128x96xbf16, #tpu.memory_space<vmem>>) dst(%dma_wait3A_126 : memref<32512x96xbf16, #tpu.memory_space<vmem_shared>>)
      %dma_start3A_127 = arith.constant 5 : i32
      %dma_start3A_128 = arith.constant 0 : i32
      %dma_start3A_129 = tpu.memref_slice %arg7[%dma_start3A_127, %dma_start3A_128] : memref<32x128xi32, #tpu.memory_space<vmem>> -> memref<1x128xi32, #tpu.memory_space<vmem>>
      %dma_start3A_130 = tpu.memref_squeeze %dma_start3A_129 : memref<1x128xi32, #tpu.memory_space<vmem>> -> memref<128xi32, #tpu.memory_space<vmem>>
      %dma_start3A_131 = arith.constant 0 : i32
      %dma_start3A_132 = arith.constant 0 : i32
      %dma_start3A_133 = tpu.memref_slice %arg2[%dma_start3A_131, %dma_start3A_132] : memref<32256x96xbf16, #tpu.memory_space<hbm>> -> memref<32256x96xbf16, #tpu.memory_space<hbm>>
      tpu.enqueue_indirect_dma source(%dma_start3A_133 : memref<32256x96xbf16, #tpu.memory_space<hbm>>) target(%arg10 : memref<128x96xbf16, #tpu.memory_space<vmem>>) offsets(%dma_start3A_130 : memref<128xi32, #tpu.memory_space<vmem>>) semaphore(%arg15 : memref<!tpu.dma_semaphore, #tpu.memory_space<semaphore_mem>>)
      %scan3A = arith.constant 1 : i32
      %scan3A_134 = arith.constant 6 : i32
      %scan3A_135 = arith.addi %scan3A, %scan3A_134 : i32
      %scan3A_136 = arith.constant 1 : i32
      scf.for %scan3A_250 = %scan3A to %scan3A_135 step %scan3A_136  : i32 {
        %mul3A_251 = arith.constant 4 : i32
        %mul3A_252 = arith.muli %mul3A_251, %scan3A_250 : i32
        %dma_wait3A_253 = arith.constant 0 : i32
        %dma_wait3A_254 = arith.constant 0 : i32
        %dma_wait3A_255 = tpu.memref_slice %arg7[%dma_wait3A_253, %dma_wait3A_254] : memref<32x128xi32, #tpu.memory_space<vmem>> -> memref<1x128xi32, #tpu.memory_space<vmem>>
        %dma_wait3A_256 = tpu.memref_squeeze %dma_wait3A_255 : memref<1x128xi32, #tpu.memory_space<vmem>> -> memref<128xi32, #tpu.memory_space<vmem>>
        %dma_wait3A_257 = arith.constant 0 : i32
        %dma_wait3A_258 = arith.constant 0 : i32
        %dma_wait3A_259 = tpu.memref_slice %arg2[%dma_wait3A_257, %dma_wait3A_258] : memref<32256x96xbf16, #tpu.memory_space<hbm>> -> memref<32256x96xbf16, #tpu.memory_space<hbm>>
        tpu.wait_indirect_dma semaphore(%arg14 : memref<!tpu.dma_semaphore, #tpu.memory_space<semaphore_mem>>) src(%dma_wait3A_259 : memref<32256x96xbf16, #tpu.memory_space<hbm>>) dst(%arg9 : memref<128x96xbf16, #tpu.memory_space<vmem>>)
        %add3A_260 = arith.constant 0 : i32
        %add3A_261 = arith.addi %mul3A_252, %add3A_260 : i32
        %dma_start3A_262 = arith.constant 0 : i32
        %dma_start3A_263 = tpu.memref_slice %arg8[%add3A_261, %dma_start3A_262] : memref<32x128xi32, #tpu.memory_space<vmem>> -> memref<1x128xi32, #tpu.memory_space<vmem>>
        %dma_start3A_264 = tpu.memref_squeeze %dma_start3A_263 : memref<1x128xi32, #tpu.memory_space<vmem>> -> memref<128xi32, #tpu.memory_space<vmem>>
        %dma_start3A_265 = arith.constant 0 : i32
        %dma_start3A_266 = arith.constant 0 : i32
        %dma_start3A_267 = tpu.memref_slice %arg13[%dma_start3A_265, %dma_start3A_266] : memref<32512x96xbf16, #tpu.memory_space<vmem_shared>> -> memref<32512x96xbf16, #tpu.memory_space<vmem_shared>>
        tpu.enqueue_indirect_dma source(%arg9 : memref<128x96xbf16, #tpu.memory_space<vmem>>) target(%dma_start3A_267 : memref<32512x96xbf16, #tpu.memory_space<vmem_shared>>) offsets(%dma_start3A_264 : memref<128xi32, #tpu.memory_space<vmem>>) semaphore(%arg18 : memref<!tpu.dma_semaphore, #tpu.memory_space<semaphore_mem>>) {add = true}
        %dma_wait3A_268 = arith.constant 0 : i32
        %dma_wait3A_269 = arith.constant 0 : i32
        %dma_wait3A_270 = tpu.memref_slice %arg8[%dma_wait3A_268, %dma_wait3A_269] : memref<32x128xi32, #tpu.memory_space<vmem>> -> memref<1x128xi32, #tpu.memory_space<vmem>>
        %dma_wait3A_271 = tpu.memref_squeeze %dma_wait3A_270 : memref<1x128xi32, #tpu.memory_space<vmem>> -> memref<128xi32, #tpu.memory_space<vmem>>
        %dma_wait3A_272 = arith.constant 0 : i32
        %dma_wait3A_273 = arith.constant 0 : i32
        %dma_wait3A_274 = tpu.memref_slice %arg13[%dma_wait3A_272, %dma_wait3A_273] : memref<32512x96xbf16, #tpu.memory_space<vmem_shared>> -> memref<32512x96xbf16, #tpu.memory_space<vmem_shared>>
        tpu.wait_indirect_dma semaphore(%arg20 : memref<!tpu.dma_semaphore, #tpu.memory_space<semaphore_mem>>) src(%arg11 : memref<128x96xbf16, #tpu.memory_space<vmem>>) dst(%dma_wait3A_274 : memref<32512x96xbf16, #tpu.memory_space<vmem_shared>>)
        %add3A_275 = arith.constant 0 : i32
        %add3A_276 = arith.addi %mul3A_252, %add3A_275 : i32
        %add3A_277 = arith.constant 2 : i32
        %add3A_278 = arith.addi %add3A_276, %add3A_277 : i32
        %dma_start3A_279 = arith.constant 0 : i32
        %dma_start3A_280 = tpu.memref_slice %arg7[%add3A_278, %dma_start3A_279] : memref<32x128xi32, #tpu.memory_space<vmem>> -> memref<1x128xi32, #tpu.memory_space<vmem>>
        %dma_start3A_281 = tpu.memref_squeeze %dma_start3A_280 : memref<1x128xi32, #tpu.memory_space<vmem>> -> memref<128xi32, #tpu.memory_space<vmem>>
        %dma_start3A_282 = arith.constant 0 : i32
        %dma_start3A_283 = arith.constant 0 : i32
        %dma_start3A_284 = tpu.memref_slice %arg2[%dma_start3A_282, %dma_start3A_283] : memref<32256x96xbf16, #tpu.memory_space<hbm>> -> memref<32256x96xbf16, #tpu.memory_space<hbm>>
        tpu.enqueue_indirect_dma source(%dma_start3A_284 : memref<32256x96xbf16, #tpu.memory_space<hbm>>) target(%arg11 : memref<128x96xbf16, #tpu.memory_space<vmem>>) offsets(%dma_start3A_281 : memref<128xi32, #tpu.memory_space<vmem>>) semaphore(%arg16 : memref<!tpu.dma_semaphore, #tpu.memory_space<semaphore_mem>>)
        %dma_wait3A_285 = arith.constant 0 : i32
        %dma_wait3A_286 = arith.constant 0 : i32
        %dma_wait3A_287 = tpu.memref_slice %arg7[%dma_wait3A_285, %dma_wait3A_286] : memref<32x128xi32, #tpu.memory_space<vmem>> -> memref<1x128xi32, #tpu.memory_space<vmem>>
        %dma_wait3A_288 = tpu.memref_squeeze %dma_wait3A_287 : memref<1x128xi32, #tpu.memory_space<vmem>> -> memref<128xi32, #tpu.memory_space<vmem>>
        %dma_wait3A_289 = arith.constant 0 : i32
        %dma_wait3A_290 = arith.constant 0 : i32
        %dma_wait3A_291 = tpu.memref_slice %arg2[%dma_wait3A_289, %dma_wait3A_290] : memref<32256x96xbf16, #tpu.memory_space<hbm>> -> memref<32256x96xbf16, #tpu.memory_space<hbm>>
        tpu.wait_indirect_dma semaphore(%arg15 : memref<!tpu.dma_semaphore, #tpu.memory_space<semaphore_mem>>) src(%dma_wait3A_291 : memref<32256x96xbf16, #tpu.memory_space<hbm>>) dst(%arg10 : memref<128x96xbf16, #tpu.memory_space<vmem>>)
        %add3A_292 = arith.constant 1 : i32
        %add3A_293 = arith.addi %mul3A_252, %add3A_292 : i32
        %dma_start3A_294 = arith.constant 0 : i32
        %dma_start3A_295 = tpu.memref_slice %arg8[%add3A_293, %dma_start3A_294] : memref<32x128xi32, #tpu.memory_space<vmem>> -> memref<1x128xi32, #tpu.memory_space<vmem>>
        %dma_start3A_296 = tpu.memref_squeeze %dma_start3A_295 : memref<1x128xi32, #tpu.memory_space<vmem>> -> memref<128xi32, #tpu.memory_space<vmem>>
        %dma_start3A_297 = arith.constant 0 : i32
        %dma_start3A_298 = arith.constant 0 : i32
        %dma_start3A_299 = tpu.memref_slice %arg13[%dma_start3A_297, %dma_start3A_298] : memref<32512x96xbf16, #tpu.memory_space<vmem_shared>> -> memref<32512x96xbf16, #tpu.memory_space<vmem_shared>>
        tpu.enqueue_indirect_dma source(%arg10 : memref<128x96xbf16, #tpu.memory_space<vmem>>) target(%dma_start3A_299 : memref<32512x96xbf16, #tpu.memory_space<vmem_shared>>) offsets(%dma_start3A_296 : memref<128xi32, #tpu.memory_space<vmem>>) semaphore(%arg19 : memref<!tpu.dma_semaphore, #tpu.memory_space<semaphore_mem>>) {add = true}
        %dma_wait3A_300 = arith.constant 0 : i32
        %dma_wait3A_301 = arith.constant 0 : i32
        %dma_wait3A_302 = tpu.memref_slice %arg8[%dma_wait3A_300, %dma_wait3A_301] : memref<32x128xi32, #tpu.memory_space<vmem>> -> memref<1x128xi32, #tpu.memory_space<vmem>>
        %dma_wait3A_303 = tpu.memref_squeeze %dma_wait3A_302 : memref<1x128xi32, #tpu.memory_space<vmem>> -> memref<128xi32, #tpu.memory_space<vmem>>
        %dma_wait3A_304 = arith.constant 0 : i32
        %dma_wait3A_305 = arith.constant 0 : i32
        %dma_wait3A_306 = tpu.memref_slice %arg13[%dma_wait3A_304, %dma_wait3A_305] : memref<32512x96xbf16, #tpu.memory_space<vmem_shared>> -> memref<32512x96xbf16, #tpu.memory_space<vmem_shared>>
        tpu.wait_indirect_dma semaphore(%arg21 : memref<!tpu.dma_semaphore, #tpu.memory_space<semaphore_mem>>) src(%arg12 : memref<128x96xbf16, #tpu.memory_space<vmem>>) dst(%dma_wait3A_306 : memref<32512x96xbf16, #tpu.memory_space<vmem_shared>>)
        %add3A_307 = arith.constant 1 : i32
        %add3A_308 = arith.addi %mul3A_252, %add3A_307 : i32
        %add3A_309 = arith.constant 2 : i32
        %add3A_310 = arith.addi %add3A_308, %add3A_309 : i32
        %dma_start3A_311 = arith.constant 0 : i32
        %dma_start3A_312 = tpu.memref_slice %arg7[%add3A_310, %dma_start3A_311] : memref<32x128xi32, #tpu.memory_space<vmem>> -> memref<1x128xi32, #tpu.memory_space<vmem>>
        %dma_start3A_313 = tpu.memref_squeeze %dma_start3A_312 : memref<1x128xi32, #tpu.memory_space<vmem>> -> memref<128xi32, #tpu.memory_space<vmem>>
        %dma_start3A_314 = arith.constant 0 : i32
        %dma_start3A_315 = arith.constant 0 : i32
        %dma_start3A_316 = tpu.memref_slice %arg2[%dma_start3A_314, %dma_start3A_315] : memref<32256x96xbf16, #tpu.memory_space<hbm>> -> memref<32256x96xbf16, #tpu.memory_space<hbm>>
        tpu.enqueue_indirect_dma source(%dma_start3A_316 : memref<32256x96xbf16, #tpu.memory_space<hbm>>) target(%arg12 : memref<128x96xbf16, #tpu.memory_space<vmem>>) offsets(%dma_start3A_313 : memref<128xi32, #tpu.memory_space<vmem>>) semaphore(%arg17 : memref<!tpu.dma_semaphore, #tpu.memory_space<semaphore_mem>>)
        %dma_wait3A_317 = arith.constant 0 : i32
        %dma_wait3A_318 = arith.constant 0 : i32
        %dma_wait3A_319 = tpu.memref_slice %arg7[%dma_wait3A_317, %dma_wait3A_318] : memref<32x128xi32, #tpu.memory_space<vmem>> -> memref<1x128xi32, #tpu.memory_space<vmem>>
        %dma_wait3A_320 = tpu.memref_squeeze %dma_wait3A_319 : memref<1x128xi32, #tpu.memory_space<vmem>> -> memref<128xi32, #tpu.memory_space<vmem>>
        %dma_wait3A_321 = arith.constant 0 : i32
        %dma_wait3A_322 = arith.constant 0 : i32
        %dma_wait3A_323 = tpu.memref_slice %arg2[%dma_wait3A_321, %dma_wait3A_322] : memref<32256x96xbf16, #tpu.memory_space<hbm>> -> memref<32256x96xbf16, #tpu.memory_space<hbm>>
        tpu.wait_indirect_dma semaphore(%arg16 : memref<!tpu.dma_semaphore, #tpu.memory_space<semaphore_mem>>) src(%dma_wait3A_323 : memref<32256x96xbf16, #tpu.memory_space<hbm>>) dst(%arg11 : memref<128x96xbf16, #tpu.memory_space<vmem>>)
        %add3A_324 = arith.constant 2 : i32
        %add3A_325 = arith.addi %mul3A_252, %add3A_324 : i32
        %dma_start3A_326 = arith.constant 0 : i32
        %dma_start3A_327 = tpu.memref_slice %arg8[%add3A_325, %dma_start3A_326] : memref<32x128xi32, #tpu.memory_space<vmem>> -> memref<1x128xi32, #tpu.memory_space<vmem>>
        %dma_start3A_328 = tpu.memref_squeeze %dma_start3A_327 : memref<1x128xi32, #tpu.memory_space<vmem>> -> memref<128xi32, #tpu.memory_space<vmem>>
        %dma_start3A_329 = arith.constant 0 : i32
        %dma_start3A_330 = arith.constant 0 : i32
        %dma_start3A_331 = tpu.memref_slice %arg13[%dma_start3A_329, %dma_start3A_330] : memref<32512x96xbf16, #tpu.memory_space<vmem_shared>> -> memref<32512x96xbf16, #tpu.memory_space<vmem_shared>>
        tpu.enqueue_indirect_dma source(%arg11 : memref<128x96xbf16, #tpu.memory_space<vmem>>) target(%dma_start3A_331 : memref<32512x96xbf16, #tpu.memory_space<vmem_shared>>) offsets(%dma_start3A_328 : memref<128xi32, #tpu.memory_space<vmem>>) semaphore(%arg20 : memref<!tpu.dma_semaphore, #tpu.memory_space<semaphore_mem>>) {add = true}
        %dma_wait3A_332 = arith.constant 0 : i32
        %dma_wait3A_333 = arith.constant 0 : i32
        %dma_wait3A_334 = tpu.memref_slice %arg8[%dma_wait3A_332, %dma_wait3A_333] : memref<32x128xi32, #tpu.memory_space<vmem>> -> memref<1x128xi32, #tpu.memory_space<vmem>>
        %dma_wait3A_335 = tpu.memref_squeeze %dma_wait3A_334 : memref<1x128xi32, #tpu.memory_space<vmem>> -> memref<128xi32, #tpu.memory_space<vmem>>
        %dma_wait3A_336 = arith.constant 0 : i32
        %dma_wait3A_337 = arith.constant 0 : i32
        %dma_wait3A_338 = tpu.memref_slice %arg13[%dma_wait3A_336, %dma_wait3A_337] : memref<32512x96xbf16, #tpu.memory_space<vmem_shared>> -> memref<32512x96xbf16, #tpu.memory_space<vmem_shared>>
        tpu.wait_indirect_dma semaphore(%arg18 : memref<!tpu.dma_semaphore, #tpu.memory_space<semaphore_mem>>) src(%arg9 : memref<128x96xbf16, #tpu.memory_space<vmem>>) dst(%dma_wait3A_338 : memref<32512x96xbf16, #tpu.memory_space<vmem_shared>>)
        %add3A_339 = arith.constant 2 : i32
        %add3A_340 = arith.addi %mul3A_252, %add3A_339 : i32
        %add3A_341 = arith.constant 2 : i32
        %add3A_342 = arith.addi %add3A_340, %add3A_341 : i32
        %dma_start3A_343 = arith.constant 0 : i32
        %dma_start3A_344 = tpu.memref_slice %arg7[%add3A_342, %dma_start3A_343] : memref<32x128xi32, #tpu.memory_space<vmem>> -> memref<1x128xi32, #tpu.memory_space<vmem>>
        %dma_start3A_345 = tpu.memref_squeeze %dma_start3A_344 : memref<1x128xi32, #tpu.memory_space<vmem>> -> memref<128xi32, #tpu.memory_space<vmem>>
        %dma_start3A_346 = arith.constant 0 : i32
        %dma_start3A_347 = arith.constant 0 : i32
        %dma_start3A_348 = tpu.memref_slice %arg2[%dma_start3A_346, %dma_start3A_347] : memref<32256x96xbf16, #tpu.memory_space<hbm>> -> memref<32256x96xbf16, #tpu.memory_space<hbm>>
        tpu.enqueue_indirect_dma source(%dma_start3A_348 : memref<32256x96xbf16, #tpu.memory_space<hbm>>) target(%arg9 : memref<128x96xbf16, #tpu.memory_space<vmem>>) offsets(%dma_start3A_345 : memref<128xi32, #tpu.memory_space<vmem>>) semaphore(%arg14 : memref<!tpu.dma_semaphore, #tpu.memory_space<semaphore_mem>>)
        %dma_wait3A_349 = arith.constant 0 : i32
        %dma_wait3A_350 = arith.constant 0 : i32
        %dma_wait3A_351 = tpu.memref_slice %arg7[%dma_wait3A_349, %dma_wait3A_350] : memref<32x128xi32, #tpu.memory_space<vmem>> -> memref<1x128xi32, #tpu.memory_space<vmem>>
        %dma_wait3A_352 = tpu.memref_squeeze %dma_wait3A_351 : memref<1x128xi32, #tpu.memory_space<vmem>> -> memref<128xi32, #tpu.memory_space<vmem>>
        %dma_wait3A_353 = arith.constant 0 : i32
        %dma_wait3A_354 = arith.constant 0 : i32
        %dma_wait3A_355 = tpu.memref_slice %arg2[%dma_wait3A_353, %dma_wait3A_354] : memref<32256x96xbf16, #tpu.memory_space<hbm>> -> memref<32256x96xbf16, #tpu.memory_space<hbm>>
        tpu.wait_indirect_dma semaphore(%arg17 : memref<!tpu.dma_semaphore, #tpu.memory_space<semaphore_mem>>) src(%dma_wait3A_355 : memref<32256x96xbf16, #tpu.memory_space<hbm>>) dst(%arg12 : memref<128x96xbf16, #tpu.memory_space<vmem>>)
        %add3A_356 = arith.constant 3 : i32
        %add3A_357 = arith.addi %mul3A_252, %add3A_356 : i32
        %dma_start3A_358 = arith.constant 0 : i32
        %dma_start3A_359 = tpu.memref_slice %arg8[%add3A_357, %dma_start3A_358] : memref<32x128xi32, #tpu.memory_space<vmem>> -> memref<1x128xi32, #tpu.memory_space<vmem>>
        %dma_start3A_360 = tpu.memref_squeeze %dma_start3A_359 : memref<1x128xi32, #tpu.memory_space<vmem>> -> memref<128xi32, #tpu.memory_space<vmem>>
        %dma_start3A_361 = arith.constant 0 : i32
        %dma_start3A_362 = arith.constant 0 : i32
        %dma_start3A_363 = tpu.memref_slice %arg13[%dma_start3A_361, %dma_start3A_362] : memref<32512x96xbf16, #tpu.memory_space<vmem_shared>> -> memref<32512x96xbf16, #tpu.memory_space<vmem_shared>>
        tpu.enqueue_indirect_dma source(%arg12 : memref<128x96xbf16, #tpu.memory_space<vmem>>) target(%dma_start3A_363 : memref<32512x96xbf16, #tpu.memory_space<vmem_shared>>) offsets(%dma_start3A_360 : memref<128xi32, #tpu.memory_space<vmem>>) semaphore(%arg21 : memref<!tpu.dma_semaphore, #tpu.memory_space<semaphore_mem>>) {add = true}
        %dma_wait3A_364 = arith.constant 0 : i32
        %dma_wait3A_365 = arith.constant 0 : i32
        %dma_wait3A_366 = tpu.memref_slice %arg8[%dma_wait3A_364, %dma_wait3A_365] : memref<32x128xi32, #tpu.memory_space<vmem>> -> memref<1x128xi32, #tpu.memory_space<vmem>>
        %dma_wait3A_367 = tpu.memref_squeeze %dma_wait3A_366 : memref<1x128xi32, #tpu.memory_space<vmem>> -> memref<128xi32, #tpu.memory_space<vmem>>
        %dma_wait3A_368 = arith.constant 0 : i32
        %dma_wait3A_369 = arith.constant 0 : i32
        %dma_wait3A_370 = tpu.memref_slice %arg13[%dma_wait3A_368, %dma_wait3A_369] : memref<32512x96xbf16, #tpu.memory_space<vmem_shared>> -> memref<32512x96xbf16, #tpu.memory_space<vmem_shared>>
        tpu.wait_indirect_dma semaphore(%arg19 : memref<!tpu.dma_semaphore, #tpu.memory_space<semaphore_mem>>) src(%arg10 : memref<128x96xbf16, #tpu.memory_space<vmem>>) dst(%dma_wait3A_370 : memref<32512x96xbf16, #tpu.memory_space<vmem_shared>>)
        %add3A_371 = arith.constant 3 : i32
        %add3A_372 = arith.addi %mul3A_252, %add3A_371 : i32
        %add3A_373 = arith.constant 2 : i32
        %add3A_374 = arith.addi %add3A_372, %add3A_373 : i32
        %dma_start3A_375 = arith.constant 0 : i32
        %dma_start3A_376 = tpu.memref_slice %arg7[%add3A_374, %dma_start3A_375] : memref<32x128xi32, #tpu.memory_space<vmem>> -> memref<1x128xi32, #tpu.memory_space<vmem>>
        %dma_start3A_377 = tpu.memref_squeeze %dma_start3A_376 : memref<1x128xi32, #tpu.memory_space<vmem>> -> memref<128xi32, #tpu.memory_space<vmem>>
        %dma_start3A_378 = arith.constant 0 : i32
        %dma_start3A_379 = arith.constant 0 : i32
        %dma_start3A_380 = tpu.memref_slice %arg2[%dma_start3A_378, %dma_start3A_379] : memref<32256x96xbf16, #tpu.memory_space<hbm>> -> memref<32256x96xbf16, #tpu.memory_space<hbm>>
        tpu.enqueue_indirect_dma source(%dma_start3A_380 : memref<32256x96xbf16, #tpu.memory_space<hbm>>) target(%arg10 : memref<128x96xbf16, #tpu.memory_space<vmem>>) offsets(%dma_start3A_377 : memref<128xi32, #tpu.memory_space<vmem>>) semaphore(%arg15 : memref<!tpu.dma_semaphore, #tpu.memory_space<semaphore_mem>>)
      }
      %scan3A_137 = arith.constant 6 : i32
      %dma_wait3A_138 = arith.constant 0 : i32
      %dma_wait3A_139 = arith.constant 0 : i32
      %dma_wait3A_140 = tpu.memref_slice %arg7[%dma_wait3A_138, %dma_wait3A_139] : memref<32x128xi32, #tpu.memory_space<vmem>> -> memref<1x128xi32, #tpu.memory_space<vmem>>
      %dma_wait3A_141 = tpu.memref_squeeze %dma_wait3A_140 : memref<1x128xi32, #tpu.memory_space<vmem>> -> memref<128xi32, #tpu.memory_space<vmem>>
      %dma_wait3A_142 = arith.constant 0 : i32
      %dma_wait3A_143 = arith.constant 0 : i32
      %dma_wait3A_144 = tpu.memref_slice %arg2[%dma_wait3A_142, %dma_wait3A_143] : memref<32256x96xbf16, #tpu.memory_space<hbm>> -> memref<32256x96xbf16, #tpu.memory_space<hbm>>
      tpu.wait_indirect_dma semaphore(%arg14 : memref<!tpu.dma_semaphore, #tpu.memory_space<semaphore_mem>>) src(%dma_wait3A_144 : memref<32256x96xbf16, #tpu.memory_space<hbm>>) dst(%arg9 : memref<128x96xbf16, #tpu.memory_space<vmem>>)
      %dma_start3A_145 = arith.constant 28 : i32
      %dma_start3A_146 = arith.constant 0 : i32
      %dma_start3A_147 = tpu.memref_slice %arg8[%dma_start3A_145, %dma_start3A_146] : memref<32x128xi32, #tpu.memory_space<vmem>> -> memref<1x128xi32, #tpu.memory_space<vmem>>
      %dma_start3A_148 = tpu.memref_squeeze %dma_start3A_147 : memref<1x128xi32, #tpu.memory_space<vmem>> -> memref<128xi32, #tpu.memory_space<vmem>>
      %dma_start3A_149 = arith.constant 0 : i32
      %dma_start3A_150 = arith.constant 0 : i32
      %dma_start3A_151 = tpu.memref_slice %arg13[%dma_start3A_149, %dma_start3A_150] : memref<32512x96xbf16, #tpu.memory_space<vmem_shared>> -> memref<32512x96xbf16, #tpu.memory_space<vmem_shared>>
      tpu.enqueue_indirect_dma source(%arg9 : memref<128x96xbf16, #tpu.memory_space<vmem>>) target(%dma_start3A_151 : memref<32512x96xbf16, #tpu.memory_space<vmem_shared>>) offsets(%dma_start3A_148 : memref<128xi32, #tpu.memory_space<vmem>>) semaphore(%arg18 : memref<!tpu.dma_semaphore, #tpu.memory_space<semaphore_mem>>) {add = true}
      %dma_wait3A_152 = arith.constant 0 : i32
      %dma_wait3A_153 = arith.constant 0 : i32
      %dma_wait3A_154 = tpu.memref_slice %arg8[%dma_wait3A_152, %dma_wait3A_153] : memref<32x128xi32, #tpu.memory_space<vmem>> -> memref<1x128xi32, #tpu.memory_space<vmem>>
      %dma_wait3A_155 = tpu.memref_squeeze %dma_wait3A_154 : memref<1x128xi32, #tpu.memory_space<vmem>> -> memref<128xi32, #tpu.memory_space<vmem>>
      %dma_wait3A_156 = arith.constant 0 : i32
      %dma_wait3A_157 = arith.constant 0 : i32
      %dma_wait3A_158 = tpu.memref_slice %arg13[%dma_wait3A_156, %dma_wait3A_157] : memref<32512x96xbf16, #tpu.memory_space<vmem_shared>> -> memref<32512x96xbf16, #tpu.memory_space<vmem_shared>>
      tpu.wait_indirect_dma semaphore(%arg20 : memref<!tpu.dma_semaphore, #tpu.memory_space<semaphore_mem>>) src(%arg11 : memref<128x96xbf16, #tpu.memory_space<vmem>>) dst(%dma_wait3A_158 : memref<32512x96xbf16, #tpu.memory_space<vmem_shared>>)
      %dma_start3A_159 = arith.constant 30 : i32
      %dma_start3A_160 = arith.constant 0 : i32
      %dma_start3A_161 = tpu.memref_slice %arg7[%dma_start3A_159, %dma_start3A_160] : memref<32x128xi32, #tpu.memory_space<vmem>> -> memref<1x128xi32, #tpu.memory_space<vmem>>
      %dma_start3A_162 = tpu.memref_squeeze %dma_start3A_161 : memref<1x128xi32, #tpu.memory_space<vmem>> -> memref<128xi32, #tpu.memory_space<vmem>>
      %dma_start3A_163 = arith.constant 0 : i32
      %dma_start3A_164 = arith.constant 0 : i32
      %dma_start3A_165 = tpu.memref_slice %arg2[%dma_start3A_163, %dma_start3A_164] : memref<32256x96xbf16, #tpu.memory_space<hbm>> -> memref<32256x96xbf16, #tpu.memory_space<hbm>>
      tpu.enqueue_indirect_dma source(%dma_start3A_165 : memref<32256x96xbf16, #tpu.memory_space<hbm>>) target(%arg11 : memref<128x96xbf16, #tpu.memory_space<vmem>>) offsets(%dma_start3A_162 : memref<128xi32, #tpu.memory_space<vmem>>) semaphore(%arg16 : memref<!tpu.dma_semaphore, #tpu.memory_space<semaphore_mem>>)
      %dma_wait3A_166 = arith.constant 0 : i32
      %dma_wait3A_167 = arith.constant 0 : i32
      %dma_wait3A_168 = tpu.memref_slice %arg7[%dma_wait3A_166, %dma_wait3A_167] : memref<32x128xi32, #tpu.memory_space<vmem>> -> memref<1x128xi32, #tpu.memory_space<vmem>>
      %dma_wait3A_169 = tpu.memref_squeeze %dma_wait3A_168 : memref<1x128xi32, #tpu.memory_space<vmem>> -> memref<128xi32, #tpu.memory_space<vmem>>
      %dma_wait3A_170 = arith.constant 0 : i32
      %dma_wait3A_171 = arith.constant 0 : i32
      %dma_wait3A_172 = tpu.memref_slice %arg2[%dma_wait3A_170, %dma_wait3A_171] : memref<32256x96xbf16, #tpu.memory_space<hbm>> -> memref<32256x96xbf16, #tpu.memory_space<hbm>>
      tpu.wait_indirect_dma semaphore(%arg15 : memref<!tpu.dma_semaphore, #tpu.memory_space<semaphore_mem>>) src(%dma_wait3A_172 : memref<32256x96xbf16, #tpu.memory_space<hbm>>) dst(%arg10 : memref<128x96xbf16, #tpu.memory_space<vmem>>)
      %dma_start3A_173 = arith.constant 29 : i32
      %dma_start3A_174 = arith.constant 0 : i32
      %dma_start3A_175 = tpu.memref_slice %arg8[%dma_start3A_173, %dma_start3A_174] : memref<32x128xi32, #tpu.memory_space<vmem>> -> memref<1x128xi32, #tpu.memory_space<vmem>>
      %dma_start3A_176 = tpu.memref_squeeze %dma_start3A_175 : memref<1x128xi32, #tpu.memory_space<vmem>> -> memref<128xi32, #tpu.memory_space<vmem>>
      %dma_start3A_177 = arith.constant 0 : i32
      %dma_start3A_178 = arith.constant 0 : i32
      %dma_start3A_179 = tpu.memref_slice %arg13[%dma_start3A_177, %dma_start3A_178] : memref<32512x96xbf16, #tpu.memory_space<vmem_shared>> -> memref<32512x96xbf16, #tpu.memory_space<vmem_shared>>
      tpu.enqueue_indirect_dma source(%arg10 : memref<128x96xbf16, #tpu.memory_space<vmem>>) target(%dma_start3A_179 : memref<32512x96xbf16, #tpu.memory_space<vmem_shared>>) offsets(%dma_start3A_176 : memref<128xi32, #tpu.memory_space<vmem>>) semaphore(%arg19 : memref<!tpu.dma_semaphore, #tpu.memory_space<semaphore_mem>>) {add = true}
      %dma_wait3A_180 = arith.constant 0 : i32
      %dma_wait3A_181 = arith.constant 0 : i32
      %dma_wait3A_182 = tpu.memref_slice %arg8[%dma_wait3A_180, %dma_wait3A_181] : memref<32x128xi32, #tpu.memory_space<vmem>> -> memref<1x128xi32, #tpu.memory_space<vmem>>
      %dma_wait3A_183 = tpu.memref_squeeze %dma_wait3A_182 : memref<1x128xi32, #tpu.memory_space<vmem>> -> memref<128xi32, #tpu.memory_space<vmem>>
      %dma_wait3A_184 = arith.constant 0 : i32
      %dma_wait3A_185 = arith.constant 0 : i32
      %dma_wait3A_186 = tpu.memref_slice %arg13[%dma_wait3A_184, %dma_wait3A_185] : memref<32512x96xbf16, #tpu.memory_space<vmem_shared>> -> memref<32512x96xbf16, #tpu.memory_space<vmem_shared>>
      tpu.wait_indirect_dma semaphore(%arg21 : memref<!tpu.dma_semaphore, #tpu.memory_space<semaphore_mem>>) src(%arg12 : memref<128x96xbf16, #tpu.memory_space<vmem>>) dst(%dma_wait3A_186 : memref<32512x96xbf16, #tpu.memory_space<vmem_shared>>)
      %dma_start3A_187 = arith.constant 31 : i32
      %dma_start3A_188 = arith.constant 0 : i32
      %dma_start3A_189 = tpu.memref_slice %arg7[%dma_start3A_187, %dma_start3A_188] : memref<32x128xi32, #tpu.memory_space<vmem>> -> memref<1x128xi32, #tpu.memory_space<vmem>>
      %dma_start3A_190 = tpu.memref_squeeze %dma_start3A_189 : memref<1x128xi32, #tpu.memory_space<vmem>> -> memref<128xi32, #tpu.memory_space<vmem>>
      %dma_start3A_191 = arith.constant 0 : i32
      %dma_start3A_192 = arith.constant 0 : i32
      %dma_start3A_193 = tpu.memref_slice %arg2[%dma_start3A_191, %dma_start3A_192] : memref<32256x96xbf16, #tpu.memory_space<hbm>> -> memref<32256x96xbf16, #tpu.memory_space<hbm>>
      tpu.enqueue_indirect_dma source(%dma_start3A_193 : memref<32256x96xbf16, #tpu.memory_space<hbm>>) target(%arg12 : memref<128x96xbf16, #tpu.memory_space<vmem>>) offsets(%dma_start3A_190 : memref<128xi32, #tpu.memory_space<vmem>>) semaphore(%arg17 : memref<!tpu.dma_semaphore, #tpu.memory_space<semaphore_mem>>)
      %dma_wait3A_194 = arith.constant 0 : i32
      %dma_wait3A_195 = arith.constant 0 : i32
      %dma_wait3A_196 = tpu.memref_slice %arg7[%dma_wait3A_194, %dma_wait3A_195] : memref<32x128xi32, #tpu.memory_space<vmem>> -> memref<1x128xi32, #tpu.memory_space<vmem>>
      %dma_wait3A_197 = tpu.memref_squeeze %dma_wait3A_196 : memref<1x128xi32, #tpu.memory_space<vmem>> -> memref<128xi32, #tpu.memory_space<vmem>>
      %dma_wait3A_198 = arith.constant 0 : i32
      %dma_wait3A_199 = arith.constant 0 : i32
      %dma_wait3A_200 = tpu.memref_slice %arg2[%dma_wait3A_198, %dma_wait3A_199] : memref<32256x96xbf16, #tpu.memory_space<hbm>> -> memref<32256x96xbf16, #tpu.memory_space<hbm>>
      tpu.wait_indirect_dma semaphore(%arg16 : memref<!tpu.dma_semaphore, #tpu.memory_space<semaphore_mem>>) src(%dma_wait3A_200 : memref<32256x96xbf16, #tpu.memory_space<hbm>>) dst(%arg11 : memref<128x96xbf16, #tpu.memory_space<vmem>>)
      %dma_start3A_201 = arith.constant 30 : i32
      %dma_start3A_202 = arith.constant 0 : i32
      %dma_start3A_203 = tpu.memref_slice %arg8[%dma_start3A_201, %dma_start3A_202] : memref<32x128xi32, #tpu.memory_space<vmem>> -> memref<1x128xi32, #tpu.memory_space<vmem>>
      %dma_start3A_204 = tpu.memref_squeeze %dma_start3A_203 : memref<1x128xi32, #tpu.memory_space<vmem>> -> memref<128xi32, #tpu.memory_space<vmem>>
      %dma_start3A_205 = arith.constant 0 : i32
      %dma_start3A_206 = arith.constant 0 : i32
      %dma_start3A_207 = tpu.memref_slice %arg13[%dma_start3A_205, %dma_start3A_206] : memref<32512x96xbf16, #tpu.memory_space<vmem_shared>> -> memref<32512x96xbf16, #tpu.memory_space<vmem_shared>>
      tpu.enqueue_indirect_dma source(%arg11 : memref<128x96xbf16, #tpu.memory_space<vmem>>) target(%dma_start3A_207 : memref<32512x96xbf16, #tpu.memory_space<vmem_shared>>) offsets(%dma_start3A_204 : memref<128xi32, #tpu.memory_space<vmem>>) semaphore(%arg20 : memref<!tpu.dma_semaphore, #tpu.memory_space<semaphore_mem>>) {add = true}
      %dma_wait3A_208 = arith.constant 0 : i32
      %dma_wait3A_209 = arith.constant 0 : i32
      %dma_wait3A_210 = tpu.memref_slice %arg7[%dma_wait3A_208, %dma_wait3A_209] : memref<32x128xi32, #tpu.memory_space<vmem>> -> memref<1x128xi32, #tpu.memory_space<vmem>>
      %dma_wait3A_211 = tpu.memref_squeeze %dma_wait3A_210 : memref<1x128xi32, #tpu.memory_space<vmem>> -> memref<128xi32, #tpu.memory_space<vmem>>
      %dma_wait3A_212 = arith.constant 0 : i32
      %dma_wait3A_213 = arith.constant 0 : i32
      %dma_wait3A_214 = tpu.memref_slice %arg2[%dma_wait3A_212, %dma_wait3A_213] : memref<32256x96xbf16, #tpu.memory_space<hbm>> -> memref<32256x96xbf16, #tpu.memory_space<hbm>>
      tpu.wait_indirect_dma semaphore(%arg17 : memref<!tpu.dma_semaphore, #tpu.memory_space<semaphore_mem>>) src(%dma_wait3A_214 : memref<32256x96xbf16, #tpu.memory_space<hbm>>) dst(%arg12 : memref<128x96xbf16, #tpu.memory_space<vmem>>)
      %dma_start3A_215 = arith.constant 31 : i32
      %dma_start3A_216 = arith.constant 0 : i32
      %dma_start3A_217 = tpu.memref_slice %arg8[%dma_start3A_215, %dma_start3A_216] : memref<32x128xi32, #tpu.memory_space<vmem>> -> memref<1x128xi32, #tpu.memory_space<vmem>>
      %dma_start3A_218 = tpu.memref_squeeze %dma_start3A_217 : memref<1x128xi32, #tpu.memory_space<vmem>> -> memref<128xi32, #tpu.memory_space<vmem>>
      %dma_start3A_219 = arith.constant 0 : i32
      %dma_start3A_220 = arith.constant 0 : i32
      %dma_start3A_221 = tpu.memref_slice %arg13[%dma_start3A_219, %dma_start3A_220] : memref<32512x96xbf16, #tpu.memory_space<vmem_shared>> -> memref<32512x96xbf16, #tpu.memory_space<vmem_shared>>
      tpu.enqueue_indirect_dma source(%arg12 : memref<128x96xbf16, #tpu.memory_space<vmem>>) target(%dma_start3A_221 : memref<32512x96xbf16, #tpu.memory_space<vmem_shared>>) offsets(%dma_start3A_218 : memref<128xi32, #tpu.memory_space<vmem>>) semaphore(%arg21 : memref<!tpu.dma_semaphore, #tpu.memory_space<semaphore_mem>>) {add = true}
      %dma_wait3A_222 = arith.constant 0 : i32
      %dma_wait3A_223 = arith.constant 0 : i32
      %dma_wait3A_224 = tpu.memref_slice %arg8[%dma_wait3A_222, %dma_wait3A_223] : memref<32x128xi32, #tpu.memory_space<vmem>> -> memref<1x128xi32, #tpu.memory_space<vmem>>
      %dma_wait3A_225 = tpu.memref_squeeze %dma_wait3A_224 : memref<1x128xi32, #tpu.memory_space<vmem>> -> memref<128xi32, #tpu.memory_space<vmem>>
      %dma_wait3A_226 = arith.constant 0 : i32
      %dma_wait3A_227 = arith.constant 0 : i32
      %dma_wait3A_228 = tpu.memref_slice %arg13[%dma_wait3A_226, %dma_wait3A_227] : memref<32512x96xbf16, #tpu.memory_space<vmem_shared>> -> memref<32512x96xbf16, #tpu.memory_space<vmem_shared>>
      tpu.wait_indirect_dma semaphore(%arg18 : memref<!tpu.dma_semaphore, #tpu.memory_space<semaphore_mem>>) src(%arg9 : memref<128x96xbf16, #tpu.memory_space<vmem>>) dst(%dma_wait3A_228 : memref<32512x96xbf16, #tpu.memory_space<vmem_shared>>)
      %dma_wait3A_229 = arith.constant 0 : i32
      %dma_wait3A_230 = arith.constant 0 : i32
      %dma_wait3A_231 = tpu.memref_slice %arg8[%dma_wait3A_229, %dma_wait3A_230] : memref<32x128xi32, #tpu.memory_space<vmem>> -> memref<1x128xi32, #tpu.memory_space<vmem>>
      %dma_wait3A_232 = tpu.memref_squeeze %dma_wait3A_231 : memref<1x128xi32, #tpu.memory_space<vmem>> -> memref<128xi32, #tpu.memory_space<vmem>>
      %dma_wait3A_233 = arith.constant 0 : i32
      %dma_wait3A_234 = arith.constant 0 : i32
      %dma_wait3A_235 = tpu.memref_slice %arg13[%dma_wait3A_233, %dma_wait3A_234] : memref<32512x96xbf16, #tpu.memory_space<vmem_shared>> -> memref<32512x96xbf16, #tpu.memory_space<vmem_shared>>
      tpu.wait_indirect_dma semaphore(%arg19 : memref<!tpu.dma_semaphore, #tpu.memory_space<semaphore_mem>>) src(%arg10 : memref<128x96xbf16, #tpu.memory_space<vmem>>) dst(%dma_wait3A_235 : memref<32512x96xbf16, #tpu.memory_space<vmem_shared>>)
      %dma_wait3A_236 = arith.constant 0 : i32
      %dma_wait3A_237 = arith.constant 0 : i32
      %dma_wait3A_238 = tpu.memref_slice %arg8[%dma_wait3A_236, %dma_wait3A_237] : memref<32x128xi32, #tpu.memory_space<vmem>> -> memref<1x128xi32, #tpu.memory_space<vmem>>
      %dma_wait3A_239 = tpu.memref_squeeze %dma_wait3A_238 : memref<1x128xi32, #tpu.memory_space<vmem>> -> memref<128xi32, #tpu.memory_space<vmem>>
      %dma_wait3A_240 = arith.constant 0 : i32
      %dma_wait3A_241 = arith.constant 0 : i32
      %dma_wait3A_242 = tpu.memref_slice %arg13[%dma_wait3A_240, %dma_wait3A_241] : memref<32512x96xbf16, #tpu.memory_space<vmem_shared>> -> memref<32512x96xbf16, #tpu.memory_space<vmem_shared>>
      tpu.wait_indirect_dma semaphore(%arg20 : memref<!tpu.dma_semaphore, #tpu.memory_space<semaphore_mem>>) src(%arg11 : memref<128x96xbf16, #tpu.memory_space<vmem>>) dst(%dma_wait3A_242 : memref<32512x96xbf16, #tpu.memory_space<vmem_shared>>)
      %dma_wait3A_243 = arith.constant 0 : i32
      %dma_wait3A_244 = arith.constant 0 : i32
      %dma_wait3A_245 = tpu.memref_slice %arg8[%dma_wait3A_243, %dma_wait3A_244] : memref<32x128xi32, #tpu.memory_space<vmem>> -> memref<1x128xi32, #tpu.memory_space<vmem>>
      %dma_wait3A_246 = tpu.memref_squeeze %dma_wait3A_245 : memref<1x128xi32, #tpu.memory_space<vmem>> -> memref<128xi32, #tpu.memory_space<vmem>>
      %dma_wait3A_247 = arith.constant 0 : i32
      %dma_wait3A_248 = arith.constant 0 : i32
      %dma_wait3A_249 = tpu.memref_slice %arg13[%dma_wait3A_247, %dma_wait3A_248] : memref<32512x96xbf16, #tpu.memory_space<vmem_shared>> -> memref<32512x96xbf16, #tpu.memory_space<vmem_shared>>
      tpu.wait_indirect_dma semaphore(%arg21 : memref<!tpu.dma_semaphore, #tpu.memory_space<semaphore_mem>>) src(%arg12 : memref<128x96xbf16, #tpu.memory_space<vmem>>) dst(%dma_wait3A_249 : memref<32512x96xbf16, #tpu.memory_space<vmem_shared>>)
    }
    %while3A_13 = arith.constant 1 : i32
    scf.for %while3A_19 = %while3A_11 to %while3A_7 step %while3A_13  : i32 {
      %mul3A_20 = arith.constant 32 : i32
      %mul3A_21 = arith.muli %while3A_19, %mul3A_20 : i32
      "tpu.region"() ({
        %run_scoped3A = tpu.sem_alloc : memref<!tpu.dma_semaphore, #tpu.memory_space<semaphore_mem>>
        %dma_start3A_250 = arith.constant 0 : i32
        %dma_start3A_251 = tpu.memref_slice %arg3[%arg1, %mul3A_21, %dma_start3A_250] : memref<16x256x128xi32, #tpu.memory_space<hbm>> -> memref<1x32x128xi32, #tpu.memory_space<hbm>>
        %dma_start3A_252 = tpu.memref_squeeze %dma_start3A_251 : memref<1x32x128xi32, #tpu.memory_space<hbm>> -> memref<32x128xi32, #tpu.memory_space<hbm>>
        %dma_start3A_253 = arith.constant 0 : i32
        %dma_start3A_254 = tpu.memref_slice %arg3[%arg1, %mul3A_21, %dma_start3A_253] : memref<16x256x128xi32, #tpu.memory_space<hbm>> -> memref<1x32x128xi32, #tpu.memory_space<hbm>>
        %dma_start3A_255 = tpu.memref_squeeze %dma_start3A_254 : memref<1x32x128xi32, #tpu.memory_space<hbm>> -> memref<32x128xi32, #tpu.memory_space<hbm>>
        tpu.enqueue_dma source(%dma_start3A_255 : memref<32x128xi32, #tpu.memory_space<hbm>>) target(%arg7 : memref<32x128xi32, #tpu.memory_space<vmem>>) target_semaphore(%run_scoped3A : memref<!tpu.dma_semaphore, #tpu.memory_space<semaphore_mem>>)
        %dma_wait3A_256 = arith.constant 0 : i32
        %dma_wait3A_257 = tpu.memref_slice %arg3[%arg1, %mul3A_21, %dma_wait3A_256] : memref<16x256x128xi32, #tpu.memory_space<hbm>> -> memref<1x32x128xi32, #tpu.memory_space<hbm>>
        %dma_wait3A_258 = tpu.memref_squeeze %dma_wait3A_257 : memref<1x32x128xi32, #tpu.memory_space<hbm>> -> memref<32x128xi32, #tpu.memory_space<hbm>>
        %dma_wait3A_259 = arith.constant 0 : i32
        %dma_wait3A_260 = tpu.memref_slice %arg3[%arg1, %mul3A_21, %dma_wait3A_259] : memref<16x256x128xi32, #tpu.memory_space<hbm>> -> memref<1x32x128xi32, #tpu.memory_space<hbm>>
        %dma_wait3A_261 = tpu.memref_squeeze %dma_wait3A_260 : memref<1x32x128xi32, #tpu.memory_space<hbm>> -> memref<32x128xi32, #tpu.memory_space<hbm>>
        tpu.wait_dma2 semaphore(%run_scoped3A : memref<!tpu.dma_semaphore, #tpu.memory_space<semaphore_mem>>) src(%dma_wait3A_261 : memref<32x128xi32, #tpu.memory_space<hbm>>) dst(%arg7 : memref<32x128xi32, #tpu.memory_space<vmem>>)
        tpu.yield
      }) : () -> ()
      %mul3A_22 = arith.constant 32 : i32
      %mul3A_23 = arith.muli %while3A_19, %mul3A_22 : i32
      "tpu.region"() ({
        %run_scoped3A = tpu.sem_alloc : memref<!tpu.dma_semaphore, #tpu.memory_space<semaphore_mem>>
        %dma_start3A_250 = arith.constant 0 : i32
        %dma_start3A_251 = tpu.memref_slice %arg4[%arg1, %mul3A_23, %dma_start3A_250] : memref<16x256x128xi32, #tpu.memory_space<hbm>> -> memref<1x32x128xi32, #tpu.memory_space<hbm>>
        %dma_start3A_252 = tpu.memref_squeeze %dma_start3A_251 : memref<1x32x128xi32, #tpu.memory_space<hbm>> -> memref<32x128xi32, #tpu.memory_space<hbm>>
        %dma_start3A_253 = arith.constant 0 : i32
        %dma_start3A_254 = tpu.memref_slice %arg4[%arg1, %mul3A_23, %dma_start3A_253] : memref<16x256x128xi32, #tpu.memory_space<hbm>> -> memref<1x32x128xi32, #tpu.memory_space<hbm>>
        %dma_start3A_255 = tpu.memref_squeeze %dma_start3A_254 : memref<1x32x128xi32, #tpu.memory_space<hbm>> -> memref<32x128xi32, #tpu.memory_space<hbm>>
        tpu.enqueue_dma source(%dma_start3A_255 : memref<32x128xi32, #tpu.memory_space<hbm>>) target(%arg8 : memref<32x128xi32, #tpu.memory_space<vmem>>) target_semaphore(%run_scoped3A : memref<!tpu.dma_semaphore, #tpu.memory_space<semaphore_mem>>)
        %dma_wait3A_256 = arith.constant 0 : i32
        %dma_wait3A_257 = tpu.memref_slice %arg4[%arg1, %mul3A_23, %dma_wait3A_256] : memref<16x256x128xi32, #tpu.memory_space<hbm>> -> memref<1x32x128xi32, #tpu.memory_space<hbm>>
        %dma_wait3A_258 = tpu.memref_squeeze %dma_wait3A_257 : memref<1x32x128xi32, #tpu.memory_space<hbm>> -> memref<32x128xi32, #tpu.memory_space<hbm>>
        %dma_wait3A_259 = arith.constant 0 : i32
        %dma_wait3A_260 = tpu.memref_slice %arg4[%arg1, %mul3A_23, %dma_wait3A_259] : memref<16x256x128xi32, #tpu.memory_space<hbm>> -> memref<1x32x128xi32, #tpu.memory_space<hbm>>
        %dma_wait3A_261 = tpu.memref_squeeze %dma_wait3A_260 : memref<1x32x128xi32, #tpu.memory_space<hbm>> -> memref<32x128xi32, #tpu.memory_space<hbm>>
        tpu.wait_dma2 semaphore(%run_scoped3A : memref<!tpu.dma_semaphore, #tpu.memory_space<semaphore_mem>>) src(%dma_wait3A_261 : memref<32x128xi32, #tpu.memory_space<hbm>>) dst(%arg8 : memref<32x128xi32, #tpu.memory_space<vmem>>)
        tpu.yield
      }) : () -> ()
      %dma_start3A = arith.constant 0 : i32
      %dma_start3A_24 = arith.constant 0 : i32
      %dma_start3A_25 = tpu.memref_slice %arg7[%dma_start3A, %dma_start3A_24] : memref<32x128xi32, #tpu.memory_space<vmem>> -> memref<1x128xi32, #tpu.memory_space<vmem>>
      %dma_start3A_26 = tpu.memref_squeeze %dma_start3A_25 : memref<1x128xi32, #tpu.memory_space<vmem>> -> memref<128xi32, #tpu.memory_space<vmem>>
      %dma_start3A_27 = arith.constant 0 : i32
      %dma_start3A_28 = arith.constant 0 : i32
      %dma_start3A_29 = tpu.memref_slice %arg2[%dma_start3A_27, %dma_start3A_28] : memref<32256x96xbf16, #tpu.memory_space<hbm>> -> memref<32256x96xbf16, #tpu.memory_space<hbm>>
      tpu.enqueue_indirect_dma source(%dma_start3A_29 : memref<32256x96xbf16, #tpu.memory_space<hbm>>) target(%arg9 : memref<128x96xbf16, #tpu.memory_space<vmem>>) offsets(%dma_start3A_26 : memref<128xi32, #tpu.memory_space<vmem>>) semaphore(%arg14 : memref<!tpu.dma_semaphore, #tpu.memory_space<semaphore_mem>>)
      %dma_start3A_30 = arith.constant 1 : i32
      %dma_start3A_31 = arith.constant 0 : i32
      %dma_start3A_32 = tpu.memref_slice %arg7[%dma_start3A_30, %dma_start3A_31] : memref<32x128xi32, #tpu.memory_space<vmem>> -> memref<1x128xi32, #tpu.memory_space<vmem>>
      %dma_start3A_33 = tpu.memref_squeeze %dma_start3A_32 : memref<1x128xi32, #tpu.memory_space<vmem>> -> memref<128xi32, #tpu.memory_space<vmem>>
      %dma_start3A_34 = arith.constant 0 : i32
      %dma_start3A_35 = arith.constant 0 : i32
      %dma_start3A_36 = tpu.memref_slice %arg2[%dma_start3A_34, %dma_start3A_35] : memref<32256x96xbf16, #tpu.memory_space<hbm>> -> memref<32256x96xbf16, #tpu.memory_space<hbm>>
      tpu.enqueue_indirect_dma source(%dma_start3A_36 : memref<32256x96xbf16, #tpu.memory_space<hbm>>) target(%arg10 : memref<128x96xbf16, #tpu.memory_space<vmem>>) offsets(%dma_start3A_33 : memref<128xi32, #tpu.memory_space<vmem>>) semaphore(%arg15 : memref<!tpu.dma_semaphore, #tpu.memory_space<semaphore_mem>>)
      %dma_wait3A = arith.constant 0 : i32
      %dma_wait3A_37 = arith.constant 0 : i32
      %dma_wait3A_38 = tpu.memref_slice %arg7[%dma_wait3A, %dma_wait3A_37] : memref<32x128xi32, #tpu.memory_space<vmem>> -> memref<1x128xi32, #tpu.memory_space<vmem>>
      %dma_wait3A_39 = tpu.memref_squeeze %dma_wait3A_38 : memref<1x128xi32, #tpu.memory_space<vmem>> -> memref<128xi32, #tpu.memory_space<vmem>>
      %dma_wait3A_40 = arith.constant 0 : i32
      %dma_wait3A_41 = arith.constant 0 : i32
      %dma_wait3A_42 = tpu.memref_slice %arg2[%dma_wait3A_40, %dma_wait3A_41] : memref<32256x96xbf16, #tpu.memory_space<hbm>> -> memref<32256x96xbf16, #tpu.memory_space<hbm>>
      tpu.wait_indirect_dma semaphore(%arg14 : memref<!tpu.dma_semaphore, #tpu.memory_space<semaphore_mem>>) src(%dma_wait3A_42 : memref<32256x96xbf16, #tpu.memory_space<hbm>>) dst(%arg9 : memref<128x96xbf16, #tpu.memory_space<vmem>>)
      %dma_start3A_43 = arith.constant 0 : i32
      %dma_start3A_44 = arith.constant 0 : i32
      %dma_start3A_45 = tpu.memref_slice %arg8[%dma_start3A_43, %dma_start3A_44] : memref<32x128xi32, #tpu.memory_space<vmem>> -> memref<1x128xi32, #tpu.memory_space<vmem>>
      %dma_start3A_46 = tpu.memref_squeeze %dma_start3A_45 : memref<1x128xi32, #tpu.memory_space<vmem>> -> memref<128xi32, #tpu.memory_space<vmem>>
      %dma_start3A_47 = arith.constant 0 : i32
      %dma_start3A_48 = arith.constant 0 : i32
      %dma_start3A_49 = tpu.memref_slice %arg13[%dma_start3A_47, %dma_start3A_48] : memref<32512x96xbf16, #tpu.memory_space<vmem_shared>> -> memref<32512x96xbf16, #tpu.memory_space<vmem_shared>>
      tpu.enqueue_indirect_dma source(%arg9 : memref<128x96xbf16, #tpu.memory_space<vmem>>) target(%dma_start3A_49 : memref<32512x96xbf16, #tpu.memory_space<vmem_shared>>) offsets(%dma_start3A_46 : memref<128xi32, #tpu.memory_space<vmem>>) semaphore(%arg18 : memref<!tpu.dma_semaphore, #tpu.memory_space<semaphore_mem>>) {add = true}
      %dma_start3A_50 = arith.constant 2 : i32
      %dma_start3A_51 = arith.constant 0 : i32
      %dma_start3A_52 = tpu.memref_slice %arg7[%dma_start3A_50, %dma_start3A_51] : memref<32x128xi32, #tpu.memory_space<vmem>> -> memref<1x128xi32, #tpu.memory_space<vmem>>
      %dma_start3A_53 = tpu.memref_squeeze %dma_start3A_52 : memref<1x128xi32, #tpu.memory_space<vmem>> -> memref<128xi32, #tpu.memory_space<vmem>>
      %dma_start3A_54 = arith.constant 0 : i32
      %dma_start3A_55 = arith.constant 0 : i32
      %dma_start3A_56 = tpu.memref_slice %arg2[%dma_start3A_54, %dma_start3A_55] : memref<32256x96xbf16, #tpu.memory_space<hbm>> -> memref<32256x96xbf16, #tpu.memory_space<hbm>>
      tpu.enqueue_indirect_dma source(%dma_start3A_56 : memref<32256x96xbf16, #tpu.memory_space<hbm>>) target(%arg11 : memref<128x96xbf16, #tpu.memory_space<vmem>>) offsets(%dma_start3A_53 : memref<128xi32, #tpu.memory_space<vmem>>) semaphore(%arg16 : memref<!tpu.dma_semaphore, #tpu.memory_space<semaphore_mem>>)
      %dma_wait3A_57 = arith.constant 0 : i32
      %dma_wait3A_58 = arith.constant 0 : i32
      %dma_wait3A_59 = tpu.memref_slice %arg7[%dma_wait3A_57, %dma_wait3A_58] : memref<32x128xi32, #tpu.memory_space<vmem>> -> memref<1x128xi32, #tpu.memory_space<vmem>>
      %dma_wait3A_60 = tpu.memref_squeeze %dma_wait3A_59 : memref<1x128xi32, #tpu.memory_space<vmem>> -> memref<128xi32, #tpu.memory_space<vmem>>
      %dma_wait3A_61 = arith.constant 0 : i32
      %dma_wait3A_62 = arith.constant 0 : i32
      %dma_wait3A_63 = tpu.memref_slice %arg2[%dma_wait3A_61, %dma_wait3A_62] : memref<32256x96xbf16, #tpu.memory_space<hbm>> -> memref<32256x96xbf16, #tpu.memory_space<hbm>>
      tpu.wait_indirect_dma semaphore(%arg15 : memref<!tpu.dma_semaphore, #tpu.memory_space<semaphore_mem>>) src(%dma_wait3A_63 : memref<32256x96xbf16, #tpu.memory_space<hbm>>) dst(%arg10 : memref<128x96xbf16, #tpu.memory_space<vmem>>)
      %dma_start3A_64 = arith.constant 1 : i32
      %dma_start3A_65 = arith.constant 0 : i32
      %dma_start3A_66 = tpu.memref_slice %arg8[%dma_start3A_64, %dma_start3A_65] : memref<32x128xi32, #tpu.memory_space<vmem>> -> memref<1x128xi32, #tpu.memory_space<vmem>>
      %dma_start3A_67 = tpu.memref_squeeze %dma_start3A_66 : memref<1x128xi32, #tpu.memory_space<vmem>> -> memref<128xi32, #tpu.memory_space<vmem>>
      %dma_start3A_68 = arith.constant 0 : i32
      %dma_start3A_69 = arith.constant 0 : i32
      %dma_start3A_70 = tpu.memref_slice %arg13[%dma_start3A_68, %dma_start3A_69] : memref<32512x96xbf16, #tpu.memory_space<vmem_shared>> -> memref<32512x96xbf16, #tpu.memory_space<vmem_shared>>
      tpu.enqueue_indirect_dma source(%arg10 : memref<128x96xbf16, #tpu.memory_space<vmem>>) target(%dma_start3A_70 : memref<32512x96xbf16, #tpu.memory_space<vmem_shared>>) offsets(%dma_start3A_67 : memref<128xi32, #tpu.memory_space<vmem>>) semaphore(%arg19 : memref<!tpu.dma_semaphore, #tpu.memory_space<semaphore_mem>>) {add = true}
      %dma_start3A_71 = arith.constant 3 : i32
      %dma_start3A_72 = arith.constant 0 : i32
      %dma_start3A_73 = tpu.memref_slice %arg7[%dma_start3A_71, %dma_start3A_72] : memref<32x128xi32, #tpu.memory_space<vmem>> -> memref<1x128xi32, #tpu.memory_space<vmem>>
      %dma_start3A_74 = tpu.memref_squeeze %dma_start3A_73 : memref<1x128xi32, #tpu.memory_space<vmem>> -> memref<128xi32, #tpu.memory_space<vmem>>
      %dma_start3A_75 = arith.constant 0 : i32
      %dma_start3A_76 = arith.constant 0 : i32
      %dma_start3A_77 = tpu.memref_slice %arg2[%dma_start3A_75, %dma_start3A_76] : memref<32256x96xbf16, #tpu.memory_space<hbm>> -> memref<32256x96xbf16, #tpu.memory_space<hbm>>
      tpu.enqueue_indirect_dma source(%dma_start3A_77 : memref<32256x96xbf16, #tpu.memory_space<hbm>>) target(%arg12 : memref<128x96xbf16, #tpu.memory_space<vmem>>) offsets(%dma_start3A_74 : memref<128xi32, #tpu.memory_space<vmem>>) semaphore(%arg17 : memref<!tpu.dma_semaphore, #tpu.memory_space<semaphore_mem>>)
      %dma_wait3A_78 = arith.constant 0 : i32
      %dma_wait3A_79 = arith.constant 0 : i32
      %dma_wait3A_80 = tpu.memref_slice %arg7[%dma_wait3A_78, %dma_wait3A_79] : memref<32x128xi32, #tpu.memory_space<vmem>> -> memref<1x128xi32, #tpu.memory_space<vmem>>
      %dma_wait3A_81 = tpu.memref_squeeze %dma_wait3A_80 : memref<1x128xi32, #tpu.memory_space<vmem>> -> memref<128xi32, #tpu.memory_space<vmem>>
      %dma_wait3A_82 = arith.constant 0 : i32
      %dma_wait3A_83 = arith.constant 0 : i32
      %dma_wait3A_84 = tpu.memref_slice %arg2[%dma_wait3A_82, %dma_wait3A_83] : memref<32256x96xbf16, #tpu.memory_space<hbm>> -> memref<32256x96xbf16, #tpu.memory_space<hbm>>
      tpu.wait_indirect_dma semaphore(%arg16 : memref<!tpu.dma_semaphore, #tpu.memory_space<semaphore_mem>>) src(%dma_wait3A_84 : memref<32256x96xbf16, #tpu.memory_space<hbm>>) dst(%arg11 : memref<128x96xbf16, #tpu.memory_space<vmem>>)
      %dma_start3A_85 = arith.constant 2 : i32
      %dma_start3A_86 = arith.constant 0 : i32
      %dma_start3A_87 = tpu.memref_slice %arg8[%dma_start3A_85, %dma_start3A_86] : memref<32x128xi32, #tpu.memory_space<vmem>> -> memref<1x128xi32, #tpu.memory_space<vmem>>
      %dma_start3A_88 = tpu.memref_squeeze %dma_start3A_87 : memref<1x128xi32, #tpu.memory_space<vmem>> -> memref<128xi32, #tpu.memory_space<vmem>>
      %dma_start3A_89 = arith.constant 0 : i32
      %dma_start3A_90 = arith.constant 0 : i32
      %dma_start3A_91 = tpu.memref_slice %arg13[%dma_start3A_89, %dma_start3A_90] : memref<32512x96xbf16, #tpu.memory_space<vmem_shared>> -> memref<32512x96xbf16, #tpu.memory_space<vmem_shared>>
      tpu.enqueue_indirect_dma source(%arg11 : memref<128x96xbf16, #tpu.memory_space<vmem>>) target(%dma_start3A_91 : memref<32512x96xbf16, #tpu.memory_space<vmem_shared>>) offsets(%dma_start3A_88 : memref<128xi32, #tpu.memory_space<vmem>>) semaphore(%arg20 : memref<!tpu.dma_semaphore, #tpu.memory_space<semaphore_mem>>) {add = true}
      %dma_wait3A_92 = arith.constant 0 : i32
      %dma_wait3A_93 = arith.constant 0 : i32
      %dma_wait3A_94 = tpu.memref_slice %arg8[%dma_wait3A_92, %dma_wait3A_93] : memref<32x128xi32, #tpu.memory_space<vmem>> -> memref<1x128xi32, #tpu.memory_space<vmem>>
      %dma_wait3A_95 = tpu.memref_squeeze %dma_wait3A_94 : memref<1x128xi32, #tpu.memory_space<vmem>> -> memref<128xi32, #tpu.memory_space<vmem>>
      %dma_wait3A_96 = arith.constant 0 : i32
      %dma_wait3A_97 = arith.constant 0 : i32
      %dma_wait3A_98 = tpu.memref_slice %arg13[%dma_wait3A_96, %dma_wait3A_97] : memref<32512x96xbf16, #tpu.memory_space<vmem_shared>> -> memref<32512x96xbf16, #tpu.memory_space<vmem_shared>>
      tpu.wait_indirect_dma semaphore(%arg18 : memref<!tpu.dma_semaphore, #tpu.memory_space<semaphore_mem>>) src(%arg9 : memref<128x96xbf16, #tpu.memory_space<vmem>>) dst(%dma_wait3A_98 : memref<32512x96xbf16, #tpu.memory_space<vmem_shared>>)
      %dma_start3A_99 = arith.constant 4 : i32
      %dma_start3A_100 = arith.constant 0 : i32
      %dma_start3A_101 = tpu.memref_slice %arg7[%dma_start3A_99, %dma_start3A_100] : memref<32x128xi32, #tpu.memory_space<vmem>> -> memref<1x128xi32, #tpu.memory_space<vmem>>
      %dma_start3A_102 = tpu.memref_squeeze %dma_start3A_101 : memref<1x128xi32, #tpu.memory_space<vmem>> -> memref<128xi32, #tpu.memory_space<vmem>>
      %dma_start3A_103 = arith.constant 0 : i32
      %dma_start3A_104 = arith.constant 0 : i32
      %dma_start3A_105 = tpu.memref_slice %arg2[%dma_start3A_103, %dma_start3A_104] : memref<32256x96xbf16, #tpu.memory_space<hbm>> -> memref<32256x96xbf16, #tpu.memory_space<hbm>>
      tpu.enqueue_indirect_dma source(%dma_start3A_105 : memref<32256x96xbf16, #tpu.memory_space<hbm>>) target(%arg9 : memref<128x96xbf16, #tpu.memory_space<vmem>>) offsets(%dma_start3A_102 : memref<128xi32, #tpu.memory_space<vmem>>) semaphore(%arg14 : memref<!tpu.dma_semaphore, #tpu.memory_space<semaphore_mem>>)
      %dma_wait3A_106 = arith.constant 0 : i32
      %dma_wait3A_107 = arith.constant 0 : i32
      %dma_wait3A_108 = tpu.memref_slice %arg7[%dma_wait3A_106, %dma_wait3A_107] : memref<32x128xi32, #tpu.memory_space<vmem>> -> memref<1x128xi32, #tpu.memory_space<vmem>>
      %dma_wait3A_109 = tpu.memref_squeeze %dma_wait3A_108 : memref<1x128xi32, #tpu.memory_space<vmem>> -> memref<128xi32, #tpu.memory_space<vmem>>
      %dma_wait3A_110 = arith.constant 0 : i32
      %dma_wait3A_111 = arith.constant 0 : i32
      %dma_wait3A_112 = tpu.memref_slice %arg2[%dma_wait3A_110, %dma_wait3A_111] : memref<32256x96xbf16, #tpu.memory_space<hbm>> -> memref<32256x96xbf16, #tpu.memory_space<hbm>>
      tpu.wait_indirect_dma semaphore(%arg17 : memref<!tpu.dma_semaphore, #tpu.memory_space<semaphore_mem>>) src(%dma_wait3A_112 : memref<32256x96xbf16, #tpu.memory_space<hbm>>) dst(%arg12 : memref<128x96xbf16, #tpu.memory_space<vmem>>)
      %dma_start3A_113 = arith.constant 3 : i32
      %dma_start3A_114 = arith.constant 0 : i32
      %dma_start3A_115 = tpu.memref_slice %arg8[%dma_start3A_113, %dma_start3A_114] : memref<32x128xi32, #tpu.memory_space<vmem>> -> memref<1x128xi32, #tpu.memory_space<vmem>>
      %dma_start3A_116 = tpu.memref_squeeze %dma_start3A_115 : memref<1x128xi32, #tpu.memory_space<vmem>> -> memref<128xi32, #tpu.memory_space<vmem>>
      %dma_start3A_117 = arith.constant 0 : i32
      %dma_start3A_118 = arith.constant 0 : i32
      %dma_start3A_119 = tpu.memref_slice %arg13[%dma_start3A_117, %dma_start3A_118] : memref<32512x96xbf16, #tpu.memory_space<vmem_shared>> -> memref<32512x96xbf16, #tpu.memory_space<vmem_shared>>
      tpu.enqueue_indirect_dma source(%arg12 : memref<128x96xbf16, #tpu.memory_space<vmem>>) target(%dma_start3A_119 : memref<32512x96xbf16, #tpu.memory_space<vmem_shared>>) offsets(%dma_start3A_116 : memref<128xi32, #tpu.memory_space<vmem>>) semaphore(%arg21 : memref<!tpu.dma_semaphore, #tpu.memory_space<semaphore_mem>>) {add = true}
      %dma_wait3A_120 = arith.constant 0 : i32
      %dma_wait3A_121 = arith.constant 0 : i32
      %dma_wait3A_122 = tpu.memref_slice %arg8[%dma_wait3A_120, %dma_wait3A_121] : memref<32x128xi32, #tpu.memory_space<vmem>> -> memref<1x128xi32, #tpu.memory_space<vmem>>
      %dma_wait3A_123 = tpu.memref_squeeze %dma_wait3A_122 : memref<1x128xi32, #tpu.memory_space<vmem>> -> memref<128xi32, #tpu.memory_space<vmem>>
      %dma_wait3A_124 = arith.constant 0 : i32
      %dma_wait3A_125 = arith.constant 0 : i32
      %dma_wait3A_126 = tpu.memref_slice %arg13[%dma_wait3A_124, %dma_wait3A_125] : memref<32512x96xbf16, #tpu.memory_space<vmem_shared>> -> memref<32512x96xbf16, #tpu.memory_space<vmem_shared>>
      tpu.wait_indirect_dma semaphore(%arg19 : memref<!tpu.dma_semaphore, #tpu.memory_space<semaphore_mem>>) src(%arg10 : memref<128x96xbf16, #tpu.memory_space<vmem>>) dst(%dma_wait3A_126 : memref<32512x96xbf16, #tpu.memory_space<vmem_shared>>)
      %dma_start3A_127 = arith.constant 5 : i32
      %dma_start3A_128 = arith.constant 0 : i32
      %dma_start3A_129 = tpu.memref_slice %arg7[%dma_start3A_127, %dma_start3A_128] : memref<32x128xi32, #tpu.memory_space<vmem>> -> memref<1x128xi32, #tpu.memory_space<vmem>>
      %dma_start3A_130 = tpu.memref_squeeze %dma_start3A_129 : memref<1x128xi32, #tpu.memory_space<vmem>> -> memref<128xi32, #tpu.memory_space<vmem>>
      %dma_start3A_131 = arith.constant 0 : i32
      %dma_start3A_132 = arith.constant 0 : i32
      %dma_start3A_133 = tpu.memref_slice %arg2[%dma_start3A_131, %dma_start3A_132] : memref<32256x96xbf16, #tpu.memory_space<hbm>> -> memref<32256x96xbf16, #tpu.memory_space<hbm>>
      tpu.enqueue_indirect_dma source(%dma_start3A_133 : memref<32256x96xbf16, #tpu.memory_space<hbm>>) target(%arg10 : memref<128x96xbf16, #tpu.memory_space<vmem>>) offsets(%dma_start3A_130 : memref<128xi32, #tpu.memory_space<vmem>>) semaphore(%arg15 : memref<!tpu.dma_semaphore, #tpu.memory_space<semaphore_mem>>)
      %scan3A = arith.constant 1 : i32
      %scan3A_134 = arith.constant 6 : i32
      %scan3A_135 = arith.addi %scan3A, %scan3A_134 : i32
      %scan3A_136 = arith.constant 1 : i32
      scf.for %scan3A_250 = %scan3A to %scan3A_135 step %scan3A_136  : i32 {
        %mul3A_251 = arith.constant 4 : i32
        %mul3A_252 = arith.muli %mul3A_251, %scan3A_250 : i32
        %dma_wait3A_253 = arith.constant 0 : i32
        %dma_wait3A_254 = arith.constant 0 : i32
        %dma_wait3A_255 = tpu.memref_slice %arg7[%dma_wait3A_253, %dma_wait3A_254] : memref<32x128xi32, #tpu.memory_space<vmem>> -> memref<1x128xi32, #tpu.memory_space<vmem>>
        %dma_wait3A_256 = tpu.memref_squeeze %dma_wait3A_255 : memref<1x128xi32, #tpu.memory_space<vmem>> -> memref<128xi32, #tpu.memory_space<vmem>>
        %dma_wait3A_257 = arith.constant 0 : i32
        %dma_wait3A_258 = arith.constant 0 : i32
        %dma_wait3A_259 = tpu.memref_slice %arg2[%dma_wait3A_257, %dma_wait3A_258] : memref<32256x96xbf16, #tpu.memory_space<hbm>> -> memref<32256x96xbf16, #tpu.memory_space<hbm>>
        tpu.wait_indirect_dma semaphore(%arg14 : memref<!tpu.dma_semaphore, #tpu.memory_space<semaphore_mem>>) src(%dma_wait3A_259 : memref<32256x96xbf16, #tpu.memory_space<hbm>>) dst(%arg9 : memref<128x96xbf16, #tpu.memory_space<vmem>>)
        %add3A_260 = arith.constant 0 : i32
        %add3A_261 = arith.addi %mul3A_252, %add3A_260 : i32
        %dma_start3A_262 = arith.constant 0 : i32
        %dma_start3A_263 = tpu.memref_slice %arg8[%add3A_261, %dma_start3A_262] : memref<32x128xi32, #tpu.memory_space<vmem>> -> memref<1x128xi32, #tpu.memory_space<vmem>>
        %dma_start3A_264 = tpu.memref_squeeze %dma_start3A_263 : memref<1x128xi32, #tpu.memory_space<vmem>> -> memref<128xi32, #tpu.memory_space<vmem>>
        %dma_start3A_265 = arith.constant 0 : i32
        %dma_start3A_266 = arith.constant 0 : i32
        %dma_start3A_267 = tpu.memref_slice %arg13[%dma_start3A_265, %dma_start3A_266] : memref<32512x96xbf16, #tpu.memory_space<vmem_shared>> -> memref<32512x96xbf16, #tpu.memory_space<vmem_shared>>
        tpu.enqueue_indirect_dma source(%arg9 : memref<128x96xbf16, #tpu.memory_space<vmem>>) target(%dma_start3A_267 : memref<32512x96xbf16, #tpu.memory_space<vmem_shared>>) offsets(%dma_start3A_264 : memref<128xi32, #tpu.memory_space<vmem>>) semaphore(%arg18 : memref<!tpu.dma_semaphore, #tpu.memory_space<semaphore_mem>>) {add = true}
        %dma_wait3A_268 = arith.constant 0 : i32
        %dma_wait3A_269 = arith.constant 0 : i32
        %dma_wait3A_270 = tpu.memref_slice %arg8[%dma_wait3A_268, %dma_wait3A_269] : memref<32x128xi32, #tpu.memory_space<vmem>> -> memref<1x128xi32, #tpu.memory_space<vmem>>
        %dma_wait3A_271 = tpu.memref_squeeze %dma_wait3A_270 : memref<1x128xi32, #tpu.memory_space<vmem>> -> memref<128xi32, #tpu.memory_space<vmem>>
        %dma_wait3A_272 = arith.constant 0 : i32
        %dma_wait3A_273 = arith.constant 0 : i32
        %dma_wait3A_274 = tpu.memref_slice %arg13[%dma_wait3A_272, %dma_wait3A_273] : memref<32512x96xbf16, #tpu.memory_space<vmem_shared>> -> memref<32512x96xbf16, #tpu.memory_space<vmem_shared>>
        tpu.wait_indirect_dma semaphore(%arg20 : memref<!tpu.dma_semaphore, #tpu.memory_space<semaphore_mem>>) src(%arg11 : memref<128x96xbf16, #tpu.memory_space<vmem>>) dst(%dma_wait3A_274 : memref<32512x96xbf16, #tpu.memory_space<vmem_shared>>)
        %add3A_275 = arith.constant 0 : i32
        %add3A_276 = arith.addi %mul3A_252, %add3A_275 : i32
        %add3A_277 = arith.constant 2 : i32
        %add3A_278 = arith.addi %add3A_276, %add3A_277 : i32
        %dma_start3A_279 = arith.constant 0 : i32
        %dma_start3A_280 = tpu.memref_slice %arg7[%add3A_278, %dma_start3A_279] : memref<32x128xi32, #tpu.memory_space<vmem>> -> memref<1x128xi32, #tpu.memory_space<vmem>>
        %dma_start3A_281 = tpu.memref_squeeze %dma_start3A_280 : memref<1x128xi32, #tpu.memory_space<vmem>> -> memref<128xi32, #tpu.memory_space<vmem>>
        %dma_start3A_282 = arith.constant 0 : i32
        %dma_start3A_283 = arith.constant 0 : i32
        %dma_start3A_284 = tpu.memref_slice %arg2[%dma_start3A_282, %dma_start3A_283] : memref<32256x96xbf16, #tpu.memory_space<hbm>> -> memref<32256x96xbf16, #tpu.memory_space<hbm>>
        tpu.enqueue_indirect_dma source(%dma_start3A_284 : memref<32256x96xbf16, #tpu.memory_space<hbm>>) target(%arg11 : memref<128x96xbf16, #tpu.memory_space<vmem>>) offsets(%dma_start3A_281 : memref<128xi32, #tpu.memory_space<vmem>>) semaphore(%arg16 : memref<!tpu.dma_semaphore, #tpu.memory_space<semaphore_mem>>)
        %dma_wait3A_285 = arith.constant 0 : i32
        %dma_wait3A_286 = arith.constant 0 : i32
        %dma_wait3A_287 = tpu.memref_slice %arg7[%dma_wait3A_285, %dma_wait3A_286] : memref<32x128xi32, #tpu.memory_space<vmem>> -> memref<1x128xi32, #tpu.memory_space<vmem>>
        %dma_wait3A_288 = tpu.memref_squeeze %dma_wait3A_287 : memref<1x128xi32, #tpu.memory_space<vmem>> -> memref<128xi32, #tpu.memory_space<vmem>>
        %dma_wait3A_289 = arith.constant 0 : i32
        %dma_wait3A_290 = arith.constant 0 : i32
        %dma_wait3A_291 = tpu.memref_slice %arg2[%dma_wait3A_289, %dma_wait3A_290] : memref<32256x96xbf16, #tpu.memory_space<hbm>> -> memref<32256x96xbf16, #tpu.memory_space<hbm>>
        tpu.wait_indirect_dma semaphore(%arg15 : memref<!tpu.dma_semaphore, #tpu.memory_space<semaphore_mem>>) src(%dma_wait3A_291 : memref<32256x96xbf16, #tpu.memory_space<hbm>>) dst(%arg10 : memref<128x96xbf16, #tpu.memory_space<vmem>>)
        %add3A_292 = arith.constant 1 : i32
        %add3A_293 = arith.addi %mul3A_252, %add3A_292 : i32
        %dma_start3A_294 = arith.constant 0 : i32
        %dma_start3A_295 = tpu.memref_slice %arg8[%add3A_293, %dma_start3A_294] : memref<32x128xi32, #tpu.memory_space<vmem>> -> memref<1x128xi32, #tpu.memory_space<vmem>>
        %dma_start3A_296 = tpu.memref_squeeze %dma_start3A_295 : memref<1x128xi32, #tpu.memory_space<vmem>> -> memref<128xi32, #tpu.memory_space<vmem>>
        %dma_start3A_297 = arith.constant 0 : i32
        %dma_start3A_298 = arith.constant 0 : i32
        %dma_start3A_299 = tpu.memref_slice %arg13[%dma_start3A_297, %dma_start3A_298] : memref<32512x96xbf16, #tpu.memory_space<vmem_shared>> -> memref<32512x96xbf16, #tpu.memory_space<vmem_shared>>
        tpu.enqueue_indirect_dma source(%arg10 : memref<128x96xbf16, #tpu.memory_space<vmem>>) target(%dma_start3A_299 : memref<32512x96xbf16, #tpu.memory_space<vmem_shared>>) offsets(%dma_start3A_296 : memref<128xi32, #tpu.memory_space<vmem>>) semaphore(%arg19 : memref<!tpu.dma_semaphore, #tpu.memory_space<semaphore_mem>>) {add = true}
        %dma_wait3A_300 = arith.constant 0 : i32
        %dma_wait3A_301 = arith.constant 0 : i32
        %dma_wait3A_302 = tpu.memref_slice %arg8[%dma_wait3A_300, %dma_wait3A_301] : memref<32x128xi32, #tpu.memory_space<vmem>> -> memref<1x128xi32, #tpu.memory_space<vmem>>
        %dma_wait3A_303 = tpu.memref_squeeze %dma_wait3A_302 : memref<1x128xi32, #tpu.memory_space<vmem>> -> memref<128xi32, #tpu.memory_space<vmem>>
        %dma_wait3A_304 = arith.constant 0 : i32
        %dma_wait3A_305 = arith.constant 0 : i32
        %dma_wait3A_306 = tpu.memref_slice %arg13[%dma_wait3A_304, %dma_wait3A_305] : memref<32512x96xbf16, #tpu.memory_space<vmem_shared>> -> memref<32512x96xbf16, #tpu.memory_space<vmem_shared>>
        tpu.wait_indirect_dma semaphore(%arg21 : memref<!tpu.dma_semaphore, #tpu.memory_space<semaphore_mem>>) src(%arg12 : memref<128x96xbf16, #tpu.memory_space<vmem>>) dst(%dma_wait3A_306 : memref<32512x96xbf16, #tpu.memory_space<vmem_shared>>)
        %add3A_307 = arith.constant 1 : i32
        %add3A_308 = arith.addi %mul3A_252, %add3A_307 : i32
        %add3A_309 = arith.constant 2 : i32
        %add3A_310 = arith.addi %add3A_308, %add3A_309 : i32
        %dma_start3A_311 = arith.constant 0 : i32
        %dma_start3A_312 = tpu.memref_slice %arg7[%add3A_310, %dma_start3A_311] : memref<32x128xi32, #tpu.memory_space<vmem>> -> memref<1x128xi32, #tpu.memory_space<vmem>>
        %dma_start3A_313 = tpu.memref_squeeze %dma_start3A_312 : memref<1x128xi32, #tpu.memory_space<vmem>> -> memref<128xi32, #tpu.memory_space<vmem>>
        %dma_start3A_314 = arith.constant 0 : i32
        %dma_start3A_315 = arith.constant 0 : i32
        %dma_start3A_316 = tpu.memref_slice %arg2[%dma_start3A_314, %dma_start3A_315] : memref<32256x96xbf16, #tpu.memory_space<hbm>> -> memref<32256x96xbf16, #tpu.memory_space<hbm>>
        tpu.enqueue_indirect_dma source(%dma_start3A_316 : memref<32256x96xbf16, #tpu.memory_space<hbm>>) target(%arg12 : memref<128x96xbf16, #tpu.memory_space<vmem>>) offsets(%dma_start3A_313 : memref<128xi32, #tpu.memory_space<vmem>>) semaphore(%arg17 : memref<!tpu.dma_semaphore, #tpu.memory_space<semaphore_mem>>)
        %dma_wait3A_317 = arith.constant 0 : i32
        %dma_wait3A_318 = arith.constant 0 : i32
        %dma_wait3A_319 = tpu.memref_slice %arg7[%dma_wait3A_317, %dma_wait3A_318] : memref<32x128xi32, #tpu.memory_space<vmem>> -> memref<1x128xi32, #tpu.memory_space<vmem>>
        %dma_wait3A_320 = tpu.memref_squeeze %dma_wait3A_319 : memref<1x128xi32, #tpu.memory_space<vmem>> -> memref<128xi32, #tpu.memory_space<vmem>>
        %dma_wait3A_321 = arith.constant 0 : i32
        %dma_wait3A_322 = arith.constant 0 : i32
        %dma_wait3A_323 = tpu.memref_slice %arg2[%dma_wait3A_321, %dma_wait3A_322] : memref<32256x96xbf16, #tpu.memory_space<hbm>> -> memref<32256x96xbf16, #tpu.memory_space<hbm>>
        tpu.wait_indirect_dma semaphore(%arg16 : memref<!tpu.dma_semaphore, #tpu.memory_space<semaphore_mem>>) src(%dma_wait3A_323 : memref<32256x96xbf16, #tpu.memory_space<hbm>>) dst(%arg11 : memref<128x96xbf16, #tpu.memory_space<vmem>>)
        %add3A_324 = arith.constant 2 : i32
        %add3A_325 = arith.addi %mul3A_252, %add3A_324 : i32
        %dma_start3A_326 = arith.constant 0 : i32
        %dma_start3A_327 = tpu.memref_slice %arg8[%add3A_325, %dma_start3A_326] : memref<32x128xi32, #tpu.memory_space<vmem>> -> memref<1x128xi32, #tpu.memory_space<vmem>>
        %dma_start3A_328 = tpu.memref_squeeze %dma_start3A_327 : memref<1x128xi32, #tpu.memory_space<vmem>> -> memref<128xi32, #tpu.memory_space<vmem>>
        %dma_start3A_329 = arith.constant 0 : i32
        %dma_start3A_330 = arith.constant 0 : i32
        %dma_start3A_331 = tpu.memref_slice %arg13[%dma_start3A_329, %dma_start3A_330] : memref<32512x96xbf16, #tpu.memory_space<vmem_shared>> -> memref<32512x96xbf16, #tpu.memory_space<vmem_shared>>
        tpu.enqueue_indirect_dma source(%arg11 : memref<128x96xbf16, #tpu.memory_space<vmem>>) target(%dma_start3A_331 : memref<32512x96xbf16, #tpu.memory_space<vmem_shared>>) offsets(%dma_start3A_328 : memref<128xi32, #tpu.memory_space<vmem>>) semaphore(%arg20 : memref<!tpu.dma_semaphore, #tpu.memory_space<semaphore_mem>>) {add = true}
        %dma_wait3A_332 = arith.constant 0 : i32
        %dma_wait3A_333 = arith.constant 0 : i32
        %dma_wait3A_334 = tpu.memref_slice %arg8[%dma_wait3A_332, %dma_wait3A_333] : memref<32x128xi32, #tpu.memory_space<vmem>> -> memref<1x128xi32, #tpu.memory_space<vmem>>
        %dma_wait3A_335 = tpu.memref_squeeze %dma_wait3A_334 : memref<1x128xi32, #tpu.memory_space<vmem>> -> memref<128xi32, #tpu.memory_space<vmem>>
        %dma_wait3A_336 = arith.constant 0 : i32
        %dma_wait3A_337 = arith.constant 0 : i32
        %dma_wait3A_338 = tpu.memref_slice %arg13[%dma_wait3A_336, %dma_wait3A_337] : memref<32512x96xbf16, #tpu.memory_space<vmem_shared>> -> memref<32512x96xbf16, #tpu.memory_space<vmem_shared>>
        tpu.wait_indirect_dma semaphore(%arg18 : memref<!tpu.dma_semaphore, #tpu.memory_space<semaphore_mem>>) src(%arg9 : memref<128x96xbf16, #tpu.memory_space<vmem>>) dst(%dma_wait3A_338 : memref<32512x96xbf16, #tpu.memory_space<vmem_shared>>)
        %add3A_339 = arith.constant 2 : i32
        %add3A_340 = arith.addi %mul3A_252, %add3A_339 : i32
        %add3A_341 = arith.constant 2 : i32
        %add3A_342 = arith.addi %add3A_340, %add3A_341 : i32
        %dma_start3A_343 = arith.constant 0 : i32
        %dma_start3A_344 = tpu.memref_slice %arg7[%add3A_342, %dma_start3A_343] : memref<32x128xi32, #tpu.memory_space<vmem>> -> memref<1x128xi32, #tpu.memory_space<vmem>>
        %dma_start3A_345 = tpu.memref_squeeze %dma_start3A_344 : memref<1x128xi32, #tpu.memory_space<vmem>> -> memref<128xi32, #tpu.memory_space<vmem>>
        %dma_start3A_346 = arith.constant 0 : i32
        %dma_start3A_347 = arith.constant 0 : i32
        %dma_start3A_348 = tpu.memref_slice %arg2[%dma_start3A_346, %dma_start3A_347] : memref<32256x96xbf16, #tpu.memory_space<hbm>> -> memref<32256x96xbf16, #tpu.memory_space<hbm>>
        tpu.enqueue_indirect_dma source(%dma_start3A_348 : memref<32256x96xbf16, #tpu.memory_space<hbm>>) target(%arg9 : memref<128x96xbf16, #tpu.memory_space<vmem>>) offsets(%dma_start3A_345 : memref<128xi32, #tpu.memory_space<vmem>>) semaphore(%arg14 : memref<!tpu.dma_semaphore, #tpu.memory_space<semaphore_mem>>)
        %dma_wait3A_349 = arith.constant 0 : i32
        %dma_wait3A_350 = arith.constant 0 : i32
        %dma_wait3A_351 = tpu.memref_slice %arg7[%dma_wait3A_349, %dma_wait3A_350] : memref<32x128xi32, #tpu.memory_space<vmem>> -> memref<1x128xi32, #tpu.memory_space<vmem>>
        %dma_wait3A_352 = tpu.memref_squeeze %dma_wait3A_351 : memref<1x128xi32, #tpu.memory_space<vmem>> -> memref<128xi32, #tpu.memory_space<vmem>>
        %dma_wait3A_353 = arith.constant 0 : i32
        %dma_wait3A_354 = arith.constant 0 : i32
        %dma_wait3A_355 = tpu.memref_slice %arg2[%dma_wait3A_353, %dma_wait3A_354] : memref<32256x96xbf16, #tpu.memory_space<hbm>> -> memref<32256x96xbf16, #tpu.memory_space<hbm>>
        tpu.wait_indirect_dma semaphore(%arg17 : memref<!tpu.dma_semaphore, #tpu.memory_space<semaphore_mem>>) src(%dma_wait3A_355 : memref<32256x96xbf16, #tpu.memory_space<hbm>>) dst(%arg12 : memref<128x96xbf16, #tpu.memory_space<vmem>>)
        %add3A_356 = arith.constant 3 : i32
        %add3A_357 = arith.addi %mul3A_252, %add3A_356 : i32
        %dma_start3A_358 = arith.constant 0 : i32
        %dma_start3A_359 = tpu.memref_slice %arg8[%add3A_357, %dma_start3A_358] : memref<32x128xi32, #tpu.memory_space<vmem>> -> memref<1x128xi32, #tpu.memory_space<vmem>>
        %dma_start3A_360 = tpu.memref_squeeze %dma_start3A_359 : memref<1x128xi32, #tpu.memory_space<vmem>> -> memref<128xi32, #tpu.memory_space<vmem>>
        %dma_start3A_361 = arith.constant 0 : i32
        %dma_start3A_362 = arith.constant 0 : i32
        %dma_start3A_363 = tpu.memref_slice %arg13[%dma_start3A_361, %dma_start3A_362] : memref<32512x96xbf16, #tpu.memory_space<vmem_shared>> -> memref<32512x96xbf16, #tpu.memory_space<vmem_shared>>
        tpu.enqueue_indirect_dma source(%arg12 : memref<128x96xbf16, #tpu.memory_space<vmem>>) target(%dma_start3A_363 : memref<32512x96xbf16, #tpu.memory_space<vmem_shared>>) offsets(%dma_start3A_360 : memref<128xi32, #tpu.memory_space<vmem>>) semaphore(%arg21 : memref<!tpu.dma_semaphore, #tpu.memory_space<semaphore_mem>>) {add = true}
        %dma_wait3A_364 = arith.constant 0 : i32
        %dma_wait3A_365 = arith.constant 0 : i32
        %dma_wait3A_366 = tpu.memref_slice %arg8[%dma_wait3A_364, %dma_wait3A_365] : memref<32x128xi32, #tpu.memory_space<vmem>> -> memref<1x128xi32, #tpu.memory_space<vmem>>
        %dma_wait3A_367 = tpu.memref_squeeze %dma_wait3A_366 : memref<1x128xi32, #tpu.memory_space<vmem>> -> memref<128xi32, #tpu.memory_space<vmem>>
        %dma_wait3A_368 = arith.constant 0 : i32
        %dma_wait3A_369 = arith.constant 0 : i32
        %dma_wait3A_370 = tpu.memref_slice %arg13[%dma_wait3A_368, %dma_wait3A_369] : memref<32512x96xbf16, #tpu.memory_space<vmem_shared>> -> memref<32512x96xbf16, #tpu.memory_space<vmem_shared>>
        tpu.wait_indirect_dma semaphore(%arg19 : memref<!tpu.dma_semaphore, #tpu.memory_space<semaphore_mem>>) src(%arg10 : memref<128x96xbf16, #tpu.memory_space<vmem>>) dst(%dma_wait3A_370 : memref<32512x96xbf16, #tpu.memory_space<vmem_shared>>)
        %add3A_371 = arith.constant 3 : i32
        %add3A_372 = arith.addi %mul3A_252, %add3A_371 : i32
        %add3A_373 = arith.constant 2 : i32
        %add3A_374 = arith.addi %add3A_372, %add3A_373 : i32
        %dma_start3A_375 = arith.constant 0 : i32
        %dma_start3A_376 = tpu.memref_slice %arg7[%add3A_374, %dma_start3A_375] : memref<32x128xi32, #tpu.memory_space<vmem>> -> memref<1x128xi32, #tpu.memory_space<vmem>>
        %dma_start3A_377 = tpu.memref_squeeze %dma_start3A_376 : memref<1x128xi32, #tpu.memory_space<vmem>> -> memref<128xi32, #tpu.memory_space<vmem>>
        %dma_start3A_378 = arith.constant 0 : i32
        %dma_start3A_379 = arith.constant 0 : i32
        %dma_start3A_380 = tpu.memref_slice %arg2[%dma_start3A_378, %dma_start3A_379] : memref<32256x96xbf16, #tpu.memory_space<hbm>> -> memref<32256x96xbf16, #tpu.memory_space<hbm>>
        tpu.enqueue_indirect_dma source(%dma_start3A_380 : memref<32256x96xbf16, #tpu.memory_space<hbm>>) target(%arg10 : memref<128x96xbf16, #tpu.memory_space<vmem>>) offsets(%dma_start3A_377 : memref<128xi32, #tpu.memory_space<vmem>>) semaphore(%arg15 : memref<!tpu.dma_semaphore, #tpu.memory_space<semaphore_mem>>)
      }
      %scan3A_137 = arith.constant 6 : i32
      %dma_wait3A_138 = arith.constant 0 : i32
      %dma_wait3A_139 = arith.constant 0 : i32
      %dma_wait3A_140 = tpu.memref_slice %arg7[%dma_wait3A_138, %dma_wait3A_139] : memref<32x128xi32, #tpu.memory_space<vmem>> -> memref<1x128xi32, #tpu.memory_space<vmem>>
      %dma_wait3A_141 = tpu.memref_squeeze %dma_wait3A_140 : memref<1x128xi32, #tpu.memory_space<vmem>> -> memref<128xi32, #tpu.memory_space<vmem>>
      %dma_wait3A_142 = arith.constant 0 : i32
      %dma_wait3A_143 = arith.constant 0 : i32
      %dma_wait3A_144 = tpu.memref_slice %arg2[%dma_wait3A_142, %dma_wait3A_143] : memref<32256x96xbf16, #tpu.memory_space<hbm>> -> memref<32256x96xbf16, #tpu.memory_space<hbm>>
      tpu.wait_indirect_dma semaphore(%arg14 : memref<!tpu.dma_semaphore, #tpu.memory_space<semaphore_mem>>) src(%dma_wait3A_144 : memref<32256x96xbf16, #tpu.memory_space<hbm>>) dst(%arg9 : memref<128x96xbf16, #tpu.memory_space<vmem>>)
      %dma_start3A_145 = arith.constant 28 : i32
      %dma_start3A_146 = arith.constant 0 : i32
      %dma_start3A_147 = tpu.memref_slice %arg8[%dma_start3A_145, %dma_start3A_146] : memref<32x128xi32, #tpu.memory_space<vmem>> -> memref<1x128xi32, #tpu.memory_space<vmem>>
      %dma_start3A_148 = tpu.memref_squeeze %dma_start3A_147 : memref<1x128xi32, #tpu.memory_space<vmem>> -> memref<128xi32, #tpu.memory_space<vmem>>
      %dma_start3A_149 = arith.constant 0 : i32
      %dma_start3A_150 = arith.constant 0 : i32
      %dma_start3A_151 = tpu.memref_slice %arg13[%dma_start3A_149, %dma_start3A_150] : memref<32512x96xbf16, #tpu.memory_space<vmem_shared>> -> memref<32512x96xbf16, #tpu.memory_space<vmem_shared>>
      tpu.enqueue_indirect_dma source(%arg9 : memref<128x96xbf16, #tpu.memory_space<vmem>>) target(%dma_start3A_151 : memref<32512x96xbf16, #tpu.memory_space<vmem_shared>>) offsets(%dma_start3A_148 : memref<128xi32, #tpu.memory_space<vmem>>) semaphore(%arg18 : memref<!tpu.dma_semaphore, #tpu.memory_space<semaphore_mem>>) {add = true}
      %dma_wait3A_152 = arith.constant 0 : i32
      %dma_wait3A_153 = arith.constant 0 : i32
      %dma_wait3A_154 = tpu.memref_slice %arg8[%dma_wait3A_152, %dma_wait3A_153] : memref<32x128xi32, #tpu.memory_space<vmem>> -> memref<1x128xi32, #tpu.memory_space<vmem>>
      %dma_wait3A_155 = tpu.memref_squeeze %dma_wait3A_154 : memref<1x128xi32, #tpu.memory_space<vmem>> -> memref<128xi32, #tpu.memory_space<vmem>>
      %dma_wait3A_156 = arith.constant 0 : i32
      %dma_wait3A_157 = arith.constant 0 : i32
      %dma_wait3A_158 = tpu.memref_slice %arg13[%dma_wait3A_156, %dma_wait3A_157] : memref<32512x96xbf16, #tpu.memory_space<vmem_shared>> -> memref<32512x96xbf16, #tpu.memory_space<vmem_shared>>
      tpu.wait_indirect_dma semaphore(%arg20 : memref<!tpu.dma_semaphore, #tpu.memory_space<semaphore_mem>>) src(%arg11 : memref<128x96xbf16, #tpu.memory_space<vmem>>) dst(%dma_wait3A_158 : memref<32512x96xbf16, #tpu.memory_space<vmem_shared>>)
      %dma_start3A_159 = arith.constant 30 : i32
      %dma_start3A_160 = arith.constant 0 : i32
      %dma_start3A_161 = tpu.memref_slice %arg7[%dma_start3A_159, %dma_start3A_160] : memref<32x128xi32, #tpu.memory_space<vmem>> -> memref<1x128xi32, #tpu.memory_space<vmem>>
      %dma_start3A_162 = tpu.memref_squeeze %dma_start3A_161 : memref<1x128xi32, #tpu.memory_space<vmem>> -> memref<128xi32, #tpu.memory_space<vmem>>
      %dma_start3A_163 = arith.constant 0 : i32
      %dma_start3A_164 = arith.constant 0 : i32
      %dma_start3A_165 = tpu.memref_slice %arg2[%dma_start3A_163, %dma_start3A_164] : memref<32256x96xbf16, #tpu.memory_space<hbm>> -> memref<32256x96xbf16, #tpu.memory_space<hbm>>
      tpu.enqueue_indirect_dma source(%dma_start3A_165 : memref<32256x96xbf16, #tpu.memory_space<hbm>>) target(%arg11 : memref<128x96xbf16, #tpu.memory_space<vmem>>) offsets(%dma_start3A_162 : memref<128xi32, #tpu.memory_space<vmem>>) semaphore(%arg16 : memref<!tpu.dma_semaphore, #tpu.memory_space<semaphore_mem>>)
      %dma_wait3A_166 = arith.constant 0 : i32
      %dma_wait3A_167 = arith.constant 0 : i32
      %dma_wait3A_168 = tpu.memref_slice %arg7[%dma_wait3A_166, %dma_wait3A_167] : memref<32x128xi32, #tpu.memory_space<vmem>> -> memref<1x128xi32, #tpu.memory_space<vmem>>
      %dma_wait3A_169 = tpu.memref_squeeze %dma_wait3A_168 : memref<1x128xi32, #tpu.memory_space<vmem>> -> memref<128xi32, #tpu.memory_space<vmem>>
      %dma_wait3A_170 = arith.constant 0 : i32
      %dma_wait3A_171 = arith.constant 0 : i32
      %dma_wait3A_172 = tpu.memref_slice %arg2[%dma_wait3A_170, %dma_wait3A_171] : memref<32256x96xbf16, #tpu.memory_space<hbm>> -> memref<32256x96xbf16, #tpu.memory_space<hbm>>
      tpu.wait_indirect_dma semaphore(%arg15 : memref<!tpu.dma_semaphore, #tpu.memory_space<semaphore_mem>>) src(%dma_wait3A_172 : memref<32256x96xbf16, #tpu.memory_space<hbm>>) dst(%arg10 : memref<128x96xbf16, #tpu.memory_space<vmem>>)
      %dma_start3A_173 = arith.constant 29 : i32
      %dma_start3A_174 = arith.constant 0 : i32
      %dma_start3A_175 = tpu.memref_slice %arg8[%dma_start3A_173, %dma_start3A_174] : memref<32x128xi32, #tpu.memory_space<vmem>> -> memref<1x128xi32, #tpu.memory_space<vmem>>
      %dma_start3A_176 = tpu.memref_squeeze %dma_start3A_175 : memref<1x128xi32, #tpu.memory_space<vmem>> -> memref<128xi32, #tpu.memory_space<vmem>>
      %dma_start3A_177 = arith.constant 0 : i32
      %dma_start3A_178 = arith.constant 0 : i32
      %dma_start3A_179 = tpu.memref_slice %arg13[%dma_start3A_177, %dma_start3A_178] : memref<32512x96xbf16, #tpu.memory_space<vmem_shared>> -> memref<32512x96xbf16, #tpu.memory_space<vmem_shared>>
      tpu.enqueue_indirect_dma source(%arg10 : memref<128x96xbf16, #tpu.memory_space<vmem>>) target(%dma_start3A_179 : memref<32512x96xbf16, #tpu.memory_space<vmem_shared>>) offsets(%dma_start3A_176 : memref<128xi32, #tpu.memory_space<vmem>>) semaphore(%arg19 : memref<!tpu.dma_semaphore, #tpu.memory_space<semaphore_mem>>) {add = true}
      %dma_wait3A_180 = arith.constant 0 : i32
      %dma_wait3A_181 = arith.constant 0 : i32
      %dma_wait3A_182 = tpu.memref_slice %arg8[%dma_wait3A_180, %dma_wait3A_181] : memref<32x128xi32, #tpu.memory_space<vmem>> -> memref<1x128xi32, #tpu.memory_space<vmem>>
      %dma_wait3A_183 = tpu.memref_squeeze %dma_wait3A_182 : memref<1x128xi32, #tpu.memory_space<vmem>> -> memref<128xi32, #tpu.memory_space<vmem>>
      %dma_wait3A_184 = arith.constant 0 : i32
      %dma_wait3A_185 = arith.constant 0 : i32
      %dma_wait3A_186 = tpu.memref_slice %arg13[%dma_wait3A_184, %dma_wait3A_185] : memref<32512x96xbf16, #tpu.memory_space<vmem_shared>> -> memref<32512x96xbf16, #tpu.memory_space<vmem_shared>>
      tpu.wait_indirect_dma semaphore(%arg21 : memref<!tpu.dma_semaphore, #tpu.memory_space<semaphore_mem>>) src(%arg12 : memref<128x96xbf16, #tpu.memory_space<vmem>>) dst(%dma_wait3A_186 : memref<32512x96xbf16, #tpu.memory_space<vmem_shared>>)
      %dma_start3A_187 = arith.constant 31 : i32
      %dma_start3A_188 = arith.constant 0 : i32
      %dma_start3A_189 = tpu.memref_slice %arg7[%dma_start3A_187, %dma_start3A_188] : memref<32x128xi32, #tpu.memory_space<vmem>> -> memref<1x128xi32, #tpu.memory_space<vmem>>
      %dma_start3A_190 = tpu.memref_squeeze %dma_start3A_189 : memref<1x128xi32, #tpu.memory_space<vmem>> -> memref<128xi32, #tpu.memory_space<vmem>>
      %dma_start3A_191 = arith.constant 0 : i32
      %dma_start3A_192 = arith.constant 0 : i32
      %dma_start3A_193 = tpu.memref_slice %arg2[%dma_start3A_191, %dma_start3A_192] : memref<32256x96xbf16, #tpu.memory_space<hbm>> -> memref<32256x96xbf16, #tpu.memory_space<hbm>>
      tpu.enqueue_indirect_dma source(%dma_start3A_193 : memref<32256x96xbf16, #tpu.memory_space<hbm>>) target(%arg12 : memref<128x96xbf16, #tpu.memory_space<vmem>>) offsets(%dma_start3A_190 : memref<128xi32, #tpu.memory_space<vmem>>) semaphore(%arg17 : memref<!tpu.dma_semaphore, #tpu.memory_space<semaphore_mem>>)
      %dma_wait3A_194 = arith.constant 0 : i32
      %dma_wait3A_195 = arith.constant 0 : i32
      %dma_wait3A_196 = tpu.memref_slice %arg7[%dma_wait3A_194, %dma_wait3A_195] : memref<32x128xi32, #tpu.memory_space<vmem>> -> memref<1x128xi32, #tpu.memory_space<vmem>>
      %dma_wait3A_197 = tpu.memref_squeeze %dma_wait3A_196 : memref<1x128xi32, #tpu.memory_space<vmem>> -> memref<128xi32, #tpu.memory_space<vmem>>
      %dma_wait3A_198 = arith.constant 0 : i32
      %dma_wait3A_199 = arith.constant 0 : i32
      %dma_wait3A_200 = tpu.memref_slice %arg2[%dma_wait3A_198, %dma_wait3A_199] : memref<32256x96xbf16, #tpu.memory_space<hbm>> -> memref<32256x96xbf16, #tpu.memory_space<hbm>>
      tpu.wait_indirect_dma semaphore(%arg16 : memref<!tpu.dma_semaphore, #tpu.memory_space<semaphore_mem>>) src(%dma_wait3A_200 : memref<32256x96xbf16, #tpu.memory_space<hbm>>) dst(%arg11 : memref<128x96xbf16, #tpu.memory_space<vmem>>)
      %dma_start3A_201 = arith.constant 30 : i32
      %dma_start3A_202 = arith.constant 0 : i32
      %dma_start3A_203 = tpu.memref_slice %arg8[%dma_start3A_201, %dma_start3A_202] : memref<32x128xi32, #tpu.memory_space<vmem>> -> memref<1x128xi32, #tpu.memory_space<vmem>>
      %dma_start3A_204 = tpu.memref_squeeze %dma_start3A_203 : memref<1x128xi32, #tpu.memory_space<vmem>> -> memref<128xi32, #tpu.memory_space<vmem>>
      %dma_start3A_205 = arith.constant 0 : i32
      %dma_start3A_206 = arith.constant 0 : i32
      %dma_start3A_207 = tpu.memref_slice %arg13[%dma_start3A_205, %dma_start3A_206] : memref<32512x96xbf16, #tpu.memory_space<vmem_shared>> -> memref<32512x96xbf16, #tpu.memory_space<vmem_shared>>
      tpu.enqueue_indirect_dma source(%arg11 : memref<128x96xbf16, #tpu.memory_space<vmem>>) target(%dma_start3A_207 : memref<32512x96xbf16, #tpu.memory_space<vmem_shared>>) offsets(%dma_start3A_204 : memref<128xi32, #tpu.memory_space<vmem>>) semaphore(%arg20 : memref<!tpu.dma_semaphore, #tpu.memory_space<semaphore_mem>>) {add = true}
      %dma_wait3A_208 = arith.constant 0 : i32
      %dma_wait3A_209 = arith.constant 0 : i32
      %dma_wait3A_210 = tpu.memref_slice %arg7[%dma_wait3A_208, %dma_wait3A_209] : memref<32x128xi32, #tpu.memory_space<vmem>> -> memref<1x128xi32, #tpu.memory_space<vmem>>
      %dma_wait3A_211 = tpu.memref_squeeze %dma_wait3A_210 : memref<1x128xi32, #tpu.memory_space<vmem>> -> memref<128xi32, #tpu.memory_space<vmem>>
      %dma_wait3A_212 = arith.constant 0 : i32
      %dma_wait3A_213 = arith.constant 0 : i32
      %dma_wait3A_214 = tpu.memref_slice %arg2[%dma_wait3A_212, %dma_wait3A_213] : memref<32256x96xbf16, #tpu.memory_space<hbm>> -> memref<32256x96xbf16, #tpu.memory_space<hbm>>
      tpu.wait_indirect_dma semaphore(%arg17 : memref<!tpu.dma_semaphore, #tpu.memory_space<semaphore_mem>>) src(%dma_wait3A_214 : memref<32256x96xbf16, #tpu.memory_space<hbm>>) dst(%arg12 : memref<128x96xbf16, #tpu.memory_space<vmem>>)
      %dma_start3A_215 = arith.constant 31 : i32
      %dma_start3A_216 = arith.constant 0 : i32
      %dma_start3A_217 = tpu.memref_slice %arg8[%dma_start3A_215, %dma_start3A_216] : memref<32x128xi32, #tpu.memory_space<vmem>> -> memref<1x128xi32, #tpu.memory_space<vmem>>
      %dma_start3A_218 = tpu.memref_squeeze %dma_start3A_217 : memref<1x128xi32, #tpu.memory_space<vmem>> -> memref<128xi32, #tpu.memory_space<vmem>>
      %dma_start3A_219 = arith.constant 0 : i32
      %dma_start3A_220 = arith.constant 0 : i32
      %dma_start3A_221 = tpu.memref_slice %arg13[%dma_start3A_219, %dma_start3A_220] : memref<32512x96xbf16, #tpu.memory_space<vmem_shared>> -> memref<32512x96xbf16, #tpu.memory_space<vmem_shared>>
      tpu.enqueue_indirect_dma source(%arg12 : memref<128x96xbf16, #tpu.memory_space<vmem>>) target(%dma_start3A_221 : memref<32512x96xbf16, #tpu.memory_space<vmem_shared>>) offsets(%dma_start3A_218 : memref<128xi32, #tpu.memory_space<vmem>>) semaphore(%arg21 : memref<!tpu.dma_semaphore, #tpu.memory_space<semaphore_mem>>) {add = true}
      %dma_wait3A_222 = arith.constant 0 : i32
      %dma_wait3A_223 = arith.constant 0 : i32
      %dma_wait3A_224 = tpu.memref_slice %arg8[%dma_wait3A_222, %dma_wait3A_223] : memref<32x128xi32, #tpu.memory_space<vmem>> -> memref<1x128xi32, #tpu.memory_space<vmem>>
      %dma_wait3A_225 = tpu.memref_squeeze %dma_wait3A_224 : memref<1x128xi32, #tpu.memory_space<vmem>> -> memref<128xi32, #tpu.memory_space<vmem>>
      %dma_wait3A_226 = arith.constant 0 : i32
      %dma_wait3A_227 = arith.constant 0 : i32
      %dma_wait3A_228 = tpu.memref_slice %arg13[%dma_wait3A_226, %dma_wait3A_227] : memref<32512x96xbf16, #tpu.memory_space<vmem_shared>> -> memref<32512x96xbf16, #tpu.memory_space<vmem_shared>>
      tpu.wait_indirect_dma semaphore(%arg18 : memref<!tpu.dma_semaphore, #tpu.memory_space<semaphore_mem>>) src(%arg9 : memref<128x96xbf16, #tpu.memory_space<vmem>>) dst(%dma_wait3A_228 : memref<32512x96xbf16, #tpu.memory_space<vmem_shared>>)
      %dma_wait3A_229 = arith.constant 0 : i32
      %dma_wait3A_230 = arith.constant 0 : i32
      %dma_wait3A_231 = tpu.memref_slice %arg8[%dma_wait3A_229, %dma_wait3A_230] : memref<32x128xi32, #tpu.memory_space<vmem>> -> memref<1x128xi32, #tpu.memory_space<vmem>>
      %dma_wait3A_232 = tpu.memref_squeeze %dma_wait3A_231 : memref<1x128xi32, #tpu.memory_space<vmem>> -> memref<128xi32, #tpu.memory_space<vmem>>
      %dma_wait3A_233 = arith.constant 0 : i32
      %dma_wait3A_234 = arith.constant 0 : i32
      %dma_wait3A_235 = tpu.memref_slice %arg13[%dma_wait3A_233, %dma_wait3A_234] : memref<32512x96xbf16, #tpu.memory_space<vmem_shared>> -> memref<32512x96xbf16, #tpu.memory_space<vmem_shared>>
      tpu.wait_indirect_dma semaphore(%arg19 : memref<!tpu.dma_semaphore, #tpu.memory_space<semaphore_mem>>) src(%arg10 : memref<128x96xbf16, #tpu.memory_space<vmem>>) dst(%dma_wait3A_235 : memref<32512x96xbf16, #tpu.memory_space<vmem_shared>>)
      %dma_wait3A_236 = arith.constant 0 : i32
      %dma_wait3A_237 = arith.constant 0 : i32
      %dma_wait3A_238 = tpu.memref_slice %arg8[%dma_wait3A_236, %dma_wait3A_237] : memref<32x128xi32, #tpu.memory_space<vmem>> -> memref<1x128xi32, #tpu.memory_space<vmem>>
      %dma_wait3A_239 = tpu.memref_squeeze %dma_wait3A_238 : memref<1x128xi32, #tpu.memory_space<vmem>> -> memref<128xi32, #tpu.memory_space<vmem>>
      %dma_wait3A_240 = arith.constant 0 : i32
      %dma_wait3A_241 = arith.constant 0 : i32
      %dma_wait3A_242 = tpu.memref_slice %arg13[%dma_wait3A_240, %dma_wait3A_241] : memref<32512x96xbf16, #tpu.memory_space<vmem_shared>> -> memref<32512x96xbf16, #tpu.memory_space<vmem_shared>>
      tpu.wait_indirect_dma semaphore(%arg20 : memref<!tpu.dma_semaphore, #tpu.memory_space<semaphore_mem>>) src(%arg11 : memref<128x96xbf16, #tpu.memory_space<vmem>>) dst(%dma_wait3A_242 : memref<32512x96xbf16, #tpu.memory_space<vmem_shared>>)
      %dma_wait3A_243 = arith.constant 0 : i32
      %dma_wait3A_244 = arith.constant 0 : i32
      %dma_wait3A_245 = tpu.memref_slice %arg8[%dma_wait3A_243, %dma_wait3A_244] : memref<32x128xi32, #tpu.memory_space<vmem>> -> memref<1x128xi32, #tpu.memory_space<vmem>>
      %dma_wait3A_246 = tpu.memref_squeeze %dma_wait3A_245 : memref<1x128xi32, #tpu.memory_space<vmem>> -> memref<128xi32, #tpu.memory_space<vmem>>
      %dma_wait3A_247 = arith.constant 0 : i32
      %dma_wait3A_248 = arith.constant 0 : i32
      %dma_wait3A_249 = tpu.memref_slice %arg13[%dma_wait3A_247, %dma_wait3A_248] : memref<32512x96xbf16, #tpu.memory_space<vmem_shared>> -> memref<32512x96xbf16, #tpu.memory_space<vmem_shared>>
      tpu.wait_indirect_dma semaphore(%arg21 : memref<!tpu.dma_semaphore, #tpu.memory_space<semaphore_mem>>) src(%arg12 : memref<128x96xbf16, #tpu.memory_space<vmem>>) dst(%dma_wait3A_249 : memref<32512x96xbf16, #tpu.memory_space<vmem_shared>>)
    }
    %barrier3A_14 = arith.constant 0 : index
    tpu.barrier barrier_id(%barrier3A_14)
    %mul3A_15 = arith.constant 2016 : i32
    %mul3A_16 = arith.muli %arg1, %mul3A_15 : i32
    %mul3A_17 = arith.constant 2016 : i32
    %mul3A_18 = arith.muli %arg1, %mul3A_17 : i32
    "tpu.region"() ({
      %run_scoped3A = tpu.sem_alloc : memref<!tpu.dma_semaphore, #tpu.memory_space<semaphore_mem>>
      %dma_start3A = arith.constant 0 : i32
      %dma_start3A_19 = tpu.memref_slice %arg6[%arg0, %mul3A_18, %dma_start3A] : memref<2x32256x96xbf16, #tpu.memory_space<hbm>> -> memref<1x2016x96xbf16, #tpu.memory_space<hbm>>
      %dma_start3A_20 = tpu.memref_squeeze %dma_start3A_19 : memref<1x2016x96xbf16, #tpu.memory_space<hbm>> -> memref<2016x96xbf16, #tpu.memory_space<hbm>>
      %dma_start3A_21 = arith.constant 0 : i32
      %dma_start3A_22 = tpu.memref_slice %arg13[%mul3A_16, %dma_start3A_21] : memref<32512x96xbf16, #tpu.memory_space<vmem_shared>> -> memref<2016x96xbf16, #tpu.memory_space<vmem_shared>>
      tpu.enqueue_dma source(%dma_start3A_22 : memref<2016x96xbf16, #tpu.memory_space<vmem_shared>>) target(%dma_start3A_20 : memref<2016x96xbf16, #tpu.memory_space<hbm>>) target_semaphore(%run_scoped3A : memref<!tpu.dma_semaphore, #tpu.memory_space<semaphore_mem>>)
      %dma_wait3A = arith.constant 0 : i32
      %dma_wait3A_23 = tpu.memref_slice %arg6[%arg0, %mul3A_18, %dma_wait3A] : memref<2x32256x96xbf16, #tpu.memory_space<hbm>> -> memref<1x2016x96xbf16, #tpu.memory_space<hbm>>
      %dma_wait3A_24 = tpu.memref_squeeze %dma_wait3A_23 : memref<1x2016x96xbf16, #tpu.memory_space<hbm>> -> memref<2016x96xbf16, #tpu.memory_space<hbm>>
      %dma_wait3A_25 = arith.constant 0 : i32
      %dma_wait3A_26 = tpu.memref_slice %arg13[%mul3A_16, %dma_wait3A_25] : memref<32512x96xbf16, #tpu.memory_space<vmem_shared>> -> memref<2016x96xbf16, #tpu.memory_space<vmem_shared>>
      tpu.wait_dma2 semaphore(%run_scoped3A : memref<!tpu.dma_semaphore, #tpu.memory_space<semaphore_mem>>) src(%dma_wait3A_26 : memref<2016x96xbf16, #tpu.memory_space<vmem_shared>>) dst(%dma_wait3A_24 : memref<2016x96xbf16, #tpu.memory_space<hbm>>)
      tpu.yield
    }) : () -> ()
    return
  }
}

module attributes {stable_mosaic.version = 14 : i64} {
  func.func @_tc_h1_body(%arg0: i32, %arg1: memref<2x1008x96xbf16, #tpu.memory_space<vmem>>, %arg2: memref<1008x84xf32, #tpu.memory_space<vmem>>, %arg3: memref<84x128xf32, #tpu.memory_space<vmem>>, %arg4: memref<84x128xf32, #tpu.memory_space<vmem>>, %arg5: memref<1x128xf32, #tpu.memory_space<vmem>>, %arg6: memref<1008x128xf32, #tpu.memory_space<vmem>>, %arg7: memref<1008x128xbf16, #tpu.memory_space<vmem>>) attributes {dimension_semantics = [#tpu.dimension_semantics<arbitrary>], iteration_bounds = array<i64: 32>, scalar_prefetch = 0 : i64, scratch_operands = 0 : i64, tpu.core_type = #tpu.core_type<tc>, window_params = [{transform_indices = @transform_0, window_bounds = array<i64: 2, 1008, 96>}, {transform_indices = @transform_1, window_bounds = array<i64: 1008, 84>}, {pipeline_mode = #tpu.pipeline_mode<synchronous>, transform_indices = @transform_2, window_bounds = array<i64: 84, 128>}, {pipeline_mode = #tpu.pipeline_mode<synchronous>, transform_indices = @transform_3, window_bounds = array<i64: 84, 128>}, {pipeline_mode = #tpu.pipeline_mode<synchronous>, transform_indices = @transform_4, window_bounds = array<i64: 1, 128>}, {transform_indices = @transform_5, window_bounds = array<i64: 1008, 128>}, {transform_indices = @transform_6, window_bounds = array<i64: 1008, 128>}]} {
    %get3A = arith.constant 0 : index
    %get3A_0 = arith.constant 0 : index
    %get3A_1 = arith.constant 0 : index
    %get3A_2 = vector.load %arg1[%get3A, %get3A_0, %get3A_1] : memref<2x1008x96xbf16, #tpu.memory_space<vmem>>, vector<1x1008x96xbf16>
    %get3A_3 = vector.shape_cast %get3A_2 : vector<1x1008x96xbf16> to vector<1008x96xbf16>
    %convert_element_type3A = arith.extf %get3A_3 : vector<1008x96xbf16> to vector<1008x96xf32>
    %get3A_4 = arith.constant 1 : index
    %get3A_5 = arith.constant 0 : index
    %get3A_6 = arith.constant 0 : index
    %get3A_7 = vector.load %arg1[%get3A_4, %get3A_5, %get3A_6] : memref<2x1008x96xbf16, #tpu.memory_space<vmem>>, vector<1x1008x96xbf16>
    %get3A_8 = vector.shape_cast %get3A_7 : vector<1x1008x96xbf16> to vector<1008x96xbf16>
    %convert_element_type3A_9 = arith.extf %get3A_8 : vector<1008x96xbf16> to vector<1008x96xf32>
    %add3A = arith.addf %convert_element_type3A, %convert_element_type3A_9 : vector<1008x96xf32>
    %slice3A = vector.extract_strided_slice %add3A {offsets = [0, 84], sizes = [1008, 1], strides = [1, 1]} : vector<1008x96xf32> to vector<1008x1xf32>
    %max3A = arith.constant 1.000000e+00 : f32
    %max3A_10 = vector.broadcast %max3A : f32 to vector<1008x1xf32>
    %max3A_11 = arith.maximumf %slice3A, %max3A_10 : vector<1008x1xf32>
    %div3A = arith.constant 1.000000e+00 : f32
    %div3A_12 = vector.broadcast %div3A : f32 to vector<1008x1xf32>
    %div3A_13 = arith.divf %div3A_12, %max3A_11 : vector<1008x1xf32>
    %slice3A_14 = vector.extract_strided_slice %add3A {offsets = [0, 0], sizes = [1008, 84], strides = [1, 1]} : vector<1008x96xf32> to vector<1008x84xf32>
    %mul3A = vector.broadcast %div3A_13 : vector<1008x1xf32> to vector<1008x84xf32>
    %mul3A_15 = arith.mulf %slice3A_14, %mul3A : vector<1008x84xf32>
    %get3A_16 = arith.constant 0 : index
    %get3A_17 = arith.constant 0 : index
    %get3A_18 = vector.load %arg3[%get3A_16, %get3A_17] : memref<84x128xf32, #tpu.memory_space<vmem>>, vector<84x128xf32>
    %dot_general3A = arith.constant dense<0.000000e+00> : vector<1008x128xf32>
    %dot_general3A_19 = tpu.matmul %mul3A_15, %get3A_18, %dot_general3A {dimension_numbers = #tpu.dot_dimension_numbers<[1], [0], [0], [1], [0, 0, 1, 1], [], []>, transpose_lhs_hint = false} : vector<1008x84xf32>, vector<84x128xf32>, vector<1008x128xf32> -> vector<1008x128xf32>
    %get3A_20 = arith.constant 0 : index
    %get3A_21 = arith.constant 0 : index
    %get3A_22 = vector.load %arg2[%get3A_20, %get3A_21] : memref<1008x84xf32, #tpu.memory_space<vmem>>, vector<1008x84xf32>
    %get3A_23 = arith.constant 0 : index
    %get3A_24 = arith.constant 0 : index
    %get3A_25 = vector.load %arg4[%get3A_23, %get3A_24] : memref<84x128xf32, #tpu.memory_space<vmem>>, vector<84x128xf32>
    %dot_general3A_26 = arith.constant dense<0.000000e+00> : vector<1008x128xf32>
    %dot_general3A_27 = tpu.matmul %get3A_22, %get3A_25, %dot_general3A_26 {dimension_numbers = #tpu.dot_dimension_numbers<[1], [0], [0], [1], [0, 0, 1, 1], [], []>, transpose_lhs_hint = false} : vector<1008x84xf32>, vector<84x128xf32>, vector<1008x128xf32> -> vector<1008x128xf32>
    %add3A_28 = arith.addf %dot_general3A_19, %dot_general3A_27 : vector<1008x128xf32>
    %get3A_29 = arith.constant 0 : index
    %get3A_30 = arith.constant 0 : index
    %get3A_31 = vector.load %arg5[%get3A_29, %get3A_30] : memref<1x128xf32, #tpu.memory_space<vmem>>, vector<1x128xf32>
    %add3A_32 = vector.broadcast %get3A_31 : vector<1x128xf32> to vector<1008x128xf32>
    %add3A_33 = arith.addf %add3A_28, %add3A_32 : vector<1008x128xf32>
    %swap3A = arith.constant 0 : index
    %swap3A_34 = arith.constant 0 : index
    %swap3A_35 = vector.load %arg6[%swap3A, %swap3A_34] : memref<1008x128xf32, #tpu.memory_space<vmem>>, vector<1008x128xf32>
    tpu.vector_store %arg6[%swap3A, %swap3A_34], %add3A_33 {strides = array<i32>} : memref<1008x128xf32, #tpu.memory_space<vmem>>, vector<1008x128xf32>,
    %convert_element_type3A_36 = arith.truncf %add3A_33 : vector<1008x128xf32> to vector<1008x128xbf16>
    %swap3A_37 = arith.constant 0 : index
    %swap3A_38 = arith.constant 0 : index
    %swap3A_39 = vector.load %arg7[%swap3A_37, %swap3A_38] : memref<1008x128xbf16, #tpu.memory_space<vmem>>, vector<1008x128xbf16>
    tpu.vector_store %arg7[%swap3A_37, %swap3A_38], %convert_element_type3A_36 {strides = array<i32>} : memref<1008x128xbf16, #tpu.memory_space<vmem>>, vector<1008x128xbf16>,
    return
  }
  func.func @transform_0(%arg0: i32) -> (i32, i32, i32) {
    %c0_i32 = arith.constant 0 : i32
    %c0_i32_0 = arith.constant 0 : i32
    %c0_i32_1 = arith.constant 0 : i32
    return %c0_i32, %arg0, %c0_i32_0 : i32, i32, i32
  }
  func.func @transform_1(%arg0: i32) -> (i32, i32) {
    %c0_i32 = arith.constant 0 : i32
    %c0_i32_0 = arith.constant 0 : i32
    return %arg0, %c0_i32 : i32, i32
  }
  func.func @transform_2(%arg0: i32) -> (i32, i32) {
    %c0_i32 = arith.constant 0 : i32
    %c0_i32_0 = arith.constant 0 : i32
    %c0_i32_1 = arith.constant 0 : i32
    return %c0_i32, %c0_i32_0 : i32, i32
  }
  func.func @transform_3(%arg0: i32) -> (i32, i32) {
    %c0_i32 = arith.constant 0 : i32
    %c0_i32_0 = arith.constant 0 : i32
    %c0_i32_1 = arith.constant 0 : i32
    return %c0_i32, %c0_i32_0 : i32, i32
  }
  func.func @transform_4(%arg0: i32) -> (i32, i32) {
    %c0_i32 = arith.constant 0 : i32
    %c0_i32_0 = arith.constant 0 : i32
    %c0_i32_1 = arith.constant 0 : i32
    return %c0_i32, %c0_i32_0 : i32, i32
  }
  func.func @transform_5(%arg0: i32) -> (i32, i32) {
    %c0_i32 = arith.constant 0 : i32
    %c0_i32_0 = arith.constant 0 : i32
    return %arg0, %c0_i32 : i32, i32
  }
  func.func @transform_6(%arg0: i32) -> (i32, i32) {
    %c0_i32 = arith.constant 0 : i32
    %c0_i32_0 = arith.constant 0 : i32
    return %arg0, %c0_i32 : i32, i32
  }
}

module attributes {stable_mosaic.version = 14 : i64} {
  func.func @_tc_att_body(%arg0: i32, %arg1: memref<2x1008x64xbf16, #tpu.memory_space<vmem>>, %arg2: memref<2x1008x96xbf16, #tpu.memory_space<vmem>>, %arg3: memref<1008x128xf32, #tpu.memory_space<vmem>>, %arg4: memref<1008x128xf32, #tpu.memory_space<vmem>>, %arg5: memref<128x128xf32, #tpu.memory_space<vmem>>, %arg6: memref<128x128xf32, #tpu.memory_space<vmem>>, %arg7: memref<1x128xf32, #tpu.memory_space<vmem>>, %arg8: memref<1x1x6144xf32, #tpu.memory_space<vmem>>) attributes {dimension_semantics = [#tpu.dimension_semantics<arbitrary>], iteration_bounds = array<i64: 32>, scalar_prefetch = 0 : i64, scratch_operands = 0 : i64, tpu.core_type = #tpu.core_type<tc>, window_params = [{transform_indices = @transform_0, window_bounds = array<i64: 2, 1008, 64>}, {transform_indices = @transform_1, window_bounds = array<i64: 2, 1008, 96>}, {transform_indices = @transform_2, window_bounds = array<i64: 1008, 128>}, {pipeline_mode = #tpu.pipeline_mode<synchronous>, transform_indices = @transform_3, window_bounds = array<i64: 1008, 128>}, {pipeline_mode = #tpu.pipeline_mode<synchronous>, transform_indices = @transform_4, window_bounds = array<i64: 128, 128>}, {pipeline_mode = #tpu.pipeline_mode<synchronous>, transform_indices = @transform_5, window_bounds = array<i64: 128, 128>}, {pipeline_mode = #tpu.pipeline_mode<synchronous>, transform_indices = @transform_6, window_bounds = array<i64: 1, 128>}, {transform_indices = @transform_7, window_bounds = array<i64: 1, 1, 6144>}]} {
    %get3A = arith.constant 0 : index
    %get3A_0 = arith.constant 0 : index
    %get3A_1 = arith.constant 0 : index
    %get3A_2 = vector.load %arg1[%get3A, %get3A_0, %get3A_1] : memref<2x1008x64xbf16, #tpu.memory_space<vmem>>, vector<1x1008x64xbf16>
    %get3A_3 = vector.shape_cast %get3A_2 : vector<1x1008x64xbf16> to vector<1008x64xbf16>
    %get3A_4 = arith.constant 1 : index
    %get3A_5 = arith.constant 0 : index
    %get3A_6 = arith.constant 0 : index
    %get3A_7 = vector.load %arg1[%get3A_4, %get3A_5, %get3A_6] : memref<2x1008x64xbf16, #tpu.memory_space<vmem>>, vector<1x1008x64xbf16>
    %get3A_8 = vector.shape_cast %get3A_7 : vector<1x1008x64xbf16> to vector<1008x64xbf16>
    %concatenate3A = tpu.concatenate %get3A_3, %get3A_8 in 1 : vector<1008x64xbf16>, vector<1008x64xbf16> -> vector<1008x128xbf16>
    %convert_element_type3A = arith.extf %concatenate3A : vector<1008x128xbf16> to vector<1008x128xf32>
    %get3A_9 = arith.constant 0 : index
    %get3A_10 = arith.constant 0 : index
    %get3A_11 = arith.constant 84 : index
    %get3A_12 = vector.load %arg2[%get3A_9, %get3A_10, %get3A_11] : memref<2x1008x96xbf16, #tpu.memory_space<vmem>>, vector<1x1008x1xbf16>
    %get3A_13 = vector.shape_cast %get3A_12 : vector<1x1008x1xbf16> to vector<1008x1xbf16>
    %convert_element_type3A_14 = arith.extf %get3A_13 : vector<1008x1xbf16> to vector<1008x1xf32>
    %get3A_15 = arith.constant 1 : index
    %get3A_16 = arith.constant 0 : index
    %get3A_17 = arith.constant 84 : index
    %get3A_18 = vector.load %arg2[%get3A_15, %get3A_16, %get3A_17] : memref<2x1008x96xbf16, #tpu.memory_space<vmem>>, vector<1x1008x1xbf16>
    %get3A_19 = vector.shape_cast %get3A_18 : vector<1x1008x1xbf16> to vector<1008x1xbf16>
    %convert_element_type3A_20 = arith.extf %get3A_19 : vector<1008x1xbf16> to vector<1008x1xf32>
    %add3A = arith.addf %convert_element_type3A_14, %convert_element_type3A_20 : vector<1008x1xf32>
    %max3A = arith.constant 1.000000e+00 : f32
    %max3A_21 = vector.broadcast %max3A : f32 to vector<1008x1xf32>
    %max3A_22 = arith.maximumf %add3A, %max3A_21 : vector<1008x1xf32>
    %div3A = arith.constant 1.000000e+00 : f32
    %div3A_23 = vector.broadcast %div3A : f32 to vector<1008x1xf32>
    %div3A_24 = arith.divf %div3A_23, %max3A_22 : vector<1008x1xf32>
    %get3A_25 = arith.constant 0 : index
    %get3A_26 = arith.constant 0 : index
    %get3A_27 = vector.load %arg3[%get3A_25, %get3A_26] : memref<1008x128xf32, #tpu.memory_space<vmem>>, vector<1008x128xf32>
    %mul3A = vector.broadcast %div3A_24 : vector<1008x1xf32> to vector<1008x128xf32>
    %mul3A_28 = arith.mulf %convert_element_type3A, %mul3A : vector<1008x128xf32>
    %get3A_29 = arith.constant 0 : index
    %get3A_30 = arith.constant 0 : index
    %get3A_31 = vector.load %arg5[%get3A_29, %get3A_30] : memref<128x128xf32, #tpu.memory_space<vmem>>, vector<128x128xf32>
    %dot_general3A = arith.constant dense<0.000000e+00> : vector<1008x128xf32>
    %dot_general3A_32 = tpu.matmul %mul3A_28, %get3A_31, %dot_general3A {dimension_numbers = #tpu.dot_dimension_numbers<[1], [0], [0], [1], [0, 0, 1, 1], [], []>, transpose_lhs_hint = false} : vector<1008x128xf32>, vector<128x128xf32>, vector<1008x128xf32> -> vector<1008x128xf32>
    %get3A_33 = arith.constant 0 : index
    %get3A_34 = arith.constant 0 : index
    %get3A_35 = vector.load %arg6[%get3A_33, %get3A_34] : memref<128x128xf32, #tpu.memory_space<vmem>>, vector<128x128xf32>
    %dot_general3A_36 = arith.constant dense<0.000000e+00> : vector<1008x128xf32>
    %dot_general3A_37 = tpu.matmul %get3A_27, %get3A_35, %dot_general3A_36 {dimension_numbers = #tpu.dot_dimension_numbers<[1], [0], [0], [1], [0, 0, 1, 1], [], []>, transpose_lhs_hint = false} : vector<1008x128xf32>, vector<128x128xf32>, vector<1008x128xf32> -> vector<1008x128xf32>
    %add3A_38 = arith.addf %dot_general3A_32, %dot_general3A_37 : vector<1008x128xf32>
    %get3A_39 = arith.constant 0 : index
    %get3A_40 = arith.constant 0 : index
    %get3A_41 = vector.load %arg7[%get3A_39, %get3A_40] : memref<1x128xf32, #tpu.memory_space<vmem>>, vector<1x128xf32>
    %add3A_42 = vector.broadcast %get3A_41 : vector<1x128xf32> to vector<1008x128xf32>
    %add3A_43 = arith.addf %add3A_38, %add3A_42 : vector<1008x128xf32>
    %get3A_44 = arith.constant 0 : index
    %get3A_45 = arith.constant 0 : index
    %get3A_46 = vector.load %arg4[%get3A_44, %get3A_45] : memref<1008x128xf32, #tpu.memory_space<vmem>>, vector<1008x128xf32>
    %add3A_47 = arith.addf %add3A_43, %get3A_46 : vector<1008x128xf32>
    %convert_element_type3A_48 = arith.truncf %add3A_47 : vector<1008x128xf32> to vector<1008x128xbf16>
    %mul3A_49 = arith.constant 0.0883883461 : f32
    %mul3A_50 = vector.broadcast %mul3A_49 : f32 to vector<1008x128xf32>
    %mul3A_51 = arith.mulf %add3A_47, %mul3A_50 : vector<1008x128xf32>
    %convert_element_type3A_52 = arith.truncf %mul3A_51 : vector<1008x128xf32> to vector<1008x128xbf16>
    %dot_general3A_53 = arith.constant dense<0.000000e+00> : vector<1008x1008xf32>
    %dot_general3A_54 = tpu.matmul %convert_element_type3A_52, %convert_element_type3A_48, %dot_general3A_53 {dimension_numbers = #tpu.dot_dimension_numbers<[1], [1], [0], [0], [0, 0, 1, 0], [], []>, transpose_lhs_hint = false} : vector<1008x128xbf16>, vector<1008x128xbf16>, vector<1008x1008xf32> -> vector<1008x1008xf32>
    %exp3A = math.exp %dot_general3A_54 : vector<1008x1008xf32>
    %reduce_sum3A = arith.constant dense<0.000000e+00> : vector<1008xf32>
    %reduce_sum3A_55 = vector.multi_reduction <add>, %exp3A, %reduce_sum3A [1] : vector<1008x1008xf32> to vector<1008xf32>
    %broadcast_in_dim3A = vector.shape_cast %reduce_sum3A_55 : vector<1008xf32> to vector<1008x1xf32>
    %convert_element_type3A_56 = arith.truncf %exp3A : vector<1008x1008xf32> to vector<1008x1008xbf16>
    %dot_general3A_57 = arith.constant dense<0.000000e+00> : vector<1008x128xf32>
    %dot_general3A_58 = tpu.matmul %convert_element_type3A_56, %convert_element_type3A_48, %dot_general3A_57 {dimension_numbers = #tpu.dot_dimension_numbers<[1], [0], [0], [1], [0, 0, 1, 1], [], []>, transpose_lhs_hint = false} : vector<1008x1008xbf16>, vector<1008x128xbf16>, vector<1008x128xf32> -> vector<1008x128xf32>
    %div3A_59 = vector.broadcast %broadcast_in_dim3A : vector<1008x1xf32> to vector<1008x128xf32>
    %div3A_60 = arith.divf %dot_general3A_58, %div3A_59 : vector<1008x128xf32>
    %slice3A = vector.extract_strided_slice %get3A_27 {offsets = [0, 0], sizes = [84, 128], strides = [1, 1]} : vector<1008x128xf32> to vector<84x128xf32>
    %reduce_max3A = arith.constant dense<0xFF800000> : vector<128xf32>
    %reduce_max3A_61 = vector.multi_reduction <maximumf>, %slice3A, %reduce_max3A [0] : vector<84x128xf32> to vector<128xf32>
    %broadcast_in_dim3A_62 = vector.shape_cast %reduce_max3A_61 : vector<128xf32> to vector<1x128xf32>
    %reduce_sum3A_63 = arith.constant dense<0.000000e+00> : vector<128xf32>
    %reduce_sum3A_64 = vector.multi_reduction <add>, %slice3A, %reduce_sum3A_63 [0] : vector<84x128xf32> to vector<128xf32>
    %broadcast_in_dim3A_65 = vector.shape_cast %reduce_sum3A_64 : vector<128xf32> to vector<1x128xf32>
    %div3A_66 = arith.constant 8.400000e+01 : f32
    %div3A_67 = vector.broadcast %div3A_66 : f32 to vector<1x128xf32>
    %div3A_68 = arith.divf %broadcast_in_dim3A_65, %div3A_67 : vector<1x128xf32>
    %slice3A_69 = vector.extract_strided_slice %get3A_27 {offsets = [84, 0], sizes = [84, 128], strides = [1, 1]} : vector<1008x128xf32> to vector<84x128xf32>
    %reduce_max3A_70 = arith.constant dense<0xFF800000> : vector<128xf32>
    %reduce_max3A_71 = vector.multi_reduction <maximumf>, %slice3A_69, %reduce_max3A_70 [0] : vector<84x128xf32> to vector<128xf32>
    %broadcast_in_dim3A_72 = vector.shape_cast %reduce_max3A_71 : vector<128xf32> to vector<1x128xf32>
    %reduce_sum3A_73 = arith.constant dense<0.000000e+00> : vector<128xf32>
    %reduce_sum3A_74 = vector.multi_reduction <add>, %slice3A_69, %reduce_sum3A_73 [0] : vector<84x128xf32> to vector<128xf32>
    %broadcast_in_dim3A_75 = vector.shape_cast %reduce_sum3A_74 : vector<128xf32> to vector<1x128xf32>
    %div3A_76 = arith.constant 8.400000e+01 : f32
    %div3A_77 = vector.broadcast %div3A_76 : f32 to vector<1x128xf32>
    %div3A_78 = arith.divf %broadcast_in_dim3A_75, %div3A_77 : vector<1x128xf32>
    %slice3A_79 = vector.extract_strided_slice %get3A_27 {offsets = [168, 0], sizes = [84, 128], strides = [1, 1]} : vector<1008x128xf32> to vector<84x128xf32>
    %reduce_max3A_80 = arith.constant dense<0xFF800000> : vector<128xf32>
    %reduce_max3A_81 = vector.multi_reduction <maximumf>, %slice3A_79, %reduce_max3A_80 [0] : vector<84x128xf32> to vector<128xf32>
    %broadcast_in_dim3A_82 = vector.shape_cast %reduce_max3A_81 : vector<128xf32> to vector<1x128xf32>
    %reduce_sum3A_83 = arith.constant dense<0.000000e+00> : vector<128xf32>
    %reduce_sum3A_84 = vector.multi_reduction <add>, %slice3A_79, %reduce_sum3A_83 [0] : vector<84x128xf32> to vector<128xf32>
    %broadcast_in_dim3A_85 = vector.shape_cast %reduce_sum3A_84 : vector<128xf32> to vector<1x128xf32>
    %div3A_86 = arith.constant 8.400000e+01 : f32
    %div3A_87 = vector.broadcast %div3A_86 : f32 to vector<1x128xf32>
    %div3A_88 = arith.divf %broadcast_in_dim3A_85, %div3A_87 : vector<1x128xf32>
    %slice3A_89 = vector.extract_strided_slice %get3A_27 {offsets = [252, 0], sizes = [84, 128], strides = [1, 1]} : vector<1008x128xf32> to vector<84x128xf32>
    %reduce_max3A_90 = arith.constant dense<0xFF800000> : vector<128xf32>
    %reduce_max3A_91 = vector.multi_reduction <maximumf>, %slice3A_89, %reduce_max3A_90 [0] : vector<84x128xf32> to vector<128xf32>
    %broadcast_in_dim3A_92 = vector.shape_cast %reduce_max3A_91 : vector<128xf32> to vector<1x128xf32>
    %reduce_sum3A_93 = arith.constant dense<0.000000e+00> : vector<128xf32>
    %reduce_sum3A_94 = vector.multi_reduction <add>, %slice3A_89, %reduce_sum3A_93 [0] : vector<84x128xf32> to vector<128xf32>
    %broadcast_in_dim3A_95 = vector.shape_cast %reduce_sum3A_94 : vector<128xf32> to vector<1x128xf32>
    %div3A_96 = arith.constant 8.400000e+01 : f32
    %div3A_97 = vector.broadcast %div3A_96 : f32 to vector<1x128xf32>
    %div3A_98 = arith.divf %broadcast_in_dim3A_95, %div3A_97 : vector<1x128xf32>
    %slice3A_99 = vector.extract_strided_slice %get3A_27 {offsets = [336, 0], sizes = [84, 128], strides = [1, 1]} : vector<1008x128xf32> to vector<84x128xf32>
    %reduce_max3A_100 = arith.constant dense<0xFF800000> : vector<128xf32>
    %reduce_max3A_101 = vector.multi_reduction <maximumf>, %slice3A_99, %reduce_max3A_100 [0] : vector<84x128xf32> to vector<128xf32>
    %broadcast_in_dim3A_102 = vector.shape_cast %reduce_max3A_101 : vector<128xf32> to vector<1x128xf32>
    %reduce_sum3A_103 = arith.constant dense<0.000000e+00> : vector<128xf32>
    %reduce_sum3A_104 = vector.multi_reduction <add>, %slice3A_99, %reduce_sum3A_103 [0] : vector<84x128xf32> to vector<128xf32>
    %broadcast_in_dim3A_105 = vector.shape_cast %reduce_sum3A_104 : vector<128xf32> to vector<1x128xf32>
    %div3A_106 = arith.constant 8.400000e+01 : f32
    %div3A_107 = vector.broadcast %div3A_106 : f32 to vector<1x128xf32>
    %div3A_108 = arith.divf %broadcast_in_dim3A_105, %div3A_107 : vector<1x128xf32>
    %slice3A_109 = vector.extract_strided_slice %get3A_27 {offsets = [420, 0], sizes = [84, 128], strides = [1, 1]} : vector<1008x128xf32> to vector<84x128xf32>
    %reduce_max3A_110 = arith.constant dense<0xFF800000> : vector<128xf32>
    %reduce_max3A_111 = vector.multi_reduction <maximumf>, %slice3A_109, %reduce_max3A_110 [0] : vector<84x128xf32> to vector<128xf32>
    %broadcast_in_dim3A_112 = vector.shape_cast %reduce_max3A_111 : vector<128xf32> to vector<1x128xf32>
    %reduce_sum3A_113 = arith.constant dense<0.000000e+00> : vector<128xf32>
    %reduce_sum3A_114 = vector.multi_reduction <add>, %slice3A_109, %reduce_sum3A_113 [0] : vector<84x128xf32> to vector<128xf32>
    %broadcast_in_dim3A_115 = vector.shape_cast %reduce_sum3A_114 : vector<128xf32> to vector<1x128xf32>
    %div3A_116 = arith.constant 8.400000e+01 : f32
    %div3A_117 = vector.broadcast %div3A_116 : f32 to vector<1x128xf32>
    %div3A_118 = arith.divf %broadcast_in_dim3A_115, %div3A_117 : vector<1x128xf32>
    %slice3A_119 = vector.extract_strided_slice %get3A_27 {offsets = [504, 0], sizes = [84, 128], strides = [1, 1]} : vector<1008x128xf32> to vector<84x128xf32>
    %reduce_max3A_120 = arith.constant dense<0xFF800000> : vector<128xf32>
    %reduce_max3A_121 = vector.multi_reduction <maximumf>, %slice3A_119, %reduce_max3A_120 [0] : vector<84x128xf32> to vector<128xf32>
    %broadcast_in_dim3A_122 = vector.shape_cast %reduce_max3A_121 : vector<128xf32> to vector<1x128xf32>
    %reduce_sum3A_123 = arith.constant dense<0.000000e+00> : vector<128xf32>
    %reduce_sum3A_124 = vector.multi_reduction <add>, %slice3A_119, %reduce_sum3A_123 [0] : vector<84x128xf32> to vector<128xf32>
    %broadcast_in_dim3A_125 = vector.shape_cast %reduce_sum3A_124 : vector<128xf32> to vector<1x128xf32>
    %div3A_126 = arith.constant 8.400000e+01 : f32
    %div3A_127 = vector.broadcast %div3A_126 : f32 to vector<1x128xf32>
    %div3A_128 = arith.divf %broadcast_in_dim3A_125, %div3A_127 : vector<1x128xf32>
    %slice3A_129 = vector.extract_strided_slice %get3A_27 {offsets = [588, 0], sizes = [84, 128], strides = [1, 1]} : vector<1008x128xf32> to vector<84x128xf32>
    %reduce_max3A_130 = arith.constant dense<0xFF800000> : vector<128xf32>
    %reduce_max3A_131 = vector.multi_reduction <maximumf>, %slice3A_129, %reduce_max3A_130 [0] : vector<84x128xf32> to vector<128xf32>
    %broadcast_in_dim3A_132 = vector.shape_cast %reduce_max3A_131 : vector<128xf32> to vector<1x128xf32>
    %reduce_sum3A_133 = arith.constant dense<0.000000e+00> : vector<128xf32>
    %reduce_sum3A_134 = vector.multi_reduction <add>, %slice3A_129, %reduce_sum3A_133 [0] : vector<84x128xf32> to vector<128xf32>
    %broadcast_in_dim3A_135 = vector.shape_cast %reduce_sum3A_134 : vector<128xf32> to vector<1x128xf32>
    %div3A_136 = arith.constant 8.400000e+01 : f32
    %div3A_137 = vector.broadcast %div3A_136 : f32 to vector<1x128xf32>
    %div3A_138 = arith.divf %broadcast_in_dim3A_135, %div3A_137 : vector<1x128xf32>
    %slice3A_139 = vector.extract_strided_slice %get3A_27 {offsets = [672, 0], sizes = [84, 128], strides = [1, 1]} : vector<1008x128xf32> to vector<84x128xf32>
    %reduce_max3A_140 = arith.constant dense<0xFF800000> : vector<128xf32>
    %reduce_max3A_141 = vector.multi_reduction <maximumf>, %slice3A_139, %reduce_max3A_140 [0] : vector<84x128xf32> to vector<128xf32>
    %broadcast_in_dim3A_142 = vector.shape_cast %reduce_max3A_141 : vector<128xf32> to vector<1x128xf32>
    %reduce_sum3A_143 = arith.constant dense<0.000000e+00> : vector<128xf32>
    %reduce_sum3A_144 = vector.multi_reduction <add>, %slice3A_139, %reduce_sum3A_143 [0] : vector<84x128xf32> to vector<128xf32>
    %broadcast_in_dim3A_145 = vector.shape_cast %reduce_sum3A_144 : vector<128xf32> to vector<1x128xf32>
    %div3A_146 = arith.constant 8.400000e+01 : f32
    %div3A_147 = vector.broadcast %div3A_146 : f32 to vector<1x128xf32>
    %div3A_148 = arith.divf %broadcast_in_dim3A_145, %div3A_147 : vector<1x128xf32>
    %slice3A_149 = vector.extract_strided_slice %get3A_27 {offsets = [756, 0], sizes = [84, 128], strides = [1, 1]} : vector<1008x128xf32> to vector<84x128xf32>
    %reduce_max3A_150 = arith.constant dense<0xFF800000> : vector<128xf32>
    %reduce_max3A_151 = vector.multi_reduction <maximumf>, %slice3A_149, %reduce_max3A_150 [0] : vector<84x128xf32> to vector<128xf32>
    %broadcast_in_dim3A_152 = vector.shape_cast %reduce_max3A_151 : vector<128xf32> to vector<1x128xf32>
    %reduce_sum3A_153 = arith.constant dense<0.000000e+00> : vector<128xf32>
    %reduce_sum3A_154 = vector.multi_reduction <add>, %slice3A_149, %reduce_sum3A_153 [0] : vector<84x128xf32> to vector<128xf32>
    %broadcast_in_dim3A_155 = vector.shape_cast %reduce_sum3A_154 : vector<128xf32> to vector<1x128xf32>
    %div3A_156 = arith.constant 8.400000e+01 : f32
    %div3A_157 = vector.broadcast %div3A_156 : f32 to vector<1x128xf32>
    %div3A_158 = arith.divf %broadcast_in_dim3A_155, %div3A_157 : vector<1x128xf32>
    %slice3A_159 = vector.extract_strided_slice %get3A_27 {offsets = [840, 0], sizes = [84, 128], strides = [1, 1]} : vector<1008x128xf32> to vector<84x128xf32>
    %reduce_max3A_160 = arith.constant dense<0xFF800000> : vector<128xf32>
    %reduce_max3A_161 = vector.multi_reduction <maximumf>, %slice3A_159, %reduce_max3A_160 [0] : vector<84x128xf32> to vector<128xf32>
    %broadcast_in_dim3A_162 = vector.shape_cast %reduce_max3A_161 : vector<128xf32> to vector<1x128xf32>
    %reduce_sum3A_163 = arith.constant dense<0.000000e+00> : vector<128xf32>
    %reduce_sum3A_164 = vector.multi_reduction <add>, %slice3A_159, %reduce_sum3A_163 [0] : vector<84x128xf32> to vector<128xf32>
    %broadcast_in_dim3A_165 = vector.shape_cast %reduce_sum3A_164 : vector<128xf32> to vector<1x128xf32>
    %div3A_166 = arith.constant 8.400000e+01 : f32
    %div3A_167 = vector.broadcast %div3A_166 : f32 to vector<1x128xf32>
    %div3A_168 = arith.divf %broadcast_in_dim3A_165, %div3A_167 : vector<1x128xf32>
    %slice3A_169 = vector.extract_strided_slice %get3A_27 {offsets = [924, 0], sizes = [84, 128], strides = [1, 1]} : vector<1008x128xf32> to vector<84x128xf32>
    %reduce_max3A_170 = arith.constant dense<0xFF800000> : vector<128xf32>
    %reduce_max3A_171 = vector.multi_reduction <maximumf>, %slice3A_169, %reduce_max3A_170 [0] : vector<84x128xf32> to vector<128xf32>
    %broadcast_in_dim3A_172 = vector.shape_cast %reduce_max3A_171 : vector<128xf32> to vector<1x128xf32>
    %reduce_sum3A_173 = arith.constant dense<0.000000e+00> : vector<128xf32>
    %reduce_sum3A_174 = vector.multi_reduction <add>, %slice3A_169, %reduce_sum3A_173 [0] : vector<84x128xf32> to vector<128xf32>
    %broadcast_in_dim3A_175 = vector.shape_cast %reduce_sum3A_174 : vector<128xf32> to vector<1x128xf32>
    %div3A_176 = arith.constant 8.400000e+01 : f32
    %div3A_177 = vector.broadcast %div3A_176 : f32 to vector<1x128xf32>
    %div3A_178 = arith.divf %broadcast_in_dim3A_175, %div3A_177 : vector<1x128xf32>
    %concatenate3A_179 = tpu.concatenate %broadcast_in_dim3A_62, %broadcast_in_dim3A_72, %broadcast_in_dim3A_82, %broadcast_in_dim3A_92, %broadcast_in_dim3A_102, %broadcast_in_dim3A_112, %broadcast_in_dim3A_122, %broadcast_in_dim3A_132, %broadcast_in_dim3A_142, %broadcast_in_dim3A_152, %broadcast_in_dim3A_162, %broadcast_in_dim3A_172 in 0 : vector<1x128xf32>, vector<1x128xf32>, vector<1x128xf32>, vector<1x128xf32>, vector<1x128xf32>, vector<1x128xf32>, vector<1x128xf32>, vector<1x128xf32>, vector<1x128xf32>, vector<1x128xf32>, vector<1x128xf32>, vector<1x128xf32> -> vector<12x128xf32>
    %concatenate3A_180 = tpu.concatenate %div3A_68, %div3A_78, %div3A_88, %div3A_98, %div3A_108, %div3A_118, %div3A_128, %div3A_138, %div3A_148, %div3A_158, %div3A_168, %div3A_178 in 0 : vector<1x128xf32>, vector<1x128xf32>, vector<1x128xf32>, vector<1x128xf32>, vector<1x128xf32>, vector<1x128xf32>, vector<1x128xf32>, vector<1x128xf32>, vector<1x128xf32>, vector<1x128xf32>, vector<1x128xf32>, vector<1x128xf32> -> vector<12x128xf32>
    %slice3A_181 = vector.extract_strided_slice %div3A_60 {offsets = [0, 0], sizes = [84, 128], strides = [1, 1]} : vector<1008x128xf32> to vector<84x128xf32>
    %reduce_max3A_182 = arith.constant dense<0xFF800000> : vector<128xf32>
    %reduce_max3A_183 = vector.multi_reduction <maximumf>, %slice3A_181, %reduce_max3A_182 [0] : vector<84x128xf32> to vector<128xf32>
    %broadcast_in_dim3A_184 = vector.shape_cast %reduce_max3A_183 : vector<128xf32> to vector<1x128xf32>
    %reduce_sum3A_185 = arith.constant dense<0.000000e+00> : vector<128xf32>
    %reduce_sum3A_186 = vector.multi_reduction <add>, %slice3A_181, %reduce_sum3A_185 [0] : vector<84x128xf32> to vector<128xf32>
    %broadcast_in_dim3A_187 = vector.shape_cast %reduce_sum3A_186 : vector<128xf32> to vector<1x128xf32>
    %div3A_188 = arith.constant 8.400000e+01 : f32
    %div3A_189 = vector.broadcast %div3A_188 : f32 to vector<1x128xf32>
    %div3A_190 = arith.divf %broadcast_in_dim3A_187, %div3A_189 : vector<1x128xf32>
    %slice3A_191 = vector.extract_strided_slice %div3A_60 {offsets = [84, 0], sizes = [84, 128], strides = [1, 1]} : vector<1008x128xf32> to vector<84x128xf32>
    %reduce_max3A_192 = arith.constant dense<0xFF800000> : vector<128xf32>
    %reduce_max3A_193 = vector.multi_reduction <maximumf>, %slice3A_191, %reduce_max3A_192 [0] : vector<84x128xf32> to vector<128xf32>
    %broadcast_in_dim3A_194 = vector.shape_cast %reduce_max3A_193 : vector<128xf32> to vector<1x128xf32>
    %reduce_sum3A_195 = arith.constant dense<0.000000e+00> : vector<128xf32>
    %reduce_sum3A_196 = vector.multi_reduction <add>, %slice3A_191, %reduce_sum3A_195 [0] : vector<84x128xf32> to vector<128xf32>
    %broadcast_in_dim3A_197 = vector.shape_cast %reduce_sum3A_196 : vector<128xf32> to vector<1x128xf32>
    %div3A_198 = arith.constant 8.400000e+01 : f32
    %div3A_199 = vector.broadcast %div3A_198 : f32 to vector<1x128xf32>
    %div3A_200 = arith.divf %broadcast_in_dim3A_197, %div3A_199 : vector<1x128xf32>
    %slice3A_201 = vector.extract_strided_slice %div3A_60 {offsets = [168, 0], sizes = [84, 128], strides = [1, 1]} : vector<1008x128xf32> to vector<84x128xf32>
    %reduce_max3A_202 = arith.constant dense<0xFF800000> : vector<128xf32>
    %reduce_max3A_203 = vector.multi_reduction <maximumf>, %slice3A_201, %reduce_max3A_202 [0] : vector<84x128xf32> to vector<128xf32>
    %broadcast_in_dim3A_204 = vector.shape_cast %reduce_max3A_203 : vector<128xf32> to vector<1x128xf32>
    %reduce_sum3A_205 = arith.constant dense<0.000000e+00> : vector<128xf32>
    %reduce_sum3A_206 = vector.multi_reduction <add>, %slice3A_201, %reduce_sum3A_205 [0] : vector<84x128xf32> to vector<128xf32>
    %broadcast_in_dim3A_207 = vector.shape_cast %reduce_sum3A_206 : vector<128xf32> to vector<1x128xf32>
    %div3A_208 = arith.constant 8.400000e+01 : f32
    %div3A_209 = vector.broadcast %div3A_208 : f32 to vector<1x128xf32>
    %div3A_210 = arith.divf %broadcast_in_dim3A_207, %div3A_209 : vector<1x128xf32>
    %slice3A_211 = vector.extract_strided_slice %div3A_60 {offsets = [252, 0], sizes = [84, 128], strides = [1, 1]} : vector<1008x128xf32> to vector<84x128xf32>
    %reduce_max3A_212 = arith.constant dense<0xFF800000> : vector<128xf32>
    %reduce_max3A_213 = vector.multi_reduction <maximumf>, %slice3A_211, %reduce_max3A_212 [0] : vector<84x128xf32> to vector<128xf32>
    %broadcast_in_dim3A_214 = vector.shape_cast %reduce_max3A_213 : vector<128xf32> to vector<1x128xf32>
    %reduce_sum3A_215 = arith.constant dense<0.000000e+00> : vector<128xf32>
    %reduce_sum3A_216 = vector.multi_reduction <add>, %slice3A_211, %reduce_sum3A_215 [0] : vector<84x128xf32> to vector<128xf32>
    %broadcast_in_dim3A_217 = vector.shape_cast %reduce_sum3A_216 : vector<128xf32> to vector<1x128xf32>
    %div3A_218 = arith.constant 8.400000e+01 : f32
    %div3A_219 = vector.broadcast %div3A_218 : f32 to vector<1x128xf32>
    %div3A_220 = arith.divf %broadcast_in_dim3A_217, %div3A_219 : vector<1x128xf32>
    %slice3A_221 = vector.extract_strided_slice %div3A_60 {offsets = [336, 0], sizes = [84, 128], strides = [1, 1]} : vector<1008x128xf32> to vector<84x128xf32>
    %reduce_max3A_222 = arith.constant dense<0xFF800000> : vector<128xf32>
    %reduce_max3A_223 = vector.multi_reduction <maximumf>, %slice3A_221, %reduce_max3A_222 [0] : vector<84x128xf32> to vector<128xf32>
    %broadcast_in_dim3A_224 = vector.shape_cast %reduce_max3A_223 : vector<128xf32> to vector<1x128xf32>
    %reduce_sum3A_225 = arith.constant dense<0.000000e+00> : vector<128xf32>
    %reduce_sum3A_226 = vector.multi_reduction <add>, %slice3A_221, %reduce_sum3A_225 [0] : vector<84x128xf32> to vector<128xf32>
    %broadcast_in_dim3A_227 = vector.shape_cast %reduce_sum3A_226 : vector<128xf32> to vector<1x128xf32>
    %div3A_228 = arith.constant 8.400000e+01 : f32
    %div3A_229 = vector.broadcast %div3A_228 : f32 to vector<1x128xf32>
    %div3A_230 = arith.divf %broadcast_in_dim3A_227, %div3A_229 : vector<1x128xf32>
    %slice3A_231 = vector.extract_strided_slice %div3A_60 {offsets = [420, 0], sizes = [84, 128], strides = [1, 1]} : vector<1008x128xf32> to vector<84x128xf32>
    %reduce_max3A_232 = arith.constant dense<0xFF800000> : vector<128xf32>
    %reduce_max3A_233 = vector.multi_reduction <maximumf>, %slice3A_231, %reduce_max3A_232 [0] : vector<84x128xf32> to vector<128xf32>
    %broadcast_in_dim3A_234 = vector.shape_cast %reduce_max3A_233 : vector<128xf32> to vector<1x128xf32>
    %reduce_sum3A_235 = arith.constant dense<0.000000e+00> : vector<128xf32>
    %reduce_sum3A_236 = vector.multi_reduction <add>, %slice3A_231, %reduce_sum3A_235 [0] : vector<84x128xf32> to vector<128xf32>
    %broadcast_in_dim3A_237 = vector.shape_cast %reduce_sum3A_236 : vector<128xf32> to vector<1x128xf32>
    %div3A_238 = arith.constant 8.400000e+01 : f32
    %div3A_239 = vector.broadcast %div3A_238 : f32 to vector<1x128xf32>
    %div3A_240 = arith.divf %broadcast_in_dim3A_237, %div3A_239 : vector<1x128xf32>
    %slice3A_241 = vector.extract_strided_slice %div3A_60 {offsets = [504, 0], sizes = [84, 128], strides = [1, 1]} : vector<1008x128xf32> to vector<84x128xf32>
    %reduce_max3A_242 = arith.constant dense<0xFF800000> : vector<128xf32>
    %reduce_max3A_243 = vector.multi_reduction <maximumf>, %slice3A_241, %reduce_max3A_242 [0] : vector<84x128xf32> to vector<128xf32>
    %broadcast_in_dim3A_244 = vector.shape_cast %reduce_max3A_243 : vector<128xf32> to vector<1x128xf32>
    %reduce_sum3A_245 = arith.constant dense<0.000000e+00> : vector<128xf32>
    %reduce_sum3A_246 = vector.multi_reduction <add>, %slice3A_241, %reduce_sum3A_245 [0] : vector<84x128xf32> to vector<128xf32>
    %broadcast_in_dim3A_247 = vector.shape_cast %reduce_sum3A_246 : vector<128xf32> to vector<1x128xf32>
    %div3A_248 = arith.constant 8.400000e+01 : f32
    %div3A_249 = vector.broadcast %div3A_248 : f32 to vector<1x128xf32>
    %div3A_250 = arith.divf %broadcast_in_dim3A_247, %div3A_249 : vector<1x128xf32>
    %slice3A_251 = vector.extract_strided_slice %div3A_60 {offsets = [588, 0], sizes = [84, 128], strides = [1, 1]} : vector<1008x128xf32> to vector<84x128xf32>
    %reduce_max3A_252 = arith.constant dense<0xFF800000> : vector<128xf32>
    %reduce_max3A_253 = vector.multi_reduction <maximumf>, %slice3A_251, %reduce_max3A_252 [0] : vector<84x128xf32> to vector<128xf32>
    %broadcast_in_dim3A_254 = vector.shape_cast %reduce_max3A_253 : vector<128xf32> to vector<1x128xf32>
    %reduce_sum3A_255 = arith.constant dense<0.000000e+00> : vector<128xf32>
    %reduce_sum3A_256 = vector.multi_reduction <add>, %slice3A_251, %reduce_sum3A_255 [0] : vector<84x128xf32> to vector<128xf32>
    %broadcast_in_dim3A_257 = vector.shape_cast %reduce_sum3A_256 : vector<128xf32> to vector<1x128xf32>
    %div3A_258 = arith.constant 8.400000e+01 : f32
    %div3A_259 = vector.broadcast %div3A_258 : f32 to vector<1x128xf32>
    %div3A_260 = arith.divf %broadcast_in_dim3A_257, %div3A_259 : vector<1x128xf32>
    %slice3A_261 = vector.extract_strided_slice %div3A_60 {offsets = [672, 0], sizes = [84, 128], strides = [1, 1]} : vector<1008x128xf32> to vector<84x128xf32>
    %reduce_max3A_262 = arith.constant dense<0xFF800000> : vector<128xf32>
    %reduce_max3A_263 = vector.multi_reduction <maximumf>, %slice3A_261, %reduce_max3A_262 [0] : vector<84x128xf32> to vector<128xf32>
    %broadcast_in_dim3A_264 = vector.shape_cast %reduce_max3A_263 : vector<128xf32> to vector<1x128xf32>
    %reduce_sum3A_265 = arith.constant dense<0.000000e+00> : vector<128xf32>
    %reduce_sum3A_266 = vector.multi_reduction <add>, %slice3A_261, %reduce_sum3A_265 [0] : vector<84x128xf32> to vector<128xf32>
    %broadcast_in_dim3A_267 = vector.shape_cast %reduce_sum3A_266 : vector<128xf32> to vector<1x128xf32>
    %div3A_268 = arith.constant 8.400000e+01 : f32
    %div3A_269 = vector.broadcast %div3A_268 : f32 to vector<1x128xf32>
    %div3A_270 = arith.divf %broadcast_in_dim3A_267, %div3A_269 : vector<1x128xf32>
    %slice3A_271 = vector.extract_strided_slice %div3A_60 {offsets = [756, 0], sizes = [84, 128], strides = [1, 1]} : vector<1008x128xf32> to vector<84x128xf32>
    %reduce_max3A_272 = arith.constant dense<0xFF800000> : vector<128xf32>
    %reduce_max3A_273 = vector.multi_reduction <maximumf>, %slice3A_271, %reduce_max3A_272 [0] : vector<84x128xf32> to vector<128xf32>
    %broadcast_in_dim3A_274 = vector.shape_cast %reduce_max3A_273 : vector<128xf32> to vector<1x128xf32>
    %reduce_sum3A_275 = arith.constant dense<0.000000e+00> : vector<128xf32>
    %reduce_sum3A_276 = vector.multi_reduction <add>, %slice3A_271, %reduce_sum3A_275 [0] : vector<84x128xf32> to vector<128xf32>
    %broadcast_in_dim3A_277 = vector.shape_cast %reduce_sum3A_276 : vector<128xf32> to vector<1x128xf32>
    %div3A_278 = arith.constant 8.400000e+01 : f32
    %div3A_279 = vector.broadcast %div3A_278 : f32 to vector<1x128xf32>
    %div3A_280 = arith.divf %broadcast_in_dim3A_277, %div3A_279 : vector<1x128xf32>
    %slice3A_281 = vector.extract_strided_slice %div3A_60 {offsets = [840, 0], sizes = [84, 128], strides = [1, 1]} : vector<1008x128xf32> to vector<84x128xf32>
    %reduce_max3A_282 = arith.constant dense<0xFF800000> : vector<128xf32>
    %reduce_max3A_283 = vector.multi_reduction <maximumf>, %slice3A_281, %reduce_max3A_282 [0] : vector<84x128xf32> to vector<128xf32>
    %broadcast_in_dim3A_284 = vector.shape_cast %reduce_max3A_283 : vector<128xf32> to vector<1x128xf32>
    %reduce_sum3A_285 = arith.constant dense<0.000000e+00> : vector<128xf32>
    %reduce_sum3A_286 = vector.multi_reduction <add>, %slice3A_281, %reduce_sum3A_285 [0] : vector<84x128xf32> to vector<128xf32>
    %broadcast_in_dim3A_287 = vector.shape_cast %reduce_sum3A_286 : vector<128xf32> to vector<1x128xf32>
    %div3A_288 = arith.constant 8.400000e+01 : f32
    %div3A_289 = vector.broadcast %div3A_288 : f32 to vector<1x128xf32>
    %div3A_290 = arith.divf %broadcast_in_dim3A_287, %div3A_289 : vector<1x128xf32>
    %slice3A_291 = vector.extract_strided_slice %div3A_60 {offsets = [924, 0], sizes = [84, 128], strides = [1, 1]} : vector<1008x128xf32> to vector<84x128xf32>
    %reduce_max3A_292 = arith.constant dense<0xFF800000> : vector<128xf32>
    %reduce_max3A_293 = vector.multi_reduction <maximumf>, %slice3A_291, %reduce_max3A_292 [0] : vector<84x128xf32> to vector<128xf32>
    %broadcast_in_dim3A_294 = vector.shape_cast %reduce_max3A_293 : vector<128xf32> to vector<1x128xf32>
    %reduce_sum3A_295 = arith.constant dense<0.000000e+00> : vector<128xf32>
    %reduce_sum3A_296 = vector.multi_reduction <add>, %slice3A_291, %reduce_sum3A_295 [0] : vector<84x128xf32> to vector<128xf32>
    %broadcast_in_dim3A_297 = vector.shape_cast %reduce_sum3A_296 : vector<128xf32> to vector<1x128xf32>
    %div3A_298 = arith.constant 8.400000e+01 : f32
    %div3A_299 = vector.broadcast %div3A_298 : f32 to vector<1x128xf32>
    %div3A_300 = arith.divf %broadcast_in_dim3A_297, %div3A_299 : vector<1x128xf32>
    %concatenate3A_301 = tpu.concatenate %broadcast_in_dim3A_184, %broadcast_in_dim3A_194, %broadcast_in_dim3A_204, %broadcast_in_dim3A_214, %broadcast_in_dim3A_224, %broadcast_in_dim3A_234, %broadcast_in_dim3A_244, %broadcast_in_dim3A_254, %broadcast_in_dim3A_264, %broadcast_in_dim3A_274, %broadcast_in_dim3A_284, %broadcast_in_dim3A_294 in 0 : vector<1x128xf32>, vector<1x128xf32>, vector<1x128xf32>, vector<1x128xf32>, vector<1x128xf32>, vector<1x128xf32>, vector<1x128xf32>, vector<1x128xf32>, vector<1x128xf32>, vector<1x128xf32>, vector<1x128xf32>, vector<1x128xf32> -> vector<12x128xf32>
    %concatenate3A_302 = tpu.concatenate %div3A_190, %div3A_200, %div3A_210, %div3A_220, %div3A_230, %div3A_240, %div3A_250, %div3A_260, %div3A_270, %div3A_280, %div3A_290, %div3A_300 in 0 : vector<1x128xf32>, vector<1x128xf32>, vector<1x128xf32>, vector<1x128xf32>, vector<1x128xf32>, vector<1x128xf32>, vector<1x128xf32>, vector<1x128xf32>, vector<1x128xf32>, vector<1x128xf32>, vector<1x128xf32>, vector<1x128xf32> -> vector<12x128xf32>
    %concatenate3A_303 = tpu.concatenate %concatenate3A_179, %concatenate3A_180, %concatenate3A_301, %concatenate3A_302 in 1 : vector<12x128xf32>, vector<12x128xf32>, vector<12x128xf32>, vector<12x128xf32> -> vector<12x512xf32>
    %reshape3A = vector.shape_cast %concatenate3A_303 : vector<12x512xf32> to vector<1x1x6144xf32>
    %swap3A = arith.constant 0 : index
    %swap3A_304 = arith.constant 0 : index
    %swap3A_305 = arith.constant 0 : index
    %swap3A_306 = vector.load %arg8[%swap3A, %swap3A_304, %swap3A_305] : memref<1x1x6144xf32, #tpu.memory_space<vmem>>, vector<1x1x6144xf32>
    tpu.vector_store %arg8[%swap3A, %swap3A_304, %swap3A_305], %reshape3A {strides = array<i32>} : memref<1x1x6144xf32, #tpu.memory_space<vmem>>, vector<1x1x6144xf32>,
    return
  }
  func.func @transform_0(%arg0: i32) -> (i32, i32, i32) {
    %c0_i32 = arith.constant 0 : i32
    %c0_i32_0 = arith.constant 0 : i32
    %c0_i32_1 = arith.constant 0 : i32
    return %c0_i32, %arg0, %c0_i32_0 : i32, i32, i32
  }
  func.func @transform_1(%arg0: i32) -> (i32, i32, i32) {
    %c0_i32 = arith.constant 0 : i32
    %c0_i32_0 = arith.constant 0 : i32
    %c0_i32_1 = arith.constant 0 : i32
    return %c0_i32, %arg0, %c0_i32_0 : i32, i32, i32
  }
  func.func @transform_2(%arg0: i32) -> (i32, i32) {
    %c0_i32 = arith.constant 0 : i32
    %c0_i32_0 = arith.constant 0 : i32
    return %arg0, %c0_i32 : i32, i32
  }
  func.func @transform_3(%arg0: i32) -> (i32, i32) {
    %c0_i32 = arith.constant 0 : i32
    %c0_i32_0 = arith.constant 0 : i32
    %c0_i32_1 = arith.constant 0 : i32
    return %c0_i32, %c0_i32_0 : i32, i32
  }
  func.func @transform_4(%arg0: i32) -> (i32, i32) {
    %c0_i32 = arith.constant 0 : i32
    %c0_i32_0 = arith.constant 0 : i32
    %c0_i32_1 = arith.constant 0 : i32
    return %c0_i32, %c0_i32_0 : i32, i32
  }
  func.func @transform_5(%arg0: i32) -> (i32, i32) {
    %c0_i32 = arith.constant 0 : i32
    %c0_i32_0 = arith.constant 0 : i32
    %c0_i32_1 = arith.constant 0 : i32
    return %c0_i32, %c0_i32_0 : i32, i32
  }
  func.func @transform_6(%arg0: i32) -> (i32, i32) {
    %c0_i32 = arith.constant 0 : i32
    %c0_i32_0 = arith.constant 0 : i32
    %c0_i32_1 = arith.constant 0 : i32
    return %c0_i32, %c0_i32_0 : i32, i32
  }
  func.func @transform_7(%arg0: i32) -> (i32, i32, i32) {
    %c0_i32 = arith.constant 0 : i32
    %c0_i32_0 = arith.constant 0 : i32
    %c0_i32_1 = arith.constant 0 : i32
    return %arg0, %c0_i32, %c0_i32_0 : i32, i32, i32
  }
}

module attributes {stable_mosaic.version = 14 : i64} {
  func.func @_tc_mlp_body(%arg0: memref<32x6144xf32, #tpu.memory_space<vmem>>, %arg1: memref<6144x512xf32, #tpu.memory_space<vmem>>, %arg2: memref<1x512xf32, #tpu.memory_space<vmem>>, %arg3: memref<1x512xf32, #tpu.memory_space<vmem>>, %arg4: memref<1x512xf32, #tpu.memory_space<vmem>>, %arg5: memref<512x128xf32, #tpu.memory_space<vmem>>, %arg6: memref<1x128xf32, #tpu.memory_space<vmem>>, %arg7: memref<1x128xf32, #tpu.memory_space<vmem>>, %arg8: memref<1x128xf32, #tpu.memory_space<vmem>>, %arg9: memref<128x128xf32, #tpu.memory_space<vmem>>, %arg10: memref<1x128xf32, #tpu.memory_space<vmem>>, %arg11: memref<32x128xf32, #tpu.memory_space<vmem>>) attributes {dimension_semantics = [], scalar_prefetch = 0 : i64, scratch_operands = 0 : i64, tpu.core_type = #tpu.core_type<tc>} {
    %get3A = arith.constant 0 : index
    %get3A_0 = arith.constant 0 : index
    %get3A_1 = vector.load %arg0[%get3A, %get3A_0] : memref<32x6144xf32, #tpu.memory_space<vmem>>, vector<32x6144xf32>
    %get3A_2 = arith.constant 0 : index
    %get3A_3 = arith.constant 0 : index
    %get3A_4 = vector.load %arg1[%get3A_2, %get3A_3] : memref<6144x512xf32, #tpu.memory_space<vmem>>, vector<6144x512xf32>
    %dot_general3A = arith.constant dense<0.000000e+00> : vector<32x512xf32>
    %dot_general3A_5 = tpu.matmul %get3A_1, %get3A_4, %dot_general3A {dimension_numbers = #tpu.dot_dimension_numbers<[1], [0], [0], [1], [0, 0, 1, 1], [], []>, transpose_lhs_hint = false} : vector<32x6144xf32>, vector<6144x512xf32>, vector<32x512xf32> -> vector<32x512xf32>
    %get3A_6 = arith.constant 0 : index
    %get3A_7 = arith.constant 0 : index
    %get3A_8 = vector.load %arg2[%get3A_6, %get3A_7] : memref<1x512xf32, #tpu.memory_space<vmem>>, vector<1x512xf32>
    %add3A = vector.broadcast %get3A_8 : vector<1x512xf32> to vector<32x512xf32>
    %add3A_9 = arith.addf %dot_general3A_5, %add3A : vector<32x512xf32>
    %neg3A = arith.constant 0.000000e+00 : f32
    %neg3A_10 = vector.broadcast %neg3A : f32 to vector<32x512xf32>
    %neg3A_11 = arith.subf %neg3A_10, %add3A_9 : vector<32x512xf32>
    %exp3A = math.exp %neg3A_11 : vector<32x512xf32>
    %add3A_12 = arith.constant 1.000000e+00 : f32
    %add3A_13 = vector.broadcast %add3A_12 : f32 to vector<32x512xf32>
    %add3A_14 = arith.addf %add3A_13, %exp3A : vector<32x512xf32>
    %div3A = arith.divf %add3A_9, %add3A_14 : vector<32x512xf32>
    %get3A_15 = arith.constant 0 : index
    %get3A_16 = arith.constant 0 : index
    %get3A_17 = vector.load %arg3[%get3A_15, %get3A_16] : memref<1x512xf32, #tpu.memory_space<vmem>>, vector<1x512xf32>
    %get3A_18 = arith.constant 0 : index
    %get3A_19 = arith.constant 0 : index
    %get3A_20 = vector.load %arg4[%get3A_18, %get3A_19] : memref<1x512xf32, #tpu.memory_space<vmem>>, vector<1x512xf32>
    %reduce_sum3A = arith.constant dense<0.000000e+00> : vector<512xf32>
    %reduce_sum3A_21 = vector.multi_reduction <add>, %div3A, %reduce_sum3A [0] : vector<32x512xf32> to vector<512xf32>
    %broadcast_in_dim3A = vector.shape_cast %reduce_sum3A_21 : vector<512xf32> to vector<1x512xf32>
    %div3A_22 = arith.constant 3.200000e+01 : f32
    %div3A_23 = vector.broadcast %div3A_22 : f32 to vector<1x512xf32>
    %div3A_24 = arith.divf %broadcast_in_dim3A, %div3A_23 : vector<1x512xf32>
    %sub3A = vector.broadcast %div3A_24 : vector<1x512xf32> to vector<32x512xf32>
    %sub3A_25 = arith.subf %div3A, %sub3A : vector<32x512xf32>
    %integer_pow3A = arith.mulf %sub3A_25, %sub3A_25 : vector<32x512xf32>
    %reduce_sum3A_26 = arith.constant dense<0.000000e+00> : vector<512xf32>
    %reduce_sum3A_27 = vector.multi_reduction <add>, %integer_pow3A, %reduce_sum3A_26 [0] : vector<32x512xf32> to vector<512xf32>
    %broadcast_in_dim3A_28 = vector.shape_cast %reduce_sum3A_27 : vector<512xf32> to vector<1x512xf32>
    %div3A_29 = arith.constant 3.200000e+01 : f32
    %div3A_30 = vector.broadcast %div3A_29 : f32 to vector<1x512xf32>
    %div3A_31 = arith.divf %broadcast_in_dim3A_28, %div3A_30 : vector<1x512xf32>
    %sub3A_32 = vector.broadcast %div3A_24 : vector<1x512xf32> to vector<32x512xf32>
    %sub3A_33 = arith.subf %div3A, %sub3A_32 : vector<32x512xf32>
    %add3A_34 = arith.constant 9.99999974E-6 : f32
    %add3A_35 = vector.broadcast %add3A_34 : f32 to vector<1x512xf32>
    %add3A_36 = arith.addf %div3A_31, %add3A_35 : vector<1x512xf32>
    %sqrt3A = math.sqrt %add3A_36 : vector<1x512xf32>
    %div3A_37 = vector.broadcast %sqrt3A : vector<1x512xf32> to vector<32x512xf32>
    %div3A_38 = arith.divf %sub3A_33, %div3A_37 : vector<32x512xf32>
    %mul3A = vector.broadcast %get3A_17 : vector<1x512xf32> to vector<32x512xf32>
    %mul3A_39 = arith.mulf %div3A_38, %mul3A : vector<32x512xf32>
    %add3A_40 = vector.broadcast %get3A_20 : vector<1x512xf32> to vector<32x512xf32>
    %add3A_41 = arith.addf %mul3A_39, %add3A_40 : vector<32x512xf32>
    %get3A_42 = arith.constant 0 : index
    %get3A_43 = arith.constant 0 : index
    %get3A_44 = vector.load %arg5[%get3A_42, %get3A_43] : memref<512x128xf32, #tpu.memory_space<vmem>>, vector<512x128xf32>
    %dot_general3A_45 = arith.constant dense<0.000000e+00> : vector<32x128xf32>
    %dot_general3A_46 = tpu.matmul %add3A_41, %get3A_44, %dot_general3A_45 {dimension_numbers = #tpu.dot_dimension_numbers<[1], [0], [0], [1], [0, 0, 1, 1], [], []>, transpose_lhs_hint = false} : vector<32x512xf32>, vector<512x128xf32>, vector<32x128xf32> -> vector<32x128xf32>
    %get3A_47 = arith.constant 0 : index
    %get3A_48 = arith.constant 0 : index
    %get3A_49 = vector.load %arg6[%get3A_47, %get3A_48] : memref<1x128xf32, #tpu.memory_space<vmem>>, vector<1x128xf32>
    %add3A_50 = vector.broadcast %get3A_49 : vector<1x128xf32> to vector<32x128xf32>
    %add3A_51 = arith.addf %dot_general3A_46, %add3A_50 : vector<32x128xf32>
    %neg3A_52 = arith.constant 0.000000e+00 : f32
    %neg3A_53 = vector.broadcast %neg3A_52 : f32 to vector<32x128xf32>
    %neg3A_54 = arith.subf %neg3A_53, %add3A_51 : vector<32x128xf32>
    %exp3A_55 = math.exp %neg3A_54 : vector<32x128xf32>
    %add3A_56 = arith.constant 1.000000e+00 : f32
    %add3A_57 = vector.broadcast %add3A_56 : f32 to vector<32x128xf32>
    %add3A_58 = arith.addf %add3A_57, %exp3A_55 : vector<32x128xf32>
    %div3A_59 = arith.divf %add3A_51, %add3A_58 : vector<32x128xf32>
    %get3A_60 = arith.constant 0 : index
    %get3A_61 = arith.constant 0 : index
    %get3A_62 = vector.load %arg7[%get3A_60, %get3A_61] : memref<1x128xf32, #tpu.memory_space<vmem>>, vector<1x128xf32>
    %get3A_63 = arith.constant 0 : index
    %get3A_64 = arith.constant 0 : index
    %get3A_65 = vector.load %arg8[%get3A_63, %get3A_64] : memref<1x128xf32, #tpu.memory_space<vmem>>, vector<1x128xf32>
    %reduce_sum3A_66 = arith.constant dense<0.000000e+00> : vector<128xf32>
    %reduce_sum3A_67 = vector.multi_reduction <add>, %div3A_59, %reduce_sum3A_66 [0] : vector<32x128xf32> to vector<128xf32>
    %broadcast_in_dim3A_68 = vector.shape_cast %reduce_sum3A_67 : vector<128xf32> to vector<1x128xf32>
    %div3A_69 = arith.constant 3.200000e+01 : f32
    %div3A_70 = vector.broadcast %div3A_69 : f32 to vector<1x128xf32>
    %div3A_71 = arith.divf %broadcast_in_dim3A_68, %div3A_70 : vector<1x128xf32>
    %sub3A_72 = vector.broadcast %div3A_71 : vector<1x128xf32> to vector<32x128xf32>
    %sub3A_73 = arith.subf %div3A_59, %sub3A_72 : vector<32x128xf32>
    %integer_pow3A_74 = arith.mulf %sub3A_73, %sub3A_73 : vector<32x128xf32>
    %reduce_sum3A_75 = arith.constant dense<0.000000e+00> : vector<128xf32>
    %reduce_sum3A_76 = vector.multi_reduction <add>, %integer_pow3A_74, %reduce_sum3A_75 [0] : vector<32x128xf32> to vector<128xf32>
    %broadcast_in_dim3A_77 = vector.shape_cast %reduce_sum3A_76 : vector<128xf32> to vector<1x128xf32>
    %div3A_78 = arith.constant 3.200000e+01 : f32
    %div3A_79 = vector.broadcast %div3A_78 : f32 to vector<1x128xf32>
    %div3A_80 = arith.divf %broadcast_in_dim3A_77, %div3A_79 : vector<1x128xf32>
    %sub3A_81 = vector.broadcast %div3A_71 : vector<1x128xf32> to vector<32x128xf32>
    %sub3A_82 = arith.subf %div3A_59, %sub3A_81 : vector<32x128xf32>
    %add3A_83 = arith.constant 9.99999974E-6 : f32
    %add3A_84 = vector.broadcast %add3A_83 : f32 to vector<1x128xf32>
    %add3A_85 = arith.addf %div3A_80, %add3A_84 : vector<1x128xf32>
    %sqrt3A_86 = math.sqrt %add3A_85 : vector<1x128xf32>
    %div3A_87 = vector.broadcast %sqrt3A_86 : vector<1x128xf32> to vector<32x128xf32>
    %div3A_88 = arith.divf %sub3A_82, %div3A_87 : vector<32x128xf32>
    %mul3A_89 = vector.broadcast %get3A_62 : vector<1x128xf32> to vector<32x128xf32>
    %mul3A_90 = arith.mulf %div3A_88, %mul3A_89 : vector<32x128xf32>
    %add3A_91 = vector.broadcast %get3A_65 : vector<1x128xf32> to vector<32x128xf32>
    %add3A_92 = arith.addf %mul3A_90, %add3A_91 : vector<32x128xf32>
    %get3A_93 = arith.constant 0 : index
    %get3A_94 = arith.constant 0 : index
    %get3A_95 = vector.load %arg9[%get3A_93, %get3A_94] : memref<128x128xf32, #tpu.memory_space<vmem>>, vector<128x128xf32>
    %dot_general3A_96 = arith.constant dense<0.000000e+00> : vector<32x128xf32>
    %dot_general3A_97 = tpu.matmul %add3A_92, %get3A_95, %dot_general3A_96 {dimension_numbers = #tpu.dot_dimension_numbers<[1], [0], [0], [1], [0, 0, 1, 1], [], []>, transpose_lhs_hint = false} : vector<32x128xf32>, vector<128x128xf32>, vector<32x128xf32> -> vector<32x128xf32>
    %get3A_98 = arith.constant 0 : index
    %get3A_99 = arith.constant 0 : index
    %get3A_100 = vector.load %arg10[%get3A_98, %get3A_99] : memref<1x128xf32, #tpu.memory_space<vmem>>, vector<1x128xf32>
    %add3A_101 = vector.broadcast %get3A_100 : vector<1x128xf32> to vector<32x128xf32>
    %add3A_102 = arith.addf %dot_general3A_97, %add3A_101 : vector<32x128xf32>
    %slice3A = vector.extract_strided_slice %add3A_102 {offsets = [0, 0], sizes = [32, 2], strides = [1, 1]} : vector<32x128xf32> to vector<32x2xf32>
    %reduce_max3A = arith.constant dense<0xFF800000> : vector<32xf32>
    %reduce_max3A_103 = vector.multi_reduction <maximumf>, %slice3A, %reduce_max3A [1] : vector<32x2xf32> to vector<32xf32>
    %broadcast_in_dim3A_104 = vector.shape_cast %reduce_max3A_103 : vector<32xf32> to vector<32x1xf32>
    %sub3A_105 = vector.broadcast %broadcast_in_dim3A_104 : vector<32x1xf32> to vector<32x2xf32>
    %sub3A_106 = arith.subf %slice3A, %sub3A_105 : vector<32x2xf32>
    %exp3A_107 = math.exp %sub3A_106 : vector<32x2xf32>
    %reduce_sum3A_108 = arith.constant dense<0.000000e+00> : vector<32xf32>
    %reduce_sum3A_109 = vector.multi_reduction <add>, %exp3A_107, %reduce_sum3A_108 [1] : vector<32x2xf32> to vector<32xf32>
    %broadcast_in_dim3A_110 = vector.shape_cast %reduce_sum3A_109 : vector<32xf32> to vector<32x1xf32>
    %div3A_111 = vector.broadcast %broadcast_in_dim3A_110 : vector<32x1xf32> to vector<32x2xf32>
    %div3A_112 = arith.divf %exp3A_107, %div3A_111 : vector<32x2xf32>
    %broadcast_in_dim3A_113 = arith.constant 0.000000e+00 : f32
    %broadcast_in_dim3A_114 = vector.broadcast %broadcast_in_dim3A_113 : f32 to vector<32x126xf32>
    %concatenate3A = tpu.concatenate %div3A_112, %broadcast_in_dim3A_114 in 1 : vector<32x2xf32>, vector<32x126xf32> -> vector<32x128xf32>
    %swap3A = arith.constant 0 : index
    %swap3A_115 = arith.constant 0 : index
    %swap3A_116 = vector.load %arg11[%swap3A, %swap3A_115] : memref<32x128xf32, #tpu.memory_space<vmem>>, vector<32x128xf32>
    tpu.vector_store %arg11[%swap3A, %swap3A_115], %concatenate3A {strides = array<i32>} : memref<32x128xf32, #tpu.memory_space<vmem>>, vector<32x128xf32>,
    return
  }
}

</mosaic_0001>

<sc_bundles>
// kernel: kernel.10.cloned.1.call-start
scs
__scs_entry_jumppad:
0x0: {  	(pc) =	sbr.rel $0x88, $3  }
0x1: {  	(tag) =	ssettag $0x0;
	lr =	simm.s32 $0x1  }
0x2: {  	[smem:$0x3F8E] =	sst lr;
	_ =	strace $0xD0000000  }
0x3: {  	_ = 	snop  }
0x4: {  	_ = 	snop  }
0x5: {  	_ = 	snop  }
0x6: {  	_ = 	snop  }
0x7: {  	_ = 	snop  }
__scs_overlays_trampoline_lowered:
0x8: {  	[smem:$0x3F9D] =	sst s0  }
0x9: {  	[smem:$0x3F9E] =	sst s1  }
0xa: {  	[smem:$0x3F9F] =	sst s2  }
0xb: {  	[smem:$0x3FA0] =	sst s3  }
0xc: {  	[smem:$0x3FA1] =	sst s4  }
0xd: {  	[smem:$0x3FA2] =	sst s5  }
0xe: {  	[smem:$0x3FA3] =	sst s6  }
0xf: {  	[smem:$0x3FA4] =	sst s7  }
0x10: {  	[smem:$0x3FA5] =	sst s8  }
0x11: {  	[smem:$0x3FA6] =	sst s9;
	s0 =	simm.s32 @!p0 $0x0  }
0x12: {  	s1 =	sld [smem:$0x3F8C];
	s0 =	simm.s32 @p0 $0x1  }
0x13: {  	[smem:$0x3FA7] =	sst s0;
	s0 =	simm.s32 @!p1 $0x0  }
0x14: {  	s2 =	sld [smem:$0x3F8B];
	s0 =	simm.s32 @p1 $0x1  }
0x15: {  	[smem:$0x3FA8] =	sst s0;
	s0 =	simm.s32 @!p2 $0x0  }
0x16: {  	s3 =	sld [smem:$0x3FDB];
	s0 =	simm.s32 @p2 $0x1  }
0x17: {  	s4 =	simm.s32 $0x1BF5;
	[smem:$0x3FAA] =	sst s0  }
0x18: {  	s0 =	sld [smem:$0x3F8D];
	_ =	swait.ge [sflag:s4], $0x0  }
0x19: {  	s7 =	sld [smem:$0x3F8E]  }
0x1a: {  	s8 =	sadd.s32 $0xFFFFE003, lr  }
0x1b: {  	s9 =	sadd.s32 $0xFFFFFEF7, lr;
	s5 =	simm.s32 $0xFFFFFFFF;
	p2 =	slt.u32 s8, $0xFFFFF086  }
0x1c: {  	p1 =	slt.u32 s9, $0xF7A;
	s5 =	simm.s32 @!p2 $0x0  }
0x1d: {  	s5 =	simm.s32 @p1 $0x1;
	p0 =	seq.s32 s7, s2  }
0x1e: {  	s7 =	smul.u32 @!p0 $0xF7A, s2;
	p2 =	seq.s32 @!p0 s5, $0x0  }
0x1f: {  	s9 =	smul.u32 $0xF7A, s1;
	s8 =	simm.s32 @!p0 $0x1BF5;
	p2 =	por !p2, p0  }
0x20: {  	[sflag:s8] =	ssyncset.s32 @!p0 $0xFFFFF086;
	s6 =	sadd.s32 @!p0 s3, s7;
	s7 =	simm.s32 @!p0 $0x108  }
0x21: {  	s3 =	sadd.s32 s3, s9;
	s6 =	sadd.s32 @!p0 $0x88, s6;
	s7 =	simm.s32 @p2 $0x1082  }
0x22: {  	[simem:s7], [sflag:s8] =	dma.local @!p0 [hbm:s6], $0xF7A  }
0x23: {  	s9 =	sor.u32 $0xD0000000, s2;
	s6 =	simm.s32 $0x108;
	_ =	swait.ge @!p0 [sflag:s8], $0x0  }
0x24: {  	s3 =	sadd.s32 $0x88, s3;
	s6 =	simm.s32 @!p1 $0x1082;
	[sflag:s4] =	ssyncset.s32 $0xFFFFF086  }
0x25: {  	[simem:s6], [sflag:s4] =	dma.local [hbm:s3], $0xF7A  }
0x26: {  	[smem:$0x3F8E] =	sst s1;
	(tag) =	ssettag s2;
	_ =	strace s9  }
0x27: {  	s1 =	sld [smem:$0x3F9E]  }
0x28: {  	s2 =	sld [smem:$0x3F9F]  }
0x29: {  	s4 =	sld [smem:$0x3FA1]  }
0x2a: {  	p0 =	seq.s32 s5, $0x0;
	s5 =	sld [smem:$0x3FA2]  }
0x2b: {  	s6 =	sld [smem:$0x3FA3]  }
0x2c: {  	s7 =	sld [smem:$0x3FA4]  }
0x2d: {  	s3 =	simm.s32 $0x108;
	s8 =	sld [smem:$0x3FA5]  }
0x2e: {  	s3 =	simm.s32 @!p0 $0x1082;
	s9 =	sld [smem:$0x3FA6]  }
0x2f: {  	lr =	sadd.s32 s0, s3;
	s0 =	sld [smem:$0x3F9D]  }
0x30: {  	s3 =	sld [smem:$0x3FA0]  }
0x31: {  	[smem:$0x3FA9] =	sst s10  }
0x32: {  	s10 =	sld [smem:$0x3FA7];
	_ =	sdelay $0x3  }
0x33: {  	p0 =	seq.s32 s10, $0x1;
	s10 =	sld [smem:$0x3FA9];
	_ =	sdelay $0x3  }
0x34: {  	[smem:$0x3FA9] =	sst s10  }
0x35: {  	s10 =	sld [smem:$0x3FA8];
	_ =	sdelay $0x3  }
0x36: {  	p1 =	seq.s32 s10, $0x1;
	s10 =	sld [smem:$0x3FA9];
	_ =	sdelay $0x3  }
0x37: {  	[smem:$0x3FA9] =	sst s10  }
0x38: {  	s10 =	sld [smem:$0x3FAA]  }
0x39: {  	_ = 	snop;
	(pc) =	sbr.ind lr, $3  }
0x3a: {  	_ = 	snop  }
0x3b: {  	_ = 	snop  }
0x3c: {  	p2 =	seq.s32 s10, $0x1;
	s10 =	sld [smem:$0x3FA9]  }
0x3d: {  	_ =	shalt  }
0x3e: {  	_ =	shalt  }
0x3f: {  	_ =	shalt  }
0x40: {  	_ =	shalt  }
0x41: {  	_ =	shalt  }
0x42: {  	_ =	shalt  }
0x43: {  	_ =	shalt  }
0x44: {  	_ =	shalt  }
0x45: {  	_ =	shalt  }
0x46: {  	_ =	shalt  }
0x47: {  	_ =	shalt  }
0x48: {  	_ =	shalt  }
0x49: {  	_ =	shalt  }
0x4a: {  	_ =	shalt  }
0x4b: {  	_ =	shalt  }
0x4c: {  	_ =	shalt  }
0x4d: {  	_ =	shalt  }
0x4e: {  	_ =	shalt  }
0x4f: {  	_ =	shalt  }
0x50: {  	_ =	shalt  }
0x51: {  	_ =	shalt  }
0x52: {  	_ =	shalt  }
0x53: {  	_ =	shalt  }
0x54: {  	_ =	shalt  }
0x55: {  	_ =	shalt  }
0x56: {  	_ =	shalt  }
0x57: {  	_ =	shalt  }
0x58: {  	_ =	shalt  }
0x59: {  	_ =	shalt  }
0x5a: {  	_ =	shalt  }
0x5b: {  	_ =	shalt  }
0x5c: {  	_ =	shalt  }
0x5d: {  	_ =	shalt  }
0x5e: {  	_ =	shalt  }
0x5f: {  	_ =	shalt  }
0x60: {  	_ =	shalt  }
0x61: {  	_ =	shalt  }
0x62: {  	_ =	shalt  }
0x63: {  	_ =	shalt  }
0x64: {  	_ =	shalt  }
0x65: {  	_ =	shalt  }
0x66: {  	_ =	shalt  }
0x67: {  	_ =	shalt  }
0x68: {  	_ =	shalt  }
0x69: {  	_ =	shalt  }
0x6a: {  	_ =	shalt  }
0x6b: {  	_ =	shalt  }
0x6c: {  	_ =	shalt  }
0x6d: {  	_ =	shalt  }
0x6e: {  	_ =	shalt  }
0x6f: {  	_ =	shalt  }
0x70: {  	_ =	shalt  }
0x71: {  	_ =	shalt  }
0x72: {  	_ =	shalt  }
0x73: {  	_ =	shalt  }
0x74: {  	_ =	shalt  }
0x75: {  	_ =	shalt  }
0x76: {  	_ =	shalt  }
0x77: {  	_ =	shalt  }
0x78: {  	_ =	shalt  }
0x79: {  	_ =	shalt  }
0x7a: {  	_ =	shalt  }
0x7b: {  	_ =	shalt  }
0x7c: {  	_ =	shalt  }
0x7d: {  	_ =	shalt  }
0x7e: {  	_ =	shalt  }
0x7f: {  	_ =	shalt  }
0x80: {  	_ =	shalt  }
0x81: {  	_ =	shalt  }
0x82: {  	_ =	shalt  }
0x83: {  	_ =	shalt  }
0x84: {  	_ =	shalt  }
0x85: {  	_ =	shalt  }
0x86: {  	_ =	shalt  }
0x87: {  	_ =	shalt  }
.Lfunc_end0:
.L_simem_size_0:
called_computation.1_lowered:
.L_overlay_start_0:
0x88: {  	s2 =	sld [smem:$0x3FD9]  }
0x89: {  	s3 =	sld [smem:$0x3FFE];
	_ =	sdelay $0x1  }
0x8a: {  	s1 =	srdreg.scid  }
0x8b: {  	s0 =	sand.u32 $0x1, s1  }
0x8c: {  	s16 =	sshll.u32 s0, $0xA;
	s2 =	sadd.s32 s3, s2  }
0x8d: {  	s2 =	sadd.s32 s2, s16  }
0x8e: {  	[smem:$0x3FB5] =	sst s2  }
0x8f: {  	_ = 	snop  }
0x90: {  	(tm) =	ssettm $0x1  }
0x91: {  	s17 =	sld [smem:$0x3FFB];
	_ =	sdelay $0x3  }
0x92: {  	_ =	strace s17  }
0x93: {  	s2 =	sld [smem:$0x3FFC];
	_ =	sdelay $0x3  }
0x94: {  	_ =	strace s2  }
0x95: {  	s2 =	sld [smem:$0x3FFD];
	_ =	sdelay $0x3  }
0x96: {  	_ =	strace s2  }
0x97: {  	_ =	strace $0x8FFFFFFF  }
0x98: {  	s18 =	sld [smem:$0x3FDB];
	_ =	sdelay $0x1  }
0x99: {  	s19 =	simm.s32 $_scs_section_size  }
0x9a: {  	s4 =	simm.s32 $_size__tile_overlayer_lowered;
	s5 =	simm.s32 $_tile_overlayer_lowered  }
0x9b: {  	s22 =	simm.s32 $0x1BFF;
	s21 =	sshll.u32 s5, $0x1;
	s2 =	sadd.s32 s19, s18  }
0x9c: {  	s6 =	simm.s32 $0x0;
	s20 =	sshll.u32 s4, $0x1;
	s4 =	sadd.s32 s21, s2  }
0x9d: {  	[timem:s6], [sflag:s22] =	dma.local [hbm:s4], s20  }
0x9e: {  	_ =	swait.ge [sflag:s22], s20  }
0x9f: {  	s3 =	ssub.s32 $0x0, s20;
	[sflag:s22] =	ssyncset.done $0x0  }
0xa0: {  	[sflag:s22] =	ssyncadd.s32 s3;
	_ =	sdelay $0x1  }
0xa1: {  	s23 =	simm.s32 $0x1B8B  }
0xa2: {  	_ =	swait.ge [sflag:s23], $0x1  }
0xa3: {  	[sflag:s23] =	ssyncset.done $0x0  }
0xa4: {  	s25 =	simm.s32 $0x1B8E;
	s24 =	sld [smem:$0x3FFE];
	[sflag:s23] =	ssyncadd.s32 $0xFFFFFFFF  }
0xa5: {  	s26 =	simm.s32 $execute0_lowered;
	[smem:$0x3FD2] =	sst s25  }
0xa6: {  	s4 =	sshll.u32 s26, $0x1;
	_ =	strace $0x80000049;
	[dreg:$0x1] =	wrdreg $0xFFFFFFFF  }
0xa7: {  	s28 =	simm.s32 $_size_execute0_lowered;
	s2 =	sadd.s32 s2, s4;
	[dreg:$0x0] =	wrdreg $0x0  }
0xa8: {  	s4 =	sshll.u32 s28, $0x1;
	[dreg:$0x2] =	wrdreg s2  }
0xa9: {  	[dreg:$0x3] =	wrdreg s4  }
0xaa: {  	[dreg:$0x4] =	wrdreg $0xC0  }
0xab: {  	_ =	task [dreg:s6], $0x5FFFF  }
0xac: {  	[dreg:$0x1] =	wrdreg $0xFFFFFFFF  }
0xad: {  	[dreg:$0x0] =	wrdreg $0x60  }
0xae: {  	[dreg:$0x2] =	wrdreg s24  }
0xaf: {  	[dreg:$0x3] =	wrdreg $0x60000  }
0xb0: {  	[dreg:$0x4] =	wrdreg $0x9  }
0xb1: {  	_ =	task.clear_ibuf [dreg:s6], $0x5FFFF;
	_ =	strace $0x90000049  }
0xb2: {  	s29 =	simm.s32 $0x9;
	_ =	strace $0x8000004B  }
0xb3: {  	_ =	swait.ge [sflag:s29], $0x1  }
0xb4: {  	[sflag:s29] =	ssyncadd.s32 $0xFFFFFFFF  }
0xb5: {  	_ =	strace $0x9000004B  }
0xb6: {  	_ =	sfence  }
0xb7: {  	s30 =	sld [smem:$0x0];
	_ =	sdelay $0x2  }
0xb8: {  	s31 =	sshll.u32 s1, $0xD;
	s1 =	sshrl.u32 s1, $0x2  }
0xb9: {  	s3 =	sand.u32 $0x4000, s31;
	s1 =	sadd.s32 s1, s30  }
0xba: {  	s0 =	sor.u32 s3, s0;
	s1 =	sshll.u32 s1, $0x11  }
0xbb: {  	s0 =	sor.u32 s1, s0  }
0xbc: {  	s0 =	sadd.s32 $0x8F2B, s0  }
0xbd: {  	[sflag:s0] =	ssyncadd.remote.s32 $0x1  }
0xbe: {  	_ =	sfence.sel $0xFFFF  }
0xbf: {  	[dreg:$0x0] =	wrdreg $0xFFFFFFFF;
	(pc) =	sbr.abs _section_cstart, $3  }
0xc0: {  	[dreg:$0x1] =	wrdreg $0xFFFFFFFF  }
0xc1: {  	_ =	task.clear_ibuf [dreg:s6], $0x2FFFF;
	_ =	strace $0x9FFFFFFF  }
0xc2: {  	(tm) =	ssettm $0x7FFFFFFF  }
0xc3: {  	_ =	shalt  }
tec
execute0_lowered:
.L_overlay_start_1:
0x0: {  	(tag) =	ssettag $0x1  }
0x1: {  	s2 =	rddreg [dreg:$0x0]  }
0x2: {  	s1 =	rddreg [dreg:$0x1];
	s0 =	srdreg.scid;
	s4 =	simm.s32 $0x0  }
0x3: {  	s11 =	stileid.u32;
	s13 =	simm.s32 $0x9;
	s14 =	simm.s32 $0x1000  }
0x4: {  	s15 =	simm.s32 $0x80;
	s16 =	simm.s32 $0x2000;
	s17 =	simm.s32 $0x3000  }
0x5: {  	s18 =	simm.s32 $0x1;
	s20 =	simm.s32 $0x4000;
	s21 =	simm.s32 $0x2  }
0x6: {  	s29 =	simm.s32 $0x5;
	s31 =	simm.s32 $0x4;
	s19 =	simm.s32 $0x1E00  }
0x7: {  	s22 =	simm.s32 $0xF00;
	s28 =	simm.s32 $0xF80;
	s30 =	simm.s32 $0x1F00  }
0x8: {  	s12 =	simm.s32 $0x0;
	s0 =	sand.u32 $0x1, s0;
	[smem:$0x7FF] =	sst s4  }
0x9: {  	s7 =	smul.u32 $0x1F800, s11;
	s4 =	sadd.s32 $0x56C00, s2;
	s5 =	sadd.s32 $0x46C00, s2  }
0xa: {  	s6 =	sadd.s32 $0x36C00, s2;
	s8 =	smul.u32 $0x3F800, s11;
	s9 =	sadd.s32 $0x133400, s2  }
0xb: {  	s10 =	sshll.u32 s11, $0x6;
	s3 =	smul.u32 $0x1F8000, s0;
	_ =	strace $0x8000004A  }
0xc: {  	[dreg:$0x3] =	wrdreg s9;
	s23 =	ssub.s32 $0x2, s0;
	s10 =	sor.u32 $0x1C09, s10  }
0xd: {  	s9 =	sshll.u32 s11, $0xC;
	s11 =	simm.s32 $0x7;
	v0 =	vmov s0;
	s0 =	simm.s32 $0x1F80  }
0xe: {  	s24 =	sshrl.u32 s23, $0x1;
	s8 =	sshrl.u32 s8, $0x2;
	s25 =	sshrl.u32 s7, $0x1  }
0xf: {  	[dreg:$0x4] =	wrdreg s10;
	s3 =	sadd.s32 s7, s3;
	s8 =	sadd.s32 s8, s1  }
0x10: {  	s3 =	sshrl.u32 s3, $0x4;
	s26 =	sshrl.u32 s8, $0x3;
	s8 =	simm.s32 $0x8  }
0x11: {  	s2 =	sadd.s32 s3, s2;
	s3 =	ssub.s32 s23, s24;
	[dreg:$0x7] =	wrdreg s26  }
0x12: {  	s26 =	simm.s32 $0x3;
	s23 =	simm.s32 $0x1E80;
	s2 =	sadd.s32 $0x95C00, s2  }
0x13: {  	s3 =	smax.u32 s3, $0x1;
	[dreg:$0x5] =	wrdreg s2;
	s2 =	sadd.s32 s25, s1  }
0x14: {  	[dreg:$0x6] =	wrdreg s3;
	s25 =	simm.s32 $0x5000;
	s2 =	sshrl.u32 s2, $0x3  }
0x15: {  	s3 =	simm.s32 $0xE80;
	[dreg:$0x8] =	wrdreg s2;
	s2 =	simm.s32 $0x6  }
.LBB2_1:
0x16: {  	[dreg:$0x9] =	wrdreg s12  }
0x17: {  	s7 =	rddreg [dreg:$0x3]  }
0x18: {  	s24 =	rddreg [dreg:$0x7]  }
0x19: {  	[spmem:s24], [sflag:s10] =	dma.local [hbm:s7], $0x1FC0  }
0x1a: {  	_ =	swait.ge [sflag:s13], $0x1FC0  }
0x1b: {  	[sflag:s13] =	ssyncset.done $0x0  }
0x1c: {  	[sflag:s13] =	ssyncadd.s32 $0xFFFFE040  }
0x1d: {  	s7 =	simm.s32 $0x0;
	[bflag:$0x0] =	sbarrier.arrive $0xFFFF  }
.LBB2_2:
0x1e: {  	s10 =	sshll.u32 s7, $0x9  }
0x1f: {  	s10 =	sadd.s32 s9, s10  }
0x20: {  	s24 =	simm.s32 $0x0;
	s12 =	sadd.s32 s5, s10  }
0x21: {  	[tilespmem:s24], [sflag:$0x9] =	stream.linear.gather [hbm4b:s12+s24], $0x1000, $0x38;
	[tilespmem:$0x15E00] =	vst v63  }
0x22: {  	_ =	swait.ge [sflag:s13], $0x1000  }
0x23: {  	[sflag:s13] =	ssyncset.done $0x0  }
0x24: {  	s10 =	sadd.s32 s6, s10;
	[sflag:s13] =	ssyncadd.s32 $0xFFFFF000  }
0x25: {  	[tilespmem:s14], [sflag:$0x9] =	stream.linear.gather [hbm4b:s10+s24], $0x1000, $0x38;
	[tilespmem:$0x15E00] =	vst v63  }
0x26: {  	_ =	swait.ge [sflag:s13], $0x1000  }
0x27: {  	[sflag:s13] =	ssyncset.done $0x0  }
0x28: {  	s10 =	simm.s32 $0x0;
	[sflag:s13] =	ssyncadd.s32 $0xFFFFF000  }
0x29: {  	v2 =	vld [tilespmem:s10+$0x0]  }
0x2a: {  	v3 =	vld [tilespmem:s10+$0x10]  }
0x2b: {  	v5 =	vld [tilespmem:s10+$0x20]  }
0x2c: {  	v4 =	vld [tilespmem:s10+$0x30]  }
0x2d: {  	v1 =	vld [tilespmem:s10+$0x40]  }
0x2e: {  	v6 =	vshll.u32 v2, $0x1;
	v2 =	vld [tilespmem:s10+$0x50]  }
0x2f: {  	s12 =	simm.s32 $0x200;
	v7 =	vshll.u32 v3, $0x1;
	v3 =	vld [tilespmem:s10+$0x60];
	v6 =	vor.u32 v0, v6  }
.LBB2_3:
0x30: {  	s24 =	sshra.s32 s12, $0x2;
	p0 =	sne.s32 s12, $0x3E00;
	[tilespmem:s10+$0x0] =	vst v6;
	v6 =	vor.u32 v0, v7;
	v5 =	vshll.u32 v5, $0x1;
	v7 =	vld [tilespmem:s10+$0x70]  }
0x31: {  	v8 =	vld [tilespmem:s24+$0x0];
	[tilespmem:s10+$0x10] =	vst v6;
	v5 =	vor.u32 v0, v5;
	v4 =	vshll.u32 v4, $0x1  }
0x32: {  	v9 =	vld [tilespmem:s24+$0x10];
	[tilespmem:s10+$0x20] =	vst v5;
	v4 =	vor.u32 v0, v4;
	v1 =	vshll.u32 v1, $0x1  }
.Ltmp0:
0x33: {  	v5 =	vld [tilespmem:s24+$0x20];
	[tilespmem:s10+$0x30] =	vst v4;
	v1 =	vor.u32 v0, v1;
	v2 =	vshll.u32 v2, $0x1;
	(pc) =	sbr.rel @p0 .LBB2_3-.Ltmp0, $4  }
0x34: {  	v4 =	vld [tilespmem:s24+$0x30];
	[tilespmem:s10+$0x40] =	vst v1;
	v2 =	vor.u32 v0, v2;
	v3 =	vshll.u32 v3, $0x1  }
0x35: {  	v1 =	vld [tilespmem:s24+$0x40];
	[tilespmem:s10+$0x50] =	vst v2;
	v3 =	vor.u32 v0, v3;
	v6 =	vshll.u32 v7, $0x1  }
0x36: {  	v7 =	vshll.u32 v8, $0x1;
	v2 =	vld [tilespmem:s24+$0x50];
	[tilespmem:s10+$0x60] =	vst v3;
	v8 =	vor.u32 v0, v6  }
0x37: {  	s12 =	sadd.s32 $0x200, s12;
	v6 =	vor.u32 v0, v7;
	v7 =	vshll.u32 v9, $0x1;
	v3 =	vld [tilespmem:s24+$0x60];
	[tilespmem:s10+$0x70] =	vst v8;
	s10 =	smov.u32 s24  }
0x38: {  	[tilespmem:s10+$0x0] =	vst v6;
	v62 =	vor.u32 v0, v7;
	v5 =	vshll.u32 v5, $0x1;
	v63 =	vld [tilespmem:s10+$0x70]  }
0x39: {  	[tilespmem:s10+$0x10] =	vst v62;
	v5 =	vor.u32 v0, v5;
	v4 =	vshll.u32 v4, $0x1  }
0x3a: {  	[tilespmem:s10+$0x20] =	vst v5;
	v4 =	vor.u32 v0, v4;
	v1 =	vshll.u32 v1, $0x1  }
0x3b: {  	[tilespmem:s10+$0x30] =	vst v4;
	v1 =	vor.u32 v0, v1;
	v2 =	vshll.u32 v2, $0x1  }
0x3c: {  	[tilespmem:s10+$0x40] =	vst v1;
	v1 =	vor.u32 v0, v2;
	v2 =	vshll.u32 v3, $0x1  }
0x3d: {  	[tilespmem:s10+$0x50] =	vst v1;
	v1 =	vor.u32 v0, v2;
	v2 =	vshll.u32 v63, $0x1  }
0x3e: {  	[tilespmem:s10+$0x60] =	vst v1;
	v1 =	vor.u32 v0, v2  }
0x3f: {  	s24 =	simm.s32 $0x0;
	[tilespmem:s10+$0x70] =	vst v1  }
0x40: {  	[tilespmem:s16], [sflag:$0x1] =	stream.indirect.gather [hbm4b:s4+s15], $0x20, s24, s15, $0xb8;
	[tilespmem:$0x15E00] =	vst v63  }
0x41: {  	_ = 	snop  }
0x42: {  	[tilespmem:s17], [sflag:$0x2] =	stream.indirect.gather [hbm4b:s4+s15], $0x20, s15, s15, $0xb8;
	[tilespmem:$0x15E00] =	vst v63  }
0x43: {  	_ =	swait.ge [sflag:s18], $0x1000  }
0x44: {  	[sflag:s18] =	ssyncset.done $0x0  }
0x45: {  	[sflag:s18] =	ssyncadd.s32 $0xFFFFF000  }
0x46: {  	[spmem:s1] =	stream.indirect.scatter.add.bf16 [tilespmem:s16], [sflag:$0x5], $0x20, s14, s15, $0xb8;
	[tilespmem:$0x15E00] =	vst v63  }
0x47: {  	s12 =	simm.s32 $0x100  }
0x48: {  	[tilespmem:s20], [sflag:$0x3] =	stream.indirect.gather [hbm4b:s4+s15], $0x20, s12, s15, $0xb8;
	[tilespmem:$0x15E00] =	vst v63  }
0x49: {  	_ =	swait.ge [sflag:s21], $0x1000  }
0x4a: {  	[sflag:s21] =	ssyncset.done $0x0  }
0x4b: {  	s24 =	simm.s32 $0x1080;
	[sflag:s21] =	ssyncadd.s32 $0xFFFFF000  }
0x4c: {  	[spmem:s1] =	stream.indirect.scatter.add.bf16 [tilespmem:s17], [sflag:$0x6], $0x20, s24, s15, $0xb8;
	[tilespmem:$0x15E00] =	vst v63  }
0x4d: {  	s12 =	simm.s32 $0x180  }
0x4e: {  	[tilespmem:s25], [sflag:$0x4] =	stream.indirect.gather [hbm4b:s4+s15], $0x20, s12, s15, $0xb8;
	[tilespmem:$0x15E00] =	vst v63  }
0x4f: {  	_ =	swait.ge [sflag:s26], $0x1000  }
0x50: {  	[sflag:s26] =	ssyncset.done $0x0  }
0x51: {  	s24 =	simm.s32 $0x1100;
	[sflag:s26] =	ssyncadd.s32 $0xFFFFF000  }
0x52: {  	[spmem:s1] =	stream.indirect.scatter.add.bf16 [tilespmem:s20], [sflag:$0x7], $0x20, s24, s15, $0xb8;
	[tilespmem:$0x15E00] =	vst v63  }
0x53: {  	_ =	swait.ge [sflag:s29], $0x1000  }
0x54: {  	[sflag:s29] =	ssyncset.done $0x0  }
0x55: {  	s12 =	simm.s32 $0x200;
	[sflag:s29] =	ssyncadd.s32 $0xFFFFF000  }
0x56: {  	[tilespmem:s16], [sflag:$0x1] =	stream.indirect.gather [hbm4b:s4+s15], $0x20, s12, s15, $0xb8;
	[tilespmem:$0x15E00] =	vst v63  }
0x57: {  	_ =	swait.ge [sflag:s31], $0x1000  }
0x58: {  	[sflag:s31] =	ssyncset.done $0x0  }
0x59: {  	s24 =	simm.s32 $0x1180;
	[sflag:s31] =	ssyncadd.s32 $0xFFFFF000  }
0x5a: {  	[spmem:s1] =	stream.indirect.scatter.add.bf16 [tilespmem:s25], [sflag:$0x8], $0x20, s24, s15, $0xb8;
	[tilespmem:$0x15E00] =	vst v63  }
0x5b: {  	_ =	swait.ge [sflag:s2], $0x1000  }
0x5c: {  	[sflag:s2] =	ssyncset.done $0x0  }
0x5d: {  	s12 =	simm.s32 $0x280;
	[sflag:s2] =	ssyncadd.s32 $0xFFFFF000  }
0x5e: {  	[tilespmem:s17], [sflag:$0x2] =	stream.indirect.gather [hbm4b:s4+s15], $0x20, s12, s15, $0xb8;
	[tilespmem:$0x15E00] =	vst v63  }
0x5f: {  	_ =	swait.ge [sflag:s18], $0x1000  }
0x60: {  	[sflag:s18] =	ssyncset.done $0x0  }
0x61: {  	s24 =	simm.s32 $0x1200;
	[sflag:s18] =	ssyncadd.s32 $0xFFFFF000  }
0x62: {  	[spmem:s1] =	stream.indirect.scatter.add.bf16 [tilespmem:s16], [sflag:$0x5], $0x20, s24, s15, $0xb8;
	[tilespmem:$0x15E00] =	vst v63  }
0x63: {  	_ =	swait.ge [sflag:s11], $0x1000  }
0x64: {  	[sflag:s11] =	ssyncset.done $0x0  }
0x65: {  	s12 =	simm.s32 $0x300;
	[sflag:s11] =	ssyncadd.s32 $0xFFFFF000  }
0x66: {  	[tilespmem:s20], [sflag:$0x3] =	stream.indirect.gather [hbm4b:s4+s15], $0x20, s12, s15, $0xb8;
	[tilespmem:$0x15E00] =	vst v63  }
0x67: {  	_ =	swait.ge [sflag:s21], $0x1000  }
0x68: {  	[sflag:s21] =	ssyncset.done $0x0  }
0x69: {  	s24 =	simm.s32 $0x1280;
	[sflag:s21] =	ssyncadd.s32 $0xFFFFF000  }
0x6a: {  	[spmem:s1] =	stream.indirect.scatter.add.bf16 [tilespmem:s17], [sflag:$0x6], $0x20, s24, s15, $0xb8;
	[tilespmem:$0x15E00] =	vst v63  }
0x6b: {  	_ =	swait.ge [sflag:s8], $0x1000  }
0x6c: {  	[sflag:s8] =	ssyncset.done $0x0  }
0x6d: {  	s12 =	simm.s32 $0x380;
	[sflag:s8] =	ssyncadd.s32 $0xFFFFF000  }
0x6e: {  	[tilespmem:s25], [sflag:$0x4] =	stream.indirect.gather [hbm4b:s4+s15], $0x20, s12, s15, $0xb8;
	[tilespmem:$0x15E00] =	vst v63  }
0x6f: {  	_ =	swait.ge [sflag:s26], $0x1000  }
0x70: {  	[sflag:s26] =	ssyncset.done $0x0  }
0x71: {  	s24 =	simm.s32 $0x1300;
	[sflag:s26] =	ssyncadd.s32 $0xFFFFF000  }
0x72: {  	[spmem:s1] =	stream.indirect.scatter.add.bf16 [tilespmem:s20], [sflag:$0x7], $0x20, s24, s15, $0xb8;
	[tilespmem:$0x15E00] =	vst v63  }
0x73: {  	_ =	swait.ge [sflag:s29], $0x1000  }
0x74: {  	[sflag:s29] =	ssyncset.done $0x0  }
0x75: {  	s12 =	simm.s32 $0x400;
	[sflag:s29] =	ssyncadd.s32 $0xFFFFF000  }
0x76: {  	[tilespmem:s16], [sflag:$0x1] =	stream.indirect.gather [hbm4b:s4+s15], $0x20, s12, s15, $0xb8;
	[tilespmem:$0x15E00] =	vst v63  }
0x77: {  	_ =	swait.ge [sflag:s31], $0x1000  }
0x78: {  	[sflag:s31] =	ssyncset.done $0x0  }
0x79: {  	s24 =	simm.s32 $0x1380;
	[sflag:s31] =	ssyncadd.s32 $0xFFFFF000  }
0x7a: {  	[spmem:s1] =	stream.indirect.scatter.add.bf16 [tilespmem:s25], [sflag:$0x8], $0x20, s24, s15, $0xb8;
	[tilespmem:$0x15E00] =	vst v63  }
0x7b: {  	_ =	swait.ge [sflag:s2], $0x1000  }
0x7c: {  	[sflag:s2] =	ssyncset.done $0x0  }
0x7d: {  	s12 =	simm.s32 $0x480;
	[sflag:s2] =	ssyncadd.s32 $0xFFFFF000  }
0x7e: {  	[tilespmem:s17], [sflag:$0x2] =	stream.indirect.gather [hbm4b:s4+s15], $0x20, s12, s15, $0xb8;
	[tilespmem:$0x15E00] =	vst v63  }
0x7f: {  	_ =	swait.ge [sflag:s18], $0x1000  }
0x80: {  	[sflag:s18] =	ssyncset.done $0x0  }
0x81: {  	s24 =	simm.s32 $0x1400;
	[sflag:s18] =	ssyncadd.s32 $0xFFFFF000  }
0x82: {  	[spmem:s1] =	stream.indirect.scatter.add.bf16 [tilespmem:s16], [sflag:$0x5], $0x20, s24, s15, $0xb8;
	[tilespmem:$0x15E00] =	vst v63  }
0x83: {  	_ =	swait.ge [sflag:s11], $0x1000  }
0x84: {  	[sflag:s11] =	ssyncset.done $0x0  }
0x85: {  	s12 =	simm.s32 $0x500;
	[sflag:s11] =	ssyncadd.s32 $0xFFFFF000  }
0x86: {  	[tilespmem:s20], [sflag:$0x3] =	stream.indirect.gather [hbm4b:s4+s15], $0x20, s12, s15, $0xb8;
	[tilespmem:$0x15E00] =	vst v63  }
0x87: {  	_ =	swait.ge [sflag:s21], $0x1000  }
0x88: {  	[sflag:s21] =	ssyncset.done $0x0  }
0x89: {  	s24 =	simm.s32 $0x1480;
	[sflag:s21] =	ssyncadd.s32 $0xFFFFF000  }
0x8a: {  	[spmem:s1] =	stream.indirect.scatter.add.bf16 [tilespmem:s17], [sflag:$0x6], $0x20, s24, s15, $0xb8;
	[tilespmem:$0x15E00] =	vst v63  }
0x8b: {  	_ =	swait.ge [sflag:s8], $0x1000  }
0x8c: {  	[sflag:s8] =	ssyncset.done $0x0  }
0x8d: {  	s12 =	simm.s32 $0x580;
	[sflag:s8] =	ssyncadd.s32 $0xFFFFF000  }
0x8e: {  	[tilespmem:s25], [sflag:$0x4] =	stream.indirect.gather [hbm4b:s4+s15], $0x20, s12, s15, $0xb8;
	[tilespmem:$0x15E00] =	vst v63  }
0x8f: {  	_ =	swait.ge [sflag:s26], $0x1000  }
0x90: {  	[sflag:s26] =	ssyncset.done $0x0  }
0x91: {  	s24 =	simm.s32 $0x1500;
	[sflag:s26] =	ssyncadd.s32 $0xFFFFF000  }
0x92: {  	[spmem:s1] =	stream.indirect.scatter.add.bf16 [tilespmem:s20], [sflag:$0x7], $0x20, s24, s15, $0xb8;
	[tilespmem:$0x15E00] =	vst v63  }
0x93: {  	_ =	swait.ge [sflag:s29], $0x1000  }
0x94: {  	[sflag:s29] =	ssyncset.done $0x0  }
0x95: {  	s12 =	simm.s32 $0x600;
	[sflag:s29] =	ssyncadd.s32 $0xFFFFF000  }
0x96: {  	[tilespmem:s16], [sflag:$0x1] =	stream.indirect.gather [hbm4b:s4+s15], $0x20, s12, s15, $0xb8;
	[tilespmem:$0x15E00] =	vst v63  }
0x97: {  	_ =	swait.ge [sflag:s31], $0x1000  }
0x98: {  	[sflag:s31] =	ssyncset.done $0x0  }
0x99: {  	s24 =	simm.s32 $0x1580;
	[sflag:s31] =	ssyncadd.s32 $0xFFFFF000  }
0x9a: {  	[spmem:s1] =	stream.indirect.scatter.add.bf16 [tilespmem:s25], [sflag:$0x8], $0x20, s24, s15, $0xb8;
	[tilespmem:$0x15E00] =	vst v63  }
0x9b: {  	_ =	swait.ge [sflag:s2], $0x1000  }
0x9c: {  	[sflag:s2] =	ssyncset.done $0x0  }
0x9d: {  	s12 =	simm.s32 $0x680;
	[sflag:s2] =	ssyncadd.s32 $0xFFFFF000  }
0x9e: {  	[tilespmem:s17], [sflag:$0x2] =	stream.indirect.gather [hbm4b:s4+s15], $0x20, s12, s15, $0xb8;
	[tilespmem:$0x15E00] =	vst v63  }
0x9f: {  	_ =	swait.ge [sflag:s18], $0x1000  }
0xa0: {  	[sflag:s18] =	ssyncset.done $0x0  }
0xa1: {  	s24 =	simm.s32 $0x1600;
	[sflag:s18] =	ssyncadd.s32 $0xFFFFF000  }
0xa2: {  	[spmem:s1] =	stream.indirect.scatter.add.bf16 [tilespmem:s16], [sflag:$0x5], $0x20, s24, s15, $0xb8;
	[tilespmem:$0x15E00] =	vst v63  }
0xa3: {  	_ =	swait.ge [sflag:s11], $0x1000  }
0xa4: {  	[sflag:s11] =	ssyncset.done $0x0  }
0xa5: {  	s12 =	simm.s32 $0x700;
	[sflag:s11] =	ssyncadd.s32 $0xFFFFF000  }
0xa6: {  	[tilespmem:s20], [sflag:$0x3] =	stream.indirect.gather [hbm4b:s4+s15], $0x20, s12, s15, $0xb8;
	[tilespmem:$0x15E00] =	vst v63  }
0xa7: {  	_ =	swait.ge [sflag:s21], $0x1000  }
0xa8: {  	[sflag:s21] =	ssyncset.done $0x0  }
0xa9: {  	s24 =	simm.s32 $0x1680;
	[sflag:s21] =	ssyncadd.s32 $0xFFFFF000  }
0xaa: {  	[spmem:s1] =	stream.indirect.scatter.add.bf16 [tilespmem:s17], [sflag:$0x6], $0x20, s24, s15, $0xb8;
	[tilespmem:$0x15E00] =	vst v63  }
0xab: {  	_ =	swait.ge [sflag:s8], $0x1000  }
0xac: {  	[sflag:s8] =	ssyncset.done $0x0  }
0xad: {  	s12 =	simm.s32 $0x780;
	[sflag:s8] =	ssyncadd.s32 $0xFFFFF000  }
0xae: {  	[tilespmem:s25], [sflag:$0x4] =	stream.indirect.gather [hbm4b:s4+s15], $0x20, s12, s15, $0xb8;
	[tilespmem:$0x15E00] =	vst v63  }
0xaf: {  	_ =	swait.ge [sflag:s26], $0x1000  }
0xb0: {  	[sflag:s26] =	ssyncset.done $0x0  }
0xb1: {  	s24 =	simm.s32 $0x1700;
	[sflag:s26] =	ssyncadd.s32 $0xFFFFF000  }
0xb2: {  	[spmem:s1] =	stream.indirect.scatter.add.bf16 [tilespmem:s20], [sflag:$0x7], $0x20, s24, s15, $0xb8;
	[tilespmem:$0x15E00] =	vst v63  }
0xb3: {  	_ =	swait.ge [sflag:s29], $0x1000  }
0xb4: {  	[sflag:s29] =	ssyncset.done $0x0  }
0xb5: {  	s12 =	simm.s32 $0x800;
	[sflag:s29] =	ssyncadd.s32 $0xFFFFF000  }
0xb6: {  	[tilespmem:s16], [sflag:$0x1] =	stream.indirect.gather [hbm4b:s4+s15], $0x20, s12, s15, $0xb8;
	[tilespmem:$0x15E00] =	vst v63  }
0xb7: {  	_ =	swait.ge [sflag:s31], $0x1000  }
0xb8: {  	[sflag:s31] =	ssyncset.done $0x0  }
0xb9: {  	s24 =	simm.s32 $0x1780;
	[sflag:s31] =	ssyncadd.s32 $0xFFFFF000  }
0xba: {  	[spmem:s1] =	stream.indirect.scatter.add.bf16 [tilespmem:s25], [sflag:$0x8], $0x20, s24, s15, $0xb8;
	[tilespmem:$0x15E00] =	vst v63  }
0xbb: {  	_ =	swait.ge [sflag:s2], $0x1000  }
0xbc: {  	[sflag:s2] =	ssyncset.done $0x0  }
0xbd: {  	s12 =	simm.s32 $0x880;
	[sflag:s2] =	ssyncadd.s32 $0xFFFFF000  }
0xbe: {  	[tilespmem:s17], [sflag:$0x2] =	stream.indirect.gather [hbm4b:s4+s15], $0x20, s12, s15, $0xb8;
	[tilespmem:$0x15E00] =	vst v63  }
0xbf: {  	_ =	swait.ge [sflag:s18], $0x1000  }
0xc0: {  	[sflag:s18] =	ssyncset.done $0x0  }
0xc1: {  	s24 =	simm.s32 $0x1800;
	[sflag:s18] =	ssyncadd.s32 $0xFFFFF000  }
0xc2: {  	[spmem:s1] =	stream.indirect.scatter.add.bf16 [tilespmem:s16], [sflag:$0x5], $0x20, s24, s15, $0xb8;
	[tilespmem:$0x15E00] =	vst v63  }
0xc3: {  	_ =	swait.ge [sflag:s11], $0x1000  }
0xc4: {  	[sflag:s11] =	ssyncset.done $0x0  }
0xc5: {  	s12 =	simm.s32 $0x900;
	[sflag:s11] =	ssyncadd.s32 $0xFFFFF000  }
0xc6: {  	[tilespmem:s20], [sflag:$0x3] =	stream.indirect.gather [hbm4b:s4+s15], $0x20, s12, s15, $0xb8;
	[tilespmem:$0x15E00] =	vst v63  }
0xc7: {  	_ =	swait.ge [sflag:s21], $0x1000  }
0xc8: {  	[sflag:s21] =	ssyncset.done $0x0  }
0xc9: {  	s24 =	simm.s32 $0x1880;
	[sflag:s21] =	ssyncadd.s32 $0xFFFFF000  }
0xca: {  	[spmem:s1] =	stream.indirect.scatter.add.bf16 [tilespmem:s17], [sflag:$0x6], $0x20, s24, s15, $0xb8;
	[tilespmem:$0x15E00] =	vst v63  }
0xcb: {  	_ =	swait.ge [sflag:s8], $0x1000  }
0xcc: {  	[sflag:s8] =	ssyncset.done $0x0  }
0xcd: {  	s12 =	simm.s32 $0x980;
	[sflag:s8] =	ssyncadd.s32 $0xFFFFF000  }
0xce: {  	[tilespmem:s25], [sflag:$0x4] =	stream.indirect.gather [hbm4b:s4+s15], $0x20, s12, s15, $0xb8;
	[tilespmem:$0x15E00] =	vst v63  }
0xcf: {  	_ =	swait.ge [sflag:s26], $0x1000  }
0xd0: {  	[sflag:s26] =	ssyncset.done $0x0  }
0xd1: {  	s24 =	simm.s32 $0x1900;
	[sflag:s26] =	ssyncadd.s32 $0xFFFFF000  }
0xd2: {  	[spmem:s1] =	stream.indirect.scatter.add.bf16 [tilespmem:s20], [sflag:$0x7], $0x20, s24, s15, $0xb8;
	[tilespmem:$0x15E00] =	vst v63  }
0xd3: {  	_ =	swait.ge [sflag:s29], $0x1000  }
0xd4: {  	[sflag:s29] =	ssyncset.done $0x0  }
0xd5: {  	s12 =	simm.s32 $0xA00;
	[sflag:s29] =	ssyncadd.s32 $0xFFFFF000  }
0xd6: {  	[tilespmem:s16], [sflag:$0x1] =	stream.indirect.gather [hbm4b:s4+s15], $0x20, s12, s15, $0xb8;
	[tilespmem:$0x15E00] =	vst v63  }
0xd7: {  	_ =	swait.ge [sflag:s31], $0x1000  }
0xd8: {  	[sflag:s31] =	ssyncset.done $0x0  }
0xd9: {  	s24 =	simm.s32 $0x1980;
	[sflag:s31] =	ssyncadd.s32 $0xFFFFF000  }
0xda: {  	[spmem:s1] =	stream.indirect.scatter.add.bf16 [tilespmem:s25], [sflag:$0x8], $0x20, s24, s15, $0xb8;
	[tilespmem:$0x15E00] =	vst v63  }
0xdb: {  	_ =	swait.ge [sflag:s2], $0x1000  }
0xdc: {  	[sflag:s2] =	ssyncset.done $0x0  }
0xdd: {  	s12 =	simm.s32 $0xA80;
	[sflag:s2] =	ssyncadd.s32 $0xFFFFF000  }
0xde: {  	[tilespmem:s17], [sflag:$0x2] =	stream.indirect.gather [hbm4b:s4+s15], $0x20, s12, s15, $0xb8;
	[tilespmem:$0x15E00] =	vst v63  }
0xdf: {  	_ =	swait.ge [sflag:s18], $0x1000  }
0xe0: {  	[sflag:s18] =	ssyncset.done $0x0  }
0xe1: {  	s24 =	simm.s32 $0x1A00;
	[sflag:s18] =	ssyncadd.s32 $0xFFFFF000  }
0xe2: {  	[spmem:s1] =	stream.indirect.scatter.add.bf16 [tilespmem:s16], [sflag:$0x5], $0x20, s24, s15, $0xb8;
	[tilespmem:$0x15E00] =	vst v63  }
0xe3: {  	_ =	swait.ge [sflag:s11], $0x1000  }
0xe4: {  	[sflag:s11] =	ssyncset.done $0x0  }
0xe5: {  	s12 =	simm.s32 $0xB00;
	[sflag:s11] =	ssyncadd.s32 $0xFFFFF000  }
0xe6: {  	[tilespmem:s20], [sflag:$0x3] =	stream.indirect.gather [hbm4b:s4+s15], $0x20, s12, s15, $0xb8;
	[tilespmem:$0x15E00] =	vst v63  }
0xe7: {  	_ =	swait.ge [sflag:s21], $0x1000  }
0xe8: {  	[sflag:s21] =	ssyncset.done $0x0  }
0xe9: {  	s24 =	simm.s32 $0x1A80;
	[sflag:s21] =	ssyncadd.s32 $0xFFFFF000  }
0xea: {  	[spmem:s1] =	stream.indirect.scatter.add.bf16 [tilespmem:s17], [sflag:$0x6], $0x20, s24, s15, $0xb8;
	[tilespmem:$0x15E00] =	vst v63  }
0xeb: {  	_ =	swait.ge [sflag:s8], $0x1000  }
0xec: {  	[sflag:s8] =	ssyncset.done $0x0  }
0xed: {  	s12 =	simm.s32 $0xB80;
	[sflag:s8] =	ssyncadd.s32 $0xFFFFF000  }
0xee: {  	[tilespmem:s25], [sflag:$0x4] =	stream.indirect.gather [hbm4b:s4+s15], $0x20, s12, s15, $0xb8;
	[tilespmem:$0x15E00] =	vst v63  }
0xef: {  	_ =	swait.ge [sflag:s26], $0x1000  }
0xf0: {  	[sflag:s26] =	ssyncset.done $0x0  }
0xf1: {  	s24 =	simm.s32 $0x1B00;
	[sflag:s26] =	ssyncadd.s32 $0xFFFFF000  }
0xf2: {  	[spmem:s1] =	stream.indirect.scatter.add.bf16 [tilespmem:s20], [sflag:$0x7], $0x20, s24, s15, $0xb8;
	[tilespmem:$0x15E00] =	vst v63  }
0xf3: {  	_ =	swait.ge [sflag:s29], $0x1000  }
0xf4: {  	[sflag:s29] =	ssyncset.done $0x0  }
0xf5: {  	s12 =	simm.s32 $0xC00;
	[sflag:s29] =	ssyncadd.s32 $0xFFFFF000  }
0xf6: {  	[tilespmem:s16], [sflag:$0x1] =	stream.indirect.gather [hbm4b:s4+s15], $0x20, s12, s15, $0xb8;
	[tilespmem:$0x15E00] =	vst v63  }
0xf7: {  	_ =	swait.ge [sflag:s31], $0x1000  }
0xf8: {  	[sflag:s31] =	ssyncset.done $0x0  }
0xf9: {  	s24 =	simm.s32 $0x1B80;
	[sflag:s31] =	ssyncadd.s32 $0xFFFFF000  }
0xfa: {  	[spmem:s1] =	stream.indirect.scatter.add.bf16 [tilespmem:s25], [sflag:$0x8], $0x20, s24, s15, $0xb8;
	[tilespmem:$0x15E00] =	vst v63  }
0xfb: {  	_ =	swait.ge [sflag:s2], $0x1000  }
0xfc: {  	[sflag:s2] =	ssyncset.done $0x0  }
0xfd: {  	s12 =	simm.s32 $0xC80;
	[sflag:s2] =	ssyncadd.s32 $0xFFFFF000  }
0xfe: {  	[tilespmem:s17], [sflag:$0x2] =	stream.indirect.gather [hbm4b:s4+s15], $0x20, s12, s15, $0xb8;
	[tilespmem:$0x15E00] =	vst v63  }
0xff: {  	_ =	swait.ge [sflag:s18], $0x1000  }
0x100: {  	[sflag:s18] =	ssyncset.done $0x0  }
0x101: {  	s24 =	simm.s32 $0x1C00;
	[sflag:s18] =	ssyncadd.s32 $0xFFFFF000  }
0x102: {  	[spmem:s1] =	stream.indirect.scatter.add.bf16 [tilespmem:s16], [sflag:$0x5], $0x20, s24, s15, $0xb8;
	[tilespmem:$0x15E00] =	vst v63  }
0x103: {  	_ =	swait.ge [sflag:s11], $0x1000  }
0x104: {  	[sflag:s11] =	ssyncset.done $0x0  }
0x105: {  	s12 =	simm.s32 $0xD00;
	[sflag:s11] =	ssyncadd.s32 $0xFFFFF000  }
0x106: {  	[tilespmem:s20], [sflag:$0x3] =	stream.indirect.gather [hbm4b:s4+s15], $0x20, s12, s15, $0xb8;
	[tilespmem:$0x15E00] =	vst v63  }
0x107: {  	_ =	swait.ge [sflag:s21], $0x1000  }
0x108: {  	[sflag:s21] =	ssyncset.done $0x0  }
0x109: {  	s24 =	simm.s32 $0x1C80;
	[sflag:s21] =	ssyncadd.s32 $0xFFFFF000  }
0x10a: {  	[spmem:s1] =	stream.indirect.scatter.add.bf16 [tilespmem:s17], [sflag:$0x6], $0x20, s24, s15, $0xb8;
	[tilespmem:$0x15E00] =	vst v63  }
0x10b: {  	_ =	swait.ge [sflag:s8], $0x1000  }
0x10c: {  	[sflag:s8] =	ssyncset.done $0x0  }
0x10d: {  	s12 =	simm.s32 $0xD80;
	[sflag:s8] =	ssyncadd.s32 $0xFFFFF000  }
0x10e: {  	[tilespmem:s25], [sflag:$0x4] =	stream.indirect.gather [hbm4b:s4+s15], $0x20, s12, s15, $0xb8;
	[tilespmem:$0x15E00] =	vst v63  }
0x10f: {  	_ =	swait.ge [sflag:s26], $0x1000  }
0x110: {  	[sflag:s26] =	ssyncset.done $0x0  }
0x111: {  	s24 =	simm.s32 $0x1D00;
	[sflag:s26] =	ssyncadd.s32 $0xFFFFF000  }
0x112: {  	[spmem:s1] =	stream.indirect.scatter.add.bf16 [tilespmem:s20], [sflag:$0x7], $0x20, s24, s15, $0xb8;
	[tilespmem:$0x15E00] =	vst v63  }
0x113: {  	_ =	swait.ge [sflag:s29], $0x1000  }
0x114: {  	[sflag:s29] =	ssyncset.done $0x0  }
0x115: {  	s12 =	simm.s32 $0xE00;
	[sflag:s29] =	ssyncadd.s32 $0xFFFFF000  }
0x116: {  	[tilespmem:s16], [sflag:$0x1] =	stream.indirect.gather [hbm4b:s4+s15], $0x20, s12, s15, $0xb8;
	[tilespmem:$0x15E00] =	vst v63  }
0x117: {  	_ =	swait.ge [sflag:s31], $0x1000  }
0x118: {  	[sflag:s31] =	ssyncset.done $0x0  }
0x119: {  	s24 =	simm.s32 $0x1D80;
	[sflag:s31] =	ssyncadd.s32 $0xFFFFF000  }
0x11a: {  	[spmem:s1] =	stream.indirect.scatter.add.bf16 [tilespmem:s25], [sflag:$0x8], $0x20, s24, s15, $0xb8;
	[tilespmem:$0x15E00] =	vst v63  }
0x11b: {  	_ =	swait.ge [sflag:s2], $0x1000  }
0x11c: {  	[sflag:s2] =	ssyncset.done $0x0  }
0x11d: {  	[sflag:s2] =	ssyncadd.s32 $0xFFFFF000  }
0x11e: {  	[tilespmem:s17], [sflag:$0x2] =	stream.indirect.gather [hbm4b:s4+s15], $0x20, s3, s15, $0xb8;
	[tilespmem:$0x15E00] =	vst v63  }
0x11f: {  	_ =	swait.ge [sflag:s18], $0x1000  }
0x120: {  	[sflag:s18] =	ssyncset.done $0x0  }
0x121: {  	[sflag:s18] =	ssyncadd.s32 $0xFFFFF000  }
0x122: {  	[spmem:s1] =	stream.indirect.scatter.add.bf16 [tilespmem:s16], [sflag:$0x5], $0x20, s19, s15, $0xb8;
	[tilespmem:$0x15E00] =	vst v63  }
0x123: {  	_ =	swait.ge [sflag:s11], $0x1000  }
0x124: {  	[sflag:s11] =	ssyncset.done $0x0  }
0x125: {  	[sflag:s11] =	ssyncadd.s32 $0xFFFFF000  }
0x126: {  	[tilespmem:s20], [sflag:$0x3] =	stream.indirect.gather [hbm4b:s4+s15], $0x20, s22, s15, $0xb8;
	[tilespmem:$0x15E00] =	vst v63  }
0x127: {  	_ =	swait.ge [sflag:s21], $0x1000  }
0x128: {  	[sflag:s21] =	ssyncset.done $0x0  }
0x129: {  	[sflag:s21] =	ssyncadd.s32 $0xFFFFF000  }
0x12a: {  	[spmem:s1] =	stream.indirect.scatter.add.bf16 [tilespmem:s17], [sflag:$0x6], $0x20, s23, s15, $0xb8;
	[tilespmem:$0x15E00] =	vst v63  }
0x12b: {  	_ =	swait.ge [sflag:s8], $0x1000  }
0x12c: {  	[sflag:s8] =	ssyncset.done $0x0  }
0x12d: {  	[sflag:s8] =	ssyncadd.s32 $0xFFFFF000  }
0x12e: {  	[tilespmem:s25], [sflag:$0x4] =	stream.indirect.gather [hbm4b:s4+s15], $0x20, s28, s15, $0xb8;
	[tilespmem:$0x15E00] =	vst v63  }
0x12f: {  	_ =	swait.ge [sflag:s26], $0x1000  }
0x130: {  	[sflag:s26] =	ssyncset.done $0x0  }
0x131: {  	[sflag:s26] =	ssyncadd.s32 $0xFFFFF000  }
0x132: {  	[spmem:s1] =	stream.indirect.scatter.add.bf16 [tilespmem:s20], [sflag:$0x7], $0x20, s30, s15, $0xb8;
	[tilespmem:$0x15E00] =	vst v63  }
0x133: {  	_ =	swait.ge [sflag:s31], $0x1000  }
0x134: {  	[sflag:s31] =	ssyncset.done $0x0  }
0x135: {  	[sflag:s31] =	ssyncadd.s32 $0xFFFFF000  }
0x136: {  	[spmem:s1] =	stream.indirect.scatter.add.bf16 [tilespmem:s25], [sflag:$0x8], $0x20, s0, s15, $0xb8;
	[tilespmem:$0x15E00] =	vst v63  }
0x137: {  	_ =	swait.ge [sflag:s29], $0x1000  }
0x138: {  	[sflag:s29] =	ssyncset.done $0x0  }
0x139: {  	[sflag:s29] =	ssyncadd.s32 $0xFFFFF000  }
0x13a: {  	_ =	swait.ge [sflag:s2], $0x1000  }
0x13b: {  	[sflag:s2] =	ssyncset.done $0x0  }
0x13c: {  	s7 =	sadd.s32 $0x1, s7;
	[sflag:s2] =	ssyncadd.s32 $0xFFFFF000  }
0x13d: {  	p0 =	sne.s32 s7, $0x8;
	_ =	swait.ge [sflag:s11], $0x1000  }
.Ltmp1:
0x13e: {  	[sflag:s11] =	ssyncset.done $0x0;
	(pc) =	sbr.rel @p0 .LBB2_2-.Ltmp1, $4  }
0x13f: {  	[sflag:s11] =	ssyncadd.s32 $0xFFFFF000  }
0x140: {  	_ =	swait.ge [sflag:s8], $0x1000  }
0x141: {  	[sflag:s8] =	ssyncset.done $0x0  }
0x142: {  	[sflag:s8] =	ssyncadd.s32 $0xFFFFF000  }
0x143: {  	[bflag:$0x0] =	sbarrier.arrive $0xFFFF  }
0x144: {  	s10 =	rddreg [dreg:$0x4]  }
0x145: {  	s7 =	rddreg [dreg:$0x5]  }
0x146: {  	s12 =	rddreg [dreg:$0x8]  }
0x147: {  	[hbm:s7], [sflag:s10] =	dma.local [spmem:s12], $0x1F80  }
0x148: {  	_ =	swait.ge [sflag:s13], $0x1F80  }
0x149: {  	s7 =	rddreg [dreg:$0x9]  }
0x14a: {  	s24 =	rddreg [dreg:$0x6];
	s12 =	sadd.s32 $0x1, s7  }
0x14b: {  	p0 =	sne.s32 s12, s24  }
.Ltmp2:
0x14c: {  	_ = 	snop;
	(pc) =	sbr.rel @p0 .LBB2_1-.Ltmp2, $3  }
0x14d: {  	_ =	sdelay $0x1  }
0x14e: {  	[sflag:s13] =	ssyncset.done $0x0  }
0x14f: {  	[sflag:s13] =	ssyncadd.s32 $0xFFFFE080  }
0x150: {  	_ =	sfence.sel $0x180000  }
0x151: {  	[bflag:$0x0] =	sbarrier.arrive $0xFFFF  }
0x152: {  	_ =	strace $0x9000004A  }
0x153: {  	s0 =	stileid.u32;
	[bflag:$0x2] =	sbarrier.arrive $0xFFFF  }
0x154: {  	p0 =	sne.s32 s0, $0x0;
	s0 =	rddreg [dreg:$0x2]  }
0x155: {  	s0 =	sadd.s32 @!p0 $0x100000, s0  }
0x156: {  	[sflag:s0] =	ssyncadd.tile.s32 @!p0 $0x1;
	_ =	shalt  }
.Lfunc_end2:
_tile_overlayer_lowered:
.L_overlay_start_2:
0x157: {  	(tag) =	ssettag $0x2  }
0x158: {  	s0 =	rddreg [dreg:$0x0];
	s2 =	stileid.u32  }
0x159: {  	s1 =	rddreg [dreg:$0x1];
	p0 =	sne.s32 s2, $0x0  }
0x15a: {  	s3 =	rddreg [dreg:$0x2];
	[bflag:$0x3] =	sbarrier.arrive $0xFFFF;
	s2 =	simm.s32 @!p0 $0x1C09  }
0x15b: {  	[timem:s3], [sflag:s2] =	dma.local @!p0 [hbm:s0], s1  }
0x15c: {  	s0 =	simm.s32 @!p0 $0x9  }
0x15d: {  	_ =	swait.ge @!p0 [sflag:s0], s1  }
0x15e: {  	s1 =	ssub.s32 @!p0 $0x0, s1;
	[sflag:s0] =	ssyncset.done @!p0 $0x0  }
0x15f: {  	[sflag:s0] =	ssyncadd.s32 @!p0 s1  }
0x160: {  	[bflag:$0x3] =	sbarrier.arrive $0xFFFF  }
0x161: {  	_ =	shalt  }

// kernel: kernel.7.cloned.1.call-start
scs
__scs_entry_jumppad:
0x0: {  	(pc) =	sbr.rel $0x88, $3  }
0x1: {  	(tag) =	ssettag $0x0;
	lr =	simm.s32 $0x1  }
0x2: {  	[smem:$0x3F8E] =	sst lr;
	_ =	strace $0xD0000000  }
0x3: {  	_ = 	snop  }
0x4: {  	_ = 	snop  }
0x5: {  	_ = 	snop  }
0x6: {  	_ = 	snop  }
0x7: {  	_ = 	snop  }
__scs_overlays_trampoline_lowered:
0x8: {  	[smem:$0x3F9D] =	sst s0  }
0x9: {  	[smem:$0x3F9E] =	sst s1  }
0xa: {  	[smem:$0x3F9F] =	sst s2  }
0xb: {  	[smem:$0x3FA0] =	sst s3  }
0xc: {  	[smem:$0x3FA1] =	sst s4  }
0xd: {  	[smem:$0x3FA2] =	sst s5  }
0xe: {  	[smem:$0x3FA3] =	sst s6  }
0xf: {  	[smem:$0x3FA4] =	sst s7  }
0x10: {  	[smem:$0x3FA5] =	sst s8  }
0x11: {  	[smem:$0x3FA6] =	sst s9;
	s0 =	simm.s32 @!p0 $0x0  }
0x12: {  	s1 =	sld [smem:$0x3F8C];
	s0 =	simm.s32 @p0 $0x1  }
0x13: {  	[smem:$0x3FA7] =	sst s0;
	s0 =	simm.s32 @!p1 $0x0  }
0x14: {  	s2 =	sld [smem:$0x3F8B];
	s0 =	simm.s32 @p1 $0x1  }
0x15: {  	[smem:$0x3FA8] =	sst s0;
	s0 =	simm.s32 @!p2 $0x0  }
0x16: {  	s3 =	sld [smem:$0x3FDB];
	s0 =	simm.s32 @p2 $0x1  }
0x17: {  	s4 =	simm.s32 $0x1BF5;
	[smem:$0x3FAA] =	sst s0  }
0x18: {  	s0 =	sld [smem:$0x3F8D];
	_ =	swait.ge [sflag:s4], $0x0  }
0x19: {  	s7 =	sld [smem:$0x3F8E]  }
0x1a: {  	s8 =	sadd.s32 $0xFFFFE003, lr  }
0x1b: {  	s9 =	sadd.s32 $0xFFFFFEF7, lr;
	s5 =	simm.s32 $0xFFFFFFFF;
	p2 =	slt.u32 s8, $0xFFFFF086  }
0x1c: {  	p1 =	slt.u32 s9, $0xF7A;
	s5 =	simm.s32 @!p2 $0x0  }
0x1d: {  	s5 =	simm.s32 @p1 $0x1;
	p0 =	seq.s32 s7, s2  }
0x1e: {  	s7 =	smul.u32 @!p0 $0xF7A, s2;
	p2 =	seq.s32 @!p0 s5, $0x0  }
0x1f: {  	s9 =	smul.u32 $0xF7A, s1;
	s8 =	simm.s32 @!p0 $0x1BF5;
	p2 =	por !p2, p0  }
0x20: {  	[sflag:s8] =	ssyncset.s32 @!p0 $0xFFFFF086;
	s6 =	sadd.s32 @!p0 s3, s7;
	s7 =	simm.s32 @!p0 $0x108  }
0x21: {  	s3 =	sadd.s32 s3, s9;
	s6 =	sadd.s32 @!p0 $0x88, s6;
	s7 =	simm.s32 @p2 $0x1082  }
0x22: {  	[simem:s7], [sflag:s8] =	dma.local @!p0 [hbm:s6], $0xF7A  }
0x23: {  	s9 =	sor.u32 $0xD0000000, s2;
	s6 =	simm.s32 $0x108;
	_ =	swait.ge @!p0 [sflag:s8], $0x0  }
0x24: {  	s3 =	sadd.s32 $0x88, s3;
	s6 =	simm.s32 @!p1 $0x1082;
	[sflag:s4] =	ssyncset.s32 $0xFFFFF086  }
0x25: {  	[simem:s6], [sflag:s4] =	dma.local [hbm:s3], $0xF7A  }
0x26: {  	[smem:$0x3F8E] =	sst s1;
	(tag) =	ssettag s2;
	_ =	strace s9  }
0x27: {  	s1 =	sld [smem:$0x3F9E]  }
0x28: {  	s2 =	sld [smem:$0x3F9F]  }
0x29: {  	s4 =	sld [smem:$0x3FA1]  }
0x2a: {  	p0 =	seq.s32 s5, $0x0;
	s5 =	sld [smem:$0x3FA2]  }
0x2b: {  	s6 =	sld [smem:$0x3FA3]  }
0x2c: {  	s7 =	sld [smem:$0x3FA4]  }
0x2d: {  	s3 =	simm.s32 $0x108;
	s8 =	sld [smem:$0x3FA5]  }
0x2e: {  	s3 =	simm.s32 @!p0 $0x1082;
	s9 =	sld [smem:$0x3FA6]  }
0x2f: {  	lr =	sadd.s32 s0, s3;
	s0 =	sld [smem:$0x3F9D]  }
0x30: {  	s3 =	sld [smem:$0x3FA0]  }
0x31: {  	[smem:$0x3FA9] =	sst s10  }
0x32: {  	s10 =	sld [smem:$0x3FA7];
	_ =	sdelay $0x3  }
0x33: {  	p0 =	seq.s32 s10, $0x1;
	s10 =	sld [smem:$0x3FA9];
	_ =	sdelay $0x3  }
0x34: {  	[smem:$0x3FA9] =	sst s10  }
0x35: {  	s10 =	sld [smem:$0x3FA8];
	_ =	sdelay $0x3  }
0x36: {  	p1 =	seq.s32 s10, $0x1;
	s10 =	sld [smem:$0x3FA9];
	_ =	sdelay $0x3  }
0x37: {  	[smem:$0x3FA9] =	sst s10  }
0x38: {  	s10 =	sld [smem:$0x3FAA]  }
0x39: {  	_ = 	snop;
	(pc) =	sbr.ind lr, $3  }
0x3a: {  	_ = 	snop  }
0x3b: {  	_ = 	snop  }
0x3c: {  	p2 =	seq.s32 s10, $0x1;
	s10 =	sld [smem:$0x3FA9]  }
0x3d: {  	_ =	shalt  }
0x3e: {  	_ =	shalt  }
0x3f: {  	_ =	shalt  }
0x40: {  	_ =	shalt  }
0x41: {  	_ =	shalt  }
0x42: {  	_ =	shalt  }
0x43: {  	_ =	shalt  }
0x44: {  	_ =	shalt  }
0x45: {  	_ =	shalt  }
0x46: {  	_ =	shalt  }
0x47: {  	_ =	shalt  }
0x48: {  	_ =	shalt  }
0x49: {  	_ =	shalt  }
0x4a: {  	_ =	shalt  }
0x4b: {  	_ =	shalt  }
0x4c: {  	_ =	shalt  }
0x4d: {  	_ =	shalt  }
0x4e: {  	_ =	shalt  }
0x4f: {  	_ =	shalt  }
0x50: {  	_ =	shalt  }
0x51: {  	_ =	shalt  }
0x52: {  	_ =	shalt  }
0x53: {  	_ =	shalt  }
0x54: {  	_ =	shalt  }
0x55: {  	_ =	shalt  }
0x56: {  	_ =	shalt  }
0x57: {  	_ =	shalt  }
0x58: {  	_ =	shalt  }
0x59: {  	_ =	shalt  }
0x5a: {  	_ =	shalt  }
0x5b: {  	_ =	shalt  }
0x5c: {  	_ =	shalt  }
0x5d: {  	_ =	shalt  }
0x5e: {  	_ =	shalt  }
0x5f: {  	_ =	shalt  }
0x60: {  	_ =	shalt  }
0x61: {  	_ =	shalt  }
0x62: {  	_ =	shalt  }
0x63: {  	_ =	shalt  }
0x64: {  	_ =	shalt  }
0x65: {  	_ =	shalt  }
0x66: {  	_ =	shalt  }
0x67: {  	_ =	shalt  }
0x68: {  	_ =	shalt  }
0x69: {  	_ =	shalt  }
0x6a: {  	_ =	shalt  }
0x6b: {  	_ =	shalt  }
0x6c: {  	_ =	shalt  }
0x6d: {  	_ =	shalt  }
0x6e: {  	_ =	shalt  }
0x6f: {  	_ =	shalt  }
0x70: {  	_ =	shalt  }
0x71: {  	_ =	shalt  }
0x72: {  	_ =	shalt  }
0x73: {  	_ =	shalt  }
0x74: {  	_ =	shalt  }
0x75: {  	_ =	shalt  }
0x76: {  	_ =	shalt  }
0x77: {  	_ =	shalt  }
0x78: {  	_ =	shalt  }
0x79: {  	_ =	shalt  }
0x7a: {  	_ =	shalt  }
0x7b: {  	_ =	shalt  }
0x7c: {  	_ =	shalt  }
0x7d: {  	_ =	shalt  }
0x7e: {  	_ =	shalt  }
0x7f: {  	_ =	shalt  }
0x80: {  	_ =	shalt  }
0x81: {  	_ =	shalt  }
0x82: {  	_ =	shalt  }
0x83: {  	_ =	shalt  }
0x84: {  	_ =	shalt  }
0x85: {  	_ =	shalt  }
0x86: {  	_ =	shalt  }
0x87: {  	_ =	shalt  }
.Lfunc_end0:
.L_simem_size_0:
called_computation_lowered:
.L_overlay_start_0:
0x88: {  	s2 =	sld [smem:$0x3FD9]  }
0x89: {  	s3 =	sld [smem:$0x3FFE];
	_ =	sdelay $0x1  }
0x8a: {  	s1 =	srdreg.scid  }
0x8b: {  	s0 =	sand.u32 $0x1, s1  }
0x8c: {  	s16 =	sshll.u32 s0, $0xA;
	s2 =	sadd.s32 s3, s2  }
0x8d: {  	s2 =	sadd.s32 s2, s16  }
0x8e: {  	[smem:$0x3FB5] =	sst s2  }
0x8f: {  	_ = 	snop  }
0x90: {  	(tm) =	ssettm $0x1  }
0x91: {  	s17 =	sld [smem:$0x3FFB];
	_ =	sdelay $0x3  }
0x92: {  	_ =	strace s17  }
0x93: {  	s2 =	sld [smem:$0x3FFC];
	_ =	sdelay $0x3  }
0x94: {  	_ =	strace s2  }
0x95: {  	s2 =	sld [smem:$0x3FFD];
	_ =	sdelay $0x3  }
0x96: {  	_ =	strace s2  }
0x97: {  	_ =	strace $0x8FFFFFFF  }
0x98: {  	s18 =	sld [smem:$0x3FDB];
	_ =	sdelay $0x1  }
0x99: {  	s19 =	simm.s32 $_scs_section_size  }
0x9a: {  	s4 =	simm.s32 $_size__tile_overlayer_lowered;
	s5 =	simm.s32 $_tile_overlayer_lowered  }
0x9b: {  	s22 =	simm.s32 $0x1BFF;
	s21 =	sshll.u32 s5, $0x1;
	s2 =	sadd.s32 s19, s18  }
0x9c: {  	s6 =	simm.s32 $0x0;
	s20 =	sshll.u32 s4, $0x1;
	s4 =	sadd.s32 s21, s2  }
0x9d: {  	[timem:s6], [sflag:s22] =	dma.local [hbm:s4], s20  }
0x9e: {  	_ =	swait.ge [sflag:s22], s20  }
0x9f: {  	s3 =	ssub.s32 $0x0, s20;
	[sflag:s22] =	ssyncset.done $0x0  }
0xa0: {  	[sflag:s22] =	ssyncadd.s32 s3;
	_ =	sdelay $0x1  }
0xa1: {  	s23 =	simm.s32 $0x1B8B  }
0xa2: {  	_ =	swait.ge [sflag:s23], $0x1  }
0xa3: {  	[sflag:s23] =	ssyncset.done $0x0  }
0xa4: {  	s25 =	simm.s32 $0x1B8E;
	s24 =	sld [smem:$0x3FFE];
	[sflag:s23] =	ssyncadd.s32 $0xFFFFFFFF  }
0xa5: {  	s26 =	simm.s32 $execute0_lowered;
	[smem:$0x3FD2] =	sst s25  }
0xa6: {  	s4 =	sshll.u32 s26, $0x1;
	_ =	strace $0x80000046;
	[dreg:$0x1] =	wrdreg $0xFFFFFFFF  }
0xa7: {  	s28 =	simm.s32 $_size_execute0_lowered;
	s2 =	sadd.s32 s2, s4;
	[dreg:$0x0] =	wrdreg $0x0  }
0xa8: {  	s4 =	sshll.u32 s28, $0x1;
	[dreg:$0x2] =	wrdreg s2  }
0xa9: {  	[dreg:$0x3] =	wrdreg s4  }
0xaa: {  	[dreg:$0x4] =	wrdreg $0xC0  }
0xab: {  	_ =	task [dreg:s6], $0x5FFFF  }
0xac: {  	[dreg:$0x1] =	wrdreg $0xFFFFFFFF  }
0xad: {  	[dreg:$0x0] =	wrdreg $0x60  }
0xae: {  	[dreg:$0x2] =	wrdreg s24  }
0xaf: {  	[dreg:$0x3] =	wrdreg $0x80000  }
0xb0: {  	[dreg:$0x4] =	wrdreg $0x9  }
0xb1: {  	_ =	task.clear_ibuf [dreg:s6], $0x5FFFF;
	_ =	strace $0x90000046  }
0xb2: {  	s29 =	simm.s32 $0x9;
	_ =	strace $0x80000048  }
0xb3: {  	_ =	swait.ge [sflag:s29], $0x1  }
0xb4: {  	[sflag:s29] =	ssyncadd.s32 $0xFFFFFFFF  }
0xb5: {  	_ =	strace $0x90000048  }
0xb6: {  	_ =	sfence  }
0xb7: {  	s30 =	sld [smem:$0x0];
	_ =	sdelay $0x2  }
0xb8: {  	s31 =	sshll.u32 s1, $0xD;
	s1 =	sshrl.u32 s1, $0x2  }
0xb9: {  	s3 =	sand.u32 $0x4000, s31;
	s1 =	sadd.s32 s1, s30  }
0xba: {  	s0 =	sor.u32 s3, s0;
	s1 =	sshll.u32 s1, $0x11  }
0xbb: {  	s0 =	sor.u32 s1, s0  }
0xbc: {  	s0 =	sadd.s32 $0x8F2B, s0  }
0xbd: {  	[sflag:s0] =	ssyncadd.remote.s32 $0x1  }
0xbe: {  	_ =	sfence.sel $0xFFFF  }
0xbf: {  	[dreg:$0x0] =	wrdreg $0xFFFFFFFF;
	(pc) =	sbr.abs _section_cstart, $3  }
0xc0: {  	[dreg:$0x1] =	wrdreg $0xFFFFFFFF  }
0xc1: {  	_ =	task.clear_ibuf [dreg:s6], $0x2FFFF;
	_ =	strace $0x9FFFFFFF  }
0xc2: {  	(tm) =	ssettm $0x7FFFFFFF  }
0xc3: {  	_ =	shalt  }
tec
execute0_lowered:
.L_overlay_start_1:
0x0: {  	(tag) =	ssettag $0x1  }
0x1: {  	s0 =	srdreg.scid  }
0x2: {  	s9 =	stileid.u32;
	s0 =	sand.u32 $0x1, s0  }
0x3: {  	s1 =	rddreg [dreg:$0x0];
	s3 =	sshll.u32 s9, $0xF;
	s4 =	sshll.u32 s0, $0xE  }
0x4: {  	s2 =	rddreg [dreg:$0x1];
	s4 =	sor.u32 s4, s3;
	s3 =	simm.s32 $0x0  }
0x5: {  	s8 =	simm.s32 $0x100;
	[smem:$0x7FF] =	sst s3  }
0x6: {  	s10 =	simm.s32 $0x1080;
	_ =	strace $0x80000047;
	[dreg:$0x5] =	wrdreg s8  }
0x7: {  	s11 =	simm.s32 $0x180;
	[dreg:$0x6] =	wrdreg s10  }
0x8: {  	s12 =	simm.s32 $0x1100;
	[dreg:$0x7] =	wrdreg s11  }
0x9: {  	s13 =	simm.s32 $0x200;
	[dreg:$0x8] =	wrdreg s12  }
0xa: {  	s14 =	simm.s32 $0x1180;
	[dreg:$0x9] =	wrdreg s13  }
0xb: {  	s15 =	simm.s32 $0x280;
	[dreg:$0xa] =	wrdreg s14  }
0xc: {  	s16 =	simm.s32 $0x1200;
	[dreg:$0xb] =	wrdreg s15  }
0xd: {  	s17 =	simm.s32 $0x300;
	[dreg:$0xc] =	wrdreg s16  }
0xe: {  	s18 =	simm.s32 $0x1280;
	[dreg:$0xd] =	wrdreg s17  }
0xf: {  	s19 =	simm.s32 $0x380;
	[dreg:$0xe] =	wrdreg s18  }
0x10: {  	s20 =	simm.s32 $0x1300;
	[dreg:$0xf] =	wrdreg s19  }
0x11: {  	s21 =	simm.s32 $0x400;
	[dreg:$0x10] =	wrdreg s20  }
0x12: {  	s22 =	simm.s32 $0x1380;
	[dreg:$0x11] =	wrdreg s21  }
0x13: {  	s23 =	simm.s32 $0x480;
	[dreg:$0x12] =	wrdreg s22  }
0x14: {  	s24 =	simm.s32 $0x1400;
	[dreg:$0x13] =	wrdreg s23  }
0x15: {  	s25 =	simm.s32 $0x500;
	[dreg:$0x14] =	wrdreg s24  }
0x16: {  	s26 =	simm.s32 $0x1480;
	[dreg:$0x15] =	wrdreg s25  }
0x17: {  	s6 =	simm.s32 $0x1500;
	[dreg:$0x16] =	wrdreg s26  }
0x18: {  	s7 =	simm.s32 $0x600;
	[dreg:$0x18] =	wrdreg s6  }
0x19: {  	[dreg:$0x19] =	wrdreg s7;
	s8 =	simm.s32 $0x1580  }
0x1a: {  	s10 =	simm.s32 $0x680;
	[dreg:$0x1a] =	wrdreg s8  }
0x1b: {  	s11 =	simm.s32 $0x1600;
	[dreg:$0x1b] =	wrdreg s10  }
0x1c: {  	s28 =	simm.s32 $0x1D80;
	s12 =	simm.s32 $0x700;
	[dreg:$0x1c] =	wrdreg s11  }
0x1d: {  	s29 =	simm.s32 $0xE80;
	s13 =	simm.s32 $0x1680;
	[dreg:$0x1d] =	wrdreg s12  }
0x1e: {  	s30 =	simm.s32 $0x1E00;
	s14 =	simm.s32 $0x780;
	[dreg:$0x1e] =	wrdreg s13  }
0x1f: {  	s31 =	simm.s32 $0xF00;
	s15 =	simm.s32 $0x1700;
	[dreg:$0x1f] =	wrdreg s14  }
0x20: {  	s4 =	sshrl.u32 s4, $0x3;
	s17 =	simm.s32 $0x800;
	[smem:$0x7E0] =	sst s15  }
0x21: {  	s4 =	sadd.s32 s4, s1;
	s19 =	simm.s32 $0x1780;
	[smem:$0x7E1] =	sst s17  }
0x22: {  	s6 =	smul.u32 $0x2F4000, s0;
	s20 =	simm.s32 $0x880;
	[smem:$0x7E2] =	sst s19  }
0x23: {  	s7 =	smul.u32 $0x2F400, s9;
	s22 =	simm.s32 $0x1800;
	[smem:$0x7E3] =	sst s20  }
0x24: {  	s0 =	ssub.s32 $0x2, s0;
	s23 =	simm.s32 $0x900;
	[smem:$0x7E4] =	sst s22  }
0x25: {  	s18 =	smul.u32 $0x5F400, s9;
	s25 =	simm.s32 $0x1880;
	[smem:$0x7E5] =	sst s23  }
0x26: {  	s24 =	sshll.u32 s9, $0x6;
	s26 =	simm.s32 $0x980;
	[smem:$0x7E6] =	sst s25  }
0x27: {  	s9 =	simm.s32 $0xA00;
	s5 =	sadd.s32 $0x36C00, s4;
	[smem:$0x7E8] =	sst s26  }
0x28: {  	s4 =	sadd.s32 $0x46C00, s4;
	s8 =	sadd.s32 $0x4800, s1;
	[smem:$0x7EA] =	sst s9  }
0x29: {  	s16 =	sshrl.u32 s0, $0x1;
	s10 =	simm.s32 $0x1980;
	[dreg:$0x3] =	wrdreg s5  }
0x2a: {  	s11 =	simm.s32 $0xA80;
	s13 =	simm.s32 $0x1A00;
	[dreg:$0x4] =	wrdreg s4  }
0x2b: {  	s14 =	simm.s32 $0xB00;
	s15 =	simm.s32 $0x1A80;
	[smem:$0x7DF] =	sst s8  }
0x2c: {  	s17 =	simm.s32 $0x1B00;
	s19 =	simm.s32 $0x1B80;
	[smem:$0x7EC] =	sst s10  }
0x2d: {  	s20 =	simm.s32 $0xC80;
	s22 =	simm.s32 $0xD00;
	[smem:$0x7EE] =	sst s11  }
0x2e: {  	s23 =	simm.s32 $0x1C80;
	s25 =	simm.s32 $0x1D00;
	[smem:$0x7EF] =	sst s13  }
0x2f: {  	s9 =	simm.s32 $0x0;
	s5 =	simm.s32 $0x580;
	[smem:$0x7F0] =	sst s14  }
0x30: {  	s4 =	sadd.s32 $0x7800, s1;
	s6 =	sadd.s32 s7, s6;
	[smem:$0x7F1] =	sst s15  }
0x31: {  	s0 =	ssub.s32 s0, s16;
	s21 =	sshrl.u32 s18, $0x2;
	[smem:$0x7F3] =	sst s17  }
0x32: {  	s8 =	sor.u32 $0x1C09, s24;
	s7 =	sshrl.u32 s7, $0x1;
	[smem:$0x7F5] =	sst s19  }
0x33: {  	s10 =	simm.s32 $0x9;
	s11 =	simm.s32 $0x1000;
	[smem:$0x7F6] =	sst s20  }
0x34: {  	s16 =	simm.s32 $0xB80;
	s13 =	simm.s32 $0x2000;
	[smem:$0x7F8] =	sst s22  }
0x35: {  	s14 =	simm.s32 $0x3800;
	s18 =	simm.s32 $0xC00;
	[smem:$0x7F9] =	sst s23  }
0x36: {  	s15 =	simm.s32 $0x1;
	s17 =	simm.s32 $0x2;
	[smem:$0x7FB] =	sst s25  }
0x37: {  	s19 =	simm.s32 $0x3;
	s20 =	simm.s32 $0x5;
	[dreg:$0x17] =	wrdreg s5  }
0x38: {  	s24 =	simm.s32 $0xD80;
	s22 =	simm.s32 $0x6;
	[smem:$0x7F2] =	sst s16  }
0x39: {  	s23 =	simm.s32 $0x7;
	s6 =	sshrl.u32 s6, $0x4;
	[smem:$0x7F4] =	sst s18  }
0x3a: {  	s5 =	simm.s32 $0x1900;
	s0 =	smax.u32 s0, $0x1;
	[smem:$0x7FA] =	sst s24  }
0x3b: {  	s16 =	simm.s32 $0x5000;
	s18 =	simm.s32 $0x6800;
	[smem:$0x7FD] =	sst s8  }
0x3c: {  	s24 =	simm.s32 $0x8;
	s1 =	sadd.s32 s6, s1;
	[smem:$0x7E9] =	sst s5  }
0x3d: {  	s6 =	sadd.s32 s21, s2;
	s5 =	sadd.s32 s7, s2;
	[smem:$0x7EB] =	sst s0  }
0x3e: {  	s21 =	simm.s32 $0x1C00;
	s0 =	simm.s32 $0xF80;
	s7 =	simm.s32 $0x1F80  }
0x3f: {  	s1 =	sadd.s32 $0x56C00, s1;
	s12 =	sshrl.u32 s6, $0x3;
	[smem:$0x7F7] =	sst s21  }
0x40: {  	s21 =	simm.s32 $0x4;
	s26 =	sshrl.u32 s5, $0x3;
	[smem:$0x7E7] =	sst s1  }
0x41: {  	s5 =	simm.s32 $0x1F00;
	[smem:$0x7ED] =	sst s12;
	s12 =	simm.s32 $0x80  }
0x42: {  	[smem:$0x7FC] =	sst s26;
	s26 =	simm.s32 $0xE00;
	s1 =	simm.s32 $0x1E80  }
.LBB2_1:
0x43: {  	s6 =	sld [smem:$0x7DF]  }
0x44: {  	s25 =	sld [smem:$0x7ED];
	_ =	sdelay $0x1  }
0x45: {  	[smem:$0x7DE] =	sst s9  }
0x46: {  	[spmem:s25], [sflag:s8] =	dma.local [hbm:s6], $0x2FA0  }
0x47: {  	_ =	swait.ge [sflag:s10], $0x2FA0  }
0x48: {  	[sflag:s10] =	ssyncset.done $0x0  }
0x49: {  	[sflag:s10] =	ssyncadd.s32 $0xFFFFD060  }
0x4a: {  	[bflag:$0x0] =	sbarrier.arrive $0xFFFF  }
0x4b: {  	s25 =	rddreg [dreg:$0x4]  }
0x4c: {  	s6 =	sadd.s32 $0x0, s25  }
0x4d: {  	[tilespmem:s3], [sflag:$0x9] =	stream.linear.gather [hbm4b:s6+s3], $0x1000, $0x38;
	[tilespmem:$0x1FD00] =	vst v63  }
0x4e: {  	_ =	swait.ge [sflag:s10], $0x1000  }
0x4f: {  	s8 =	rddreg [dreg:$0x3];
	[sflag:s10] =	ssyncset.done $0x0  }
0x50: {  	[sflag:s10] =	ssyncadd.s32 $0xFFFFF000;
	s6 =	sadd.s32 $0x0, s8  }
0x51: {  	[tilespmem:s11], [sflag:$0x9] =	stream.linear.gather [hbm4b:s6+s3], $0x1000, $0x38;
	[tilespmem:$0x1FD00] =	vst v63  }
0x52: {  	_ =	swait.ge [sflag:s10], $0x1000  }
0x53: {  	[sflag:s10] =	ssyncset.done $0x0  }
0x54: {  	[sflag:s10] =	ssyncadd.s32 $0xFFFFF000  }
0x55: {  	[tilespmem:s13], [sflag:$0x1] =	stream.indirect.gather [hbm4b:s4+s12], $0x30, s3, s12, $0xb8;
	[tilespmem:$0x1FD00] =	vst v63  }
0x56: {  	_ = 	snop  }
0x57: {  	[tilespmem:s14], [sflag:$0x2] =	stream.indirect.gather [hbm4b:s4+s12], $0x30, s12, s12, $0xb8;
	[tilespmem:$0x1FD00] =	vst v63  }
0x58: {  	_ =	swait.ge [sflag:s15], $0x1800  }
0x59: {  	[sflag:s15] =	ssyncset.done $0x0  }
0x5a: {  	[sflag:s15] =	ssyncadd.s32 $0xFFFFE800  }
0x5b: {  	[spmem:s2] =	stream.indirect.scatter.add.bf16 [tilespmem:s13], [sflag:$0x5], $0x30, s11, s12, $0xb8;
	[tilespmem:$0x1FD00] =	vst v63  }
0x5c: {  	s9 =	rddreg [dreg:$0x5]  }
0x5d: {  	[tilespmem:s16], [sflag:$0x3] =	stream.indirect.gather [hbm4b:s4+s12], $0x30, s9, s12, $0xb8;
	[tilespmem:$0x1FD00] =	vst v63  }
0x5e: {  	_ =	swait.ge [sflag:s17], $0x1800  }
0x5f: {  	[sflag:s17] =	ssyncset.done $0x0  }
0x60: {  	s25 =	rddreg [dreg:$0x6];
	[sflag:s17] =	ssyncadd.s32 $0xFFFFE800  }
0x61: {  	[spmem:s2] =	stream.indirect.scatter.add.bf16 [tilespmem:s14], [sflag:$0x6], $0x30, s25, s12, $0xb8;
	[tilespmem:$0x1FD00] =	vst v63  }
0x62: {  	s8 =	rddreg [dreg:$0x7]  }
0x63: {  	[tilespmem:s18], [sflag:$0x4] =	stream.indirect.gather [hbm4b:s4+s12], $0x30, s8, s12, $0xb8;
	[tilespmem:$0x1FD00] =	vst v63  }
0x64: {  	_ =	swait.ge [sflag:s19], $0x1800  }
0x65: {  	[sflag:s19] =	ssyncset.done $0x0  }
0x66: {  	s25 =	rddreg [dreg:$0x8];
	[sflag:s19] =	ssyncadd.s32 $0xFFFFE800  }
0x67: {  	[spmem:s2] =	stream.indirect.scatter.add.bf16 [tilespmem:s16], [sflag:$0x7], $0x30, s25, s12, $0xb8;
	[tilespmem:$0x1FD00] =	vst v63  }
0x68: {  	_ =	swait.ge [sflag:s20], $0x1800  }
0x69: {  	[sflag:s20] =	ssyncset.done $0x0  }
0x6a: {  	s8 =	rddreg [dreg:$0x9];
	[sflag:s20] =	ssyncadd.s32 $0xFFFFE800  }
0x6b: {  	[tilespmem:s13], [sflag:$0x1] =	stream.indirect.gather [hbm4b:s4+s12], $0x30, s8, s12, $0xb8;
	[tilespmem:$0x1FD00] =	vst v63  }
0x6c: {  	_ =	swait.ge [sflag:s21], $0x1800  }
0x6d: {  	[sflag:s21] =	ssyncset.done $0x0  }
0x6e: {  	s9 =	rddreg [dreg:$0xa];
	[sflag:s21] =	ssyncadd.s32 $0xFFFFE800  }
0x6f: {  	[spmem:s2] =	stream.indirect.scatter.add.bf16 [tilespmem:s18], [sflag:$0x8], $0x30, s9, s12, $0xb8;
	[tilespmem:$0x1FD00] =	vst v63  }
0x70: {  	_ =	swait.ge [sflag:s22], $0x1800  }
0x71: {  	[sflag:s22] =	ssyncset.done $0x0  }
0x72: {  	s25 =	rddreg [dreg:$0xb];
	[sflag:s22] =	ssyncadd.s32 $0xFFFFE800  }
0x73: {  	[tilespmem:s14], [sflag:$0x2] =	stream.indirect.gather [hbm4b:s4+s12], $0x30, s25, s12, $0xb8;
	[tilespmem:$0x1FD00] =	vst v63  }
0x74: {  	_ =	swait.ge [sflag:s15], $0x1800  }
0x75: {  	[sflag:s15] =	ssyncset.done $0x0  }
0x76: {  	s8 =	rddreg [dreg:$0xc];
	[sflag:s15] =	ssyncadd.s32 $0xFFFFE800  }
0x77: {  	[spmem:s2] =	stream.indirect.scatter.add.bf16 [tilespmem:s13], [sflag:$0x5], $0x30, s8, s12, $0xb8;
	[tilespmem:$0x1FD00] =	vst v63  }
0x78: {  	_ =	swait.ge [sflag:s23], $0x1800  }
0x79: {  	[sflag:s23] =	ssyncset.done $0x0  }
0x7a: {  	s9 =	rddreg [dreg:$0xd];
	[sflag:s23] =	ssyncadd.s32 $0xFFFFE800  }
0x7b: {  	[tilespmem:s16], [sflag:$0x3] =	stream.indirect.gather [hbm4b:s4+s12], $0x30, s9, s12, $0xb8;
	[tilespmem:$0x1FD00] =	vst v63  }
0x7c: {  	_ =	swait.ge [sflag:s17], $0x1800  }
0x7d: {  	[sflag:s17] =	ssyncset.done $0x0  }
0x7e: {  	s25 =	rddreg [dreg:$0xe];
	[sflag:s17] =	ssyncadd.s32 $0xFFFFE800  }
0x7f: {  	[spmem:s2] =	stream.indirect.scatter.add.bf16 [tilespmem:s14], [sflag:$0x6], $0x30, s25, s12, $0xb8;
	[tilespmem:$0x1FD00] =	vst v63  }
0x80: {  	_ =	swait.ge [sflag:s24], $0x1800  }
0x81: {  	[sflag:s24] =	ssyncset.done $0x0  }
0x82: {  	s8 =	rddreg [dreg:$0xf];
	[sflag:s24] =	ssyncadd.s32 $0xFFFFE800  }
0x83: {  	[tilespmem:s18], [sflag:$0x4] =	stream.indirect.gather [hbm4b:s4+s12], $0x30, s8, s12, $0xb8;
	[tilespmem:$0x1FD00] =	vst v63  }
0x84: {  	_ =	swait.ge [sflag:s19], $0x1800  }
0x85: {  	[sflag:s19] =	ssyncset.done $0x0  }
0x86: {  	s9 =	rddreg [dreg:$0x10];
	[sflag:s19] =	ssyncadd.s32 $0xFFFFE800  }
0x87: {  	[spmem:s2] =	stream.indirect.scatter.add.bf16 [tilespmem:s16], [sflag:$0x7], $0x30, s9, s12, $0xb8;
	[tilespmem:$0x1FD00] =	vst v63  }
0x88: {  	_ =	swait.ge [sflag:s20], $0x1800  }
0x89: {  	[sflag:s20] =	ssyncset.done $0x0  }
0x8a: {  	s25 =	rddreg [dreg:$0x11];
	[sflag:s20] =	ssyncadd.s32 $0xFFFFE800  }
0x8b: {  	[tilespmem:s13], [sflag:$0x1] =	stream.indirect.gather [hbm4b:s4+s12], $0x30, s25, s12, $0xb8;
	[tilespmem:$0x1FD00] =	vst v63  }
0x8c: {  	_ =	swait.ge [sflag:s21], $0x1800  }
0x8d: {  	[sflag:s21] =	ssyncset.done $0x0  }
0x8e: {  	s8 =	rddreg [dreg:$0x12];
	[sflag:s21] =	ssyncadd.s32 $0xFFFFE800  }
0x8f: {  	[spmem:s2] =	stream.indirect.scatter.add.bf16 [tilespmem:s18], [sflag:$0x8], $0x30, s8, s12, $0xb8;
	[tilespmem:$0x1FD00] =	vst v63  }
0x90: {  	_ =	swait.ge [sflag:s22], $0x1800  }
0x91: {  	[sflag:s22] =	ssyncset.done $0x0  }
0x92: {  	s9 =	rddreg [dreg:$0x13];
	[sflag:s22] =	ssyncadd.s32 $0xFFFFE800  }
0x93: {  	[tilespmem:s14], [sflag:$0x2] =	stream.indirect.gather [hbm4b:s4+s12], $0x30, s9, s12, $0xb8;
	[tilespmem:$0x1FD00] =	vst v63  }
0x94: {  	_ =	swait.ge [sflag:s15], $0x1800  }
0x95: {  	[sflag:s15] =	ssyncset.done $0x0  }
0x96: {  	s25 =	rddreg [dreg:$0x14];
	[sflag:s15] =	ssyncadd.s32 $0xFFFFE800  }
0x97: {  	[spmem:s2] =	stream.indirect.scatter.add.bf16 [tilespmem:s13], [sflag:$0x5], $0x30, s25, s12, $0xb8;
	[tilespmem:$0x1FD00] =	vst v63  }
0x98: {  	_ =	swait.ge [sflag:s23], $0x1800  }
0x99: {  	[sflag:s23] =	ssyncset.done $0x0  }
0x9a: {  	s8 =	rddreg [dreg:$0x15];
	[sflag:s23] =	ssyncadd.s32 $0xFFFFE800  }
0x9b: {  	[tilespmem:s16], [sflag:$0x3] =	stream.indirect.gather [hbm4b:s4+s12], $0x30, s8, s12, $0xb8;
	[tilespmem:$0x1FD00] =	vst v63  }
0x9c: {  	_ =	swait.ge [sflag:s17], $0x1800  }
0x9d: {  	[sflag:s17] =	ssyncset.done $0x0  }
0x9e: {  	s9 =	rddreg [dreg:$0x16];
	[sflag:s17] =	ssyncadd.s32 $0xFFFFE800  }
0x9f: {  	[spmem:s2] =	stream.indirect.scatter.add.bf16 [tilespmem:s14], [sflag:$0x6], $0x30, s9, s12, $0xb8;
	[tilespmem:$0x1FD00] =	vst v63  }
0xa0: {  	_ =	swait.ge [sflag:s24], $0x1800  }
0xa1: {  	[sflag:s24] =	ssyncset.done $0x0  }
0xa2: {  	s25 =	rddreg [dreg:$0x17];
	[sflag:s24] =	ssyncadd.s32 $0xFFFFE800  }
0xa3: {  	[tilespmem:s18], [sflag:$0x4] =	stream.indirect.gather [hbm4b:s4+s12], $0x30, s25, s12, $0xb8;
	[tilespmem:$0x1FD00] =	vst v63  }
0xa4: {  	_ =	swait.ge [sflag:s19], $0x1800  }
0xa5: {  	[sflag:s19] =	ssyncset.done $0x0  }
0xa6: {  	s8 =	rddreg [dreg:$0x18];
	[sflag:s19] =	ssyncadd.s32 $0xFFFFE800  }
0xa7: {  	[spmem:s2] =	stream.indirect.scatter.add.bf16 [tilespmem:s16], [sflag:$0x7], $0x30, s8, s12, $0xb8;
	[tilespmem:$0x1FD00] =	vst v63  }
0xa8: {  	_ =	swait.ge [sflag:s20], $0x1800  }
0xa9: {  	[sflag:s20] =	ssyncset.done $0x0  }
0xaa: {  	s9 =	rddreg [dreg:$0x19];
	[sflag:s20] =	ssyncadd.s32 $0xFFFFE800  }
0xab: {  	[tilespmem:s13], [sflag:$0x1] =	stream.indirect.gather [hbm4b:s4+s12], $0x30, s9, s12, $0xb8;
	[tilespmem:$0x1FD00] =	vst v63  }
0xac: {  	_ =	swait.ge [sflag:s21], $0x1800  }
0xad: {  	[sflag:s21] =	ssyncset.done $0x0  }
0xae: {  	s25 =	rddreg [dreg:$0x1a];
	[sflag:s21] =	ssyncadd.s32 $0xFFFFE800  }
0xaf: {  	[spmem:s2] =	stream.indirect.scatter.add.bf16 [tilespmem:s18], [sflag:$0x8], $0x30, s25, s12, $0xb8;
	[tilespmem:$0x1FD00] =	vst v63  }
0xb0: {  	_ =	swait.ge [sflag:s22], $0x1800  }
0xb1: {  	[sflag:s22] =	ssyncset.done $0x0  }
0xb2: {  	s8 =	rddreg [dreg:$0x1b];
	[sflag:s22] =	ssyncadd.s32 $0xFFFFE800  }
0xb3: {  	[tilespmem:s14], [sflag:$0x2] =	stream.indirect.gather [hbm4b:s4+s12], $0x30, s8, s12, $0xb8;
	[tilespmem:$0x1FD00] =	vst v63  }
0xb4: {  	_ =	swait.ge [sflag:s15], $0x1800  }
0xb5: {  	[sflag:s15] =	ssyncset.done $0x0  }
0xb6: {  	s9 =	rddreg [dreg:$0x1c];
	[sflag:s15] =	ssyncadd.s32 $0xFFFFE800  }
0xb7: {  	[spmem:s2] =	stream.indirect.scatter.add.bf16 [tilespmem:s13], [sflag:$0x5], $0x30, s9, s12, $0xb8;
	[tilespmem:$0x1FD00] =	vst v63  }
0xb8: {  	_ =	swait.ge [sflag:s23], $0x1800  }
0xb9: {  	[sflag:s23] =	ssyncset.done $0x0  }
0xba: {  	s25 =	rddreg [dreg:$0x1d];
	[sflag:s23] =	ssyncadd.s32 $0xFFFFE800  }
0xbb: {  	[tilespmem:s16], [sflag:$0x3] =	stream.indirect.gather [hbm4b:s4+s12], $0x30, s25, s12, $0xb8;
	[tilespmem:$0x1FD00] =	vst v63  }
0xbc: {  	_ =	swait.ge [sflag:s17], $0x1800  }
0xbd: {  	[sflag:s17] =	ssyncset.done $0x0  }
0xbe: {  	s8 =	rddreg [dreg:$0x1e];
	[sflag:s17] =	ssyncadd.s32 $0xFFFFE800  }
0xbf: {  	[spmem:s2] =	stream.indirect.scatter.add.bf16 [tilespmem:s14], [sflag:$0x6], $0x30, s8, s12, $0xb8;
	[tilespmem:$0x1FD00] =	vst v63  }
0xc0: {  	_ =	swait.ge [sflag:s24], $0x1800  }
0xc1: {  	[sflag:s24] =	ssyncset.done $0x0  }
0xc2: {  	s9 =	rddreg [dreg:$0x1f];
	[sflag:s24] =	ssyncadd.s32 $0xFFFFE800  }
0xc3: {  	[tilespmem:s18], [sflag:$0x4] =	stream.indirect.gather [hbm4b:s4+s12], $0x30, s9, s12, $0xb8;
	[tilespmem:$0x1FD00] =	vst v63  }
0xc4: {  	_ =	swait.ge [sflag:s19], $0x1800  }
0xc5: {  	s25 =	sld [smem:$0x7E0]  }
0xc6: {  	[sflag:s19] =	ssyncset.done $0x0  }
0xc7: {  	[sflag:s19] =	ssyncadd.s32 $0xFFFFE800  }
0xc8: {  	[spmem:s2] =	stream.indirect.scatter.add.bf16 [tilespmem:s16], [sflag:$0x7], $0x30, s25, s12, $0xb8;
	[tilespmem:$0x1FD00] =	vst v63  }
0xc9: {  	_ =	swait.ge [sflag:s20], $0x1800  }
0xca: {  	s8 =	sld [smem:$0x7E1]  }
0xcb: {  	[sflag:s20] =	ssyncset.done $0x0  }
0xcc: {  	[sflag:s20] =	ssyncadd.s32 $0xFFFFE800  }
0xcd: {  	[tilespmem:s13], [sflag:$0x1] =	stream.indirect.gather [hbm4b:s4+s12], $0x30, s8, s12, $0xb8;
	[tilespmem:$0x1FD00] =	vst v63  }
0xce: {  	_ =	swait.ge [sflag:s21], $0x1800  }
0xcf: {  	s9 =	sld [smem:$0x7E2]  }
0xd0: {  	[sflag:s21] =	ssyncset.done $0x0  }
0xd1: {  	[sflag:s21] =	ssyncadd.s32 $0xFFFFE800  }
0xd2: {  	[spmem:s2] =	stream.indirect.scatter.add.bf16 [tilespmem:s18], [sflag:$0x8], $0x30, s9, s12, $0xb8;
	[tilespmem:$0x1FD00] =	vst v63  }
0xd3: {  	_ =	swait.ge [sflag:s22], $0x1800  }
0xd4: {  	s25 =	sld [smem:$0x7E3]  }
0xd5: {  	[sflag:s22] =	ssyncset.done $0x0  }
0xd6: {  	[sflag:s22] =	ssyncadd.s32 $0xFFFFE800  }
0xd7: {  	[tilespmem:s14], [sflag:$0x2] =	stream.indirect.gather [hbm4b:s4+s12], $0x30, s25, s12, $0xb8;
	[tilespmem:$0x1FD00] =	vst v63  }
0xd8: {  	_ =	swait.ge [sflag:s15], $0x1800  }
0xd9: {  	s8 =	sld [smem:$0x7E4]  }
0xda: {  	[sflag:s15] =	ssyncset.done $0x0  }
0xdb: {  	[sflag:s15] =	ssyncadd.s32 $0xFFFFE800  }
0xdc: {  	[spmem:s2] =	stream.indirect.scatter.add.bf16 [tilespmem:s13], [sflag:$0x5], $0x30, s8, s12, $0xb8;
	[tilespmem:$0x1FD00] =	vst v63  }
0xdd: {  	_ =	swait.ge [sflag:s23], $0x1800  }
0xde: {  	s9 =	sld [smem:$0x7E5]  }
0xdf: {  	[sflag:s23] =	ssyncset.done $0x0  }
0xe0: {  	[sflag:s23] =	ssyncadd.s32 $0xFFFFE800  }
0xe1: {  	[tilespmem:s16], [sflag:$0x3] =	stream.indirect.gather [hbm4b:s4+s12], $0x30, s9, s12, $0xb8;
	[tilespmem:$0x1FD00] =	vst v63  }
0xe2: {  	_ =	swait.ge [sflag:s17], $0x1800  }
0xe3: {  	s25 =	sld [smem:$0x7E6]  }
0xe4: {  	[sflag:s17] =	ssyncset.done $0x0  }
0xe5: {  	[sflag:s17] =	ssyncadd.s32 $0xFFFFE800  }
0xe6: {  	[spmem:s2] =	stream.indirect.scatter.add.bf16 [tilespmem:s14], [sflag:$0x6], $0x30, s25, s12, $0xb8;
	[tilespmem:$0x1FD00] =	vst v63  }
0xe7: {  	_ =	swait.ge [sflag:s24], $0x1800  }
0xe8: {  	s8 =	sld [smem:$0x7E8]  }
0xe9: {  	[sflag:s24] =	ssyncset.done $0x0  }
0xea: {  	[sflag:s24] =	ssyncadd.s32 $0xFFFFE800  }
0xeb: {  	[tilespmem:s18], [sflag:$0x4] =	stream.indirect.gather [hbm4b:s4+s12], $0x30, s8, s12, $0xb8;
	[tilespmem:$0x1FD00] =	vst v63  }
0xec: {  	_ =	swait.ge [sflag:s19], $0x1800  }
0xed: {  	s9 =	sld [smem:$0x7E9]  }
0xee: {  	[sflag:s19] =	ssyncset.done $0x0  }
0xef: {  	[sflag:s19] =	ssyncadd.s32 $0xFFFFE800  }
0xf0: {  	[spmem:s2] =	stream.indirect.scatter.add.bf16 [tilespmem:s16], [sflag:$0x7], $0x30, s9, s12, $0xb8;
	[tilespmem:$0x1FD00] =	vst v63  }
0xf1: {  	_ =	swait.ge [sflag:s20], $0x1800  }
0xf2: {  	s25 =	sld [smem:$0x7EA]  }
0xf3: {  	[sflag:s20] =	ssyncset.done $0x0  }
0xf4: {  	[sflag:s20] =	ssyncadd.s32 $0xFFFFE800  }
0xf5: {  	[tilespmem:s13], [sflag:$0x1] =	stream.indirect.gather [hbm4b:s4+s12], $0x30, s25, s12, $0xb8;
	[tilespmem:$0x1FD00] =	vst v63  }
0xf6: {  	_ =	swait.ge [sflag:s21], $0x1800  }
0xf7: {  	s8 =	sld [smem:$0x7EC]  }
0xf8: {  	[sflag:s21] =	ssyncset.done $0x0  }
0xf9: {  	[sflag:s21] =	ssyncadd.s32 $0xFFFFE800  }
0xfa: {  	[spmem:s2] =	stream.indirect.scatter.add.bf16 [tilespmem:s18], [sflag:$0x8], $0x30, s8, s12, $0xb8;
	[tilespmem:$0x1FD00] =	vst v63  }
0xfb: {  	_ =	swait.ge [sflag:s22], $0x1800  }
0xfc: {  	s9 =	sld [smem:$0x7EE]  }
0xfd: {  	[sflag:s22] =	ssyncset.done $0x0  }
0xfe: {  	[sflag:s22] =	ssyncadd.s32 $0xFFFFE800  }
0xff: {  	[tilespmem:s14], [sflag:$0x2] =	stream.indirect.gather [hbm4b:s4+s12], $0x30, s9, s12, $0xb8;
	[tilespmem:$0x1FD00] =	vst v63  }
0x100: {  	_ =	swait.ge [sflag:s15], $0x1800  }
0x101: {  	s25 =	sld [smem:$0x7EF]  }
0x102: {  	[sflag:s15] =	ssyncset.done $0x0  }
0x103: {  	[sflag:s15] =	ssyncadd.s32 $0xFFFFE800  }
0x104: {  	[spmem:s2] =	stream.indirect.scatter.add.bf16 [tilespmem:s13], [sflag:$0x5], $0x30, s25, s12, $0xb8;
	[tilespmem:$0x1FD00] =	vst v63  }
0x105: {  	_ =	swait.ge [sflag:s23], $0x1800  }
0x106: {  	s8 =	sld [smem:$0x7F0]  }
0x107: {  	[sflag:s23] =	ssyncset.done $0x0  }
0x108: {  	[sflag:s23] =	ssyncadd.s32 $0xFFFFE800  }
0x109: {  	[tilespmem:s16], [sflag:$0x3] =	stream.indirect.gather [hbm4b:s4+s12], $0x30, s8, s12, $0xb8;
	[tilespmem:$0x1FD00] =	vst v63  }
0x10a: {  	_ =	swait.ge [sflag:s17], $0x1800  }
0x10b: {  	s9 =	sld [smem:$0x7F1]  }
0x10c: {  	[sflag:s17] =	ssyncset.done $0x0  }
0x10d: {  	[sflag:s17] =	ssyncadd.s32 $0xFFFFE800  }
0x10e: {  	[spmem:s2] =	stream.indirect.scatter.add.bf16 [tilespmem:s14], [sflag:$0x6], $0x30, s9, s12, $0xb8;
	[tilespmem:$0x1FD00] =	vst v63  }
0x10f: {  	_ =	swait.ge [sflag:s24], $0x1800  }
0x110: {  	s25 =	sld [smem:$0x7F2]  }
0x111: {  	[sflag:s24] =	ssyncset.done $0x0  }
0x112: {  	[sflag:s24] =	ssyncadd.s32 $0xFFFFE800  }
0x113: {  	[tilespmem:s18], [sflag:$0x4] =	stream.indirect.gather [hbm4b:s4+s12], $0x30, s25, s12, $0xb8;
	[tilespmem:$0x1FD00] =	vst v63  }
0x114: {  	_ =	swait.ge [sflag:s19], $0x1800  }
0x115: {  	s8 =	sld [smem:$0x7F3]  }
0x116: {  	[sflag:s19] =	ssyncset.done $0x0  }
0x117: {  	[sflag:s19] =	ssyncadd.s32 $0xFFFFE800  }
0x118: {  	[spmem:s2] =	stream.indirect.scatter.add.bf16 [tilespmem:s16], [sflag:$0x7], $0x30, s8, s12, $0xb8;
	[tilespmem:$0x1FD00] =	vst v63  }
0x119: {  	_ =	swait.ge [sflag:s20], $0x1800  }
0x11a: {  	s9 =	sld [smem:$0x7F4]  }
0x11b: {  	[sflag:s20] =	ssyncset.done $0x0  }
0x11c: {  	[sflag:s20] =	ssyncadd.s32 $0xFFFFE800  }
0x11d: {  	[tilespmem:s13], [sflag:$0x1] =	stream.indirect.gather [hbm4b:s4+s12], $0x30, s9, s12, $0xb8;
	[tilespmem:$0x1FD00] =	vst v63  }
0x11e: {  	_ =	swait.ge [sflag:s21], $0x1800  }
0x11f: {  	s25 =	sld [smem:$0x7F5]  }
0x120: {  	[sflag:s21] =	ssyncset.done $0x0  }
0x121: {  	[sflag:s21] =	ssyncadd.s32 $0xFFFFE800  }
0x122: {  	[spmem:s2] =	stream.indirect.scatter.add.bf16 [tilespmem:s18], [sflag:$0x8], $0x30, s25, s12, $0xb8;
	[tilespmem:$0x1FD00] =	vst v63  }
0x123: {  	_ =	swait.ge [sflag:s22], $0x1800  }
0x124: {  	s8 =	sld [smem:$0x7F6]  }
0x125: {  	[sflag:s22] =	ssyncset.done $0x0  }
0x126: {  	[sflag:s22] =	ssyncadd.s32 $0xFFFFE800  }
0x127: {  	[tilespmem:s14], [sflag:$0x2] =	stream.indirect.gather [hbm4b:s4+s12], $0x30, s8, s12, $0xb8;
	[tilespmem:$0x1FD00] =	vst v63  }
0x128: {  	_ =	swait.ge [sflag:s15], $0x1800  }
0x129: {  	s9 =	sld [smem:$0x7F7]  }
0x12a: {  	[sflag:s15] =	ssyncset.done $0x0  }
0x12b: {  	[sflag:s15] =	ssyncadd.s32 $0xFFFFE800  }
0x12c: {  	[spmem:s2] =	stream.indirect.scatter.add.bf16 [tilespmem:s13], [sflag:$0x5], $0x30, s9, s12, $0xb8;
	[tilespmem:$0x1FD00] =	vst v63  }
0x12d: {  	_ =	swait.ge [sflag:s23], $0x1800  }
0x12e: {  	s25 =	sld [smem:$0x7F8]  }
0x12f: {  	[sflag:s23] =	ssyncset.done $0x0  }
0x130: {  	[sflag:s23] =	ssyncadd.s32 $0xFFFFE800  }
0x131: {  	[tilespmem:s16], [sflag:$0x3] =	stream.indirect.gather [hbm4b:s4+s12], $0x30, s25, s12, $0xb8;
	[tilespmem:$0x1FD00] =	vst v63  }
0x132: {  	_ =	swait.ge [sflag:s17], $0x1800  }
0x133: {  	s8 =	sld [smem:$0x7F9]  }
0x134: {  	[sflag:s17] =	ssyncset.done $0x0  }
0x135: {  	[sflag:s17] =	ssyncadd.s32 $0xFFFFE800  }
0x136: {  	[spmem:s2] =	stream.indirect.scatter.add.bf16 [tilespmem:s14], [sflag:$0x6], $0x30, s8, s12, $0xb8;
	[tilespmem:$0x1FD00] =	vst v63  }
0x137: {  	_ =	swait.ge [sflag:s24], $0x1800  }
0x138: {  	s9 =	sld [smem:$0x7FA]  }
0x139: {  	[sflag:s24] =	ssyncset.done $0x0  }
0x13a: {  	[sflag:s24] =	ssyncadd.s32 $0xFFFFE800  }
0x13b: {  	[tilespmem:s18], [sflag:$0x4] =	stream.indirect.gather [hbm4b:s4+s12], $0x30, s9, s12, $0xb8;
	[tilespmem:$0x1FD00] =	vst v63  }
0x13c: {  	_ =	swait.ge [sflag:s19], $0x1800  }
0x13d: {  	s25 =	sld [smem:$0x7FB]  }
0x13e: {  	[sflag:s19] =	ssyncset.done $0x0  }
0x13f: {  	[sflag:s19] =	ssyncadd.s32 $0xFFFFE800  }
0x140: {  	[spmem:s2] =	stream.indirect.scatter.add.bf16 [tilespmem:s16], [sflag:$0x7], $0x30, s25, s12, $0xb8;
	[tilespmem:$0x1FD00] =	vst v63  }
0x141: {  	_ =	swait.ge [sflag:s20], $0x1800  }
0x142: {  	[sflag:s20] =	ssyncset.done $0x0  }
0x143: {  	[sflag:s20] =	ssyncadd.s32 $0xFFFFE800  }
0x144: {  	[tilespmem:s13], [sflag:$0x1] =	stream.indirect.gather [hbm4b:s4+s12], $0x30, s26, s12, $0xb8;
	[tilespmem:$0x1FD00] =	vst v63  }
0x145: {  	_ =	swait.ge [sflag:s21], $0x1800  }
0x146: {  	[sflag:s21] =	ssyncset.done $0x0  }
0x147: {  	[sflag:s21] =	ssyncadd.s32 $0xFFFFE800  }
0x148: {  	[spmem:s2] =	stream.indirect.scatter.add.bf16 [tilespmem:s18], [sflag:$0x8], $0x30, s28, s12, $0xb8;
	[tilespmem:$0x1FD00] =	vst v63  }
0x149: {  	_ =	swait.ge [sflag:s22], $0x1800  }
0x14a: {  	[sflag:s22] =	ssyncset.done $0x0  }
0x14b: {  	[sflag:s22] =	ssyncadd.s32 $0xFFFFE800  }
0x14c: {  	[tilespmem:s14], [sflag:$0x2] =	stream.indirect.gather [hbm4b:s4+s12], $0x30, s29, s12, $0xb8;
	[tilespmem:$0x1FD00] =	vst v63  }
0x14d: {  	_ =	swait.ge [sflag:s15], $0x1800  }
0x14e: {  	[sflag:s15] =	ssyncset.done $0x0  }
0x14f: {  	[sflag:s15] =	ssyncadd.s32 $0xFFFFE800  }
0x150: {  	[spmem:s2] =	stream.indirect.scatter.add.bf16 [tilespmem:s13], [sflag:$0x5], $0x30, s30, s12, $0xb8;
	[tilespmem:$0x1FD00] =	vst v63  }
0x151: {  	_ =	swait.ge [sflag:s23], $0x1800  }
0x152: {  	[sflag:s23] =	ssyncset.done $0x0  }
0x153: {  	[sflag:s23] =	ssyncadd.s32 $0xFFFFE800  }
0x154: {  	[tilespmem:s16], [sflag:$0x3] =	stream.indirect.gather [hbm4b:s4+s12], $0x30, s31, s12, $0xb8;
	[tilespmem:$0x1FD00] =	vst v63  }
0x155: {  	_ =	swait.ge [sflag:s17], $0x1800  }
0x156: {  	[sflag:s17] =	ssyncset.done $0x0  }
0x157: {  	[sflag:s17] =	ssyncadd.s32 $0xFFFFE800  }
0x158: {  	[spmem:s2] =	stream.indirect.scatter.add.bf16 [tilespmem:s14], [sflag:$0x6], $0x30, s1, s12, $0xb8;
	[tilespmem:$0x1FD00] =	vst v63  }
0x159: {  	_ =	swait.ge [sflag:s24], $0x1800  }
0x15a: {  	[sflag:s24] =	ssyncset.done $0x0  }
0x15b: {  	[sflag:s24] =	ssyncadd.s32 $0xFFFFE800  }
0x15c: {  	[tilespmem:s18], [sflag:$0x4] =	stream.indirect.gather [hbm4b:s4+s12], $0x30, s0, s12, $0xb8;
	[tilespmem:$0x1FD00] =	vst v63  }
0x15d: {  	_ =	swait.ge [sflag:s19], $0x1800  }
0x15e: {  	[sflag:s19] =	ssyncset.done $0x0  }
0x15f: {  	[sflag:s19] =	ssyncadd.s32 $0xFFFFE800  }
0x160: {  	[spmem:s2] =	stream.indirect.scatter.add.bf16 [tilespmem:s16], [sflag:$0x7], $0x30, s5, s12, $0xb8;
	[tilespmem:$0x1FD00] =	vst v63  }
0x161: {  	_ =	swait.ge [sflag:s21], $0x1800  }
0x162: {  	[sflag:s21] =	ssyncset.done $0x0  }
0x163: {  	[sflag:s21] =	ssyncadd.s32 $0xFFFFE800  }
0x164: {  	[spmem:s2] =	stream.indirect.scatter.add.bf16 [tilespmem:s18], [sflag:$0x8], $0x30, s7, s12, $0xb8;
	[tilespmem:$0x1FD00] =	vst v63  }
0x165: {  	_ =	swait.ge [sflag:s20], $0x1800  }
0x166: {  	[sflag:s20] =	ssyncset.done $0x0  }
0x167: {  	[sflag:s20] =	ssyncadd.s32 $0xFFFFE800  }
0x168: {  	_ =	swait.ge [sflag:s22], $0x1800  }
0x169: {  	[sflag:s22] =	ssyncset.done $0x0  }
0x16a: {  	[sflag:s22] =	ssyncadd.s32 $0xFFFFE800  }
0x16b: {  	_ =	swait.ge [sflag:s23], $0x1800  }
0x16c: {  	[sflag:s23] =	ssyncset.done $0x0  }
0x16d: {  	[sflag:s23] =	ssyncadd.s32 $0xFFFFE800  }
0x16e: {  	s9 =	simm.s32 $0x200;
	_ =	swait.ge [sflag:s24], $0x1800  }
0x16f: {  	s25 =	simm.s32 $0x400;
	s6 =	rddreg [dreg:$0x4];
	[sflag:s24] =	ssyncset.done $0x0  }
.LBB2_2:
0x170: {  	[sflag:s24] =	ssyncadd.s32 $0xFFFFE800;
	s6 =	sadd.s32 s9, s6  }
0x171: {  	[tilespmem:s3], [sflag:$0x9] =	stream.linear.gather [hbm4b:s6+s3], $0x1000, $0x38;
	[tilespmem:$0x1FD00] =	vst v63  }
0x172: {  	_ =	swait.ge [sflag:s10], $0x1000  }
0x173: {  	s6 =	rddreg [dreg:$0x3];
	[sflag:s10] =	ssyncset.done $0x0  }
0x174: {  	[sflag:s10] =	ssyncadd.s32 $0xFFFFF000;
	s6 =	sadd.s32 s9, s6  }
0x175: {  	[tilespmem:s11], [sflag:$0x9] =	stream.linear.gather [hbm4b:s6+s3], $0x1000, $0x38;
	[tilespmem:$0x1FD00] =	vst v63  }
0x176: {  	_ =	swait.ge [sflag:s10], $0x1000  }
0x177: {  	[sflag:s10] =	ssyncset.done $0x0  }
0x178: {  	[sflag:s10] =	ssyncadd.s32 $0xFFFFF000  }
0x179: {  	[tilespmem:s13], [sflag:$0x1] =	stream.indirect.gather [hbm4b:s4+s12], $0x30, s3, s12, $0xb8;
	[tilespmem:$0x1FD00] =	vst v63  }
0x17a: {  	_ = 	snop  }
0x17b: {  	[tilespmem:s14], [sflag:$0x2] =	stream.indirect.gather [hbm4b:s4+s12], $0x30, s12, s12, $0xb8;
	[tilespmem:$0x1FD00] =	vst v63  }
0x17c: {  	_ =	swait.ge [sflag:s15], $0x1800  }
0x17d: {  	[sflag:s15] =	ssyncset.done $0x0  }
0x17e: {  	s8 =	smov.u32 s25;
	[sflag:s15] =	ssyncadd.s32 $0xFFFFE800  }
0x17f: {  	[spmem:s2] =	stream.indirect.scatter.add.bf16 [tilespmem:s13], [sflag:$0x5], $0x30, s11, s12, $0xb8;
	[tilespmem:$0x1FD00] =	vst v63  }
0x180: {  	s9 =	smov.u32 s8;
	s8 =	rddreg [dreg:$0x5]  }
0x181: {  	[tilespmem:s16], [sflag:$0x3] =	stream.indirect.gather [hbm4b:s4+s12], $0x30, s8, s12, $0xb8;
	[tilespmem:$0x1FD00] =	vst v63  }
0x182: {  	_ =	swait.ge [sflag:s17], $0x1800  }
0x183: {  	[sflag:s17] =	ssyncset.done $0x0  }
0x184: {  	s6 =	rddreg [dreg:$0x6];
	[sflag:s17] =	ssyncadd.s32 $0xFFFFE800  }
0x185: {  	[spmem:s2] =	stream.indirect.scatter.add.bf16 [tilespmem:s14], [sflag:$0x6], $0x30, s6, s12, $0xb8;
	[tilespmem:$0x1FD00] =	vst v63  }
0x186: {  	s8 =	rddreg [dreg:$0x7]  }
0x187: {  	[tilespmem:s18], [sflag:$0x4] =	stream.indirect.gather [hbm4b:s4+s12], $0x30, s8, s12, $0xb8;
	[tilespmem:$0x1FD00] =	vst v63  }
0x188: {  	_ =	swait.ge [sflag:s19], $0x1800  }
0x189: {  	[sflag:s19] =	ssyncset.done $0x0  }
0x18a: {  	s8 =	rddreg [dreg:$0x8];
	[sflag:s19] =	ssyncadd.s32 $0xFFFFE800  }
0x18b: {  	[spmem:s2] =	stream.indirect.scatter.add.bf16 [tilespmem:s16], [sflag:$0x7], $0x30, s8, s12, $0xb8;
	[tilespmem:$0x1FD00] =	vst v63  }
0x18c: {  	_ =	swait.ge [sflag:s20], $0x1800  }
0x18d: {  	[sflag:s20] =	ssyncset.done $0x0  }
0x18e: {  	s8 =	rddreg [dreg:$0x9];
	[sflag:s20] =	ssyncadd.s32 $0xFFFFE800  }
0x18f: {  	[tilespmem:s13], [sflag:$0x1] =	stream.indirect.gather [hbm4b:s4+s12], $0x30, s8, s12, $0xb8;
	[tilespmem:$0x1FD00] =	vst v63  }
0x190: {  	_ =	swait.ge [sflag:s21], $0x1800  }
0x191: {  	[sflag:s21] =	ssyncset.done $0x0  }
0x192: {  	s8 =	rddreg [dreg:$0xa];
	[sflag:s21] =	ssyncadd.s32 $0xFFFFE800  }
0x193: {  	[spmem:s2] =	stream.indirect.scatter.add.bf16 [tilespmem:s18], [sflag:$0x8], $0x30, s8, s12, $0xb8;
	[tilespmem:$0x1FD00] =	vst v63  }
0x194: {  	_ =	swait.ge [sflag:s22], $0x1800  }
0x195: {  	[sflag:s22] =	ssyncset.done $0x0  }
0x196: {  	s8 =	rddreg [dreg:$0xb];
	[sflag:s22] =	ssyncadd.s32 $0xFFFFE800  }
0x197: {  	[tilespmem:s14], [sflag:$0x2] =	stream.indirect.gather [hbm4b:s4+s12], $0x30, s8, s12, $0xb8;
	[tilespmem:$0x1FD00] =	vst v63  }
0x198: {  	_ =	swait.ge [sflag:s15], $0x1800  }
0x199: {  	[sflag:s15] =	ssyncset.done $0x0  }
0x19a: {  	s8 =	rddreg [dreg:$0xc];
	[sflag:s15] =	ssyncadd.s32 $0xFFFFE800  }
0x19b: {  	[spmem:s2] =	stream.indirect.scatter.add.bf16 [tilespmem:s13], [sflag:$0x5], $0x30, s8, s12, $0xb8;
	[tilespmem:$0x1FD00] =	vst v63  }
0x19c: {  	_ =	swait.ge [sflag:s23], $0x1800  }
0x19d: {  	[sflag:s23] =	ssyncset.done $0x0  }
0x19e: {  	s8 =	rddreg [dreg:$0xd];
	[sflag:s23] =	ssyncadd.s32 $0xFFFFE800  }
0x19f: {  	[tilespmem:s16], [sflag:$0x3] =	stream.indirect.gather [hbm4b:s4+s12], $0x30, s8, s12, $0xb8;
	[tilespmem:$0x1FD00] =	vst v63  }
0x1a0: {  	_ =	swait.ge [sflag:s17], $0x1800  }
0x1a1: {  	[sflag:s17] =	ssyncset.done $0x0  }
0x1a2: {  	s8 =	rddreg [dreg:$0xe];
	[sflag:s17] =	ssyncadd.s32 $0xFFFFE800  }
0x1a3: {  	[spmem:s2] =	stream.indirect.scatter.add.bf16 [tilespmem:s14], [sflag:$0x6], $0x30, s8, s12, $0xb8;
	[tilespmem:$0x1FD00] =	vst v63  }
0x1a4: {  	_ =	swait.ge [sflag:s24], $0x1800  }
0x1a5: {  	[sflag:s24] =	ssyncset.done $0x0  }
0x1a6: {  	s8 =	rddreg [dreg:$0xf];
	[sflag:s24] =	ssyncadd.s32 $0xFFFFE800  }
0x1a7: {  	[tilespmem:s18], [sflag:$0x4] =	stream.indirect.gather [hbm4b:s4+s12], $0x30, s8, s12, $0xb8;
	[tilespmem:$0x1FD00] =	vst v63  }
0x1a8: {  	_ =	swait.ge [sflag:s19], $0x1800  }
0x1a9: {  	[sflag:s19] =	ssyncset.done $0x0  }
0x1aa: {  	s8 =	rddreg [dreg:$0x10];
	[sflag:s19] =	ssyncadd.s32 $0xFFFFE800  }
0x1ab: {  	[spmem:s2] =	stream.indirect.scatter.add.bf16 [tilespmem:s16], [sflag:$0x7], $0x30, s8, s12, $0xb8;
	[tilespmem:$0x1FD00] =	vst v63  }
0x1ac: {  	_ =	swait.ge [sflag:s20], $0x1800  }
0x1ad: {  	[sflag:s20] =	ssyncset.done $0x0  }
0x1ae: {  	s8 =	rddreg [dreg:$0x11];
	[sflag:s20] =	ssyncadd.s32 $0xFFFFE800  }
0x1af: {  	[tilespmem:s13], [sflag:$0x1] =	stream.indirect.gather [hbm4b:s4+s12], $0x30, s8, s12, $0xb8;
	[tilespmem:$0x1FD00] =	vst v63  }
0x1b0: {  	_ =	swait.ge [sflag:s21], $0x1800  }
0x1b1: {  	[sflag:s21] =	ssyncset.done $0x0  }
0x1b2: {  	s8 =	rddreg [dreg:$0x12];
	[sflag:s21] =	ssyncadd.s32 $0xFFFFE800  }
0x1b3: {  	[spmem:s2] =	stream.indirect.scatter.add.bf16 [tilespmem:s18], [sflag:$0x8], $0x30, s8, s12, $0xb8;
	[tilespmem:$0x1FD00] =	vst v63  }
0x1b4: {  	_ =	swait.ge [sflag:s22], $0x1800  }
0x1b5: {  	[sflag:s22] =	ssyncset.done $0x0  }
0x1b6: {  	s8 =	rddreg [dreg:$0x13];
	[sflag:s22] =	ssyncadd.s32 $0xFFFFE800  }
0x1b7: {  	[tilespmem:s14], [sflag:$0x2] =	stream.indirect.gather [hbm4b:s4+s12], $0x30, s8, s12, $0xb8;
	[tilespmem:$0x1FD00] =	vst v63  }
0x1b8: {  	_ =	swait.ge [sflag:s15], $0x1800  }
0x1b9: {  	[sflag:s15] =	ssyncset.done $0x0  }
0x1ba: {  	s8 =	rddreg [dreg:$0x14];
	[sflag:s15] =	ssyncadd.s32 $0xFFFFE800  }
0x1bb: {  	[spmem:s2] =	stream.indirect.scatter.add.bf16 [tilespmem:s13], [sflag:$0x5], $0x30, s8, s12, $0xb8;
	[tilespmem:$0x1FD00] =	vst v63  }
0x1bc: {  	_ =	swait.ge [sflag:s23], $0x1800  }
0x1bd: {  	[sflag:s23] =	ssyncset.done $0x0  }
0x1be: {  	s8 =	rddreg [dreg:$0x15];
	[sflag:s23] =	ssyncadd.s32 $0xFFFFE800  }
0x1bf: {  	[tilespmem:s16], [sflag:$0x3] =	stream.indirect.gather [hbm4b:s4+s12], $0x30, s8, s12, $0xb8;
	[tilespmem:$0x1FD00] =	vst v63  }
0x1c0: {  	_ =	swait.ge [sflag:s17], $0x1800  }
0x1c1: {  	[sflag:s17] =	ssyncset.done $0x0  }
0x1c2: {  	s8 =	rddreg [dreg:$0x16];
	[sflag:s17] =	ssyncadd.s32 $0xFFFFE800  }
0x1c3: {  	[spmem:s2] =	stream.indirect.scatter.add.bf16 [tilespmem:s14], [sflag:$0x6], $0x30, s8, s12, $0xb8;
	[tilespmem:$0x1FD00] =	vst v63  }
0x1c4: {  	_ =	swait.ge [sflag:s24], $0x1800  }
0x1c5: {  	[sflag:s24] =	ssyncset.done $0x0  }
0x1c6: {  	s8 =	rddreg [dreg:$0x17];
	[sflag:s24] =	ssyncadd.s32 $0xFFFFE800  }
0x1c7: {  	[tilespmem:s18], [sflag:$0x4] =	stream.indirect.gather [hbm4b:s4+s12], $0x30, s8, s12, $0xb8;
	[tilespmem:$0x1FD00] =	vst v63  }
0x1c8: {  	_ =	swait.ge [sflag:s19], $0x1800  }
0x1c9: {  	[sflag:s19] =	ssyncset.done $0x0  }
0x1ca: {  	s8 =	rddreg [dreg:$0x18];
	[sflag:s19] =	ssyncadd.s32 $0xFFFFE800  }
0x1cb: {  	[spmem:s2] =	stream.indirect.scatter.add.bf16 [tilespmem:s16], [sflag:$0x7], $0x30, s8, s12, $0xb8;
	[tilespmem:$0x1FD00] =	vst v63  }
0x1cc: {  	_ =	swait.ge [sflag:s20], $0x1800  }
0x1cd: {  	[sflag:s20] =	ssyncset.done $0x0  }
0x1ce: {  	s8 =	rddreg [dreg:$0x19];
	[sflag:s20] =	ssyncadd.s32 $0xFFFFE800  }
0x1cf: {  	[tilespmem:s13], [sflag:$0x1] =	stream.indirect.gather [hbm4b:s4+s12], $0x30, s8, s12, $0xb8;
	[tilespmem:$0x1FD00] =	vst v63  }
0x1d0: {  	_ =	swait.ge [sflag:s21], $0x1800  }
0x1d1: {  	[sflag:s21] =	ssyncset.done $0x0  }
0x1d2: {  	s8 =	rddreg [dreg:$0x1a];
	[sflag:s21] =	ssyncadd.s32 $0xFFFFE800  }
0x1d3: {  	[spmem:s2] =	stream.indirect.scatter.add.bf16 [tilespmem:s18], [sflag:$0x8], $0x30, s8, s12, $0xb8;
	[tilespmem:$0x1FD00] =	vst v63  }
0x1d4: {  	_ =	swait.ge [sflag:s22], $0x1800  }
0x1d5: {  	[sflag:s22] =	ssyncset.done $0x0  }
0x1d6: {  	s8 =	rddreg [dreg:$0x1b];
	[sflag:s22] =	ssyncadd.s32 $0xFFFFE800  }
0x1d7: {  	[tilespmem:s14], [sflag:$0x2] =	stream.indirect.gather [hbm4b:s4+s12], $0x30, s8, s12, $0xb8;
	[tilespmem:$0x1FD00] =	vst v63  }
0x1d8: {  	_ =	swait.ge [sflag:s15], $0x1800  }
0x1d9: {  	[sflag:s15] =	ssyncset.done $0x0  }
0x1da: {  	s8 =	rddreg [dreg:$0x1c];
	[sflag:s15] =	ssyncadd.s32 $0xFFFFE800  }
0x1db: {  	[spmem:s2] =	stream.indirect.scatter.add.bf16 [tilespmem:s13], [sflag:$0x5], $0x30, s8, s12, $0xb8;
	[tilespmem:$0x1FD00] =	vst v63  }
0x1dc: {  	_ =	swait.ge [sflag:s23], $0x1800  }
0x1dd: {  	[sflag:s23] =	ssyncset.done $0x0  }
0x1de: {  	s8 =	rddreg [dreg:$0x1d];
	[sflag:s23] =	ssyncadd.s32 $0xFFFFE800  }
0x1df: {  	[tilespmem:s16], [sflag:$0x3] =	stream.indirect.gather [hbm4b:s4+s12], $0x30, s8, s12, $0xb8;
	[tilespmem:$0x1FD00] =	vst v63  }
0x1e0: {  	_ =	swait.ge [sflag:s17], $0x1800  }
0x1e1: {  	[sflag:s17] =	ssyncset.done $0x0  }
0x1e2: {  	s8 =	rddreg [dreg:$0x1e];
	[sflag:s17] =	ssyncadd.s32 $0xFFFFE800  }
0x1e3: {  	[spmem:s2] =	stream.indirect.scatter.add.bf16 [tilespmem:s14], [sflag:$0x6], $0x30, s8, s12, $0xb8;
	[tilespmem:$0x1FD00] =	vst v63  }
0x1e4: {  	_ =	swait.ge [sflag:s24], $0x1800  }
0x1e5: {  	[sflag:s24] =	ssyncset.done $0x0  }
0x1e6: {  	s8 =	rddreg [dreg:$0x1f];
	[sflag:s24] =	ssyncadd.s32 $0xFFFFE800  }
0x1e7: {  	[tilespmem:s18], [sflag:$0x4] =	stream.indirect.gather [hbm4b:s4+s12], $0x30, s8, s12, $0xb8;
	[tilespmem:$0x1FD00] =	vst v63  }
0x1e8: {  	_ =	swait.ge [sflag:s19], $0x1800  }
0x1e9: {  	s8 =	sld [smem:$0x7E0]  }
0x1ea: {  	[sflag:s19] =	ssyncset.done $0x0  }
0x1eb: {  	[sflag:s19] =	ssyncadd.s32 $0xFFFFE800  }
0x1ec: {  	[spmem:s2] =	stream.indirect.scatter.add.bf16 [tilespmem:s16], [sflag:$0x7], $0x30, s8, s12, $0xb8;
	[tilespmem:$0x1FD00] =	vst v63  }
0x1ed: {  	_ =	swait.ge [sflag:s20], $0x1800  }
0x1ee: {  	s8 =	sld [smem:$0x7E1]  }
0x1ef: {  	[sflag:s20] =	ssyncset.done $0x0  }
0x1f0: {  	[sflag:s20] =	ssyncadd.s32 $0xFFFFE800  }
0x1f1: {  	[tilespmem:s13], [sflag:$0x1] =	stream.indirect.gather [hbm4b:s4+s12], $0x30, s8, s12, $0xb8;
	[tilespmem:$0x1FD00] =	vst v63  }
0x1f2: {  	_ =	swait.ge [sflag:s21], $0x1800  }
0x1f3: {  	s8 =	sld [smem:$0x7E2]  }
0x1f4: {  	[sflag:s21] =	ssyncset.done $0x0  }
0x1f5: {  	[sflag:s21] =	ssyncadd.s32 $0xFFFFE800  }
0x1f6: {  	[spmem:s2] =	stream.indirect.scatter.add.bf16 [tilespmem:s18], [sflag:$0x8], $0x30, s8, s12, $0xb8;
	[tilespmem:$0x1FD00] =	vst v63  }
0x1f7: {  	_ =	swait.ge [sflag:s22], $0x1800  }
0x1f8: {  	s8 =	sld [smem:$0x7E3]  }
0x1f9: {  	[sflag:s22] =	ssyncset.done $0x0  }
0x1fa: {  	[sflag:s22] =	ssyncadd.s32 $0xFFFFE800  }
0x1fb: {  	[tilespmem:s14], [sflag:$0x2] =	stream.indirect.gather [hbm4b:s4+s12], $0x30, s8, s12, $0xb8;
	[tilespmem:$0x1FD00] =	vst v63  }
0x1fc: {  	_ =	swait.ge [sflag:s15], $0x1800  }
0x1fd: {  	s8 =	sld [smem:$0x7E4]  }
0x1fe: {  	[sflag:s15] =	ssyncset.done $0x0  }
0x1ff: {  	[sflag:s15] =	ssyncadd.s32 $0xFFFFE800  }
0x200: {  	[spmem:s2] =	stream.indirect.scatter.add.bf16 [tilespmem:s13], [sflag:$0x5], $0x30, s8, s12, $0xb8;
	[tilespmem:$0x1FD00] =	vst v63  }
0x201: {  	_ =	swait.ge [sflag:s23], $0x1800  }
0x202: {  	s8 =	sld [smem:$0x7E5]  }
0x203: {  	[sflag:s23] =	ssyncset.done $0x0  }
0x204: {  	[sflag:s23] =	ssyncadd.s32 $0xFFFFE800  }
0x205: {  	[tilespmem:s16], [sflag:$0x3] =	stream.indirect.gather [hbm4b:s4+s12], $0x30, s8, s12, $0xb8;
	[tilespmem:$0x1FD00] =	vst v63  }
0x206: {  	_ =	swait.ge [sflag:s17], $0x1800  }
0x207: {  	s8 =	sld [smem:$0x7E6]  }
0x208: {  	[sflag:s17] =	ssyncset.done $0x0  }
0x209: {  	[sflag:s17] =	ssyncadd.s32 $0xFFFFE800  }
0x20a: {  	[spmem:s2] =	stream.indirect.scatter.add.bf16 [tilespmem:s14], [sflag:$0x6], $0x30, s8, s12, $0xb8;
	[tilespmem:$0x1FD00] =	vst v63  }
0x20b: {  	_ =	swait.ge [sflag:s24], $0x1800  }
0x20c: {  	s8 =	sld [smem:$0x7E8]  }
0x20d: {  	[sflag:s24] =	ssyncset.done $0x0  }
0x20e: {  	[sflag:s24] =	ssyncadd.s32 $0xFFFFE800  }
0x20f: {  	[tilespmem:s18], [sflag:$0x4] =	stream.indirect.gather [hbm4b:s4+s12], $0x30, s8, s12, $0xb8;
	[tilespmem:$0x1FD00] =	vst v63  }
0x210: {  	_ =	swait.ge [sflag:s19], $0x1800  }
0x211: {  	s8 =	sld [smem:$0x7E9]  }
0x212: {  	[sflag:s19] =	ssyncset.done $0x0  }
0x213: {  	[sflag:s19] =	ssyncadd.s32 $0xFFFFE800  }
0x214: {  	[spmem:s2] =	stream.indirect.scatter.add.bf16 [tilespmem:s16], [sflag:$0x7], $0x30, s8, s12, $0xb8;
	[tilespmem:$0x1FD00] =	vst v63  }
0x215: {  	_ =	swait.ge [sflag:s20], $0x1800  }
0x216: {  	s8 =	sld [smem:$0x7EA]  }
0x217: {  	[sflag:s20] =	ssyncset.done $0x0  }
0x218: {  	[sflag:s20] =	ssyncadd.s32 $0xFFFFE800  }
0x219: {  	[tilespmem:s13], [sflag:$0x1] =	stream.indirect.gather [hbm4b:s4+s12], $0x30, s8, s12, $0xb8;
	[tilespmem:$0x1FD00] =	vst v63  }
0x21a: {  	_ =	swait.ge [sflag:s21], $0x1800  }
0x21b: {  	s8 =	sld [smem:$0x7EC]  }
0x21c: {  	[sflag:s21] =	ssyncset.done $0x0  }
0x21d: {  	[sflag:s21] =	ssyncadd.s32 $0xFFFFE800  }
0x21e: {  	[spmem:s2] =	stream.indirect.scatter.add.bf16 [tilespmem:s18], [sflag:$0x8], $0x30, s8, s12, $0xb8;
	[tilespmem:$0x1FD00] =	vst v63  }
0x21f: {  	_ =	swait.ge [sflag:s22], $0x1800  }
0x220: {  	s8 =	sld [smem:$0x7EE]  }
0x221: {  	[sflag:s22] =	ssyncset.done $0x0  }
0x222: {  	[sflag:s22] =	ssyncadd.s32 $0xFFFFE800  }
0x223: {  	[tilespmem:s14], [sflag:$0x2] =	stream.indirect.gather [hbm4b:s4+s12], $0x30, s8, s12, $0xb8;
	[tilespmem:$0x1FD00] =	vst v63  }
0x224: {  	_ =	swait.ge [sflag:s15], $0x1800  }
0x225: {  	s8 =	sld [smem:$0x7EF]  }
0x226: {  	[sflag:s15] =	ssyncset.done $0x0  }
0x227: {  	[sflag:s15] =	ssyncadd.s32 $0xFFFFE800  }
0x228: {  	[spmem:s2] =	stream.indirect.scatter.add.bf16 [tilespmem:s13], [sflag:$0x5], $0x30, s8, s12, $0xb8;
	[tilespmem:$0x1FD00] =	vst v63  }
0x229: {  	_ =	swait.ge [sflag:s23], $0x1800  }
0x22a: {  	s8 =	sld [smem:$0x7F0]  }
0x22b: {  	[sflag:s23] =	ssyncset.done $0x0  }
0x22c: {  	[sflag:s23] =	ssyncadd.s32 $0xFFFFE800  }
0x22d: {  	[tilespmem:s16], [sflag:$0x3] =	stream.indirect.gather [hbm4b:s4+s12], $0x30, s8, s12, $0xb8;
	[tilespmem:$0x1FD00] =	vst v63  }
0x22e: {  	_ =	swait.ge [sflag:s17], $0x1800  }
0x22f: {  	s8 =	sld [smem:$0x7F1]  }
0x230: {  	[sflag:s17] =	ssyncset.done $0x0  }
0x231: {  	[sflag:s17] =	ssyncadd.s32 $0xFFFFE800  }
0x232: {  	[spmem:s2] =	stream.indirect.scatter.add.bf16 [tilespmem:s14], [sflag:$0x6], $0x30, s8, s12, $0xb8;
	[tilespmem:$0x1FD00] =	vst v63  }
0x233: {  	_ =	swait.ge [sflag:s24], $0x1800  }
0x234: {  	s8 =	sld [smem:$0x7F2]  }
0x235: {  	[sflag:s24] =	ssyncset.done $0x0  }
0x236: {  	[sflag:s24] =	ssyncadd.s32 $0xFFFFE800  }
0x237: {  	[tilespmem:s18], [sflag:$0x4] =	stream.indirect.gather [hbm4b:s4+s12], $0x30, s8, s12, $0xb8;
	[tilespmem:$0x1FD00] =	vst v63  }
0x238: {  	_ =	swait.ge [sflag:s19], $0x1800  }
0x239: {  	s8 =	sld [smem:$0x7F3]  }
0x23a: {  	[sflag:s19] =	ssyncset.done $0x0  }
0x23b: {  	[sflag:s19] =	ssyncadd.s32 $0xFFFFE800  }
0x23c: {  	[spmem:s2] =	stream.indirect.scatter.add.bf16 [tilespmem:s16], [sflag:$0x7], $0x30, s8, s12, $0xb8;
	[tilespmem:$0x1FD00] =	vst v63  }
0x23d: {  	_ =	swait.ge [sflag:s20], $0x1800  }
0x23e: {  	s8 =	sld [smem:$0x7F4]  }
0x23f: {  	[sflag:s20] =	ssyncset.done $0x0  }
0x240: {  	[sflag:s20] =	ssyncadd.s32 $0xFFFFE800  }
0x241: {  	[tilespmem:s13], [sflag:$0x1] =	stream.indirect.gather [hbm4b:s4+s12], $0x30, s8, s12, $0xb8;
	[tilespmem:$0x1FD00] =	vst v63  }
0x242: {  	_ =	swait.ge [sflag:s21], $0x1800  }
0x243: {  	s8 =	sld [smem:$0x7F5]  }
0x244: {  	[sflag:s21] =	ssyncset.done $0x0  }
0x245: {  	[sflag:s21] =	ssyncadd.s32 $0xFFFFE800  }
0x246: {  	[spmem:s2] =	stream.indirect.scatter.add.bf16 [tilespmem:s18], [sflag:$0x8], $0x30, s8, s12, $0xb8;
	[tilespmem:$0x1FD00] =	vst v63  }
0x247: {  	_ =	swait.ge [sflag:s22], $0x1800  }
0x248: {  	s8 =	sld [smem:$0x7F6]  }
0x249: {  	[sflag:s22] =	ssyncset.done $0x0  }
0x24a: {  	[sflag:s22] =	ssyncadd.s32 $0xFFFFE800  }
0x24b: {  	[tilespmem:s14], [sflag:$0x2] =	stream.indirect.gather [hbm4b:s4+s12], $0x30, s8, s12, $0xb8;
	[tilespmem:$0x1FD00] =	vst v63  }
0x24c: {  	_ =	swait.ge [sflag:s15], $0x1800  }
0x24d: {  	s8 =	sld [smem:$0x7F7]  }
0x24e: {  	[sflag:s15] =	ssyncset.done $0x0  }
0x24f: {  	[sflag:s15] =	ssyncadd.s32 $0xFFFFE800  }
0x250: {  	[spmem:s2] =	stream.indirect.scatter.add.bf16 [tilespmem:s13], [sflag:$0x5], $0x30, s8, s12, $0xb8;
	[tilespmem:$0x1FD00] =	vst v63  }
0x251: {  	_ =	swait.ge [sflag:s23], $0x1800  }
0x252: {  	s8 =	sld [smem:$0x7F8]  }
0x253: {  	[sflag:s23] =	ssyncset.done $0x0  }
0x254: {  	[sflag:s23] =	ssyncadd.s32 $0xFFFFE800  }
0x255: {  	[tilespmem:s16], [sflag:$0x3] =	stream.indirect.gather [hbm4b:s4+s12], $0x30, s8, s12, $0xb8;
	[tilespmem:$0x1FD00] =	vst v63  }
0x256: {  	_ =	swait.ge [sflag:s17], $0x1800  }
0x257: {  	s8 =	sld [smem:$0x7F9]  }
0x258: {  	[sflag:s17] =	ssyncset.done $0x0  }
0x259: {  	[sflag:s17] =	ssyncadd.s32 $0xFFFFE800  }
0x25a: {  	[spmem:s2] =	stream.indirect.scatter.add.bf16 [tilespmem:s14], [sflag:$0x6], $0x30, s8, s12, $0xb8;
	[tilespmem:$0x1FD00] =	vst v63  }
0x25b: {  	_ =	swait.ge [sflag:s24], $0x1800  }
0x25c: {  	s8 =	sld [smem:$0x7FA]  }
0x25d: {  	[sflag:s24] =	ssyncset.done $0x0  }
0x25e: {  	[sflag:s24] =	ssyncadd.s32 $0xFFFFE800  }
0x25f: {  	[tilespmem:s18], [sflag:$0x4] =	stream.indirect.gather [hbm4b:s4+s12], $0x30, s8, s12, $0xb8;
	[tilespmem:$0x1FD00] =	vst v63  }
0x260: {  	_ =	swait.ge [sflag:s19], $0x1800  }
0x261: {  	s8 =	sld [smem:$0x7FB]  }
0x262: {  	[sflag:s19] =	ssyncset.done $0x0  }
0x263: {  	[sflag:s19] =	ssyncadd.s32 $0xFFFFE800  }
0x264: {  	[spmem:s2] =	stream.indirect.scatter.add.bf16 [tilespmem:s16], [sflag:$0x7], $0x30, s8, s12, $0xb8;
	[tilespmem:$0x1FD00] =	vst v63  }
0x265: {  	_ =	swait.ge [sflag:s20], $0x1800  }
0x266: {  	[sflag:s20] =	ssyncset.done $0x0  }
0x267: {  	[sflag:s20] =	ssyncadd.s32 $0xFFFFE800  }
0x268: {  	[tilespmem:s13], [sflag:$0x1] =	stream.indirect.gather [hbm4b:s4+s12], $0x30, s26, s12, $0xb8;
	[tilespmem:$0x1FD00] =	vst v63  }
0x269: {  	_ =	swait.ge [sflag:s21], $0x1800  }
0x26a: {  	[sflag:s21] =	ssyncset.done $0x0  }
0x26b: {  	[sflag:s21] =	ssyncadd.s32 $0xFFFFE800  }
0x26c: {  	[spmem:s2] =	stream.indirect.scatter.add.bf16 [tilespmem:s18], [sflag:$0x8], $0x30, s28, s12, $0xb8;
	[tilespmem:$0x1FD00] =	vst v63  }
0x26d: {  	_ =	swait.ge [sflag:s22], $0x1800  }
0x26e: {  	[sflag:s22] =	ssyncset.done $0x0  }
0x26f: {  	[sflag:s22] =	ssyncadd.s32 $0xFFFFE800  }
0x270: {  	[tilespmem:s14], [sflag:$0x2] =	stream.indirect.gather [hbm4b:s4+s12], $0x30, s29, s12, $0xb8;
	[tilespmem:$0x1FD00] =	vst v63  }
0x271: {  	_ =	swait.ge [sflag:s15], $0x1800  }
0x272: {  	[sflag:s15] =	ssyncset.done $0x0  }
0x273: {  	[sflag:s15] =	ssyncadd.s32 $0xFFFFE800  }
0x274: {  	[spmem:s2] =	stream.indirect.scatter.add.bf16 [tilespmem:s13], [sflag:$0x5], $0x30, s30, s12, $0xb8;
	[tilespmem:$0x1FD00] =	vst v63  }
0x275: {  	_ =	swait.ge [sflag:s23], $0x1800  }
0x276: {  	[sflag:s23] =	ssyncset.done $0x0  }
0x277: {  	[sflag:s23] =	ssyncadd.s32 $0xFFFFE800  }
0x278: {  	[tilespmem:s16], [sflag:$0x3] =	stream.indirect.gather [hbm4b:s4+s12], $0x30, s31, s12, $0xb8;
	[tilespmem:$0x1FD00] =	vst v63  }
0x279: {  	_ =	swait.ge [sflag:s17], $0x1800  }
0x27a: {  	[sflag:s17] =	ssyncset.done $0x0  }
0x27b: {  	[sflag:s17] =	ssyncadd.s32 $0xFFFFE800  }
0x27c: {  	[spmem:s2] =	stream.indirect.scatter.add.bf16 [tilespmem:s14], [sflag:$0x6], $0x30, s1, s12, $0xb8;
	[tilespmem:$0x1FD00] =	vst v63  }
0x27d: {  	_ =	swait.ge [sflag:s24], $0x1800  }
0x27e: {  	[sflag:s24] =	ssyncset.done $0x0  }
0x27f: {  	[sflag:s24] =	ssyncadd.s32 $0xFFFFE800  }
0x280: {  	[tilespmem:s18], [sflag:$0x4] =	stream.indirect.gather [hbm4b:s4+s12], $0x30, s0, s12, $0xb8;
	[tilespmem:$0x1FD00] =	vst v63  }
0x281: {  	_ =	swait.ge [sflag:s19], $0x1800  }
0x282: {  	[sflag:s19] =	ssyncset.done $0x0  }
0x283: {  	[sflag:s19] =	ssyncadd.s32 $0xFFFFE800  }
0x284: {  	[spmem:s2] =	stream.indirect.scatter.add.bf16 [tilespmem:s16], [sflag:$0x7], $0x30, s5, s12, $0xb8;
	[tilespmem:$0x1FD00] =	vst v63  }
0x285: {  	_ =	swait.ge [sflag:s21], $0x1800  }
0x286: {  	[sflag:s21] =	ssyncset.done $0x0  }
0x287: {  	[sflag:s21] =	ssyncadd.s32 $0xFFFFE800  }
0x288: {  	[spmem:s2] =	stream.indirect.scatter.add.bf16 [tilespmem:s18], [sflag:$0x8], $0x30, s7, s12, $0xb8;
	[tilespmem:$0x1FD00] =	vst v63  }
0x289: {  	_ =	swait.ge [sflag:s20], $0x1800  }
0x28a: {  	[sflag:s20] =	ssyncset.done $0x0  }
0x28b: {  	[sflag:s20] =	ssyncadd.s32 $0xFFFFE800  }
0x28c: {  	_ =	swait.ge [sflag:s22], $0x1800  }
0x28d: {  	[sflag:s22] =	ssyncset.done $0x0  }
0x28e: {  	p0 =	sne.s32 s25, $0x600;
	[sflag:s22] =	ssyncadd.s32 $0xFFFFE800  }
.Ltmp0:
0x28f: {  	_ =	swait.ge [sflag:s23], $0x1800;
	(pc) =	sbr.rel @p0 .LBB2_2-.Ltmp0, $4  }
0x290: {  	[sflag:s23] =	ssyncset.done $0x0  }
0x291: {  	[sflag:s23] =	ssyncadd.s32 $0xFFFFE800  }
0x292: {  	_ =	swait.ge [sflag:s24], $0x1800  }
0x293: {  	s25 =	sadd.s32 $0x200, s25;
	s6 =	rddreg [dreg:$0x4];
	[sflag:s24] =	ssyncset.done $0x0  }
0x294: {  	[sflag:s24] =	ssyncadd.s32 $0xFFFFE800;
	s6 =	sadd.s32 s9, s6  }
0x295: {  	[tilespmem:s3], [sflag:$0x9] =	stream.linear.gather [hbm4b:s6+s3], $0x1000, $0x38;
	[tilespmem:$0x1FD00] =	vst v63  }
0x296: {  	_ =	swait.ge [sflag:s10], $0x1000  }
0x297: {  	s8 =	rddreg [dreg:$0x3];
	[sflag:s10] =	ssyncset.done $0x0  }
0x298: {  	[sflag:s10] =	ssyncadd.s32 $0xFFFFF000;
	s6 =	sadd.s32 s9, s8  }
0x299: {  	[tilespmem:s11], [sflag:$0x9] =	stream.linear.gather [hbm4b:s6+s3], $0x1000, $0x38;
	[tilespmem:$0x1FD00] =	vst v63  }
0x29a: {  	_ =	swait.ge [sflag:s10], $0x1000  }
0x29b: {  	[sflag:s10] =	ssyncset.done $0x0  }
0x29c: {  	[sflag:s10] =	ssyncadd.s32 $0xFFFFF000  }
0x29d: {  	[tilespmem:s13], [sflag:$0x1] =	stream.indirect.gather [hbm4b:s4+s12], $0x30, s3, s12, $0xb8;
	[tilespmem:$0x1FD00] =	vst v63  }
0x29e: {  	_ = 	snop  }
0x29f: {  	[tilespmem:s14], [sflag:$0x2] =	stream.indirect.gather [hbm4b:s4+s12], $0x30, s12, s12, $0xb8;
	[tilespmem:$0x1FD00] =	vst v63  }
0x2a0: {  	_ =	swait.ge [sflag:s15], $0x1800  }
0x2a1: {  	[sflag:s15] =	ssyncset.done $0x0  }
0x2a2: {  	[sflag:s15] =	ssyncadd.s32 $0xFFFFE800  }
0x2a3: {  	[spmem:s2] =	stream.indirect.scatter.add.bf16 [tilespmem:s13], [sflag:$0x5], $0x30, s11, s12, $0xb8;
	[tilespmem:$0x1FD00] =	vst v63  }
0x2a4: {  	s9 =	rddreg [dreg:$0x5]  }
0x2a5: {  	[tilespmem:s16], [sflag:$0x3] =	stream.indirect.gather [hbm4b:s4+s12], $0x30, s9, s12, $0xb8;
	[tilespmem:$0x1FD00] =	vst v63  }
0x2a6: {  	_ =	swait.ge [sflag:s17], $0x1800  }
0x2a7: {  	[sflag:s17] =	ssyncset.done $0x0  }
0x2a8: {  	s25 =	rddreg [dreg:$0x6];
	[sflag:s17] =	ssyncadd.s32 $0xFFFFE800  }
0x2a9: {  	[spmem:s2] =	stream.indirect.scatter.add.bf16 [tilespmem:s14], [sflag:$0x6], $0x30, s25, s12, $0xb8;
	[tilespmem:$0x1FD00] =	vst v63  }
0x2aa: {  	s8 =	rddreg [dreg:$0x7]  }
0x2ab: {  	[tilespmem:s18], [sflag:$0x4] =	stream.indirect.gather [hbm4b:s4+s12], $0x30, s8, s12, $0xb8;
	[tilespmem:$0x1FD00] =	vst v63  }
0x2ac: {  	_ =	swait.ge [sflag:s19], $0x1800  }
0x2ad: {  	[sflag:s19] =	ssyncset.done $0x0  }
0x2ae: {  	s8 =	rddreg [dreg:$0x8];
	[sflag:s19] =	ssyncadd.s32 $0xFFFFE800  }
0x2af: {  	[spmem:s2] =	stream.indirect.scatter.add.bf16 [tilespmem:s16], [sflag:$0x7], $0x30, s8, s12, $0xb8;
	[tilespmem:$0x1FD00] =	vst v63  }
0x2b0: {  	_ =	swait.ge [sflag:s20], $0x1800  }
0x2b1: {  	[sflag:s20] =	ssyncset.done $0x0  }
0x2b2: {  	s9 =	rddreg [dreg:$0x9];
	[sflag:s20] =	ssyncadd.s32 $0xFFFFE800  }
0x2b3: {  	[tilespmem:s13], [sflag:$0x1] =	stream.indirect.gather [hbm4b:s4+s12], $0x30, s9, s12, $0xb8;
	[tilespmem:$0x1FD00] =	vst v63  }
0x2b4: {  	_ =	swait.ge [sflag:s21], $0x1800  }
0x2b5: {  	[sflag:s21] =	ssyncset.done $0x0  }
0x2b6: {  	s25 =	rddreg [dreg:$0xa];
	[sflag:s21] =	ssyncadd.s32 $0xFFFFE800  }
0x2b7: {  	[spmem:s2] =	stream.indirect.scatter.add.bf16 [tilespmem:s18], [sflag:$0x8], $0x30, s25, s12, $0xb8;
	[tilespmem:$0x1FD00] =	vst v63  }
0x2b8: {  	_ =	swait.ge [sflag:s22], $0x1800  }
0x2b9: {  	[sflag:s22] =	ssyncset.done $0x0  }
0x2ba: {  	s8 =	rddreg [dreg:$0xb];
	[sflag:s22] =	ssyncadd.s32 $0xFFFFE800  }
0x2bb: {  	[tilespmem:s14], [sflag:$0x2] =	stream.indirect.gather [hbm4b:s4+s12], $0x30, s8, s12, $0xb8;
	[tilespmem:$0x1FD00] =	vst v63  }
0x2bc: {  	_ =	swait.ge [sflag:s15], $0x1800  }
0x2bd: {  	[sflag:s15] =	ssyncset.done $0x0  }
0x2be: {  	s9 =	rddreg [dreg:$0xc];
	[sflag:s15] =	ssyncadd.s32 $0xFFFFE800  }
0x2bf: {  	[spmem:s2] =	stream.indirect.scatter.add.bf16 [tilespmem:s13], [sflag:$0x5], $0x30, s9, s12, $0xb8;
	[tilespmem:$0x1FD00] =	vst v63  }
0x2c0: {  	_ =	swait.ge [sflag:s23], $0x1800  }
0x2c1: {  	[sflag:s23] =	ssyncset.done $0x0  }
0x2c2: {  	s25 =	rddreg [dreg:$0xd];
	[sflag:s23] =	ssyncadd.s32 $0xFFFFE800  }
0x2c3: {  	[tilespmem:s16], [sflag:$0x3] =	stream.indirect.gather [hbm4b:s4+s12], $0x30, s25, s12, $0xb8;
	[tilespmem:$0x1FD00] =	vst v63  }
0x2c4: {  	_ =	swait.ge [sflag:s17], $0x1800  }
0x2c5: {  	[sflag:s17] =	ssyncset.done $0x0  }
0x2c6: {  	s8 =	rddreg [dreg:$0xe];
	[sflag:s17] =	ssyncadd.s32 $0xFFFFE800  }
0x2c7: {  	[spmem:s2] =	stream.indirect.scatter.add.bf16 [tilespmem:s14], [sflag:$0x6], $0x30, s8, s12, $0xb8;
	[tilespmem:$0x1FD00] =	vst v63  }
0x2c8: {  	_ =	swait.ge [sflag:s24], $0x1800  }
0x2c9: {  	[sflag:s24] =	ssyncset.done $0x0  }
0x2ca: {  	s9 =	rddreg [dreg:$0xf];
	[sflag:s24] =	ssyncadd.s32 $0xFFFFE800  }
0x2cb: {  	[tilespmem:s18], [sflag:$0x4] =	stream.indirect.gather [hbm4b:s4+s12], $0x30, s9, s12, $0xb8;
	[tilespmem:$0x1FD00] =	vst v63  }
0x2cc: {  	_ =	swait.ge [sflag:s19], $0x1800  }
0x2cd: {  	[sflag:s19] =	ssyncset.done $0x0  }
0x2ce: {  	s25 =	rddreg [dreg:$0x10];
	[sflag:s19] =	ssyncadd.s32 $0xFFFFE800  }
0x2cf: {  	[spmem:s2] =	stream.indirect.scatter.add.bf16 [tilespmem:s16], [sflag:$0x7], $0x30, s25, s12, $0xb8;
	[tilespmem:$0x1FD00] =	vst v63  }
0x2d0: {  	_ =	swait.ge [sflag:s20], $0x1800  }
0x2d1: {  	[sflag:s20] =	ssyncset.done $0x0  }
0x2d2: {  	s8 =	rddreg [dreg:$0x11];
	[sflag:s20] =	ssyncadd.s32 $0xFFFFE800  }
0x2d3: {  	[tilespmem:s13], [sflag:$0x1] =	stream.indirect.gather [hbm4b:s4+s12], $0x30, s8, s12, $0xb8;
	[tilespmem:$0x1FD00] =	vst v63  }
0x2d4: {  	_ =	swait.ge [sflag:s21], $0x1800  }
0x2d5: {  	[sflag:s21] =	ssyncset.done $0x0  }
0x2d6: {  	s9 =	rddreg [dreg:$0x12];
	[sflag:s21] =	ssyncadd.s32 $0xFFFFE800  }
0x2d7: {  	[spmem:s2] =	stream.indirect.scatter.add.bf16 [tilespmem:s18], [sflag:$0x8], $0x30, s9, s12, $0xb8;
	[tilespmem:$0x1FD00] =	vst v63  }
0x2d8: {  	_ =	swait.ge [sflag:s22], $0x1800  }
0x2d9: {  	[sflag:s22] =	ssyncset.done $0x0  }
0x2da: {  	s25 =	rddreg [dreg:$0x13];
	[sflag:s22] =	ssyncadd.s32 $0xFFFFE800  }
0x2db: {  	[tilespmem:s14], [sflag:$0x2] =	stream.indirect.gather [hbm4b:s4+s12], $0x30, s25, s12, $0xb8;
	[tilespmem:$0x1FD00] =	vst v63  }
0x2dc: {  	_ =	swait.ge [sflag:s15], $0x1800  }
0x2dd: {  	[sflag:s15] =	ssyncset.done $0x0  }
0x2de: {  	s8 =	rddreg [dreg:$0x14];
	[sflag:s15] =	ssyncadd.s32 $0xFFFFE800  }
0x2df: {  	[spmem:s2] =	stream.indirect.scatter.add.bf16 [tilespmem:s13], [sflag:$0x5], $0x30, s8, s12, $0xb8;
	[tilespmem:$0x1FD00] =	vst v63  }
0x2e0: {  	_ =	swait.ge [sflag:s23], $0x1800  }
0x2e1: {  	[sflag:s23] =	ssyncset.done $0x0  }
0x2e2: {  	s9 =	rddreg [dreg:$0x15];
	[sflag:s23] =	ssyncadd.s32 $0xFFFFE800  }
0x2e3: {  	[tilespmem:s16], [sflag:$0x3] =	stream.indirect.gather [hbm4b:s4+s12], $0x30, s9, s12, $0xb8;
	[tilespmem:$0x1FD00] =	vst v63  }
0x2e4: {  	_ =	swait.ge [sflag:s17], $0x1800  }
0x2e5: {  	[sflag:s17] =	ssyncset.done $0x0  }
0x2e6: {  	s25 =	rddreg [dreg:$0x16];
	[sflag:s17] =	ssyncadd.s32 $0xFFFFE800  }
0x2e7: {  	[spmem:s2] =	stream.indirect.scatter.add.bf16 [tilespmem:s14], [sflag:$0x6], $0x30, s25, s12, $0xb8;
	[tilespmem:$0x1FD00] =	vst v63  }
0x2e8: {  	_ =	swait.ge [sflag:s24], $0x1800  }
0x2e9: {  	[sflag:s24] =	ssyncset.done $0x0  }
0x2ea: {  	s8 =	rddreg [dreg:$0x17];
	[sflag:s24] =	ssyncadd.s32 $0xFFFFE800  }
0x2eb: {  	[tilespmem:s18], [sflag:$0x4] =	stream.indirect.gather [hbm4b:s4+s12], $0x30, s8, s12, $0xb8;
	[tilespmem:$0x1FD00] =	vst v63  }
0x2ec: {  	_ =	swait.ge [sflag:s19], $0x1800  }
0x2ed: {  	[sflag:s19] =	ssyncset.done $0x0  }
0x2ee: {  	s9 =	rddreg [dreg:$0x18];
	[sflag:s19] =	ssyncadd.s32 $0xFFFFE800  }
0x2ef: {  	[spmem:s2] =	stream.indirect.scatter.add.bf16 [tilespmem:s16], [sflag:$0x7], $0x30, s9, s12, $0xb8;
	[tilespmem:$0x1FD00] =	vst v63  }
0x2f0: {  	_ =	swait.ge [sflag:s20], $0x1800  }
0x2f1: {  	[sflag:s20] =	ssyncset.done $0x0  }
0x2f2: {  	s25 =	rddreg [dreg:$0x19];
	[sflag:s20] =	ssyncadd.s32 $0xFFFFE800  }
0x2f3: {  	[tilespmem:s13], [sflag:$0x1] =	stream.indirect.gather [hbm4b:s4+s12], $0x30, s25, s12, $0xb8;
	[tilespmem:$0x1FD00] =	vst v63  }
0x2f4: {  	_ =	swait.ge [sflag:s21], $0x1800  }
0x2f5: {  	[sflag:s21] =	ssyncset.done $0x0  }
0x2f6: {  	s8 =	rddreg [dreg:$0x1a];
	[sflag:s21] =	ssyncadd.s32 $0xFFFFE800  }
0x2f7: {  	[spmem:s2] =	stream.indirect.scatter.add.bf16 [tilespmem:s18], [sflag:$0x8], $0x30, s8, s12, $0xb8;
	[tilespmem:$0x1FD00] =	vst v63  }
0x2f8: {  	_ =	swait.ge [sflag:s22], $0x1800  }
0x2f9: {  	[sflag:s22] =	ssyncset.done $0x0  }
0x2fa: {  	s9 =	rddreg [dreg:$0x1b];
	[sflag:s22] =	ssyncadd.s32 $0xFFFFE800  }
0x2fb: {  	[tilespmem:s14], [sflag:$0x2] =	stream.indirect.gather [hbm4b:s4+s12], $0x30, s9, s12, $0xb8;
	[tilespmem:$0x1FD00] =	vst v63  }
0x2fc: {  	_ =	swait.ge [sflag:s15], $0x1800  }
0x2fd: {  	[sflag:s15] =	ssyncset.done $0x0  }
0x2fe: {  	s25 =	rddreg [dreg:$0x1c];
	[sflag:s15] =	ssyncadd.s32 $0xFFFFE800  }
0x2ff: {  	[spmem:s2] =	stream.indirect.scatter.add.bf16 [tilespmem:s13], [sflag:$0x5], $0x30, s25, s12, $0xb8;
	[tilespmem:$0x1FD00] =	vst v63  }
0x300: {  	_ =	swait.ge [sflag:s23], $0x1800  }
0x301: {  	[sflag:s23] =	ssyncset.done $0x0  }
0x302: {  	s8 =	rddreg [dreg:$0x1d];
	[sflag:s23] =	ssyncadd.s32 $0xFFFFE800  }
0x303: {  	[tilespmem:s16], [sflag:$0x3] =	stream.indirect.gather [hbm4b:s4+s12], $0x30, s8, s12, $0xb8;
	[tilespmem:$0x1FD00] =	vst v63  }
0x304: {  	_ =	swait.ge [sflag:s17], $0x1800  }
0x305: {  	[sflag:s17] =	ssyncset.done $0x0  }
0x306: {  	s9 =	rddreg [dreg:$0x1e];
	[sflag:s17] =	ssyncadd.s32 $0xFFFFE800  }
0x307: {  	[spmem:s2] =	stream.indirect.scatter.add.bf16 [tilespmem:s14], [sflag:$0x6], $0x30, s9, s12, $0xb8;
	[tilespmem:$0x1FD00] =	vst v63  }
0x308: {  	_ =	swait.ge [sflag:s24], $0x1800  }
0x309: {  	[sflag:s24] =	ssyncset.done $0x0  }
0x30a: {  	s25 =	rddreg [dreg:$0x1f];
	[sflag:s24] =	ssyncadd.s32 $0xFFFFE800  }
0x30b: {  	[tilespmem:s18], [sflag:$0x4] =	stream.indirect.gather [hbm4b:s4+s12], $0x30, s25, s12, $0xb8;
	[tilespmem:$0x1FD00] =	vst v63  }
0x30c: {  	_ =	swait.ge [sflag:s19], $0x1800  }
0x30d: {  	s8 =	sld [smem:$0x7E0]  }
0x30e: {  	[sflag:s19] =	ssyncset.done $0x0  }
0x30f: {  	[sflag:s19] =	ssyncadd.s32 $0xFFFFE800  }
0x310: {  	[spmem:s2] =	stream.indirect.scatter.add.bf16 [tilespmem:s16], [sflag:$0x7], $0x30, s8, s12, $0xb8;
	[tilespmem:$0x1FD00] =	vst v63  }
0x311: {  	_ =	swait.ge [sflag:s20], $0x1800  }
0x312: {  	s9 =	sld [smem:$0x7E1]  }
0x313: {  	[sflag:s20] =	ssyncset.done $0x0  }
0x314: {  	[sflag:s20] =	ssyncadd.s32 $0xFFFFE800  }
0x315: {  	[tilespmem:s13], [sflag:$0x1] =	stream.indirect.gather [hbm4b:s4+s12], $0x30, s9, s12, $0xb8;
	[tilespmem:$0x1FD00] =	vst v63  }
0x316: {  	_ =	swait.ge [sflag:s21], $0x1800  }
0x317: {  	s25 =	sld [smem:$0x7E2]  }
0x318: {  	[sflag:s21] =	ssyncset.done $0x0  }
0x319: {  	[sflag:s21] =	ssyncadd.s32 $0xFFFFE800  }
0x31a: {  	[spmem:s2] =	stream.indirect.scatter.add.bf16 [tilespmem:s18], [sflag:$0x8], $0x30, s25, s12, $0xb8;
	[tilespmem:$0x1FD00] =	vst v63  }
0x31b: {  	_ =	swait.ge [sflag:s22], $0x1800  }
0x31c: {  	s8 =	sld [smem:$0x7E3]  }
0x31d: {  	[sflag:s22] =	ssyncset.done $0x0  }
0x31e: {  	[sflag:s22] =	ssyncadd.s32 $0xFFFFE800  }
0x31f: {  	[tilespmem:s14], [sflag:$0x2] =	stream.indirect.gather [hbm4b:s4+s12], $0x30, s8, s12, $0xb8;
	[tilespmem:$0x1FD00] =	vst v63  }
0x320: {  	_ =	swait.ge [sflag:s15], $0x1800  }
0x321: {  	s9 =	sld [smem:$0x7E4]  }
0x322: {  	[sflag:s15] =	ssyncset.done $0x0  }
0x323: {  	[sflag:s15] =	ssyncadd.s32 $0xFFFFE800  }
0x324: {  	[spmem:s2] =	stream.indirect.scatter.add.bf16 [tilespmem:s13], [sflag:$0x5], $0x30, s9, s12, $0xb8;
	[tilespmem:$0x1FD00] =	vst v63  }
0x325: {  	_ =	swait.ge [sflag:s23], $0x1800  }
0x326: {  	s25 =	sld [smem:$0x7E5]  }
0x327: {  	[sflag:s23] =	ssyncset.done $0x0  }
0x328: {  	[sflag:s23] =	ssyncadd.s32 $0xFFFFE800  }
0x329: {  	[tilespmem:s16], [sflag:$0x3] =	stream.indirect.gather [hbm4b:s4+s12], $0x30, s25, s12, $0xb8;
	[tilespmem:$0x1FD00] =	vst v63  }
0x32a: {  	_ =	swait.ge [sflag:s17], $0x1800  }
0x32b: {  	s8 =	sld [smem:$0x7E6]  }
0x32c: {  	[sflag:s17] =	ssyncset.done $0x0  }
0x32d: {  	[sflag:s17] =	ssyncadd.s32 $0xFFFFE800  }
0x32e: {  	[spmem:s2] =	stream.indirect.scatter.add.bf16 [tilespmem:s14], [sflag:$0x6], $0x30, s8, s12, $0xb8;
	[tilespmem:$0x1FD00] =	vst v63  }
0x32f: {  	_ =	swait.ge [sflag:s24], $0x1800  }
0x330: {  	s9 =	sld [smem:$0x7E8]  }
0x331: {  	[sflag:s24] =	ssyncset.done $0x0  }
0x332: {  	[sflag:s24] =	ssyncadd.s32 $0xFFFFE800  }
0x333: {  	[tilespmem:s18], [sflag:$0x4] =	stream.indirect.gather [hbm4b:s4+s12], $0x30, s9, s12, $0xb8;
	[tilespmem:$0x1FD00] =	vst v63  }
0x334: {  	_ =	swait.ge [sflag:s19], $0x1800  }
0x335: {  	s25 =	sld [smem:$0x7E9]  }
0x336: {  	[sflag:s19] =	ssyncset.done $0x0  }
0x337: {  	[sflag:s19] =	ssyncadd.s32 $0xFFFFE800  }
0x338: {  	[spmem:s2] =	stream.indirect.scatter.add.bf16 [tilespmem:s16], [sflag:$0x7], $0x30, s25, s12, $0xb8;
	[tilespmem:$0x1FD00] =	vst v63  }
0x339: {  	_ =	swait.ge [sflag:s20], $0x1800  }
0x33a: {  	s8 =	sld [smem:$0x7EA]  }
0x33b: {  	[sflag:s20] =	ssyncset.done $0x0  }
0x33c: {  	[sflag:s20] =	ssyncadd.s32 $0xFFFFE800  }
0x33d: {  	[tilespmem:s13], [sflag:$0x1] =	stream.indirect.gather [hbm4b:s4+s12], $0x30, s8, s12, $0xb8;
	[tilespmem:$0x1FD00] =	vst v63  }
0x33e: {  	_ =	swait.ge [sflag:s21], $0x1800  }
0x33f: {  	s9 =	sld [smem:$0x7EC]  }
0x340: {  	[sflag:s21] =	ssyncset.done $0x0  }
0x341: {  	[sflag:s21] =	ssyncadd.s32 $0xFFFFE800  }
0x342: {  	[spmem:s2] =	stream.indirect.scatter.add.bf16 [tilespmem:s18], [sflag:$0x8], $0x30, s9, s12, $0xb8;
	[tilespmem:$0x1FD00] =	vst v63  }
0x343: {  	_ =	swait.ge [sflag:s22], $0x1800  }
0x344: {  	s25 =	sld [smem:$0x7EE]  }
0x345: {  	[sflag:s22] =	ssyncset.done $0x0  }
0x346: {  	[sflag:s22] =	ssyncadd.s32 $0xFFFFE800  }
0x347: {  	[tilespmem:s14], [sflag:$0x2] =	stream.indirect.gather [hbm4b:s4+s12], $0x30, s25, s12, $0xb8;
	[tilespmem:$0x1FD00] =	vst v63  }
0x348: {  	_ =	swait.ge [sflag:s15], $0x1800  }
0x349: {  	s8 =	sld [smem:$0x7EF]  }
0x34a: {  	[sflag:s15] =	ssyncset.done $0x0  }
0x34b: {  	[sflag:s15] =	ssyncadd.s32 $0xFFFFE800  }
0x34c: {  	[spmem:s2] =	stream.indirect.scatter.add.bf16 [tilespmem:s13], [sflag:$0x5], $0x30, s8, s12, $0xb8;
	[tilespmem:$0x1FD00] =	vst v63  }
0x34d: {  	_ =	swait.ge [sflag:s23], $0x1800  }
0x34e: {  	s9 =	sld [smem:$0x7F0]  }
0x34f: {  	[sflag:s23] =	ssyncset.done $0x0  }
0x350: {  	[sflag:s23] =	ssyncadd.s32 $0xFFFFE800  }
0x351: {  	[tilespmem:s16], [sflag:$0x3] =	stream.indirect.gather [hbm4b:s4+s12], $0x30, s9, s12, $0xb8;
	[tilespmem:$0x1FD00] =	vst v63  }
0x352: {  	_ =	swait.ge [sflag:s17], $0x1800  }
0x353: {  	s25 =	sld [smem:$0x7F1]  }
0x354: {  	[sflag:s17] =	ssyncset.done $0x0  }
0x355: {  	[sflag:s17] =	ssyncadd.s32 $0xFFFFE800  }
0x356: {  	[spmem:s2] =	stream.indirect.scatter.add.bf16 [tilespmem:s14], [sflag:$0x6], $0x30, s25, s12, $0xb8;
	[tilespmem:$0x1FD00] =	vst v63  }
0x357: {  	_ =	swait.ge [sflag:s24], $0x1800  }
0x358: {  	s8 =	sld [smem:$0x7F2]  }
0x359: {  	[sflag:s24] =	ssyncset.done $0x0  }
0x35a: {  	[sflag:s24] =	ssyncadd.s32 $0xFFFFE800  }
0x35b: {  	[tilespmem:s18], [sflag:$0x4] =	stream.indirect.gather [hbm4b:s4+s12], $0x30, s8, s12, $0xb8;
	[tilespmem:$0x1FD00] =	vst v63  }
0x35c: {  	_ =	swait.ge [sflag:s19], $0x1800  }
0x35d: {  	s9 =	sld [smem:$0x7F3]  }
0x35e: {  	[sflag:s19] =	ssyncset.done $0x0  }
0x35f: {  	[sflag:s19] =	ssyncadd.s32 $0xFFFFE800  }
0x360: {  	[spmem:s2] =	stream.indirect.scatter.add.bf16 [tilespmem:s16], [sflag:$0x7], $0x30, s9, s12, $0xb8;
	[tilespmem:$0x1FD00] =	vst v63  }
0x361: {  	_ =	swait.ge [sflag:s20], $0x1800  }
0x362: {  	s25 =	sld [smem:$0x7F4]  }
0x363: {  	[sflag:s20] =	ssyncset.done $0x0  }
0x364: {  	[sflag:s20] =	ssyncadd.s32 $0xFFFFE800  }
0x365: {  	[tilespmem:s13], [sflag:$0x1] =	stream.indirect.gather [hbm4b:s4+s12], $0x30, s25, s12, $0xb8;
	[tilespmem:$0x1FD00] =	vst v63  }
0x366: {  	_ =	swait.ge [sflag:s21], $0x1800  }
0x367: {  	s8 =	sld [smem:$0x7F5]  }
0x368: {  	[sflag:s21] =	ssyncset.done $0x0  }
0x369: {  	[sflag:s21] =	ssyncadd.s32 $0xFFFFE800  }
0x36a: {  	[spmem:s2] =	stream.indirect.scatter.add.bf16 [tilespmem:s18], [sflag:$0x8], $0x30, s8, s12, $0xb8;
	[tilespmem:$0x1FD00] =	vst v63  }
0x36b: {  	_ =	swait.ge [sflag:s22], $0x1800  }
0x36c: {  	s9 =	sld [smem:$0x7F6]  }
0x36d: {  	[sflag:s22] =	ssyncset.done $0x0  }
0x36e: {  	[sflag:s22] =	ssyncadd.s32 $0xFFFFE800  }
0x36f: {  	[tilespmem:s14], [sflag:$0x2] =	stream.indirect.gather [hbm4b:s4+s12], $0x30, s9, s12, $0xb8;
	[tilespmem:$0x1FD00] =	vst v63  }
0x370: {  	_ =	swait.ge [sflag:s15], $0x1800  }
0x371: {  	s25 =	sld [smem:$0x7F7]  }
0x372: {  	[sflag:s15] =	ssyncset.done $0x0  }
0x373: {  	[sflag:s15] =	ssyncadd.s32 $0xFFFFE800  }
0x374: {  	[spmem:s2] =	stream.indirect.scatter.add.bf16 [tilespmem:s13], [sflag:$0x5], $0x30, s25, s12, $0xb8;
	[tilespmem:$0x1FD00] =	vst v63  }
0x375: {  	_ =	swait.ge [sflag:s23], $0x1800  }
0x376: {  	s8 =	sld [smem:$0x7F8]  }
0x377: {  	[sflag:s23] =	ssyncset.done $0x0  }
0x378: {  	[sflag:s23] =	ssyncadd.s32 $0xFFFFE800  }
0x379: {  	[tilespmem:s16], [sflag:$0x3] =	stream.indirect.gather [hbm4b:s4+s12], $0x30, s8, s12, $0xb8;
	[tilespmem:$0x1FD00] =	vst v63  }
0x37a: {  	_ =	swait.ge [sflag:s17], $0x1800  }
0x37b: {  	s9 =	sld [smem:$0x7F9]  }
0x37c: {  	[sflag:s17] =	ssyncset.done $0x0  }
0x37d: {  	[sflag:s17] =	ssyncadd.s32 $0xFFFFE800  }
0x37e: {  	[spmem:s2] =	stream.indirect.scatter.add.bf16 [tilespmem:s14], [sflag:$0x6], $0x30, s9, s12, $0xb8;
	[tilespmem:$0x1FD00] =	vst v63  }
0x37f: {  	_ =	swait.ge [sflag:s24], $0x1800  }
0x380: {  	s25 =	sld [smem:$0x7FA]  }
0x381: {  	[sflag:s24] =	ssyncset.done $0x0  }
0x382: {  	[sflag:s24] =	ssyncadd.s32 $0xFFFFE800  }
0x383: {  	[tilespmem:s18], [sflag:$0x4] =	stream.indirect.gather [hbm4b:s4+s12], $0x30, s25, s12, $0xb8;
	[tilespmem:$0x1FD00] =	vst v63  }
0x384: {  	_ =	swait.ge [sflag:s19], $0x1800  }
0x385: {  	s8 =	sld [smem:$0x7FB]  }
0x386: {  	[sflag:s19] =	ssyncset.done $0x0  }
0x387: {  	[sflag:s19] =	ssyncadd.s32 $0xFFFFE800  }
0x388: {  	[spmem:s2] =	stream.indirect.scatter.add.bf16 [tilespmem:s16], [sflag:$0x7], $0x30, s8, s12, $0xb8;
	[tilespmem:$0x1FD00] =	vst v63  }
0x389: {  	_ =	swait.ge [sflag:s20], $0x1800  }
0x38a: {  	[sflag:s20] =	ssyncset.done $0x0  }
0x38b: {  	[sflag:s20] =	ssyncadd.s32 $0xFFFFE800  }
0x38c: {  	[tilespmem:s13], [sflag:$0x1] =	stream.indirect.gather [hbm4b:s4+s12], $0x30, s26, s12, $0xb8;
	[tilespmem:$0x1FD00] =	vst v63  }
0x38d: {  	_ =	swait.ge [sflag:s21], $0x1800  }
0x38e: {  	[sflag:s21] =	ssyncset.done $0x0  }
0x38f: {  	[sflag:s21] =	ssyncadd.s32 $0xFFFFE800  }
0x390: {  	[spmem:s2] =	stream.indirect.scatter.add.bf16 [tilespmem:s18], [sflag:$0x8], $0x30, s28, s12, $0xb8;
	[tilespmem:$0x1FD00] =	vst v63  }
0x391: {  	_ =	swait.ge [sflag:s22], $0x1800  }
0x392: {  	[sflag:s22] =	ssyncset.done $0x0  }
0x393: {  	[sflag:s22] =	ssyncadd.s32 $0xFFFFE800  }
0x394: {  	[tilespmem:s14], [sflag:$0x2] =	stream.indirect.gather [hbm4b:s4+s12], $0x30, s29, s12, $0xb8;
	[tilespmem:$0x1FD00] =	vst v63  }
0x395: {  	_ =	swait.ge [sflag:s15], $0x1800  }
0x396: {  	[sflag:s15] =	ssyncset.done $0x0  }
0x397: {  	[sflag:s15] =	ssyncadd.s32 $0xFFFFE800  }
0x398: {  	[spmem:s2] =	stream.indirect.scatter.add.bf16 [tilespmem:s13], [sflag:$0x5], $0x30, s30, s12, $0xb8;
	[tilespmem:$0x1FD00] =	vst v63  }
0x399: {  	_ =	swait.ge [sflag:s23], $0x1800  }
0x39a: {  	[sflag:s23] =	ssyncset.done $0x0  }
0x39b: {  	[sflag:s23] =	ssyncadd.s32 $0xFFFFE800  }
0x39c: {  	[tilespmem:s16], [sflag:$0x3] =	stream.indirect.gather [hbm4b:s4+s12], $0x30, s31, s12, $0xb8;
	[tilespmem:$0x1FD00] =	vst v63  }
0x39d: {  	_ =	swait.ge [sflag:s17], $0x1800  }
0x39e: {  	[sflag:s17] =	ssyncset.done $0x0  }
0x39f: {  	[sflag:s17] =	ssyncadd.s32 $0xFFFFE800  }
0x3a0: {  	[spmem:s2] =	stream.indirect.scatter.add.bf16 [tilespmem:s14], [sflag:$0x6], $0x30, s1, s12, $0xb8;
	[tilespmem:$0x1FD00] =	vst v63  }
0x3a1: {  	_ =	swait.ge [sflag:s24], $0x1800  }
0x3a2: {  	[sflag:s24] =	ssyncset.done $0x0  }
0x3a3: {  	[sflag:s24] =	ssyncadd.s32 $0xFFFFE800  }
0x3a4: {  	[tilespmem:s18], [sflag:$0x4] =	stream.indirect.gather [hbm4b:s4+s12], $0x30, s0, s12, $0xb8;
	[tilespmem:$0x1FD00] =	vst v63  }
0x3a5: {  	_ =	swait.ge [sflag:s19], $0x1800  }
0x3a6: {  	[sflag:s19] =	ssyncset.done $0x0  }
0x3a7: {  	[sflag:s19] =	ssyncadd.s32 $0xFFFFE800  }
0x3a8: {  	[spmem:s2] =	stream.indirect.scatter.add.bf16 [tilespmem:s16], [sflag:$0x7], $0x30, s5, s12, $0xb8;
	[tilespmem:$0x1FD00] =	vst v63  }
0x3a9: {  	_ =	swait.ge [sflag:s21], $0x1800  }
0x3aa: {  	[sflag:s21] =	ssyncset.done $0x0  }
0x3ab: {  	[sflag:s21] =	ssyncadd.s32 $0xFFFFE800  }
0x3ac: {  	[spmem:s2] =	stream.indirect.scatter.add.bf16 [tilespmem:s18], [sflag:$0x8], $0x30, s7, s12, $0xb8;
	[tilespmem:$0x1FD00] =	vst v63  }
0x3ad: {  	_ =	swait.ge [sflag:s20], $0x1800  }
0x3ae: {  	[sflag:s20] =	ssyncset.done $0x0  }
0x3af: {  	[sflag:s20] =	ssyncadd.s32 $0xFFFFE800  }
0x3b0: {  	_ =	swait.ge [sflag:s22], $0x1800  }
0x3b1: {  	[sflag:s22] =	ssyncset.done $0x0  }
0x3b2: {  	[sflag:s22] =	ssyncadd.s32 $0xFFFFE800  }
0x3b3: {  	_ =	swait.ge [sflag:s23], $0x1800  }
0x3b4: {  	[sflag:s23] =	ssyncset.done $0x0  }
0x3b5: {  	[sflag:s23] =	ssyncadd.s32 $0xFFFFE800  }
0x3b6: {  	_ =	swait.ge [sflag:s24], $0x1800  }
0x3b7: {  	[sflag:s24] =	ssyncset.done $0x0  }
0x3b8: {  	[sflag:s24] =	ssyncadd.s32 $0xFFFFE800  }
0x3b9: {  	[bflag:$0x0] =	sbarrier.arrive $0xFFFF  }
0x3ba: {  	s8 =	sld [smem:$0x7FD]  }
0x3bb: {  	s9 =	sld [smem:$0x7E7]  }
0x3bc: {  	s25 =	sld [smem:$0x7FC];
	_ =	sdelay $0x2  }
0x3bd: {  	[hbm:s9], [sflag:s8] =	dma.local [spmem:s25], $0x2F40  }
0x3be: {  	_ =	swait.ge [sflag:s10], $0x2F40  }
0x3bf: {  	s6 =	sld [smem:$0x7DE]  }
0x3c0: {  	s25 =	sld [smem:$0x7EB];
	_ =	sdelay $0x1  }
0x3c1: {  	s9 =	sadd.s32 $0x1, s6  }
0x3c2: {  	p0 =	sne.s32 s9, s25  }
.Ltmp1:
0x3c3: {  	_ = 	snop;
	(pc) =	sbr.rel @p0 .LBB2_1-.Ltmp1, $3  }
0x3c4: {  	_ =	sdelay $0x1  }
0x3c5: {  	[sflag:s10] =	ssyncset.done $0x0  }
0x3c6: {  	[sflag:s10] =	ssyncadd.s32 $0xFFFFD0C0  }
0x3c7: {  	_ =	sfence.sel $0x180000  }
0x3c8: {  	[bflag:$0x0] =	sbarrier.arrive $0xFFFF  }
0x3c9: {  	_ =	strace $0x90000047  }
0x3ca: {  	s0 =	stileid.u32;
	[bflag:$0x2] =	sbarrier.arrive $0xFFFF  }
0x3cb: {  	p0 =	sne.s32 s0, $0x0;
	s0 =	rddreg [dreg:$0x2]  }
0x3cc: {  	s0 =	sadd.s32 @!p0 $0x100000, s0  }
0x3cd: {  	[sflag:s0] =	ssyncadd.tile.s32 @!p0 $0x1;
	_ =	shalt  }
.Lfunc_end2:
_tile_overlayer_lowered:
.L_overlay_start_2:
0x3ce: {  	(tag) =	ssettag $0x2  }
0x3cf: {  	s0 =	rddreg [dreg:$0x0];
	s2 =	stileid.u32  }
0x3d0: {  	s1 =	rddreg [dreg:$0x1];
	p0 =	sne.s32 s2, $0x0  }
0x3d1: {  	s3 =	rddreg [dreg:$0x2];
	[bflag:$0x3] =	sbarrier.arrive $0xFFFF;
	s2 =	simm.s32 @!p0 $0x1C09  }
0x3d2: {  	[timem:s3], [sflag:s2] =	dma.local @!p0 [hbm:s0], s1  }
0x3d3: {  	s0 =	simm.s32 @!p0 $0x9  }
0x3d4: {  	_ =	swait.ge @!p0 [sflag:s0], s1  }
0x3d5: {  	s1 =	ssub.s32 @!p0 $0x0, s1;
	[sflag:s0] =	ssyncset.done @!p0 $0x0  }
0x3d6: {  	[sflag:s0] =	ssyncadd.s32 @!p0 s1  }
0x3d7: {  	[bflag:$0x3] =	sbarrier.arrive $0xFFFF  }
0x3d8: {  	_ =	shalt  }

</sc_bundles>
